<compile_context>
chip_gen: v7x
topology: tpu7x:2x2x1
jax: 0.10.2.dev20260603
libtpu: 0.0.44.dev20260713+nightly
codegen_flags: <defaults>
</compile_context>

<pallas_src>
import functools

import jax
import jax.numpy as jnp
from jax import lax
from jax.experimental import pallas as pl
from jax.experimental.pallas import tpu as pltpu
from jax.experimental.pallas import tpu_sc as plsc

D_MODEL = 768
SEQ = 512
NC = 2
NS = 16
NW = NC * NS
P = SEQ // NW
LANES = 16
DJ = D_MODEL // LANES


def _pe_table():
    even_i = jnp.arange(0, D_MODEL, 2, dtype=jnp.float32)
    denominator = jnp.power(10000.0, even_i / D_MODEL)
    position = jnp.arange(SEQ, dtype=jnp.float32).reshape(SEQ, 1)
    even = jnp.sin(position / denominator)
    odd = jnp.cos(position / denominator)
    return jnp.stack([even, odd], axis=2).reshape(SEQ, D_MODEL)


def _make_sc_embed(B, V):
    mesh = plsc.VectorSubcoreMesh(core_axis_name="c", subcore_axis_name="s")

    NBUF = 4
    HB = B // 2
    NCHUNK = P * 2

    @functools.partial(
        pl.kernel,
        mesh=mesh,
        out_type=jax.ShapeDtypeStruct((B, SEQ, D_MODEL), jnp.float32),
        scratch_types=[
            pltpu.VMEM((P, B), jnp.int32),
            pltpu.VMEM((P, D_MODEL), jnp.float32),
            pltpu.VMEM((HB, D_MODEL), jnp.float32),
            pltpu.VMEM((HB, D_MODEL), jnp.float32),
            pltpu.VMEM((HB, D_MODEL), jnp.float32),
            pltpu.VMEM((HB, D_MODEL), jnp.float32),
            pltpu.SemaphoreType.DMA,
            pltpu.SemaphoreType.DMA,
            pltpu.SemaphoreType.DMA,
            pltpu.SemaphoreType.DMA,
            pltpu.SemaphoreType.DMA,
            pltpu.SemaphoreType.DMA,
            pltpu.SemaphoreType.DMA,
            pltpu.SemaphoreType.DMA,
        ],
    )
    def sc_embed(xt_hbm, pe_hbm, table_hbm, out_hbm,
                 idx_v, pe_v, b0, b1, b2, b3,
                 g0, g1, g2, g3, s0, s1, s2, s3):
        w = lax.axis_index("s") * NC + lax.axis_index("c")
        wp = w * P
        bufs = (b0, b1, b2, b3)
        gsems = (g0, g1, g2, g3)
        ssems = (s0, s1, s2, s3)
        idx_cp = pltpu.make_async_copy(xt_hbm.at[pl.ds(wp, P), :], idx_v, s2)
        idx_cp.start()
        pe_cp = pltpu.make_async_copy(pe_hbm.at[pl.ds(wp, P), :], pe_v, s3)
        pe_cp.start()
        idx_cp.wait()

        def gather(k, buf, sem):
            p = lax.shift_right_logical(k, 1)
            h = lax.bitwise_and(k, 1)
            idx_row = idx_v.at[p, pl.ds(h * HB, HB)]
            pltpu.make_async_copy(table_hbm.at[idx_row], buf, sem).start()

        def wait_gather(buf, sem):
            pltpu.make_async_copy(table_hbm.at[idx_v.at[0, pl.ds(0, HB)]],
                                  buf, sem).wait()

        def store(k, buf, sem):
            p = lax.shift_right_logical(k, 1)
            h = lax.bitwise_and(k, 1)
            pltpu.make_async_copy(
                buf, out_hbm.at[pl.ds(h * HB, HB), wp + p, :], sem).start()

        def wait_store(buf, sem):
            pltpu.make_async_copy(buf, out_hbm.at[pl.ds(0, HB), wp, :],
                                  sem).wait()

        def add_pe(k, buf):
            p = lax.shift_right_logical(k, 1)
            JB = 24
            for jb in range(DJ // JB):
                pe_vecs = [pe_v[p, pl.ds(LANES * (JB * jb + t), LANES)]
                           for t in range(JB)]

                @plsc.parallel_loop(0, HB, step=1, unroll=1)
                def _(b):
                    for t in range(JB):
                        dsj = pl.ds(LANES * (JB * jb + t), LANES)
                        buf[b, dsj] = buf[b, dsj] + pe_vecs[t]

        gather(0, b0, g0)
        gather(1, b1, g1)
        pe_cp.wait()

        def quad(kk, carry):
            for u in range(NBUF):
                k = NBUF * kk + u
                wait_gather(bufs[u], gsems[u])
                add_pe(k, bufs[u])
                store(k, bufs[u], ssems[u])
                nu = (u + 2) % NBUF

                @pl.when(k < NCHUNK - 2)
                def _():
                    @pl.when(k >= 2)
                    def _():
                        wait_store(bufs[nu], ssems[nu])
                    gather(k + 2, bufs[nu], gsems[nu])

            return carry

        lax.fori_loop(0, NCHUNK // NBUF, quad, 0)
        wait_store(b0, s0)
        wait_store(b1, s1)
        wait_store(b2, s2)
        wait_store(b3, s3)

    return sc_embed


def kernel(x, table):
    B = x.shape[0]
    V = table.shape[0]
    pe = _pe_table()
    xt = jnp.transpose(x.astype(jnp.int32))
    return _make_sc_embed(B, V)(xt, pe, table)

# --- scband reference (transcript-rebuilt; emitter-appended) ---
"""Pipeline reference for scband-positional-encoding-66408784331232 (READ-ONLY COPY).

The authoritative reference and input builder live on the scoring server;
editing this copy changes nothing except your own understanding.
"""

import jax, jax.numpy as jnp
import numpy as np

VOCAB = 100000
D_MODEL = 768
MAX_SEQ_LEN = 512
BATCH = 64


def _pos_encoding():
    even_i = jnp.arange(0, D_MODEL, 2, dtype=jnp.float32)
    denominator = jnp.power(10000.0, even_i / D_MODEL)
    position = jnp.arange(MAX_SEQ_LEN, dtype=jnp.float32).reshape(MAX_SEQ_LEN, 1)
    even_position_encoding = jnp.sin(position / denominator)
    odd_position_encoding = jnp.cos(position / denominator)
    stacked = jnp.stack([even_position_encoding, odd_position_encoding], axis=2)
    return stacked.reshape(MAX_SEQ_LEN, D_MODEL)


def setup_inputs(seed: int = 0) -> dict:
    key = jax.random.key(seed)
    k1, k2 = jax.random.split(key)
    x = jax.random.randint(k1, (BATCH, MAX_SEQ_LEN), 0, VOCAB)
    table = jax.random.normal(k2, (VOCAB, D_MODEL), dtype=jnp.float32)
    return {"x": x, "table": table}


def reference(x, table):
    # embed_x = self.embedding(x)  -> gather rows from the embedding table
    embed_x = jnp.take(table, x, axis=0)
    # encoded_x = embed_x.add_(self.position_encoding) (broadcast over batch)
    pe = _pos_encoding()
    encoded_x = embed_x + pe
    return encoded_x

if __name__ == "__main__":
    import jax
    _d = setup_inputs()
    print(jax.jit(kernel)(*tuple(_d.values())))

</pallas_src>

<mosaic_0001>
#map = affine_map<(d0, d1) -> (0, 0)>
#map1 = affine_map<(d0, d1) -> (0, 0, 0)>
module attributes {stable_mosaic.version = 14 : i64} {
  func.func @sc_embed(%arg0: i32, %arg1: i32, %arg2: memref<512x64xi32, #tpu.memory_space<hbm>>, %arg3: memref<512x768xf32, #tpu.memory_space<hbm>>, %arg4: memref<100000x768xf32, #tpu.memory_space<hbm>>, %arg5: memref<64x512x768xf32, #tpu.memory_space<hbm>>, %arg6: memref<16x64xi32, #tpu.memory_space<vmem>>, %arg7: memref<16x768xf32, #tpu.memory_space<vmem>>, %arg8: memref<32x768xf32, #tpu.memory_space<vmem>>, %arg9: memref<32x768xf32, #tpu.memory_space<vmem>>, %arg10: memref<32x768xf32, #tpu.memory_space<vmem>>, %arg11: memref<32x768xf32, #tpu.memory_space<vmem>>, %arg12: memref<!tpu.dma_semaphore, #tpu.memory_space<semaphore_mem>>, %arg13: memref<!tpu.dma_semaphore, #tpu.memory_space<semaphore_mem>>, %arg14: memref<!tpu.dma_semaphore, #tpu.memory_space<semaphore_mem>>, %arg15: memref<!tpu.dma_semaphore, #tpu.memory_space<semaphore_mem>>, %arg16: memref<!tpu.dma_semaphore, #tpu.memory_space<semaphore_mem>>, %arg17: memref<!tpu.dma_semaphore, #tpu.memory_space<semaphore_mem>>, %arg18: memref<!tpu.dma_semaphore, #tpu.memory_space<semaphore_mem>>, %arg19: memref<!tpu.dma_semaphore, #tpu.memory_space<semaphore_mem>>) attributes {dimension_semantics = [#tpu.dimension_semantics<core_parallel>, #tpu.dimension_semantics<subcore_parallel>], iteration_bounds = array<i64: 2, 16>, scalar_prefetch = 0 : i64, scratch_operands = 14 : i64, tpu.core_type = #tpu.core_type<sc_vector_subcore>, window_params = [{transform_indices = #map}, {transform_indices = #map}, {transform_indices = #map}, {transform_indices = #map1}]} {
    %mul3A = arith.constant 2 : i32
    %mul3A_0 = arith.muli %arg1, %mul3A : i32
    %add3A = arith.addi %mul3A_0, %arg0 : i32
    %mul3A_1 = arith.constant 16 : i32
    %mul3A_2 = arith.muli %add3A, %mul3A_1 : i32
    %dma_start3A = arith.constant 0 : i32
    %dma_start3A_3 = tpu.memref_slice %arg2[%mul3A_2, %dma_start3A] : memref<512x64xi32, #tpu.memory_space<hbm>> -> memref<16x64xi32, #tpu.memory_space<hbm>>
    %dma_start3A_4 = arith.constant 0 : i32
    %dma_start3A_5 = tpu.memref_slice %arg2[%mul3A_2, %dma_start3A_4] : memref<512x64xi32, #tpu.memory_space<hbm>> -> memref<16x64xi32, #tpu.memory_space<hbm>>
    tpu.enqueue_dma source(%dma_start3A_5 : memref<16x64xi32, #tpu.memory_space<hbm>>) target(%arg6 : memref<16x64xi32, #tpu.memory_space<vmem>>) target_semaphore(%arg18 : memref<!tpu.dma_semaphore, #tpu.memory_space<semaphore_mem>>)
    %dma_start3A_6 = arith.constant 0 : i32
    %dma_start3A_7 = tpu.memref_slice %arg3[%mul3A_2, %dma_start3A_6] : memref<512x768xf32, #tpu.memory_space<hbm>> -> memref<16x768xf32, #tpu.memory_space<hbm>>
    %dma_start3A_8 = arith.constant 0 : i32
    %dma_start3A_9 = tpu.memref_slice %arg3[%mul3A_2, %dma_start3A_8] : memref<512x768xf32, #tpu.memory_space<hbm>> -> memref<16x768xf32, #tpu.memory_space<hbm>>
    tpu.enqueue_dma source(%dma_start3A_9 : memref<16x768xf32, #tpu.memory_space<hbm>>) target(%arg7 : memref<16x768xf32, #tpu.memory_space<vmem>>) target_semaphore(%arg19 : memref<!tpu.dma_semaphore, #tpu.memory_space<semaphore_mem>>)
    %dma_wait3A = arith.constant 0 : i32
    %dma_wait3A_10 = tpu.memref_slice %arg2[%mul3A_2, %dma_wait3A] : memref<512x64xi32, #tpu.memory_space<hbm>> -> memref<16x64xi32, #tpu.memory_space<hbm>>
    %dma_wait3A_11 = arith.constant 0 : i32
    %dma_wait3A_12 = tpu.memref_slice %arg2[%mul3A_2, %dma_wait3A_11] : memref<512x64xi32, #tpu.memory_space<hbm>> -> memref<16x64xi32, #tpu.memory_space<hbm>>
    tpu.wait_dma2 semaphore(%arg18 : memref<!tpu.dma_semaphore, #tpu.memory_space<semaphore_mem>>) src(%dma_wait3A_12 : memref<16x64xi32, #tpu.memory_space<hbm>>) dst(%arg6 : memref<16x64xi32, #tpu.memory_space<vmem>>)
    %shift_right_logical3A = arith.constant 0 : i32
    %shift_right_logical3A_13 = arith.constant 1 : i32
    %shift_right_logical3A_14 = arith.shrui %shift_right_logical3A, %shift_right_logical3A_13 : i32
    %and3A = arith.constant 0 : i32
    %and3A_15 = arith.constant 1 : i32
    %and3A_16 = arith.andi %and3A, %and3A_15 : i32
    %mul3A_17 = arith.constant 32 : i32
    %mul3A_18 = arith.muli %and3A_16, %mul3A_17 : i32
    %dma_start3A_19 = tpu.memref_slice %arg6[%shift_right_logical3A_14, %mul3A_18] : memref<16x64xi32, #tpu.memory_space<vmem>> -> memref<1x32xi32, #tpu.memory_space<vmem>>
    %dma_start3A_20 = tpu.memref_squeeze %dma_start3A_19 : memref<1x32xi32, #tpu.memory_space<vmem>> -> memref<32xi32, #tpu.memory_space<vmem>>
    %dma_start3A_21 = arith.constant 0 : i32
    %dma_start3A_22 = arith.constant 0 : i32
    %dma_start3A_23 = tpu.memref_slice %arg4[%dma_start3A_21, %dma_start3A_22] : memref<100000x768xf32, #tpu.memory_space<hbm>> -> memref<100000x768xf32, #tpu.memory_space<hbm>>
    tpu.enqueue_indirect_dma source(%dma_start3A_23 : memref<100000x768xf32, #tpu.memory_space<hbm>>) target(%arg8 : memref<32x768xf32, #tpu.memory_space<vmem>>) offsets(%dma_start3A_20 : memref<32xi32, #tpu.memory_space<vmem>>) semaphore(%arg12 : memref<!tpu.dma_semaphore, #tpu.memory_space<semaphore_mem>>)
    %shift_right_logical3A_24 = arith.constant 1 : i32
    %shift_right_logical3A_25 = arith.constant 1 : i32
    %shift_right_logical3A_26 = arith.shrui %shift_right_logical3A_24, %shift_right_logical3A_25 : i32
    %and3A_27 = arith.constant 1 : i32
    %and3A_28 = arith.constant 1 : i32
    %and3A_29 = arith.andi %and3A_27, %and3A_28 : i32
    %mul3A_30 = arith.constant 32 : i32
    %mul3A_31 = arith.muli %and3A_29, %mul3A_30 : i32
    %dma_start3A_32 = tpu.memref_slice %arg6[%shift_right_logical3A_26, %mul3A_31] : memref<16x64xi32, #tpu.memory_space<vmem>> -> memref<1x32xi32, #tpu.memory_space<vmem>>
    %dma_start3A_33 = tpu.memref_squeeze %dma_start3A_32 : memref<1x32xi32, #tpu.memory_space<vmem>> -> memref<32xi32, #tpu.memory_space<vmem>>
    %dma_start3A_34 = arith.constant 0 : i32
    %dma_start3A_35 = arith.constant 0 : i32
    %dma_start3A_36 = tpu.memref_slice %arg4[%dma_start3A_34, %dma_start3A_35] : memref<100000x768xf32, #tpu.memory_space<hbm>> -> memref<100000x768xf32, #tpu.memory_space<hbm>>
    tpu.enqueue_indirect_dma source(%dma_start3A_36 : memref<100000x768xf32, #tpu.memory_space<hbm>>) target(%arg9 : memref<32x768xf32, #tpu.memory_space<vmem>>) offsets(%dma_start3A_33 : memref<32xi32, #tpu.memory_space<vmem>>) semaphore(%arg13 : memref<!tpu.dma_semaphore, #tpu.memory_space<semaphore_mem>>)
    %dma_wait3A_37 = arith.constant 0 : i32
    %dma_wait3A_38 = tpu.memref_slice %arg3[%mul3A_2, %dma_wait3A_37] : memref<512x768xf32, #tpu.memory_space<hbm>> -> memref<16x768xf32, #tpu.memory_space<hbm>>
    %dma_wait3A_39 = arith.constant 0 : i32
    %dma_wait3A_40 = tpu.memref_slice %arg3[%mul3A_2, %dma_wait3A_39] : memref<512x768xf32, #tpu.memory_space<hbm>> -> memref<16x768xf32, #tpu.memory_space<hbm>>
    tpu.wait_dma2 semaphore(%arg19 : memref<!tpu.dma_semaphore, #tpu.memory_space<semaphore_mem>>) src(%dma_wait3A_40 : memref<16x768xf32, #tpu.memory_space<hbm>>) dst(%arg7 : memref<16x768xf32, #tpu.memory_space<vmem>>)
    %scan3A = arith.constant 0 : i32
    %scan3A_41 = arith.constant 0 : i32
    %scan3A_42 = arith.constant 8 : i32
    %scan3A_43 = arith.addi %scan3A_41, %scan3A_42 : i32
    %scan3A_44 = arith.constant 1 : i32
    scf.for %scan3A_78 = %scan3A_41 to %scan3A_43 step %scan3A_44  : i32 {
      %mul3A_79 = arith.constant 4 : i32
      %mul3A_80 = arith.muli %mul3A_79, %scan3A_78 : i32
      %add3A_81 = arith.constant 0 : i32
      %add3A_82 = arith.addi %mul3A_80, %add3A_81 : i32
      %dma_wait3A_83 = arith.constant 0 : i32
      %dma_wait3A_84 = arith.constant 0 : i32
      %dma_wait3A_85 = tpu.memref_slice %arg6[%dma_wait3A_83, %dma_wait3A_84] : memref<16x64xi32, #tpu.memory_space<vmem>> -> memref<1x32xi32, #tpu.memory_space<vmem>>
      %dma_wait3A_86 = tpu.memref_squeeze %dma_wait3A_85 : memref<1x32xi32, #tpu.memory_space<vmem>> -> memref<32xi32, #tpu.memory_space<vmem>>
      %dma_wait3A_87 = arith.constant 0 : i32
      %dma_wait3A_88 = arith.constant 0 : i32
      %dma_wait3A_89 = tpu.memref_slice %arg4[%dma_wait3A_87, %dma_wait3A_88] : memref<100000x768xf32, #tpu.memory_space<hbm>> -> memref<100000x768xf32, #tpu.memory_space<hbm>>
      tpu.wait_indirect_dma semaphore(%arg12 : memref<!tpu.dma_semaphore, #tpu.memory_space<semaphore_mem>>) src(%dma_wait3A_89 : memref<100000x768xf32, #tpu.memory_space<hbm>>) dst(%arg8 : memref<32x768xf32, #tpu.memory_space<vmem>>)
      %shift_right_logical3A_90 = arith.constant 1 : i32
      %shift_right_logical3A_91 = arith.shrui %add3A_82, %shift_right_logical3A_90 : i32
      %get3A = arith.index_cast %shift_right_logical3A_91 : i32 to index
      %get3A_92 = arith.constant 0 : index
      %get3A_93 = tpu.vector_load %arg7[%get3A, %get3A_92] {strides = array<i32>} : memref<16x768xf32, #tpu.memory_space<vmem>>, vector<1x16xf32>,
      %get3A_94 = vector.shape_cast %get3A_93 : vector<1x16xf32> to vector<16xf32>
      %get3A_95 = arith.index_cast %shift_right_logical3A_91 : i32 to index
      %get3A_96 = arith.constant 16 : index
      %get3A_97 = tpu.vector_load %arg7[%get3A_95, %get3A_96] {strides = array<i32>} : memref<16x768xf32, #tpu.memory_space<vmem>>, vector<1x16xf32>,
      %get3A_98 = vector.shape_cast %get3A_97 : vector<1x16xf32> to vector<16xf32>
      %get3A_99 = arith.index_cast %shift_right_logical3A_91 : i32 to index
      %get3A_100 = arith.constant 32 : index
      %get3A_101 = tpu.vector_load %arg7[%get3A_99, %get3A_100] {strides = array<i32>} : memref<16x768xf32, #tpu.memory_space<vmem>>, vector<1x16xf32>,
      %get3A_102 = vector.shape_cast %get3A_101 : vector<1x16xf32> to vector<16xf32>
      %get3A_103 = arith.index_cast %shift_right_logical3A_91 : i32 to index
      %get3A_104 = arith.constant 48 : index
      %get3A_105 = tpu.vector_load %arg7[%get3A_103, %get3A_104] {strides = array<i32>} : memref<16x768xf32, #tpu.memory_space<vmem>>, vector<1x16xf32>,
      %get3A_106 = vector.shape_cast %get3A_105 : vector<1x16xf32> to vector<16xf32>
      %get3A_107 = arith.index_cast %shift_right_logical3A_91 : i32 to index
      %get3A_108 = arith.constant 64 : index
      %get3A_109 = tpu.vector_load %arg7[%get3A_107, %get3A_108] {strides = array<i32>} : memref<16x768xf32, #tpu.memory_space<vmem>>, vector<1x16xf32>,
      %get3A_110 = vector.shape_cast %get3A_109 : vector<1x16xf32> to vector<16xf32>
      %get3A_111 = arith.index_cast %shift_right_logical3A_91 : i32 to index
      %get3A_112 = arith.constant 80 : index
      %get3A_113 = tpu.vector_load %arg7[%get3A_111, %get3A_112] {strides = array<i32>} : memref<16x768xf32, #tpu.memory_space<vmem>>, vector<1x16xf32>,
      %get3A_114 = vector.shape_cast %get3A_113 : vector<1x16xf32> to vector<16xf32>
      %get3A_115 = arith.index_cast %shift_right_logical3A_91 : i32 to index
      %get3A_116 = arith.constant 96 : index
      %get3A_117 = tpu.vector_load %arg7[%get3A_115, %get3A_116] {strides = array<i32>} : memref<16x768xf32, #tpu.memory_space<vmem>>, vector<1x16xf32>,
      %get3A_118 = vector.shape_cast %get3A_117 : vector<1x16xf32> to vector<16xf32>
      %get3A_119 = arith.index_cast %shift_right_logical3A_91 : i32 to index
      %get3A_120 = arith.constant 112 : index
      %get3A_121 = tpu.vector_load %arg7[%get3A_119, %get3A_120] {strides = array<i32>} : memref<16x768xf32, #tpu.memory_space<vmem>>, vector<1x16xf32>,
      %get3A_122 = vector.shape_cast %get3A_121 : vector<1x16xf32> to vector<16xf32>
      %get3A_123 = arith.index_cast %shift_right_logical3A_91 : i32 to index
      %get3A_124 = arith.constant 128 : index
      %get3A_125 = tpu.vector_load %arg7[%get3A_123, %get3A_124] {strides = array<i32>} : memref<16x768xf32, #tpu.memory_space<vmem>>, vector<1x16xf32>,
      %get3A_126 = vector.shape_cast %get3A_125 : vector<1x16xf32> to vector<16xf32>
      %get3A_127 = arith.index_cast %shift_right_logical3A_91 : i32 to index
      %get3A_128 = arith.constant 144 : index
      %get3A_129 = tpu.vector_load %arg7[%get3A_127, %get3A_128] {strides = array<i32>} : memref<16x768xf32, #tpu.memory_space<vmem>>, vector<1x16xf32>,
      %get3A_130 = vector.shape_cast %get3A_129 : vector<1x16xf32> to vector<16xf32>
      %get3A_131 = arith.index_cast %shift_right_logical3A_91 : i32 to index
      %get3A_132 = arith.constant 160 : index
      %get3A_133 = tpu.vector_load %arg7[%get3A_131, %get3A_132] {strides = array<i32>} : memref<16x768xf32, #tpu.memory_space<vmem>>, vector<1x16xf32>,
      %get3A_134 = vector.shape_cast %get3A_133 : vector<1x16xf32> to vector<16xf32>
      %get3A_135 = arith.index_cast %shift_right_logical3A_91 : i32 to index
      %get3A_136 = arith.constant 176 : index
      %get3A_137 = tpu.vector_load %arg7[%get3A_135, %get3A_136] {strides = array<i32>} : memref<16x768xf32, #tpu.memory_space<vmem>>, vector<1x16xf32>,
      %get3A_138 = vector.shape_cast %get3A_137 : vector<1x16xf32> to vector<16xf32>
      %get3A_139 = arith.index_cast %shift_right_logical3A_91 : i32 to index
      %get3A_140 = arith.constant 192 : index
      %get3A_141 = tpu.vector_load %arg7[%get3A_139, %get3A_140] {strides = array<i32>} : memref<16x768xf32, #tpu.memory_space<vmem>>, vector<1x16xf32>,
      %get3A_142 = vector.shape_cast %get3A_141 : vector<1x16xf32> to vector<16xf32>
      %get3A_143 = arith.index_cast %shift_right_logical3A_91 : i32 to index
      %get3A_144 = arith.constant 208 : index
      %get3A_145 = tpu.vector_load %arg7[%get3A_143, %get3A_144] {strides = array<i32>} : memref<16x768xf32, #tpu.memory_space<vmem>>, vector<1x16xf32>,
      %get3A_146 = vector.shape_cast %get3A_145 : vector<1x16xf32> to vector<16xf32>
      %get3A_147 = arith.index_cast %shift_right_logical3A_91 : i32 to index
      %get3A_148 = arith.constant 224 : index
      %get3A_149 = tpu.vector_load %arg7[%get3A_147, %get3A_148] {strides = array<i32>} : memref<16x768xf32, #tpu.memory_space<vmem>>, vector<1x16xf32>,
      %get3A_150 = vector.shape_cast %get3A_149 : vector<1x16xf32> to vector<16xf32>
      %get3A_151 = arith.index_cast %shift_right_logical3A_91 : i32 to index
      %get3A_152 = arith.constant 240 : index
      %get3A_153 = tpu.vector_load %arg7[%get3A_151, %get3A_152] {strides = array<i32>} : memref<16x768xf32, #tpu.memory_space<vmem>>, vector<1x16xf32>,
      %get3A_154 = vector.shape_cast %get3A_153 : vector<1x16xf32> to vector<16xf32>
      %get3A_155 = arith.index_cast %shift_right_logical3A_91 : i32 to index
      %get3A_156 = arith.constant 256 : index
      %get3A_157 = tpu.vector_load %arg7[%get3A_155, %get3A_156] {strides = array<i32>} : memref<16x768xf32, #tpu.memory_space<vmem>>, vector<1x16xf32>,
      %get3A_158 = vector.shape_cast %get3A_157 : vector<1x16xf32> to vector<16xf32>
      %get3A_159 = arith.index_cast %shift_right_logical3A_91 : i32 to index
      %get3A_160 = arith.constant 272 : index
      %get3A_161 = tpu.vector_load %arg7[%get3A_159, %get3A_160] {strides = array<i32>} : memref<16x768xf32, #tpu.memory_space<vmem>>, vector<1x16xf32>,
      %get3A_162 = vector.shape_cast %get3A_161 : vector<1x16xf32> to vector<16xf32>
      %get3A_163 = arith.index_cast %shift_right_logical3A_91 : i32 to index
      %get3A_164 = arith.constant 288 : index
      %get3A_165 = tpu.vector_load %arg7[%get3A_163, %get3A_164] {strides = array<i32>} : memref<16x768xf32, #tpu.memory_space<vmem>>, vector<1x16xf32>,
      %get3A_166 = vector.shape_cast %get3A_165 : vector<1x16xf32> to vector<16xf32>
      %get3A_167 = arith.index_cast %shift_right_logical3A_91 : i32 to index
      %get3A_168 = arith.constant 304 : index
      %get3A_169 = tpu.vector_load %arg7[%get3A_167, %get3A_168] {strides = array<i32>} : memref<16x768xf32, #tpu.memory_space<vmem>>, vector<1x16xf32>,
      %get3A_170 = vector.shape_cast %get3A_169 : vector<1x16xf32> to vector<16xf32>
      %get3A_171 = arith.index_cast %shift_right_logical3A_91 : i32 to index
      %get3A_172 = arith.constant 320 : index
      %get3A_173 = tpu.vector_load %arg7[%get3A_171, %get3A_172] {strides = array<i32>} : memref<16x768xf32, #tpu.memory_space<vmem>>, vector<1x16xf32>,
      %get3A_174 = vector.shape_cast %get3A_173 : vector<1x16xf32> to vector<16xf32>
      %get3A_175 = arith.index_cast %shift_right_logical3A_91 : i32 to index
      %get3A_176 = arith.constant 336 : index
      %get3A_177 = tpu.vector_load %arg7[%get3A_175, %get3A_176] {strides = array<i32>} : memref<16x768xf32, #tpu.memory_space<vmem>>, vector<1x16xf32>,
      %get3A_178 = vector.shape_cast %get3A_177 : vector<1x16xf32> to vector<16xf32>
      %get3A_179 = arith.index_cast %shift_right_logical3A_91 : i32 to index
      %get3A_180 = arith.constant 352 : index
      %get3A_181 = tpu.vector_load %arg7[%get3A_179, %get3A_180] {strides = array<i32>} : memref<16x768xf32, #tpu.memory_space<vmem>>, vector<1x16xf32>,
      %get3A_182 = vector.shape_cast %get3A_181 : vector<1x16xf32> to vector<16xf32>
      %get3A_183 = arith.index_cast %shift_right_logical3A_91 : i32 to index
      %get3A_184 = arith.constant 368 : index
      %get3A_185 = tpu.vector_load %arg7[%get3A_183, %get3A_184] {strides = array<i32>} : memref<16x768xf32, #tpu.memory_space<vmem>>, vector<1x16xf32>,
      %get3A_186 = vector.shape_cast %get3A_185 : vector<1x16xf32> to vector<16xf32>
      %parallel_loop3A = arith.constant 0 : i32
      %parallel_loop3A_187 = arith.constant 32 : i32
      %parallel_loop3A_188 = arith.constant 1 : i32
      scf.for %parallel_loop3A_990 = %parallel_loop3A to %parallel_loop3A_187 step %parallel_loop3A_188  : i32 {
        %parallel_loop3A_991 = arith.index_cast %parallel_loop3A_990 : i32 to index
        %parallel_loop3A_992 = arith.constant 0 : index
        %parallel_loop3A_993 = tpu.vector_load %arg8[%parallel_loop3A_991, %parallel_loop3A_992] {strides = array<i32>} : memref<32x768xf32, #tpu.memory_space<vmem>>, vector<1x16xf32>,
        %parallel_loop3A_994 = vector.shape_cast %parallel_loop3A_993 : vector<1x16xf32> to vector<16xf32>
        %parallel_loop3A_995 = arith.addf %parallel_loop3A_994, %get3A_94 : vector<16xf32>
        %parallel_loop3A_996 = arith.index_cast %parallel_loop3A_990 : i32 to index
        %parallel_loop3A_997 = arith.constant 0 : index
        %parallel_loop3A_998 = tpu.vector_load %arg8[%parallel_loop3A_996, %parallel_loop3A_997] {strides = array<i32>} : memref<32x768xf32, #tpu.memory_space<vmem>>, vector<1x16xf32>,
        %parallel_loop3A_999 = vector.shape_cast %parallel_loop3A_998 : vector<1x16xf32> to vector<16xf32>
        %parallel_loop3A_1000 = vector.shape_cast %parallel_loop3A_995 : vector<16xf32> to vector<1x16xf32>
        tpu.vector_store %arg8[%parallel_loop3A_996, %parallel_loop3A_997], %parallel_loop3A_1000 {strides = array<i32>} : memref<32x768xf32, #tpu.memory_space<vmem>>, vector<1x16xf32>,
        %parallel_loop3A_1001 = arith.index_cast %parallel_loop3A_990 : i32 to index
        %parallel_loop3A_1002 = arith.constant 16 : index
        %parallel_loop3A_1003 = tpu.vector_load %arg8[%parallel_loop3A_1001, %parallel_loop3A_1002] {strides = array<i32>} : memref<32x768xf32, #tpu.memory_space<vmem>>, vector<1x16xf32>,
        %parallel_loop3A_1004 = vector.shape_cast %parallel_loop3A_1003 : vector<1x16xf32> to vector<16xf32>
        %parallel_loop3A_1005 = arith.addf %parallel_loop3A_1004, %get3A_98 : vector<16xf32>
        %parallel_loop3A_1006 = arith.index_cast %parallel_loop3A_990 : i32 to index
        %parallel_loop3A_1007 = arith.constant 16 : index
        %parallel_loop3A_1008 = tpu.vector_load %arg8[%parallel_loop3A_1006, %parallel_loop3A_1007] {strides = array<i32>} : memref<32x768xf32, #tpu.memory_space<vmem>>, vector<1x16xf32>,
        %parallel_loop3A_1009 = vector.shape_cast %parallel_loop3A_1008 : vector<1x16xf32> to vector<16xf32>
        %parallel_loop3A_1010 = vector.shape_cast %parallel_loop3A_1005 : vector<16xf32> to vector<1x16xf32>
        tpu.vector_store %arg8[%parallel_loop3A_1006, %parallel_loop3A_1007], %parallel_loop3A_1010 {strides = array<i32>} : memref<32x768xf32, #tpu.memory_space<vmem>>, vector<1x16xf32>,
        %parallel_loop3A_1011 = arith.index_cast %parallel_loop3A_990 : i32 to index
        %parallel_loop3A_1012 = arith.constant 32 : index
        %parallel_loop3A_1013 = tpu.vector_load %arg8[%parallel_loop3A_1011, %parallel_loop3A_1012] {strides = array<i32>} : memref<32x768xf32, #tpu.memory_space<vmem>>, vector<1x16xf32>,
        %parallel_loop3A_1014 = vector.shape_cast %parallel_loop3A_1013 : vector<1x16xf32> to vector<16xf32>
        %parallel_loop3A_1015 = arith.addf %parallel_loop3A_1014, %get3A_102 : vector<16xf32>
        %parallel_loop3A_1016 = arith.index_cast %parallel_loop3A_990 : i32 to index
        %parallel_loop3A_1017 = arith.constant 32 : index
        %parallel_loop3A_1018 = tpu.vector_load %arg8[%parallel_loop3A_1016, %parallel_loop3A_1017] {strides = array<i32>} : memref<32x768xf32, #tpu.memory_space<vmem>>, vector<1x16xf32>,
        %parallel_loop3A_1019 = vector.shape_cast %parallel_loop3A_1018 : vector<1x16xf32> to vector<16xf32>
        %parallel_loop3A_1020 = vector.shape_cast %parallel_loop3A_1015 : vector<16xf32> to vector<1x16xf32>
        tpu.vector_store %arg8[%parallel_loop3A_1016, %parallel_loop3A_1017], %parallel_loop3A_1020 {strides = array<i32>} : memref<32x768xf32, #tpu.memory_space<vmem>>, vector<1x16xf32>,
        %parallel_loop3A_1021 = arith.index_cast %parallel_loop3A_990 : i32 to index
        %parallel_loop3A_1022 = arith.constant 48 : index
        %parallel_loop3A_1023 = tpu.vector_load %arg8[%parallel_loop3A_1021, %parallel_loop3A_1022] {strides = array<i32>} : memref<32x768xf32, #tpu.memory_space<vmem>>, vector<1x16xf32>,
        %parallel_loop3A_1024 = vector.shape_cast %parallel_loop3A_1023 : vector<1x16xf32> to vector<16xf32>
        %parallel_loop3A_1025 = arith.addf %parallel_loop3A_1024, %get3A_106 : vector<16xf32>
        %parallel_loop3A_1026 = arith.index_cast %parallel_loop3A_990 : i32 to index
        %parallel_loop3A_1027 = arith.constant 48 : index
        %parallel_loop3A_1028 = tpu.vector_load %arg8[%parallel_loop3A_1026, %parallel_loop3A_1027] {strides = array<i32>} : memref<32x768xf32, #tpu.memory_space<vmem>>, vector<1x16xf32>,
        %parallel_loop3A_1029 = vector.shape_cast %parallel_loop3A_1028 : vector<1x16xf32> to vector<16xf32>
        %parallel_loop3A_1030 = vector.shape_cast %parallel_loop3A_1025 : vector<16xf32> to vector<1x16xf32>
        tpu.vector_store %arg8[%parallel_loop3A_1026, %parallel_loop3A_1027], %parallel_loop3A_1030 {strides = array<i32>} : memref<32x768xf32, #tpu.memory_space<vmem>>, vector<1x16xf32>,
        %parallel_loop3A_1031 = arith.index_cast %parallel_loop3A_990 : i32 to index
        %parallel_loop3A_1032 = arith.constant 64 : index
        %parallel_loop3A_1033 = tpu.vector_load %arg8[%parallel_loop3A_1031, %parallel_loop3A_1032] {strides = array<i32>} : memref<32x768xf32, #tpu.memory_space<vmem>>, vector<1x16xf32>,
        %parallel_loop3A_1034 = vector.shape_cast %parallel_loop3A_1033 : vector<1x16xf32> to vector<16xf32>
        %parallel_loop3A_1035 = arith.addf %parallel_loop3A_1034, %get3A_110 : vector<16xf32>
        %parallel_loop3A_1036 = arith.index_cast %parallel_loop3A_990 : i32 to index
        %parallel_loop3A_1037 = arith.constant 64 : index
        %parallel_loop3A_1038 = tpu.vector_load %arg8[%parallel_loop3A_1036, %parallel_loop3A_1037] {strides = array<i32>} : memref<32x768xf32, #tpu.memory_space<vmem>>, vector<1x16xf32>,
        %parallel_loop3A_1039 = vector.shape_cast %parallel_loop3A_1038 : vector<1x16xf32> to vector<16xf32>
        %parallel_loop3A_1040 = vector.shape_cast %parallel_loop3A_1035 : vector<16xf32> to vector<1x16xf32>
        tpu.vector_store %arg8[%parallel_loop3A_1036, %parallel_loop3A_1037], %parallel_loop3A_1040 {strides = array<i32>} : memref<32x768xf32, #tpu.memory_space<vmem>>, vector<1x16xf32>,
        %parallel_loop3A_1041 = arith.index_cast %parallel_loop3A_990 : i32 to index
        %parallel_loop3A_1042 = arith.constant 80 : index
        %parallel_loop3A_1043 = tpu.vector_load %arg8[%parallel_loop3A_1041, %parallel_loop3A_1042] {strides = array<i32>} : memref<32x768xf32, #tpu.memory_space<vmem>>, vector<1x16xf32>,
        %parallel_loop3A_1044 = vector.shape_cast %parallel_loop3A_1043 : vector<1x16xf32> to vector<16xf32>
        %parallel_loop3A_1045 = arith.addf %parallel_loop3A_1044, %get3A_114 : vector<16xf32>
        %parallel_loop3A_1046 = arith.index_cast %parallel_loop3A_990 : i32 to index
        %parallel_loop3A_1047 = arith.constant 80 : index
        %parallel_loop3A_1048 = tpu.vector_load %arg8[%parallel_loop3A_1046, %parallel_loop3A_1047] {strides = array<i32>} : memref<32x768xf32, #tpu.memory_space<vmem>>, vector<1x16xf32>,
        %parallel_loop3A_1049 = vector.shape_cast %parallel_loop3A_1048 : vector<1x16xf32> to vector<16xf32>
        %parallel_loop3A_1050 = vector.shape_cast %parallel_loop3A_1045 : vector<16xf32> to vector<1x16xf32>
        tpu.vector_store %arg8[%parallel_loop3A_1046, %parallel_loop3A_1047], %parallel_loop3A_1050 {strides = array<i32>} : memref<32x768xf32, #tpu.memory_space<vmem>>, vector<1x16xf32>,
        %parallel_loop3A_1051 = arith.index_cast %parallel_loop3A_990 : i32 to index
        %parallel_loop3A_1052 = arith.constant 96 : index
        %parallel_loop3A_1053 = tpu.vector_load %arg8[%parallel_loop3A_1051, %parallel_loop3A_1052] {strides = array<i32>} : memref<32x768xf32, #tpu.memory_space<vmem>>, vector<1x16xf32>,
        %parallel_loop3A_1054 = vector.shape_cast %parallel_loop3A_1053 : vector<1x16xf32> to vector<16xf32>
        %parallel_loop3A_1055 = arith.addf %parallel_loop3A_1054, %get3A_118 : vector<16xf32>
        %parallel_loop3A_1056 = arith.index_cast %parallel_loop3A_990 : i32 to index
        %parallel_loop3A_1057 = arith.constant 96 : index
        %parallel_loop3A_1058 = tpu.vector_load %arg8[%parallel_loop3A_1056, %parallel_loop3A_1057] {strides = array<i32>} : memref<32x768xf32, #tpu.memory_space<vmem>>, vector<1x16xf32>,
        %parallel_loop3A_1059 = vector.shape_cast %parallel_loop3A_1058 : vector<1x16xf32> to vector<16xf32>
        %parallel_loop3A_1060 = vector.shape_cast %parallel_loop3A_1055 : vector<16xf32> to vector<1x16xf32>
        tpu.vector_store %arg8[%parallel_loop3A_1056, %parallel_loop3A_1057], %parallel_loop3A_1060 {strides = array<i32>} : memref<32x768xf32, #tpu.memory_space<vmem>>, vector<1x16xf32>,
        %parallel_loop3A_1061 = arith.index_cast %parallel_loop3A_990 : i32 to index
        %parallel_loop3A_1062 = arith.constant 112 : index
        %parallel_loop3A_1063 = tpu.vector_load %arg8[%parallel_loop3A_1061, %parallel_loop3A_1062] {strides = array<i32>} : memref<32x768xf32, #tpu.memory_space<vmem>>, vector<1x16xf32>,
        %parallel_loop3A_1064 = vector.shape_cast %parallel_loop3A_1063 : vector<1x16xf32> to vector<16xf32>
        %parallel_loop3A_1065 = arith.addf %parallel_loop3A_1064, %get3A_122 : vector<16xf32>
        %parallel_loop3A_1066 = arith.index_cast %parallel_loop3A_990 : i32 to index
        %parallel_loop3A_1067 = arith.constant 112 : index
        %parallel_loop3A_1068 = tpu.vector_load %arg8[%parallel_loop3A_1066, %parallel_loop3A_1067] {strides = array<i32>} : memref<32x768xf32, #tpu.memory_space<vmem>>, vector<1x16xf32>,
        %parallel_loop3A_1069 = vector.shape_cast %parallel_loop3A_1068 : vector<1x16xf32> to vector<16xf32>
        %parallel_loop3A_1070 = vector.shape_cast %parallel_loop3A_1065 : vector<16xf32> to vector<1x16xf32>
        tpu.vector_store %arg8[%parallel_loop3A_1066, %parallel_loop3A_1067], %parallel_loop3A_1070 {strides = array<i32>} : memref<32x768xf32, #tpu.memory_space<vmem>>, vector<1x16xf32>,
        %parallel_loop3A_1071 = arith.index_cast %parallel_loop3A_990 : i32 to index
        %parallel_loop3A_1072 = arith.constant 128 : index
        %parallel_loop3A_1073 = tpu.vector_load %arg8[%parallel_loop3A_1071, %parallel_loop3A_1072] {strides = array<i32>} : memref<32x768xf32, #tpu.memory_space<vmem>>, vector<1x16xf32>,
        %parallel_loop3A_1074 = vector.shape_cast %parallel_loop3A_1073 : vector<1x16xf32> to vector<16xf32>
        %parallel_loop3A_1075 = arith.addf %parallel_loop3A_1074, %get3A_126 : vector<16xf32>
        %parallel_loop3A_1076 = arith.index_cast %parallel_loop3A_990 : i32 to index
        %parallel_loop3A_1077 = arith.constant 128 : index
        %parallel_loop3A_1078 = tpu.vector_load %arg8[%parallel_loop3A_1076, %parallel_loop3A_1077] {strides = array<i32>} : memref<32x768xf32, #tpu.memory_space<vmem>>, vector<1x16xf32>,
        %parallel_loop3A_1079 = vector.shape_cast %parallel_loop3A_1078 : vector<1x16xf32> to vector<16xf32>
        %parallel_loop3A_1080 = vector.shape_cast %parallel_loop3A_1075 : vector<16xf32> to vector<1x16xf32>
        tpu.vector_store %arg8[%parallel_loop3A_1076, %parallel_loop3A_1077], %parallel_loop3A_1080 {strides = array<i32>} : memref<32x768xf32, #tpu.memory_space<vmem>>, vector<1x16xf32>,
        %parallel_loop3A_1081 = arith.index_cast %parallel_loop3A_990 : i32 to index
        %parallel_loop3A_1082 = arith.constant 144 : index
        %parallel_loop3A_1083 = tpu.vector_load %arg8[%parallel_loop3A_1081, %parallel_loop3A_1082] {strides = array<i32>} : memref<32x768xf32, #tpu.memory_space<vmem>>, vector<1x16xf32>,
        %parallel_loop3A_1084 = vector.shape_cast %parallel_loop3A_1083 : vector<1x16xf32> to vector<16xf32>
        %parallel_loop3A_1085 = arith.addf %parallel_loop3A_1084, %get3A_130 : vector<16xf32>
        %parallel_loop3A_1086 = arith.index_cast %parallel_loop3A_990 : i32 to index
        %parallel_loop3A_1087 = arith.constant 144 : index
        %parallel_loop3A_1088 = tpu.vector_load %arg8[%parallel_loop3A_1086, %parallel_loop3A_1087] {strides = array<i32>} : memref<32x768xf32, #tpu.memory_space<vmem>>, vector<1x16xf32>,
        %parallel_loop3A_1089 = vector.shape_cast %parallel_loop3A_1088 : vector<1x16xf32> to vector<16xf32>
        %parallel_loop3A_1090 = vector.shape_cast %parallel_loop3A_1085 : vector<16xf32> to vector<1x16xf32>
        tpu.vector_store %arg8[%parallel_loop3A_1086, %parallel_loop3A_1087], %parallel_loop3A_1090 {strides = array<i32>} : memref<32x768xf32, #tpu.memory_space<vmem>>, vector<1x16xf32>,
        %parallel_loop3A_1091 = arith.index_cast %parallel_loop3A_990 : i32 to index
        %parallel_loop3A_1092 = arith.constant 160 : index
        %parallel_loop3A_1093 = tpu.vector_load %arg8[%parallel_loop3A_1091, %parallel_loop3A_1092] {strides = array<i32>} : memref<32x768xf32, #tpu.memory_space<vmem>>, vector<1x16xf32>,
        %parallel_loop3A_1094 = vector.shape_cast %parallel_loop3A_1093 : vector<1x16xf32> to vector<16xf32>
        %parallel_loop3A_1095 = arith.addf %parallel_loop3A_1094, %get3A_134 : vector<16xf32>
        %parallel_loop3A_1096 = arith.index_cast %parallel_loop3A_990 : i32 to index
        %parallel_loop3A_1097 = arith.constant 160 : index
        %parallel_loop3A_1098 = tpu.vector_load %arg8[%parallel_loop3A_1096, %parallel_loop3A_1097] {strides = array<i32>} : memref<32x768xf32, #tpu.memory_space<vmem>>, vector<1x16xf32>,
        %parallel_loop3A_1099 = vector.shape_cast %parallel_loop3A_1098 : vector<1x16xf32> to vector<16xf32>
        %parallel_loop3A_1100 = vector.shape_cast %parallel_loop3A_1095 : vector<16xf32> to vector<1x16xf32>
        tpu.vector_store %arg8[%parallel_loop3A_1096, %parallel_loop3A_1097], %parallel_loop3A_1100 {strides = array<i32>} : memref<32x768xf32, #tpu.memory_space<vmem>>, vector<1x16xf32>,
        %parallel_loop3A_1101 = arith.index_cast %parallel_loop3A_990 : i32 to index
        %parallel_loop3A_1102 = arith.constant 176 : index
        %parallel_loop3A_1103 = tpu.vector_load %arg8[%parallel_loop3A_1101, %parallel_loop3A_1102] {strides = array<i32>} : memref<32x768xf32, #tpu.memory_space<vmem>>, vector<1x16xf32>,
        %parallel_loop3A_1104 = vector.shape_cast %parallel_loop3A_1103 : vector<1x16xf32> to vector<16xf32>
        %parallel_loop3A_1105 = arith.addf %parallel_loop3A_1104, %get3A_138 : vector<16xf32>
        %parallel_loop3A_1106 = arith.index_cast %parallel_loop3A_990 : i32 to index
        %parallel_loop3A_1107 = arith.constant 176 : index
        %parallel_loop3A_1108 = tpu.vector_load %arg8[%parallel_loop3A_1106, %parallel_loop3A_1107] {strides = array<i32>} : memref<32x768xf32, #tpu.memory_space<vmem>>, vector<1x16xf32>,
        %parallel_loop3A_1109 = vector.shape_cast %parallel_loop3A_1108 : vector<1x16xf32> to vector<16xf32>
        %parallel_loop3A_1110 = vector.shape_cast %parallel_loop3A_1105 : vector<16xf32> to vector<1x16xf32>
        tpu.vector_store %arg8[%parallel_loop3A_1106, %parallel_loop3A_1107], %parallel_loop3A_1110 {strides = array<i32>} : memref<32x768xf32, #tpu.memory_space<vmem>>, vector<1x16xf32>,
        %parallel_loop3A_1111 = arith.index_cast %parallel_loop3A_990 : i32 to index
        %parallel_loop3A_1112 = arith.constant 192 : index
        %parallel_loop3A_1113 = tpu.vector_load %arg8[%parallel_loop3A_1111, %parallel_loop3A_1112] {strides = array<i32>} : memref<32x768xf32, #tpu.memory_space<vmem>>, vector<1x16xf32>,
        %parallel_loop3A_1114 = vector.shape_cast %parallel_loop3A_1113 : vector<1x16xf32> to vector<16xf32>
        %parallel_loop3A_1115 = arith.addf %parallel_loop3A_1114, %get3A_142 : vector<16xf32>
        %parallel_loop3A_1116 = arith.index_cast %parallel_loop3A_990 : i32 to index
        %parallel_loop3A_1117 = arith.constant 192 : index
        %parallel_loop3A_1118 = tpu.vector_load %arg8[%parallel_loop3A_1116, %parallel_loop3A_1117] {strides = array<i32>} : memref<32x768xf32, #tpu.memory_space<vmem>>, vector<1x16xf32>,
        %parallel_loop3A_1119 = vector.shape_cast %parallel_loop3A_1118 : vector<1x16xf32> to vector<16xf32>
        %parallel_loop3A_1120 = vector.shape_cast %parallel_loop3A_1115 : vector<16xf32> to vector<1x16xf32>
        tpu.vector_store %arg8[%parallel_loop3A_1116, %parallel_loop3A_1117], %parallel_loop3A_1120 {strides = array<i32>} : memref<32x768xf32, #tpu.memory_space<vmem>>, vector<1x16xf32>,
        %parallel_loop3A_1121 = arith.index_cast %parallel_loop3A_990 : i32 to index
        %parallel_loop3A_1122 = arith.constant 208 : index
        %parallel_loop3A_1123 = tpu.vector_load %arg8[%parallel_loop3A_1121, %parallel_loop3A_1122] {strides = array<i32>} : memref<32x768xf32, #tpu.memory_space<vmem>>, vector<1x16xf32>,
        %parallel_loop3A_1124 = vector.shape_cast %parallel_loop3A_1123 : vector<1x16xf32> to vector<16xf32>
        %parallel_loop3A_1125 = arith.addf %parallel_loop3A_1124, %get3A_146 : vector<16xf32>
        %parallel_loop3A_1126 = arith.index_cast %parallel_loop3A_990 : i32 to index
        %parallel_loop3A_1127 = arith.constant 208 : index
        %parallel_loop3A_1128 = tpu.vector_load %arg8[%parallel_loop3A_1126, %parallel_loop3A_1127] {strides = array<i32>} : memref<32x768xf32, #tpu.memory_space<vmem>>, vector<1x16xf32>,
        %parallel_loop3A_1129 = vector.shape_cast %parallel_loop3A_1128 : vector<1x16xf32> to vector<16xf32>
        %parallel_loop3A_1130 = vector.shape_cast %parallel_loop3A_1125 : vector<16xf32> to vector<1x16xf32>
        tpu.vector_store %arg8[%parallel_loop3A_1126, %parallel_loop3A_1127], %parallel_loop3A_1130 {strides = array<i32>} : memref<32x768xf32, #tpu.memory_space<vmem>>, vector<1x16xf32>,
        %parallel_loop3A_1131 = arith.index_cast %parallel_loop3A_990 : i32 to index
        %parallel_loop3A_1132 = arith.constant 224 : index
        %parallel_loop3A_1133 = tpu.vector_load %arg8[%parallel_loop3A_1131, %parallel_loop3A_1132] {strides = array<i32>} : memref<32x768xf32, #tpu.memory_space<vmem>>, vector<1x16xf32>,
        %parallel_loop3A_1134 = vector.shape_cast %parallel_loop3A_1133 : vector<1x16xf32> to vector<16xf32>
        %parallel_loop3A_1135 = arith.addf %parallel_loop3A_1134, %get3A_150 : vector<16xf32>
        %parallel_loop3A_1136 = arith.index_cast %parallel_loop3A_990 : i32 to index
        %parallel_loop3A_1137 = arith.constant 224 : index
        %parallel_loop3A_1138 = tpu.vector_load %arg8[%parallel_loop3A_1136, %parallel_loop3A_1137] {strides = array<i32>} : memref<32x768xf32, #tpu.memory_space<vmem>>, vector<1x16xf32>,
        %parallel_loop3A_1139 = vector.shape_cast %parallel_loop3A_1138 : vector<1x16xf32> to vector<16xf32>
        %parallel_loop3A_1140 = vector.shape_cast %parallel_loop3A_1135 : vector<16xf32> to vector<1x16xf32>
        tpu.vector_store %arg8[%parallel_loop3A_1136, %parallel_loop3A_1137], %parallel_loop3A_1140 {strides = array<i32>} : memref<32x768xf32, #tpu.memory_space<vmem>>, vector<1x16xf32>,
        %parallel_loop3A_1141 = arith.index_cast %parallel_loop3A_990 : i32 to index
        %parallel_loop3A_1142 = arith.constant 240 : index
        %parallel_loop3A_1143 = tpu.vector_load %arg8[%parallel_loop3A_1141, %parallel_loop3A_1142] {strides = array<i32>} : memref<32x768xf32, #tpu.memory_space<vmem>>, vector<1x16xf32>,
        %parallel_loop3A_1144 = vector.shape_cast %parallel_loop3A_1143 : vector<1x16xf32> to vector<16xf32>
        %parallel_loop3A_1145 = arith.addf %parallel_loop3A_1144, %get3A_154 : vector<16xf32>
        %parallel_loop3A_1146 = arith.index_cast %parallel_loop3A_990 : i32 to index
        %parallel_loop3A_1147 = arith.constant 240 : index
        %parallel_loop3A_1148 = tpu.vector_load %arg8[%parallel_loop3A_1146, %parallel_loop3A_1147] {strides = array<i32>} : memref<32x768xf32, #tpu.memory_space<vmem>>, vector<1x16xf32>,
        %parallel_loop3A_1149 = vector.shape_cast %parallel_loop3A_1148 : vector<1x16xf32> to vector<16xf32>
        %parallel_loop3A_1150 = vector.shape_cast %parallel_loop3A_1145 : vector<16xf32> to vector<1x16xf32>
        tpu.vector_store %arg8[%parallel_loop3A_1146, %parallel_loop3A_1147], %parallel_loop3A_1150 {strides = array<i32>} : memref<32x768xf32, #tpu.memory_space<vmem>>, vector<1x16xf32>,
        %parallel_loop3A_1151 = arith.index_cast %parallel_loop3A_990 : i32 to index
        %parallel_loop3A_1152 = arith.constant 256 : index
        %parallel_loop3A_1153 = tpu.vector_load %arg8[%parallel_loop3A_1151, %parallel_loop3A_1152] {strides = array<i32>} : memref<32x768xf32, #tpu.memory_space<vmem>>, vector<1x16xf32>,
        %parallel_loop3A_1154 = vector.shape_cast %parallel_loop3A_1153 : vector<1x16xf32> to vector<16xf32>
        %parallel_loop3A_1155 = arith.addf %parallel_loop3A_1154, %get3A_158 : vector<16xf32>
        %parallel_loop3A_1156 = arith.index_cast %parallel_loop3A_990 : i32 to index
        %parallel_loop3A_1157 = arith.constant 256 : index
        %parallel_loop3A_1158 = tpu.vector_load %arg8[%parallel_loop3A_1156, %parallel_loop3A_1157] {strides = array<i32>} : memref<32x768xf32, #tpu.memory_space<vmem>>, vector<1x16xf32>,
        %parallel_loop3A_1159 = vector.shape_cast %parallel_loop3A_1158 : vector<1x16xf32> to vector<16xf32>
        %parallel_loop3A_1160 = vector.shape_cast %parallel_loop3A_1155 : vector<16xf32> to vector<1x16xf32>
        tpu.vector_store %arg8[%parallel_loop3A_1156, %parallel_loop3A_1157], %parallel_loop3A_1160 {strides = array<i32>} : memref<32x768xf32, #tpu.memory_space<vmem>>, vector<1x16xf32>,
        %parallel_loop3A_1161 = arith.index_cast %parallel_loop3A_990 : i32 to index
        %parallel_loop3A_1162 = arith.constant 272 : index
        %parallel_loop3A_1163 = tpu.vector_load %arg8[%parallel_loop3A_1161, %parallel_loop3A_1162] {strides = array<i32>} : memref<32x768xf32, #tpu.memory_space<vmem>>, vector<1x16xf32>,
        %parallel_loop3A_1164 = vector.shape_cast %parallel_loop3A_1163 : vector<1x16xf32> to vector<16xf32>
        %parallel_loop3A_1165 = arith.addf %parallel_loop3A_1164, %get3A_162 : vector<16xf32>
        %parallel_loop3A_1166 = arith.index_cast %parallel_loop3A_990 : i32 to index
        %parallel_loop3A_1167 = arith.constant 272 : index
        %parallel_loop3A_1168 = tpu.vector_load %arg8[%parallel_loop3A_1166, %parallel_loop3A_1167] {strides = array<i32>} : memref<32x768xf32, #tpu.memory_space<vmem>>, vector<1x16xf32>,
        %parallel_loop3A_1169 = vector.shape_cast %parallel_loop3A_1168 : vector<1x16xf32> to vector<16xf32>
        %parallel_loop3A_1170 = vector.shape_cast %parallel_loop3A_1165 : vector<16xf32> to vector<1x16xf32>
        tpu.vector_store %arg8[%parallel_loop3A_1166, %parallel_loop3A_1167], %parallel_loop3A_1170 {strides = array<i32>} : memref<32x768xf32, #tpu.memory_space<vmem>>, vector<1x16xf32>,
        %parallel_loop3A_1171 = arith.index_cast %parallel_loop3A_990 : i32 to index
        %parallel_loop3A_1172 = arith.constant 288 : index
        %parallel_loop3A_1173 = tpu.vector_load %arg8[%parallel_loop3A_1171, %parallel_loop3A_1172] {strides = array<i32>} : memref<32x768xf32, #tpu.memory_space<vmem>>, vector<1x16xf32>,
        %parallel_loop3A_1174 = vector.shape_cast %parallel_loop3A_1173 : vector<1x16xf32> to vector<16xf32>
        %parallel_loop3A_1175 = arith.addf %parallel_loop3A_1174, %get3A_166 : vector<16xf32>
        %parallel_loop3A_1176 = arith.index_cast %parallel_loop3A_990 : i32 to index
        %parallel_loop3A_1177 = arith.constant 288 : index
        %parallel_loop3A_1178 = tpu.vector_load %arg8[%parallel_loop3A_1176, %parallel_loop3A_1177] {strides = array<i32>} : memref<32x768xf32, #tpu.memory_space<vmem>>, vector<1x16xf32>,
        %parallel_loop3A_1179 = vector.shape_cast %parallel_loop3A_1178 : vector<1x16xf32> to vector<16xf32>
        %parallel_loop3A_1180 = vector.shape_cast %parallel_loop3A_1175 : vector<16xf32> to vector<1x16xf32>
        tpu.vector_store %arg8[%parallel_loop3A_1176, %parallel_loop3A_1177], %parallel_loop3A_1180 {strides = array<i32>} : memref<32x768xf32, #tpu.memory_space<vmem>>, vector<1x16xf32>,
        %parallel_loop3A_1181 = arith.index_cast %parallel_loop3A_990 : i32 to index
        %parallel_loop3A_1182 = arith.constant 304 : index
        %parallel_loop3A_1183 = tpu.vector_load %arg8[%parallel_loop3A_1181, %parallel_loop3A_1182] {strides = array<i32>} : memref<32x768xf32, #tpu.memory_space<vmem>>, vector<1x16xf32>,
        %parallel_loop3A_1184 = vector.shape_cast %parallel_loop3A_1183 : vector<1x16xf32> to vector<16xf32>
        %parallel_loop3A_1185 = arith.addf %parallel_loop3A_1184, %get3A_170 : vector<16xf32>
        %parallel_loop3A_1186 = arith.index_cast %parallel_loop3A_990 : i32 to index
        %parallel_loop3A_1187 = arith.constant 304 : index
        %parallel_loop3A_1188 = tpu.vector_load %arg8[%parallel_loop3A_1186, %parallel_loop3A_1187] {strides = array<i32>} : memref<32x768xf32, #tpu.memory_space<vmem>>, vector<1x16xf32>,
        %parallel_loop3A_1189 = vector.shape_cast %parallel_loop3A_1188 : vector<1x16xf32> to vector<16xf32>
        %parallel_loop3A_1190 = vector.shape_cast %parallel_loop3A_1185 : vector<16xf32> to vector<1x16xf32>
        tpu.vector_store %arg8[%parallel_loop3A_1186, %parallel_loop3A_1187], %parallel_loop3A_1190 {strides = array<i32>} : memref<32x768xf32, #tpu.memory_space<vmem>>, vector<1x16xf32>,
        %parallel_loop3A_1191 = arith.index_cast %parallel_loop3A_990 : i32 to index
        %parallel_loop3A_1192 = arith.constant 320 : index
        %parallel_loop3A_1193 = tpu.vector_load %arg8[%parallel_loop3A_1191, %parallel_loop3A_1192] {strides = array<i32>} : memref<32x768xf32, #tpu.memory_space<vmem>>, vector<1x16xf32>,
        %parallel_loop3A_1194 = vector.shape_cast %parallel_loop3A_1193 : vector<1x16xf32> to vector<16xf32>
        %parallel_loop3A_1195 = arith.addf %parallel_loop3A_1194, %get3A_174 : vector<16xf32>
        %parallel_loop3A_1196 = arith.index_cast %parallel_loop3A_990 : i32 to index
        %parallel_loop3A_1197 = arith.constant 320 : index
        %parallel_loop3A_1198 = tpu.vector_load %arg8[%parallel_loop3A_1196, %parallel_loop3A_1197] {strides = array<i32>} : memref<32x768xf32, #tpu.memory_space<vmem>>, vector<1x16xf32>,
        %parallel_loop3A_1199 = vector.shape_cast %parallel_loop3A_1198 : vector<1x16xf32> to vector<16xf32>
        %parallel_loop3A_1200 = vector.shape_cast %parallel_loop3A_1195 : vector<16xf32> to vector<1x16xf32>
        tpu.vector_store %arg8[%parallel_loop3A_1196, %parallel_loop3A_1197], %parallel_loop3A_1200 {strides = array<i32>} : memref<32x768xf32, #tpu.memory_space<vmem>>, vector<1x16xf32>,
        %parallel_loop3A_1201 = arith.index_cast %parallel_loop3A_990 : i32 to index
        %parallel_loop3A_1202 = arith.constant 336 : index
        %parallel_loop3A_1203 = tpu.vector_load %arg8[%parallel_loop3A_1201, %parallel_loop3A_1202] {strides = array<i32>} : memref<32x768xf32, #tpu.memory_space<vmem>>, vector<1x16xf32>,
        %parallel_loop3A_1204 = vector.shape_cast %parallel_loop3A_1203 : vector<1x16xf32> to vector<16xf32>
        %parallel_loop3A_1205 = arith.addf %parallel_loop3A_1204, %get3A_178 : vector<16xf32>
        %parallel_loop3A_1206 = arith.index_cast %parallel_loop3A_990 : i32 to index
        %parallel_loop3A_1207 = arith.constant 336 : index
        %parallel_loop3A_1208 = tpu.vector_load %arg8[%parallel_loop3A_1206, %parallel_loop3A_1207] {strides = array<i32>} : memref<32x768xf32, #tpu.memory_space<vmem>>, vector<1x16xf32>,
        %parallel_loop3A_1209 = vector.shape_cast %parallel_loop3A_1208 : vector<1x16xf32> to vector<16xf32>
        %parallel_loop3A_1210 = vector.shape_cast %parallel_loop3A_1205 : vector<16xf32> to vector<1x16xf32>
        tpu.vector_store %arg8[%parallel_loop3A_1206, %parallel_loop3A_1207], %parallel_loop3A_1210 {strides = array<i32>} : memref<32x768xf32, #tpu.memory_space<vmem>>, vector<1x16xf32>,
        %parallel_loop3A_1211 = arith.index_cast %parallel_loop3A_990 : i32 to index
        %parallel_loop3A_1212 = arith.constant 352 : index
        %parallel_loop3A_1213 = tpu.vector_load %arg8[%parallel_loop3A_1211, %parallel_loop3A_1212] {strides = array<i32>} : memref<32x768xf32, #tpu.memory_space<vmem>>, vector<1x16xf32>,
        %parallel_loop3A_1214 = vector.shape_cast %parallel_loop3A_1213 : vector<1x16xf32> to vector<16xf32>
        %parallel_loop3A_1215 = arith.addf %parallel_loop3A_1214, %get3A_182 : vector<16xf32>
        %parallel_loop3A_1216 = arith.index_cast %parallel_loop3A_990 : i32 to index
        %parallel_loop3A_1217 = arith.constant 352 : index
        %parallel_loop3A_1218 = tpu.vector_load %arg8[%parallel_loop3A_1216, %parallel_loop3A_1217] {strides = array<i32>} : memref<32x768xf32, #tpu.memory_space<vmem>>, vector<1x16xf32>,
        %parallel_loop3A_1219 = vector.shape_cast %parallel_loop3A_1218 : vector<1x16xf32> to vector<16xf32>
        %parallel_loop3A_1220 = vector.shape_cast %parallel_loop3A_1215 : vector<16xf32> to vector<1x16xf32>
        tpu.vector_store %arg8[%parallel_loop3A_1216, %parallel_loop3A_1217], %parallel_loop3A_1220 {strides = array<i32>} : memref<32x768xf32, #tpu.memory_space<vmem>>, vector<1x16xf32>,
        %parallel_loop3A_1221 = arith.index_cast %parallel_loop3A_990 : i32 to index
        %parallel_loop3A_1222 = arith.constant 368 : index
        %parallel_loop3A_1223 = tpu.vector_load %arg8[%parallel_loop3A_1221, %parallel_loop3A_1222] {strides = array<i32>} : memref<32x768xf32, #tpu.memory_space<vmem>>, vector<1x16xf32>,
        %parallel_loop3A_1224 = vector.shape_cast %parallel_loop3A_1223 : vector<1x16xf32> to vector<16xf32>
        %parallel_loop3A_1225 = arith.addf %parallel_loop3A_1224, %get3A_186 : vector<16xf32>
        %parallel_loop3A_1226 = arith.index_cast %parallel_loop3A_990 : i32 to index
        %parallel_loop3A_1227 = arith.constant 368 : index
        %parallel_loop3A_1228 = tpu.vector_load %arg8[%parallel_loop3A_1226, %parallel_loop3A_1227] {strides = array<i32>} : memref<32x768xf32, #tpu.memory_space<vmem>>, vector<1x16xf32>,
        %parallel_loop3A_1229 = vector.shape_cast %parallel_loop3A_1228 : vector<1x16xf32> to vector<16xf32>
        %parallel_loop3A_1230 = vector.shape_cast %parallel_loop3A_1225 : vector<16xf32> to vector<1x16xf32>
        tpu.vector_store %arg8[%parallel_loop3A_1226, %parallel_loop3A_1227], %parallel_loop3A_1230 {strides = array<i32>} : memref<32x768xf32, #tpu.memory_space<vmem>>, vector<1x16xf32>,
      } {sc.loop_unroll_factor = 1 : i64, sc.parallel_access}
      %get3A_189 = arith.index_cast %shift_right_logical3A_91 : i32 to index
      %get3A_190 = arith.constant 384 : index
      %get3A_191 = tpu.vector_load %arg7[%get3A_189, %get3A_190] {strides = array<i32>} : memref<16x768xf32, #tpu.memory_space<vmem>>, vector<1x16xf32>,
      %get3A_192 = vector.shape_cast %get3A_191 : vector<1x16xf32> to vector<16xf32>
      %get3A_193 = arith.index_cast %shift_right_logical3A_91 : i32 to index
      %get3A_194 = arith.constant 400 : index
      %get3A_195 = tpu.vector_load %arg7[%get3A_193, %get3A_194] {strides = array<i32>} : memref<16x768xf32, #tpu.memory_space<vmem>>, vector<1x16xf32>,
      %get3A_196 = vector.shape_cast %get3A_195 : vector<1x16xf32> to vector<16xf32>
      %get3A_197 = arith.index_cast %shift_right_logical3A_91 : i32 to index
      %get3A_198 = arith.constant 416 : index
      %get3A_199 = tpu.vector_load %arg7[%get3A_197, %get3A_198] {strides = array<i32>} : memref<16x768xf32, #tpu.memory_space<vmem>>, vector<1x16xf32>,
      %get3A_200 = vector.shape_cast %get3A_199 : vector<1x16xf32> to vector<16xf32>
      %get3A_201 = arith.index_cast %shift_right_logical3A_91 : i32 to index
      %get3A_202 = arith.constant 432 : index
      %get3A_203 = tpu.vector_load %arg7[%get3A_201, %get3A_202] {strides = array<i32>} : memref<16x768xf32, #tpu.memory_space<vmem>>, vector<1x16xf32>,
      %get3A_204 = vector.shape_cast %get3A_203 : vector<1x16xf32> to vector<16xf32>
      %get3A_205 = arith.index_cast %shift_right_logical3A_91 : i32 to index
      %get3A_206 = arith.constant 448 : index
      %get3A_207 = tpu.vector_load %arg7[%get3A_205, %get3A_206] {strides = array<i32>} : memref<16x768xf32, #tpu.memory_space<vmem>>, vector<1x16xf32>,
      %get3A_208 = vector.shape_cast %get3A_207 : vector<1x16xf32> to vector<16xf32>
      %get3A_209 = arith.index_cast %shift_right_logical3A_91 : i32 to index
      %get3A_210 = arith.constant 464 : index
      %get3A_211 = tpu.vector_load %arg7[%get3A_209, %get3A_210] {strides = array<i32>} : memref<16x768xf32, #tpu.memory_space<vmem>>, vector<1x16xf32>,
      %get3A_212 = vector.shape_cast %get3A_211 : vector<1x16xf32> to vector<16xf32>
      %get3A_213 = arith.index_cast %shift_right_logical3A_91 : i32 to index
      %get3A_214 = arith.constant 480 : index
      %get3A_215 = tpu.vector_load %arg7[%get3A_213, %get3A_214] {strides = array<i32>} : memref<16x768xf32, #tpu.memory_space<vmem>>, vector<1x16xf32>,
      %get3A_216 = vector.shape_cast %get3A_215 : vector<1x16xf32> to vector<16xf32>
      %get3A_217 = arith.index_cast %shift_right_logical3A_91 : i32 to index
      %get3A_218 = arith.constant 496 : index
      %get3A_219 = tpu.vector_load %arg7[%get3A_217, %get3A_218] {strides = array<i32>} : memref<16x768xf32, #tpu.memory_space<vmem>>, vector<1x16xf32>,
      %get3A_220 = vector.shape_cast %get3A_219 : vector<1x16xf32> to vector<16xf32>
      %get3A_221 = arith.index_cast %shift_right_logical3A_91 : i32 to index
      %get3A_222 = arith.constant 512 : index
      %get3A_223 = tpu.vector_load %arg7[%get3A_221, %get3A_222] {strides = array<i32>} : memref<16x768xf32, #tpu.memory_space<vmem>>, vector<1x16xf32>,
      %get3A_224 = vector.shape_cast %get3A_223 : vector<1x16xf32> to vector<16xf32>
      %get3A_225 = arith.index_cast %shift_right_logical3A_91 : i32 to index
      %get3A_226 = arith.constant 528 : index
      %get3A_227 = tpu.vector_load %arg7[%get3A_225, %get3A_226] {strides = array<i32>} : memref<16x768xf32, #tpu.memory_space<vmem>>, vector<1x16xf32>,
      %get3A_228 = vector.shape_cast %get3A_227 : vector<1x16xf32> to vector<16xf32>
      %get3A_229 = arith.index_cast %shift_right_logical3A_91 : i32 to index
      %get3A_230 = arith.constant 544 : index
      %get3A_231 = tpu.vector_load %arg7[%get3A_229, %get3A_230] {strides = array<i32>} : memref<16x768xf32, #tpu.memory_space<vmem>>, vector<1x16xf32>,
      %get3A_232 = vector.shape_cast %get3A_231 : vector<1x16xf32> to vector<16xf32>
      %get3A_233 = arith.index_cast %shift_right_logical3A_91 : i32 to index
      %get3A_234 = arith.constant 560 : index
      %get3A_235 = tpu.vector_load %arg7[%get3A_233, %get3A_234] {strides = array<i32>} : memref<16x768xf32, #tpu.memory_space<vmem>>, vector<1x16xf32>,
      %get3A_236 = vector.shape_cast %get3A_235 : vector<1x16xf32> to vector<16xf32>
      %get3A_237 = arith.index_cast %shift_right_logical3A_91 : i32 to index
      %get3A_238 = arith.constant 576 : index
      %get3A_239 = tpu.vector_load %arg7[%get3A_237, %get3A_238] {strides = array<i32>} : memref<16x768xf32, #tpu.memory_space<vmem>>, vector<1x16xf32>,
      %get3A_240 = vector.shape_cast %get3A_239 : vector<1x16xf32> to vector<16xf32>
      %get3A_241 = arith.index_cast %shift_right_logical3A_91 : i32 to index
      %get3A_242 = arith.constant 592 : index
      %get3A_243 = tpu.vector_load %arg7[%get3A_241, %get3A_242] {strides = array<i32>} : memref<16x768xf32, #tpu.memory_space<vmem>>, vector<1x16xf32>,
      %get3A_244 = vector.shape_cast %get3A_243 : vector<1x16xf32> to vector<16xf32>
      %get3A_245 = arith.index_cast %shift_right_logical3A_91 : i32 to index
      %get3A_246 = arith.constant 608 : index
      %get3A_247 = tpu.vector_load %arg7[%get3A_245, %get3A_246] {strides = array<i32>} : memref<16x768xf32, #tpu.memory_space<vmem>>, vector<1x16xf32>,
      %get3A_248 = vector.shape_cast %get3A_247 : vector<1x16xf32> to vector<16xf32>
      %get3A_249 = arith.index_cast %shift_right_logical3A_91 : i32 to index
      %get3A_250 = arith.constant 624 : index
      %get3A_251 = tpu.vector_load %arg7[%get3A_249, %get3A_250] {strides = array<i32>} : memref<16x768xf32, #tpu.memory_space<vmem>>, vector<1x16xf32>,
      %get3A_252 = vector.shape_cast %get3A_251 : vector<1x16xf32> to vector<16xf32>
      %get3A_253 = arith.index_cast %shift_right_logical3A_91 : i32 to index
      %get3A_254 = arith.constant 640 : index
      %get3A_255 = tpu.vector_load %arg7[%get3A_253, %get3A_254] {strides = array<i32>} : memref<16x768xf32, #tpu.memory_space<vmem>>, vector<1x16xf32>,
      %get3A_256 = vector.shape_cast %get3A_255 : vector<1x16xf32> to vector<16xf32>
      %get3A_257 = arith.index_cast %shift_right_logical3A_91 : i32 to index
      %get3A_258 = arith.constant 656 : index
      %get3A_259 = tpu.vector_load %arg7[%get3A_257, %get3A_258] {strides = array<i32>} : memref<16x768xf32, #tpu.memory_space<vmem>>, vector<1x16xf32>,
      %get3A_260 = vector.shape_cast %get3A_259 : vector<1x16xf32> to vector<16xf32>
      %get3A_261 = arith.index_cast %shift_right_logical3A_91 : i32 to index
      %get3A_262 = arith.constant 672 : index
      %get3A_263 = tpu.vector_load %arg7[%get3A_261, %get3A_262] {strides = array<i32>} : memref<16x768xf32, #tpu.memory_space<vmem>>, vector<1x16xf32>,
      %get3A_264 = vector.shape_cast %get3A_263 : vector<1x16xf32> to vector<16xf32>
      %get3A_265 = arith.index_cast %shift_right_logical3A_91 : i32 to index
      %get3A_266 = arith.constant 688 : index
      %get3A_267 = tpu.vector_load %arg7[%get3A_265, %get3A_266] {strides = array<i32>} : memref<16x768xf32, #tpu.memory_space<vmem>>, vector<1x16xf32>,
      %get3A_268 = vector.shape_cast %get3A_267 : vector<1x16xf32> to vector<16xf32>
      %get3A_269 = arith.index_cast %shift_right_logical3A_91 : i32 to index
      %get3A_270 = arith.constant 704 : index
      %get3A_271 = tpu.vector_load %arg7[%get3A_269, %get3A_270] {strides = array<i32>} : memref<16x768xf32, #tpu.memory_space<vmem>>, vector<1x16xf32>,
      %get3A_272 = vector.shape_cast %get3A_271 : vector<1x16xf32> to vector<16xf32>
      %get3A_273 = arith.index_cast %shift_right_logical3A_91 : i32 to index
      %get3A_274 = arith.constant 720 : index
      %get3A_275 = tpu.vector_load %arg7[%get3A_273, %get3A_274] {strides = array<i32>} : memref<16x768xf32, #tpu.memory_space<vmem>>, vector<1x16xf32>,
      %get3A_276 = vector.shape_cast %get3A_275 : vector<1x16xf32> to vector<16xf32>
      %get3A_277 = arith.index_cast %shift_right_logical3A_91 : i32 to index
      %get3A_278 = arith.constant 736 : index
      %get3A_279 = tpu.vector_load %arg7[%get3A_277, %get3A_278] {strides = array<i32>} : memref<16x768xf32, #tpu.memory_space<vmem>>, vector<1x16xf32>,
      %get3A_280 = vector.shape_cast %get3A_279 : vector<1x16xf32> to vector<16xf32>
      %get3A_281 = arith.index_cast %shift_right_logical3A_91 : i32 to index
      %get3A_282 = arith.constant 752 : index
      %get3A_283 = tpu.vector_load %arg7[%get3A_281, %get3A_282] {strides = array<i32>} : memref<16x768xf32, #tpu.memory_space<vmem>>, vector<1x16xf32>,
      %get3A_284 = vector.shape_cast %get3A_283 : vector<1x16xf32> to vector<16xf32>
      %parallel_loop3A_285 = arith.constant 0 : i32
      %parallel_loop3A_286 = arith.constant 32 : i32
      %parallel_loop3A_287 = arith.constant 1 : i32
      scf.for %parallel_loop3A_990 = %parallel_loop3A_285 to %parallel_loop3A_286 step %parallel_loop3A_287  : i32 {
        %parallel_loop3A_991 = arith.index_cast %parallel_loop3A_990 : i32 to index
        %parallel_loop3A_992 = arith.constant 384 : index
        %parallel_loop3A_993 = tpu.vector_load %arg8[%parallel_loop3A_991, %parallel_loop3A_992] {strides = array<i32>} : memref<32x768xf32, #tpu.memory_space<vmem>>, vector<1x16xf32>,
        %parallel_loop3A_994 = vector.shape_cast %parallel_loop3A_993 : vector<1x16xf32> to vector<16xf32>
        %parallel_loop3A_995 = arith.addf %parallel_loop3A_994, %get3A_192 : vector<16xf32>
        %parallel_loop3A_996 = arith.index_cast %parallel_loop3A_990 : i32 to index
        %parallel_loop3A_997 = arith.constant 384 : index
        %parallel_loop3A_998 = tpu.vector_load %arg8[%parallel_loop3A_996, %parallel_loop3A_997] {strides = array<i32>} : memref<32x768xf32, #tpu.memory_space<vmem>>, vector<1x16xf32>,
        %parallel_loop3A_999 = vector.shape_cast %parallel_loop3A_998 : vector<1x16xf32> to vector<16xf32>
        %parallel_loop3A_1000 = vector.shape_cast %parallel_loop3A_995 : vector<16xf32> to vector<1x16xf32>
        tpu.vector_store %arg8[%parallel_loop3A_996, %parallel_loop3A_997], %parallel_loop3A_1000 {strides = array<i32>} : memref<32x768xf32, #tpu.memory_space<vmem>>, vector<1x16xf32>,
        %parallel_loop3A_1001 = arith.index_cast %parallel_loop3A_990 : i32 to index
        %parallel_loop3A_1002 = arith.constant 400 : index
        %parallel_loop3A_1003 = tpu.vector_load %arg8[%parallel_loop3A_1001, %parallel_loop3A_1002] {strides = array<i32>} : memref<32x768xf32, #tpu.memory_space<vmem>>, vector<1x16xf32>,
        %parallel_loop3A_1004 = vector.shape_cast %parallel_loop3A_1003 : vector<1x16xf32> to vector<16xf32>
        %parallel_loop3A_1005 = arith.addf %parallel_loop3A_1004, %get3A_196 : vector<16xf32>
        %parallel_loop3A_1006 = arith.index_cast %parallel_loop3A_990 : i32 to index
        %parallel_loop3A_1007 = arith.constant 400 : index
        %parallel_loop3A_1008 = tpu.vector_load %arg8[%parallel_loop3A_1006, %parallel_loop3A_1007] {strides = array<i32>} : memref<32x768xf32, #tpu.memory_space<vmem>>, vector<1x16xf32>,
        %parallel_loop3A_1009 = vector.shape_cast %parallel_loop3A_1008 : vector<1x16xf32> to vector<16xf32>
        %parallel_loop3A_1010 = vector.shape_cast %parallel_loop3A_1005 : vector<16xf32> to vector<1x16xf32>
        tpu.vector_store %arg8[%parallel_loop3A_1006, %parallel_loop3A_1007], %parallel_loop3A_1010 {strides = array<i32>} : memref<32x768xf32, #tpu.memory_space<vmem>>, vector<1x16xf32>,
        %parallel_loop3A_1011 = arith.index_cast %parallel_loop3A_990 : i32 to index
        %parallel_loop3A_1012 = arith.constant 416 : index
        %parallel_loop3A_1013 = tpu.vector_load %arg8[%parallel_loop3A_1011, %parallel_loop3A_1012] {strides = array<i32>} : memref<32x768xf32, #tpu.memory_space<vmem>>, vector<1x16xf32>,
        %parallel_loop3A_1014 = vector.shape_cast %parallel_loop3A_1013 : vector<1x16xf32> to vector<16xf32>
        %parallel_loop3A_1015 = arith.addf %parallel_loop3A_1014, %get3A_200 : vector<16xf32>
        %parallel_loop3A_1016 = arith.index_cast %parallel_loop3A_990 : i32 to index
        %parallel_loop3A_1017 = arith.constant 416 : index
        %parallel_loop3A_1018 = tpu.vector_load %arg8[%parallel_loop3A_1016, %parallel_loop3A_1017] {strides = array<i32>} : memref<32x768xf32, #tpu.memory_space<vmem>>, vector<1x16xf32>,
        %parallel_loop3A_1019 = vector.shape_cast %parallel_loop3A_1018 : vector<1x16xf32> to vector<16xf32>
        %parallel_loop3A_1020 = vector.shape_cast %parallel_loop3A_1015 : vector<16xf32> to vector<1x16xf32>
        tpu.vector_store %arg8[%parallel_loop3A_1016, %parallel_loop3A_1017], %parallel_loop3A_1020 {strides = array<i32>} : memref<32x768xf32, #tpu.memory_space<vmem>>, vector<1x16xf32>,
        %parallel_loop3A_1021 = arith.index_cast %parallel_loop3A_990 : i32 to index
        %parallel_loop3A_1022 = arith.constant 432 : index
        %parallel_loop3A_1023 = tpu.vector_load %arg8[%parallel_loop3A_1021, %parallel_loop3A_1022] {strides = array<i32>} : memref<32x768xf32, #tpu.memory_space<vmem>>, vector<1x16xf32>,
        %parallel_loop3A_1024 = vector.shape_cast %parallel_loop3A_1023 : vector<1x16xf32> to vector<16xf32>
        %parallel_loop3A_1025 = arith.addf %parallel_loop3A_1024, %get3A_204 : vector<16xf32>
        %parallel_loop3A_1026 = arith.index_cast %parallel_loop3A_990 : i32 to index
        %parallel_loop3A_1027 = arith.constant 432 : index
        %parallel_loop3A_1028 = tpu.vector_load %arg8[%parallel_loop3A_1026, %parallel_loop3A_1027] {strides = array<i32>} : memref<32x768xf32, #tpu.memory_space<vmem>>, vector<1x16xf32>,
        %parallel_loop3A_1029 = vector.shape_cast %parallel_loop3A_1028 : vector<1x16xf32> to vector<16xf32>
        %parallel_loop3A_1030 = vector.shape_cast %parallel_loop3A_1025 : vector<16xf32> to vector<1x16xf32>
        tpu.vector_store %arg8[%parallel_loop3A_1026, %parallel_loop3A_1027], %parallel_loop3A_1030 {strides = array<i32>} : memref<32x768xf32, #tpu.memory_space<vmem>>, vector<1x16xf32>,
        %parallel_loop3A_1031 = arith.index_cast %parallel_loop3A_990 : i32 to index
        %parallel_loop3A_1032 = arith.constant 448 : index
        %parallel_loop3A_1033 = tpu.vector_load %arg8[%parallel_loop3A_1031, %parallel_loop3A_1032] {strides = array<i32>} : memref<32x768xf32, #tpu.memory_space<vmem>>, vector<1x16xf32>,
        %parallel_loop3A_1034 = vector.shape_cast %parallel_loop3A_1033 : vector<1x16xf32> to vector<16xf32>
        %parallel_loop3A_1035 = arith.addf %parallel_loop3A_1034, %get3A_208 : vector<16xf32>
        %parallel_loop3A_1036 = arith.index_cast %parallel_loop3A_990 : i32 to index
        %parallel_loop3A_1037 = arith.constant 448 : index
        %parallel_loop3A_1038 = tpu.vector_load %arg8[%parallel_loop3A_1036, %parallel_loop3A_1037] {strides = array<i32>} : memref<32x768xf32, #tpu.memory_space<vmem>>, vector<1x16xf32>,
        %parallel_loop3A_1039 = vector.shape_cast %parallel_loop3A_1038 : vector<1x16xf32> to vector<16xf32>
        %parallel_loop3A_1040 = vector.shape_cast %parallel_loop3A_1035 : vector<16xf32> to vector<1x16xf32>
        tpu.vector_store %arg8[%parallel_loop3A_1036, %parallel_loop3A_1037], %parallel_loop3A_1040 {strides = array<i32>} : memref<32x768xf32, #tpu.memory_space<vmem>>, vector<1x16xf32>,
        %parallel_loop3A_1041 = arith.index_cast %parallel_loop3A_990 : i32 to index
        %parallel_loop3A_1042 = arith.constant 464 : index
        %parallel_loop3A_1043 = tpu.vector_load %arg8[%parallel_loop3A_1041, %parallel_loop3A_1042] {strides = array<i32>} : memref<32x768xf32, #tpu.memory_space<vmem>>, vector<1x16xf32>,
        %parallel_loop3A_1044 = vector.shape_cast %parallel_loop3A_1043 : vector<1x16xf32> to vector<16xf32>
        %parallel_loop3A_1045 = arith.addf %parallel_loop3A_1044, %get3A_212 : vector<16xf32>
        %parallel_loop3A_1046 = arith.index_cast %parallel_loop3A_990 : i32 to index
        %parallel_loop3A_1047 = arith.constant 464 : index
        %parallel_loop3A_1048 = tpu.vector_load %arg8[%parallel_loop3A_1046, %parallel_loop3A_1047] {strides = array<i32>} : memref<32x768xf32, #tpu.memory_space<vmem>>, vector<1x16xf32>,
        %parallel_loop3A_1049 = vector.shape_cast %parallel_loop3A_1048 : vector<1x16xf32> to vector<16xf32>
        %parallel_loop3A_1050 = vector.shape_cast %parallel_loop3A_1045 : vector<16xf32> to vector<1x16xf32>
        tpu.vector_store %arg8[%parallel_loop3A_1046, %parallel_loop3A_1047], %parallel_loop3A_1050 {strides = array<i32>} : memref<32x768xf32, #tpu.memory_space<vmem>>, vector<1x16xf32>,
        %parallel_loop3A_1051 = arith.index_cast %parallel_loop3A_990 : i32 to index
        %parallel_loop3A_1052 = arith.constant 480 : index
        %parallel_loop3A_1053 = tpu.vector_load %arg8[%parallel_loop3A_1051, %parallel_loop3A_1052] {strides = array<i32>} : memref<32x768xf32, #tpu.memory_space<vmem>>, vector<1x16xf32>,
        %parallel_loop3A_1054 = vector.shape_cast %parallel_loop3A_1053 : vector<1x16xf32> to vector<16xf32>
        %parallel_loop3A_1055 = arith.addf %parallel_loop3A_1054, %get3A_216 : vector<16xf32>
        %parallel_loop3A_1056 = arith.index_cast %parallel_loop3A_990 : i32 to index
        %parallel_loop3A_1057 = arith.constant 480 : index
        %parallel_loop3A_1058 = tpu.vector_load %arg8[%parallel_loop3A_1056, %parallel_loop3A_1057] {strides = array<i32>} : memref<32x768xf32, #tpu.memory_space<vmem>>, vector<1x16xf32>,
        %parallel_loop3A_1059 = vector.shape_cast %parallel_loop3A_1058 : vector<1x16xf32> to vector<16xf32>
        %parallel_loop3A_1060 = vector.shape_cast %parallel_loop3A_1055 : vector<16xf32> to vector<1x16xf32>
        tpu.vector_store %arg8[%parallel_loop3A_1056, %parallel_loop3A_1057], %parallel_loop3A_1060 {strides = array<i32>} : memref<32x768xf32, #tpu.memory_space<vmem>>, vector<1x16xf32>,
        %parallel_loop3A_1061 = arith.index_cast %parallel_loop3A_990 : i32 to index
        %parallel_loop3A_1062 = arith.constant 496 : index
        %parallel_loop3A_1063 = tpu.vector_load %arg8[%parallel_loop3A_1061, %parallel_loop3A_1062] {strides = array<i32>} : memref<32x768xf32, #tpu.memory_space<vmem>>, vector<1x16xf32>,
        %parallel_loop3A_1064 = vector.shape_cast %parallel_loop3A_1063 : vector<1x16xf32> to vector<16xf32>
        %parallel_loop3A_1065 = arith.addf %parallel_loop3A_1064, %get3A_220 : vector<16xf32>
        %parallel_loop3A_1066 = arith.index_cast %parallel_loop3A_990 : i32 to index
        %parallel_loop3A_1067 = arith.constant 496 : index
        %parallel_loop3A_1068 = tpu.vector_load %arg8[%parallel_loop3A_1066, %parallel_loop3A_1067] {strides = array<i32>} : memref<32x768xf32, #tpu.memory_space<vmem>>, vector<1x16xf32>,
        %parallel_loop3A_1069 = vector.shape_cast %parallel_loop3A_1068 : vector<1x16xf32> to vector<16xf32>
        %parallel_loop3A_1070 = vector.shape_cast %parallel_loop3A_1065 : vector<16xf32> to vector<1x16xf32>
        tpu.vector_store %arg8[%parallel_loop3A_1066, %parallel_loop3A_1067], %parallel_loop3A_1070 {strides = array<i32>} : memref<32x768xf32, #tpu.memory_space<vmem>>, vector<1x16xf32>,
        %parallel_loop3A_1071 = arith.index_cast %parallel_loop3A_990 : i32 to index
        %parallel_loop3A_1072 = arith.constant 512 : index
        %parallel_loop3A_1073 = tpu.vector_load %arg8[%parallel_loop3A_1071, %parallel_loop3A_1072] {strides = array<i32>} : memref<32x768xf32, #tpu.memory_space<vmem>>, vector<1x16xf32>,
        %parallel_loop3A_1074 = vector.shape_cast %parallel_loop3A_1073 : vector<1x16xf32> to vector<16xf32>
        %parallel_loop3A_1075 = arith.addf %parallel_loop3A_1074, %get3A_224 : vector<16xf32>
        %parallel_loop3A_1076 = arith.index_cast %parallel_loop3A_990 : i32 to index
        %parallel_loop3A_1077 = arith.constant 512 : index
        %parallel_loop3A_1078 = tpu.vector_load %arg8[%parallel_loop3A_1076, %parallel_loop3A_1077] {strides = array<i32>} : memref<32x768xf32, #tpu.memory_space<vmem>>, vector<1x16xf32>,
        %parallel_loop3A_1079 = vector.shape_cast %parallel_loop3A_1078 : vector<1x16xf32> to vector<16xf32>
        %parallel_loop3A_1080 = vector.shape_cast %parallel_loop3A_1075 : vector<16xf32> to vector<1x16xf32>
        tpu.vector_store %arg8[%parallel_loop3A_1076, %parallel_loop3A_1077], %parallel_loop3A_1080 {strides = array<i32>} : memref<32x768xf32, #tpu.memory_space<vmem>>, vector<1x16xf32>,
        %parallel_loop3A_1081 = arith.index_cast %parallel_loop3A_990 : i32 to index
        %parallel_loop3A_1082 = arith.constant 528 : index
        %parallel_loop3A_1083 = tpu.vector_load %arg8[%parallel_loop3A_1081, %parallel_loop3A_1082] {strides = array<i32>} : memref<32x768xf32, #tpu.memory_space<vmem>>, vector<1x16xf32>,
        %parallel_loop3A_1084 = vector.shape_cast %parallel_loop3A_1083 : vector<1x16xf32> to vector<16xf32>
        %parallel_loop3A_1085 = arith.addf %parallel_loop3A_1084, %get3A_228 : vector<16xf32>
        %parallel_loop3A_1086 = arith.index_cast %parallel_loop3A_990 : i32 to index
        %parallel_loop3A_1087 = arith.constant 528 : index
        %parallel_loop3A_1088 = tpu.vector_load %arg8[%parallel_loop3A_1086, %parallel_loop3A_1087] {strides = array<i32>} : memref<32x768xf32, #tpu.memory_space<vmem>>, vector<1x16xf32>,
        %parallel_loop3A_1089 = vector.shape_cast %parallel_loop3A_1088 : vector<1x16xf32> to vector<16xf32>
        %parallel_loop3A_1090 = vector.shape_cast %parallel_loop3A_1085 : vector<16xf32> to vector<1x16xf32>
        tpu.vector_store %arg8[%parallel_loop3A_1086, %parallel_loop3A_1087], %parallel_loop3A_1090 {strides = array<i32>} : memref<32x768xf32, #tpu.memory_space<vmem>>, vector<1x16xf32>,
        %parallel_loop3A_1091 = arith.index_cast %parallel_loop3A_990 : i32 to index
        %parallel_loop3A_1092 = arith.constant 544 : index
        %parallel_loop3A_1093 = tpu.vector_load %arg8[%parallel_loop3A_1091, %parallel_loop3A_1092] {strides = array<i32>} : memref<32x768xf32, #tpu.memory_space<vmem>>, vector<1x16xf32>,
        %parallel_loop3A_1094 = vector.shape_cast %parallel_loop3A_1093 : vector<1x16xf32> to vector<16xf32>
        %parallel_loop3A_1095 = arith.addf %parallel_loop3A_1094, %get3A_232 : vector<16xf32>
        %parallel_loop3A_1096 = arith.index_cast %parallel_loop3A_990 : i32 to index
        %parallel_loop3A_1097 = arith.constant 544 : index
        %parallel_loop3A_1098 = tpu.vector_load %arg8[%parallel_loop3A_1096, %parallel_loop3A_1097] {strides = array<i32>} : memref<32x768xf32, #tpu.memory_space<vmem>>, vector<1x16xf32>,
        %parallel_loop3A_1099 = vector.shape_cast %parallel_loop3A_1098 : vector<1x16xf32> to vector<16xf32>
        %parallel_loop3A_1100 = vector.shape_cast %parallel_loop3A_1095 : vector<16xf32> to vector<1x16xf32>
        tpu.vector_store %arg8[%parallel_loop3A_1096, %parallel_loop3A_1097], %parallel_loop3A_1100 {strides = array<i32>} : memref<32x768xf32, #tpu.memory_space<vmem>>, vector<1x16xf32>,
        %parallel_loop3A_1101 = arith.index_cast %parallel_loop3A_990 : i32 to index
        %parallel_loop3A_1102 = arith.constant 560 : index
        %parallel_loop3A_1103 = tpu.vector_load %arg8[%parallel_loop3A_1101, %parallel_loop3A_1102] {strides = array<i32>} : memref<32x768xf32, #tpu.memory_space<vmem>>, vector<1x16xf32>,
        %parallel_loop3A_1104 = vector.shape_cast %parallel_loop3A_1103 : vector<1x16xf32> to vector<16xf32>
        %parallel_loop3A_1105 = arith.addf %parallel_loop3A_1104, %get3A_236 : vector<16xf32>
        %parallel_loop3A_1106 = arith.index_cast %parallel_loop3A_990 : i32 to index
        %parallel_loop3A_1107 = arith.constant 560 : index
        %parallel_loop3A_1108 = tpu.vector_load %arg8[%parallel_loop3A_1106, %parallel_loop3A_1107] {strides = array<i32>} : memref<32x768xf32, #tpu.memory_space<vmem>>, vector<1x16xf32>,
        %parallel_loop3A_1109 = vector.shape_cast %parallel_loop3A_1108 : vector<1x16xf32> to vector<16xf32>
        %parallel_loop3A_1110 = vector.shape_cast %parallel_loop3A_1105 : vector<16xf32> to vector<1x16xf32>
        tpu.vector_store %arg8[%parallel_loop3A_1106, %parallel_loop3A_1107], %parallel_loop3A_1110 {strides = array<i32>} : memref<32x768xf32, #tpu.memory_space<vmem>>, vector<1x16xf32>,
        %parallel_loop3A_1111 = arith.index_cast %parallel_loop3A_990 : i32 to index
        %parallel_loop3A_1112 = arith.constant 576 : index
        %parallel_loop3A_1113 = tpu.vector_load %arg8[%parallel_loop3A_1111, %parallel_loop3A_1112] {strides = array<i32>} : memref<32x768xf32, #tpu.memory_space<vmem>>, vector<1x16xf32>,
        %parallel_loop3A_1114 = vector.shape_cast %parallel_loop3A_1113 : vector<1x16xf32> to vector<16xf32>
        %parallel_loop3A_1115 = arith.addf %parallel_loop3A_1114, %get3A_240 : vector<16xf32>
        %parallel_loop3A_1116 = arith.index_cast %parallel_loop3A_990 : i32 to index
        %parallel_loop3A_1117 = arith.constant 576 : index
        %parallel_loop3A_1118 = tpu.vector_load %arg8[%parallel_loop3A_1116, %parallel_loop3A_1117] {strides = array<i32>} : memref<32x768xf32, #tpu.memory_space<vmem>>, vector<1x16xf32>,
        %parallel_loop3A_1119 = vector.shape_cast %parallel_loop3A_1118 : vector<1x16xf32> to vector<16xf32>
        %parallel_loop3A_1120 = vector.shape_cast %parallel_loop3A_1115 : vector<16xf32> to vector<1x16xf32>
        tpu.vector_store %arg8[%parallel_loop3A_1116, %parallel_loop3A_1117], %parallel_loop3A_1120 {strides = array<i32>} : memref<32x768xf32, #tpu.memory_space<vmem>>, vector<1x16xf32>,
        %parallel_loop3A_1121 = arith.index_cast %parallel_loop3A_990 : i32 to index
        %parallel_loop3A_1122 = arith.constant 592 : index
        %parallel_loop3A_1123 = tpu.vector_load %arg8[%parallel_loop3A_1121, %parallel_loop3A_1122] {strides = array<i32>} : memref<32x768xf32, #tpu.memory_space<vmem>>, vector<1x16xf32>,
        %parallel_loop3A_1124 = vector.shape_cast %parallel_loop3A_1123 : vector<1x16xf32> to vector<16xf32>
        %parallel_loop3A_1125 = arith.addf %parallel_loop3A_1124, %get3A_244 : vector<16xf32>
        %parallel_loop3A_1126 = arith.index_cast %parallel_loop3A_990 : i32 to index
        %parallel_loop3A_1127 = arith.constant 592 : index
        %parallel_loop3A_1128 = tpu.vector_load %arg8[%parallel_loop3A_1126, %parallel_loop3A_1127] {strides = array<i32>} : memref<32x768xf32, #tpu.memory_space<vmem>>, vector<1x16xf32>,
        %parallel_loop3A_1129 = vector.shape_cast %parallel_loop3A_1128 : vector<1x16xf32> to vector<16xf32>
        %parallel_loop3A_1130 = vector.shape_cast %parallel_loop3A_1125 : vector<16xf32> to vector<1x16xf32>
        tpu.vector_store %arg8[%parallel_loop3A_1126, %parallel_loop3A_1127], %parallel_loop3A_1130 {strides = array<i32>} : memref<32x768xf32, #tpu.memory_space<vmem>>, vector<1x16xf32>,
        %parallel_loop3A_1131 = arith.index_cast %parallel_loop3A_990 : i32 to index
        %parallel_loop3A_1132 = arith.constant 608 : index
        %parallel_loop3A_1133 = tpu.vector_load %arg8[%parallel_loop3A_1131, %parallel_loop3A_1132] {strides = array<i32>} : memref<32x768xf32, #tpu.memory_space<vmem>>, vector<1x16xf32>,
        %parallel_loop3A_1134 = vector.shape_cast %parallel_loop3A_1133 : vector<1x16xf32> to vector<16xf32>
        %parallel_loop3A_1135 = arith.addf %parallel_loop3A_1134, %get3A_248 : vector<16xf32>
        %parallel_loop3A_1136 = arith.index_cast %parallel_loop3A_990 : i32 to index
        %parallel_loop3A_1137 = arith.constant 608 : index
        %parallel_loop3A_1138 = tpu.vector_load %arg8[%parallel_loop3A_1136, %parallel_loop3A_1137] {strides = array<i32>} : memref<32x768xf32, #tpu.memory_space<vmem>>, vector<1x16xf32>,
        %parallel_loop3A_1139 = vector.shape_cast %parallel_loop3A_1138 : vector<1x16xf32> to vector<16xf32>
        %parallel_loop3A_1140 = vector.shape_cast %parallel_loop3A_1135 : vector<16xf32> to vector<1x16xf32>
        tpu.vector_store %arg8[%parallel_loop3A_1136, %parallel_loop3A_1137], %parallel_loop3A_1140 {strides = array<i32>} : memref<32x768xf32, #tpu.memory_space<vmem>>, vector<1x16xf32>,
        %parallel_loop3A_1141 = arith.index_cast %parallel_loop3A_990 : i32 to index
        %parallel_loop3A_1142 = arith.constant 624 : index
        %parallel_loop3A_1143 = tpu.vector_load %arg8[%parallel_loop3A_1141, %parallel_loop3A_1142] {strides = array<i32>} : memref<32x768xf32, #tpu.memory_space<vmem>>, vector<1x16xf32>,
        %parallel_loop3A_1144 = vector.shape_cast %parallel_loop3A_1143 : vector<1x16xf32> to vector<16xf32>
        %parallel_loop3A_1145 = arith.addf %parallel_loop3A_1144, %get3A_252 : vector<16xf32>
        %parallel_loop3A_1146 = arith.index_cast %parallel_loop3A_990 : i32 to index
        %parallel_loop3A_1147 = arith.constant 624 : index
        %parallel_loop3A_1148 = tpu.vector_load %arg8[%parallel_loop3A_1146, %parallel_loop3A_1147] {strides = array<i32>} : memref<32x768xf32, #tpu.memory_space<vmem>>, vector<1x16xf32>,
        %parallel_loop3A_1149 = vector.shape_cast %parallel_loop3A_1148 : vector<1x16xf32> to vector<16xf32>
        %parallel_loop3A_1150 = vector.shape_cast %parallel_loop3A_1145 : vector<16xf32> to vector<1x16xf32>
        tpu.vector_store %arg8[%parallel_loop3A_1146, %parallel_loop3A_1147], %parallel_loop3A_1150 {strides = array<i32>} : memref<32x768xf32, #tpu.memory_space<vmem>>, vector<1x16xf32>,
        %parallel_loop3A_1151 = arith.index_cast %parallel_loop3A_990 : i32 to index
        %parallel_loop3A_1152 = arith.constant 640 : index
        %parallel_loop3A_1153 = tpu.vector_load %arg8[%parallel_loop3A_1151, %parallel_loop3A_1152] {strides = array<i32>} : memref<32x768xf32, #tpu.memory_space<vmem>>, vector<1x16xf32>,
        %parallel_loop3A_1154 = vector.shape_cast %parallel_loop3A_1153 : vector<1x16xf32> to vector<16xf32>
        %parallel_loop3A_1155 = arith.addf %parallel_loop3A_1154, %get3A_256 : vector<16xf32>
        %parallel_loop3A_1156 = arith.index_cast %parallel_loop3A_990 : i32 to index
        %parallel_loop3A_1157 = arith.constant 640 : index
        %parallel_loop3A_1158 = tpu.vector_load %arg8[%parallel_loop3A_1156, %parallel_loop3A_1157] {strides = array<i32>} : memref<32x768xf32, #tpu.memory_space<vmem>>, vector<1x16xf32>,
        %parallel_loop3A_1159 = vector.shape_cast %parallel_loop3A_1158 : vector<1x16xf32> to vector<16xf32>
        %parallel_loop3A_1160 = vector.shape_cast %parallel_loop3A_1155 : vector<16xf32> to vector<1x16xf32>
        tpu.vector_store %arg8[%parallel_loop3A_1156, %parallel_loop3A_1157], %parallel_loop3A_1160 {strides = array<i32>} : memref<32x768xf32, #tpu.memory_space<vmem>>, vector<1x16xf32>,
        %parallel_loop3A_1161 = arith.index_cast %parallel_loop3A_990 : i32 to index
        %parallel_loop3A_1162 = arith.constant 656 : index
        %parallel_loop3A_1163 = tpu.vector_load %arg8[%parallel_loop3A_1161, %parallel_loop3A_1162] {strides = array<i32>} : memref<32x768xf32, #tpu.memory_space<vmem>>, vector<1x16xf32>,
        %parallel_loop3A_1164 = vector.shape_cast %parallel_loop3A_1163 : vector<1x16xf32> to vector<16xf32>
        %parallel_loop3A_1165 = arith.addf %parallel_loop3A_1164, %get3A_260 : vector<16xf32>
        %parallel_loop3A_1166 = arith.index_cast %parallel_loop3A_990 : i32 to index
        %parallel_loop3A_1167 = arith.constant 656 : index
        %parallel_loop3A_1168 = tpu.vector_load %arg8[%parallel_loop3A_1166, %parallel_loop3A_1167] {strides = array<i32>} : memref<32x768xf32, #tpu.memory_space<vmem>>, vector<1x16xf32>,
        %parallel_loop3A_1169 = vector.shape_cast %parallel_loop3A_1168 : vector<1x16xf32> to vector<16xf32>
        %parallel_loop3A_1170 = vector.shape_cast %parallel_loop3A_1165 : vector<16xf32> to vector<1x16xf32>
        tpu.vector_store %arg8[%parallel_loop3A_1166, %parallel_loop3A_1167], %parallel_loop3A_1170 {strides = array<i32>} : memref<32x768xf32, #tpu.memory_space<vmem>>, vector<1x16xf32>,
        %parallel_loop3A_1171 = arith.index_cast %parallel_loop3A_990 : i32 to index
        %parallel_loop3A_1172 = arith.constant 672 : index
        %parallel_loop3A_1173 = tpu.vector_load %arg8[%parallel_loop3A_1171, %parallel_loop3A_1172] {strides = array<i32>} : memref<32x768xf32, #tpu.memory_space<vmem>>, vector<1x16xf32>,
        %parallel_loop3A_1174 = vector.shape_cast %parallel_loop3A_1173 : vector<1x16xf32> to vector<16xf32>
        %parallel_loop3A_1175 = arith.addf %parallel_loop3A_1174, %get3A_264 : vector<16xf32>
        %parallel_loop3A_1176 = arith.index_cast %parallel_loop3A_990 : i32 to index
        %parallel_loop3A_1177 = arith.constant 672 : index
        %parallel_loop3A_1178 = tpu.vector_load %arg8[%parallel_loop3A_1176, %parallel_loop3A_1177] {strides = array<i32>} : memref<32x768xf32, #tpu.memory_space<vmem>>, vector<1x16xf32>,
        %parallel_loop3A_1179 = vector.shape_cast %parallel_loop3A_1178 : vector<1x16xf32> to vector<16xf32>
        %parallel_loop3A_1180 = vector.shape_cast %parallel_loop3A_1175 : vector<16xf32> to vector<1x16xf32>
        tpu.vector_store %arg8[%parallel_loop3A_1176, %parallel_loop3A_1177], %parallel_loop3A_1180 {strides = array<i32>} : memref<32x768xf32, #tpu.memory_space<vmem>>, vector<1x16xf32>,
        %parallel_loop3A_1181 = arith.index_cast %parallel_loop3A_990 : i32 to index
        %parallel_loop3A_1182 = arith.constant 688 : index
        %parallel_loop3A_1183 = tpu.vector_load %arg8[%parallel_loop3A_1181, %parallel_loop3A_1182] {strides = array<i32>} : memref<32x768xf32, #tpu.memory_space<vmem>>, vector<1x16xf32>,
        %parallel_loop3A_1184 = vector.shape_cast %parallel_loop3A_1183 : vector<1x16xf32> to vector<16xf32>
        %parallel_loop3A_1185 = arith.addf %parallel_loop3A_1184, %get3A_268 : vector<16xf32>
        %parallel_loop3A_1186 = arith.index_cast %parallel_loop3A_990 : i32 to index
        %parallel_loop3A_1187 = arith.constant 688 : index
        %parallel_loop3A_1188 = tpu.vector_load %arg8[%parallel_loop3A_1186, %parallel_loop3A_1187] {strides = array<i32>} : memref<32x768xf32, #tpu.memory_space<vmem>>, vector<1x16xf32>,
        %parallel_loop3A_1189 = vector.shape_cast %parallel_loop3A_1188 : vector<1x16xf32> to vector<16xf32>
        %parallel_loop3A_1190 = vector.shape_cast %parallel_loop3A_1185 : vector<16xf32> to vector<1x16xf32>
        tpu.vector_store %arg8[%parallel_loop3A_1186, %parallel_loop3A_1187], %parallel_loop3A_1190 {strides = array<i32>} : memref<32x768xf32, #tpu.memory_space<vmem>>, vector<1x16xf32>,
        %parallel_loop3A_1191 = arith.index_cast %parallel_loop3A_990 : i32 to index
        %parallel_loop3A_1192 = arith.constant 704 : index
        %parallel_loop3A_1193 = tpu.vector_load %arg8[%parallel_loop3A_1191, %parallel_loop3A_1192] {strides = array<i32>} : memref<32x768xf32, #tpu.memory_space<vmem>>, vector<1x16xf32>,
        %parallel_loop3A_1194 = vector.shape_cast %parallel_loop3A_1193 : vector<1x16xf32> to vector<16xf32>
        %parallel_loop3A_1195 = arith.addf %parallel_loop3A_1194, %get3A_272 : vector<16xf32>
        %parallel_loop3A_1196 = arith.index_cast %parallel_loop3A_990 : i32 to index
        %parallel_loop3A_1197 = arith.constant 704 : index
        %parallel_loop3A_1198 = tpu.vector_load %arg8[%parallel_loop3A_1196, %parallel_loop3A_1197] {strides = array<i32>} : memref<32x768xf32, #tpu.memory_space<vmem>>, vector<1x16xf32>,
        %parallel_loop3A_1199 = vector.shape_cast %parallel_loop3A_1198 : vector<1x16xf32> to vector<16xf32>
        %parallel_loop3A_1200 = vector.shape_cast %parallel_loop3A_1195 : vector<16xf32> to vector<1x16xf32>
        tpu.vector_store %arg8[%parallel_loop3A_1196, %parallel_loop3A_1197], %parallel_loop3A_1200 {strides = array<i32>} : memref<32x768xf32, #tpu.memory_space<vmem>>, vector<1x16xf32>,
        %parallel_loop3A_1201 = arith.index_cast %parallel_loop3A_990 : i32 to index
        %parallel_loop3A_1202 = arith.constant 720 : index
        %parallel_loop3A_1203 = tpu.vector_load %arg8[%parallel_loop3A_1201, %parallel_loop3A_1202] {strides = array<i32>} : memref<32x768xf32, #tpu.memory_space<vmem>>, vector<1x16xf32>,
        %parallel_loop3A_1204 = vector.shape_cast %parallel_loop3A_1203 : vector<1x16xf32> to vector<16xf32>
        %parallel_loop3A_1205 = arith.addf %parallel_loop3A_1204, %get3A_276 : vector<16xf32>
        %parallel_loop3A_1206 = arith.index_cast %parallel_loop3A_990 : i32 to index
        %parallel_loop3A_1207 = arith.constant 720 : index
        %parallel_loop3A_1208 = tpu.vector_load %arg8[%parallel_loop3A_1206, %parallel_loop3A_1207] {strides = array<i32>} : memref<32x768xf32, #tpu.memory_space<vmem>>, vector<1x16xf32>,
        %parallel_loop3A_1209 = vector.shape_cast %parallel_loop3A_1208 : vector<1x16xf32> to vector<16xf32>
        %parallel_loop3A_1210 = vector.shape_cast %parallel_loop3A_1205 : vector<16xf32> to vector<1x16xf32>
        tpu.vector_store %arg8[%parallel_loop3A_1206, %parallel_loop3A_1207], %parallel_loop3A_1210 {strides = array<i32>} : memref<32x768xf32, #tpu.memory_space<vmem>>, vector<1x16xf32>,
        %parallel_loop3A_1211 = arith.index_cast %parallel_loop3A_990 : i32 to index
        %parallel_loop3A_1212 = arith.constant 736 : index
        %parallel_loop3A_1213 = tpu.vector_load %arg8[%parallel_loop3A_1211, %parallel_loop3A_1212] {strides = array<i32>} : memref<32x768xf32, #tpu.memory_space<vmem>>, vector<1x16xf32>,
        %parallel_loop3A_1214 = vector.shape_cast %parallel_loop3A_1213 : vector<1x16xf32> to vector<16xf32>
        %parallel_loop3A_1215 = arith.addf %parallel_loop3A_1214, %get3A_280 : vector<16xf32>
        %parallel_loop3A_1216 = arith.index_cast %parallel_loop3A_990 : i32 to index
        %parallel_loop3A_1217 = arith.constant 736 : index
        %parallel_loop3A_1218 = tpu.vector_load %arg8[%parallel_loop3A_1216, %parallel_loop3A_1217] {strides = array<i32>} : memref<32x768xf32, #tpu.memory_space<vmem>>, vector<1x16xf32>,
        %parallel_loop3A_1219 = vector.shape_cast %parallel_loop3A_1218 : vector<1x16xf32> to vector<16xf32>
        %parallel_loop3A_1220 = vector.shape_cast %parallel_loop3A_1215 : vector<16xf32> to vector<1x16xf32>
        tpu.vector_store %arg8[%parallel_loop3A_1216, %parallel_loop3A_1217], %parallel_loop3A_1220 {strides = array<i32>} : memref<32x768xf32, #tpu.memory_space<vmem>>, vector<1x16xf32>,
        %parallel_loop3A_1221 = arith.index_cast %parallel_loop3A_990 : i32 to index
        %parallel_loop3A_1222 = arith.constant 752 : index
        %parallel_loop3A_1223 = tpu.vector_load %arg8[%parallel_loop3A_1221, %parallel_loop3A_1222] {strides = array<i32>} : memref<32x768xf32, #tpu.memory_space<vmem>>, vector<1x16xf32>,
        %parallel_loop3A_1224 = vector.shape_cast %parallel_loop3A_1223 : vector<1x16xf32> to vector<16xf32>
        %parallel_loop3A_1225 = arith.addf %parallel_loop3A_1224, %get3A_284 : vector<16xf32>
        %parallel_loop3A_1226 = arith.index_cast %parallel_loop3A_990 : i32 to index
        %parallel_loop3A_1227 = arith.constant 752 : index
        %parallel_loop3A_1228 = tpu.vector_load %arg8[%parallel_loop3A_1226, %parallel_loop3A_1227] {strides = array<i32>} : memref<32x768xf32, #tpu.memory_space<vmem>>, vector<1x16xf32>,
        %parallel_loop3A_1229 = vector.shape_cast %parallel_loop3A_1228 : vector<1x16xf32> to vector<16xf32>
        %parallel_loop3A_1230 = vector.shape_cast %parallel_loop3A_1225 : vector<16xf32> to vector<1x16xf32>
        tpu.vector_store %arg8[%parallel_loop3A_1226, %parallel_loop3A_1227], %parallel_loop3A_1230 {strides = array<i32>} : memref<32x768xf32, #tpu.memory_space<vmem>>, vector<1x16xf32>,
      } {sc.loop_unroll_factor = 1 : i64, sc.parallel_access}
      %shift_right_logical3A_288 = arith.constant 1 : i32
      %shift_right_logical3A_289 = arith.shrui %add3A_82, %shift_right_logical3A_288 : i32
      %and3A_290 = arith.constant 1 : i32
      %and3A_291 = arith.andi %add3A_82, %and3A_290 : i32
      %mul3A_292 = arith.constant 32 : i32
      %mul3A_293 = arith.muli %and3A_291, %mul3A_292 : i32
      %add3A_294 = arith.addi %mul3A_2, %shift_right_logical3A_289 : i32
      %dma_start3A_295 = arith.constant 0 : i32
      %dma_start3A_296 = tpu.memref_slice %arg5[%mul3A_293, %add3A_294, %dma_start3A_295] : memref<64x512x768xf32, #tpu.memory_space<hbm>> -> memref<32x1x768xf32, #tpu.memory_space<hbm>>
      %dma_start3A_297 = tpu.memref_squeeze %dma_start3A_296 : memref<32x1x768xf32, #tpu.memory_space<hbm>> -> memref<32x768xf32, #tpu.memory_space<hbm>>
      %dma_start3A_298 = arith.constant 0 : i32
      %dma_start3A_299 = tpu.memref_slice %arg5[%mul3A_293, %add3A_294, %dma_start3A_298] : memref<64x512x768xf32, #tpu.memory_space<hbm>> -> memref<32x1x768xf32, #tpu.memory_space<hbm>>
      %dma_start3A_300 = tpu.memref_squeeze %dma_start3A_299 : memref<32x1x768xf32, #tpu.memory_space<hbm>> -> memref<32x768xf32, #tpu.memory_space<hbm>>
      tpu.enqueue_dma source(%arg8 : memref<32x768xf32, #tpu.memory_space<vmem>>) target(%dma_start3A_300 : memref<32x768xf32, #tpu.memory_space<hbm>>) target_semaphore(%arg16 : memref<!tpu.dma_semaphore, #tpu.memory_space<semaphore_mem>>)
      %lt3A = arith.constant 30 : i32
      %lt3A_301 = arith.cmpi slt, %add3A_82, %lt3A : i32
      %convert_element_type3A = arith.extui %lt3A_301 : i1 to i32
      %cond3A = arith.constant 0 : i32
      %cond3A_302 = arith.cmpi ne, %convert_element_type3A, %cond3A : i32
      scf.if %cond3A_302 {
        %ge3A = arith.constant 2 : i32
        %ge3A_990 = arith.cmpi sge, %add3A_82, %ge3A : i32
        %convert_element_type3A_991 = arith.extui %ge3A_990 : i1 to i32
        %cond3A_992 = arith.constant 0 : i32
        %cond3A_993 = arith.cmpi ne, %convert_element_type3A_991, %cond3A_992 : i32
        scf.if %cond3A_993 {
          %dma_wait3A_1007 = arith.constant 0 : i32
          %dma_wait3A_1008 = arith.constant 0 : i32
          %dma_wait3A_1009 = tpu.memref_slice %arg5[%dma_wait3A_1007, %mul3A_2, %dma_wait3A_1008] : memref<64x512x768xf32, #tpu.memory_space<hbm>> -> memref<32x1x768xf32, #tpu.memory_space<hbm>>
          %dma_wait3A_1010 = tpu.memref_squeeze %dma_wait3A_1009 : memref<32x1x768xf32, #tpu.memory_space<hbm>> -> memref<32x768xf32, #tpu.memory_space<hbm>>
          %dma_wait3A_1011 = arith.constant 0 : i32
          %dma_wait3A_1012 = arith.constant 0 : i32
          %dma_wait3A_1013 = tpu.memref_slice %arg5[%dma_wait3A_1011, %mul3A_2, %dma_wait3A_1012] : memref<64x512x768xf32, #tpu.memory_space<hbm>> -> memref<32x1x768xf32, #tpu.memory_space<hbm>>
          %dma_wait3A_1014 = tpu.memref_squeeze %dma_wait3A_1013 : memref<32x1x768xf32, #tpu.memory_space<hbm>> -> memref<32x768xf32, #tpu.memory_space<hbm>>
          tpu.wait_dma2 semaphore(%arg18 : memref<!tpu.dma_semaphore, #tpu.memory_space<semaphore_mem>>) src(%arg10 : memref<32x768xf32, #tpu.memory_space<vmem>>) dst(%dma_wait3A_1014 : memref<32x768xf32, #tpu.memory_space<hbm>>)
        } else {
        }
        %add3A_994 = arith.constant 2 : i32
        %add3A_995 = arith.addi %add3A_82, %add3A_994 : i32
        %shift_right_logical3A_996 = arith.constant 1 : i32
        %shift_right_logical3A_997 = arith.shrui %add3A_995, %shift_right_logical3A_996 : i32
        %and3A_998 = arith.constant 1 : i32
        %and3A_999 = arith.andi %add3A_995, %and3A_998 : i32
        %mul3A_1000 = arith.constant 32 : i32
        %mul3A_1001 = arith.muli %and3A_999, %mul3A_1000 : i32
        %dma_start3A_1002 = tpu.memref_slice %arg6[%shift_right_logical3A_997, %mul3A_1001] : memref<16x64xi32, #tpu.memory_space<vmem>> -> memref<1x32xi32, #tpu.memory_space<vmem>>
        %dma_start3A_1003 = tpu.memref_squeeze %dma_start3A_1002 : memref<1x32xi32, #tpu.memory_space<vmem>> -> memref<32xi32, #tpu.memory_space<vmem>>
        %dma_start3A_1004 = arith.constant 0 : i32
        %dma_start3A_1005 = arith.constant 0 : i32
        %dma_start3A_1006 = tpu.memref_slice %arg4[%dma_start3A_1004, %dma_start3A_1005] : memref<100000x768xf32, #tpu.memory_space<hbm>> -> memref<100000x768xf32, #tpu.memory_space<hbm>>
        tpu.enqueue_indirect_dma source(%dma_start3A_1006 : memref<100000x768xf32, #tpu.memory_space<hbm>>) target(%arg10 : memref<32x768xf32, #tpu.memory_space<vmem>>) offsets(%dma_start3A_1003 : memref<32xi32, #tpu.memory_space<vmem>>) semaphore(%arg14 : memref<!tpu.dma_semaphore, #tpu.memory_space<semaphore_mem>>)
      } else {
      }
      %mul3A_303 = arith.constant 4 : i32
      %mul3A_304 = arith.muli %mul3A_303, %scan3A_78 : i32
      %add3A_305 = arith.constant 1 : i32
      %add3A_306 = arith.addi %mul3A_304, %add3A_305 : i32
      %dma_wait3A_307 = arith.constant 0 : i32
      %dma_wait3A_308 = arith.constant 0 : i32
      %dma_wait3A_309 = tpu.memref_slice %arg6[%dma_wait3A_307, %dma_wait3A_308] : memref<16x64xi32, #tpu.memory_space<vmem>> -> memref<1x32xi32, #tpu.memory_space<vmem>>
      %dma_wait3A_310 = tpu.memref_squeeze %dma_wait3A_309 : memref<1x32xi32, #tpu.memory_space<vmem>> -> memref<32xi32, #tpu.memory_space<vmem>>
      %dma_wait3A_311 = arith.constant 0 : i32
      %dma_wait3A_312 = arith.constant 0 : i32
      %dma_wait3A_313 = tpu.memref_slice %arg4[%dma_wait3A_311, %dma_wait3A_312] : memref<100000x768xf32, #tpu.memory_space<hbm>> -> memref<100000x768xf32, #tpu.memory_space<hbm>>
      tpu.wait_indirect_dma semaphore(%arg13 : memref<!tpu.dma_semaphore, #tpu.memory_space<semaphore_mem>>) src(%dma_wait3A_313 : memref<100000x768xf32, #tpu.memory_space<hbm>>) dst(%arg9 : memref<32x768xf32, #tpu.memory_space<vmem>>)
      %shift_right_logical3A_314 = arith.constant 1 : i32
      %shift_right_logical3A_315 = arith.shrui %add3A_306, %shift_right_logical3A_314 : i32
      %get3A_316 = arith.index_cast %shift_right_logical3A_315 : i32 to index
      %get3A_317 = arith.constant 0 : index
      %get3A_318 = tpu.vector_load %arg7[%get3A_316, %get3A_317] {strides = array<i32>} : memref<16x768xf32, #tpu.memory_space<vmem>>, vector<1x16xf32>,
      %get3A_319 = vector.shape_cast %get3A_318 : vector<1x16xf32> to vector<16xf32>
      %get3A_320 = arith.index_cast %shift_right_logical3A_315 : i32 to index
      %get3A_321 = arith.constant 16 : index
      %get3A_322 = tpu.vector_load %arg7[%get3A_320, %get3A_321] {strides = array<i32>} : memref<16x768xf32, #tpu.memory_space<vmem>>, vector<1x16xf32>,
      %get3A_323 = vector.shape_cast %get3A_322 : vector<1x16xf32> to vector<16xf32>
      %get3A_324 = arith.index_cast %shift_right_logical3A_315 : i32 to index
      %get3A_325 = arith.constant 32 : index
      %get3A_326 = tpu.vector_load %arg7[%get3A_324, %get3A_325] {strides = array<i32>} : memref<16x768xf32, #tpu.memory_space<vmem>>, vector<1x16xf32>,
      %get3A_327 = vector.shape_cast %get3A_326 : vector<1x16xf32> to vector<16xf32>
      %get3A_328 = arith.index_cast %shift_right_logical3A_315 : i32 to index
      %get3A_329 = arith.constant 48 : index
      %get3A_330 = tpu.vector_load %arg7[%get3A_328, %get3A_329] {strides = array<i32>} : memref<16x768xf32, #tpu.memory_space<vmem>>, vector<1x16xf32>,
      %get3A_331 = vector.shape_cast %get3A_330 : vector<1x16xf32> to vector<16xf32>
      %get3A_332 = arith.index_cast %shift_right_logical3A_315 : i32 to index
      %get3A_333 = arith.constant 64 : index
      %get3A_334 = tpu.vector_load %arg7[%get3A_332, %get3A_333] {strides = array<i32>} : memref<16x768xf32, #tpu.memory_space<vmem>>, vector<1x16xf32>,
      %get3A_335 = vector.shape_cast %get3A_334 : vector<1x16xf32> to vector<16xf32>
      %get3A_336 = arith.index_cast %shift_right_logical3A_315 : i32 to index
      %get3A_337 = arith.constant 80 : index
      %get3A_338 = tpu.vector_load %arg7[%get3A_336, %get3A_337] {strides = array<i32>} : memref<16x768xf32, #tpu.memory_space<vmem>>, vector<1x16xf32>,
      %get3A_339 = vector.shape_cast %get3A_338 : vector<1x16xf32> to vector<16xf32>
      %get3A_340 = arith.index_cast %shift_right_logical3A_315 : i32 to index
      %get3A_341 = arith.constant 96 : index
      %get3A_342 = tpu.vector_load %arg7[%get3A_340, %get3A_341] {strides = array<i32>} : memref<16x768xf32, #tpu.memory_space<vmem>>, vector<1x16xf32>,
      %get3A_343 = vector.shape_cast %get3A_342 : vector<1x16xf32> to vector<16xf32>
      %get3A_344 = arith.index_cast %shift_right_logical3A_315 : i32 to index
      %get3A_345 = arith.constant 112 : index
      %get3A_346 = tpu.vector_load %arg7[%get3A_344, %get3A_345] {strides = array<i32>} : memref<16x768xf32, #tpu.memory_space<vmem>>, vector<1x16xf32>,
      %get3A_347 = vector.shape_cast %get3A_346 : vector<1x16xf32> to vector<16xf32>
      %get3A_348 = arith.index_cast %shift_right_logical3A_315 : i32 to index
      %get3A_349 = arith.constant 128 : index
      %get3A_350 = tpu.vector_load %arg7[%get3A_348, %get3A_349] {strides = array<i32>} : memref<16x768xf32, #tpu.memory_space<vmem>>, vector<1x16xf32>,
      %get3A_351 = vector.shape_cast %get3A_350 : vector<1x16xf32> to vector<16xf32>
      %get3A_352 = arith.index_cast %shift_right_logical3A_315 : i32 to index
      %get3A_353 = arith.constant 144 : index
      %get3A_354 = tpu.vector_load %arg7[%get3A_352, %get3A_353] {strides = array<i32>} : memref<16x768xf32, #tpu.memory_space<vmem>>, vector<1x16xf32>,
      %get3A_355 = vector.shape_cast %get3A_354 : vector<1x16xf32> to vector<16xf32>
      %get3A_356 = arith.index_cast %shift_right_logical3A_315 : i32 to index
      %get3A_357 = arith.constant 160 : index
      %get3A_358 = tpu.vector_load %arg7[%get3A_356, %get3A_357] {strides = array<i32>} : memref<16x768xf32, #tpu.memory_space<vmem>>, vector<1x16xf32>,
      %get3A_359 = vector.shape_cast %get3A_358 : vector<1x16xf32> to vector<16xf32>
      %get3A_360 = arith.index_cast %shift_right_logical3A_315 : i32 to index
      %get3A_361 = arith.constant 176 : index
      %get3A_362 = tpu.vector_load %arg7[%get3A_360, %get3A_361] {strides = array<i32>} : memref<16x768xf32, #tpu.memory_space<vmem>>, vector<1x16xf32>,
      %get3A_363 = vector.shape_cast %get3A_362 : vector<1x16xf32> to vector<16xf32>
      %get3A_364 = arith.index_cast %shift_right_logical3A_315 : i32 to index
      %get3A_365 = arith.constant 192 : index
      %get3A_366 = tpu.vector_load %arg7[%get3A_364, %get3A_365] {strides = array<i32>} : memref<16x768xf32, #tpu.memory_space<vmem>>, vector<1x16xf32>,
      %get3A_367 = vector.shape_cast %get3A_366 : vector<1x16xf32> to vector<16xf32>
      %get3A_368 = arith.index_cast %shift_right_logical3A_315 : i32 to index
      %get3A_369 = arith.constant 208 : index
      %get3A_370 = tpu.vector_load %arg7[%get3A_368, %get3A_369] {strides = array<i32>} : memref<16x768xf32, #tpu.memory_space<vmem>>, vector<1x16xf32>,
      %get3A_371 = vector.shape_cast %get3A_370 : vector<1x16xf32> to vector<16xf32>
      %get3A_372 = arith.index_cast %shift_right_logical3A_315 : i32 to index
      %get3A_373 = arith.constant 224 : index
      %get3A_374 = tpu.vector_load %arg7[%get3A_372, %get3A_373] {strides = array<i32>} : memref<16x768xf32, #tpu.memory_space<vmem>>, vector<1x16xf32>,
      %get3A_375 = vector.shape_cast %get3A_374 : vector<1x16xf32> to vector<16xf32>
      %get3A_376 = arith.index_cast %shift_right_logical3A_315 : i32 to index
      %get3A_377 = arith.constant 240 : index
      %get3A_378 = tpu.vector_load %arg7[%get3A_376, %get3A_377] {strides = array<i32>} : memref<16x768xf32, #tpu.memory_space<vmem>>, vector<1x16xf32>,
      %get3A_379 = vector.shape_cast %get3A_378 : vector<1x16xf32> to vector<16xf32>
      %get3A_380 = arith.index_cast %shift_right_logical3A_315 : i32 to index
      %get3A_381 = arith.constant 256 : index
      %get3A_382 = tpu.vector_load %arg7[%get3A_380, %get3A_381] {strides = array<i32>} : memref<16x768xf32, #tpu.memory_space<vmem>>, vector<1x16xf32>,
      %get3A_383 = vector.shape_cast %get3A_382 : vector<1x16xf32> to vector<16xf32>
      %get3A_384 = arith.index_cast %shift_right_logical3A_315 : i32 to index
      %get3A_385 = arith.constant 272 : index
      %get3A_386 = tpu.vector_load %arg7[%get3A_384, %get3A_385] {strides = array<i32>} : memref<16x768xf32, #tpu.memory_space<vmem>>, vector<1x16xf32>,
      %get3A_387 = vector.shape_cast %get3A_386 : vector<1x16xf32> to vector<16xf32>
      %get3A_388 = arith.index_cast %shift_right_logical3A_315 : i32 to index
      %get3A_389 = arith.constant 288 : index
      %get3A_390 = tpu.vector_load %arg7[%get3A_388, %get3A_389] {strides = array<i32>} : memref<16x768xf32, #tpu.memory_space<vmem>>, vector<1x16xf32>,
      %get3A_391 = vector.shape_cast %get3A_390 : vector<1x16xf32> to vector<16xf32>
      %get3A_392 = arith.index_cast %shift_right_logical3A_315 : i32 to index
      %get3A_393 = arith.constant 304 : index
      %get3A_394 = tpu.vector_load %arg7[%get3A_392, %get3A_393] {strides = array<i32>} : memref<16x768xf32, #tpu.memory_space<vmem>>, vector<1x16xf32>,
      %get3A_395 = vector.shape_cast %get3A_394 : vector<1x16xf32> to vector<16xf32>
      %get3A_396 = arith.index_cast %shift_right_logical3A_315 : i32 to index
      %get3A_397 = arith.constant 320 : index
      %get3A_398 = tpu.vector_load %arg7[%get3A_396, %get3A_397] {strides = array<i32>} : memref<16x768xf32, #tpu.memory_space<vmem>>, vector<1x16xf32>,
      %get3A_399 = vector.shape_cast %get3A_398 : vector<1x16xf32> to vector<16xf32>
      %get3A_400 = arith.index_cast %shift_right_logical3A_315 : i32 to index
      %get3A_401 = arith.constant 336 : index
      %get3A_402 = tpu.vector_load %arg7[%get3A_400, %get3A_401] {strides = array<i32>} : memref<16x768xf32, #tpu.memory_space<vmem>>, vector<1x16xf32>,
      %get3A_403 = vector.shape_cast %get3A_402 : vector<1x16xf32> to vector<16xf32>
      %get3A_404 = arith.index_cast %shift_right_logical3A_315 : i32 to index
      %get3A_405 = arith.constant 352 : index
      %get3A_406 = tpu.vector_load %arg7[%get3A_404, %get3A_405] {strides = array<i32>} : memref<16x768xf32, #tpu.memory_space<vmem>>, vector<1x16xf32>,
      %get3A_407 = vector.shape_cast %get3A_406 : vector<1x16xf32> to vector<16xf32>
      %get3A_408 = arith.index_cast %shift_right_logical3A_315 : i32 to index
      %get3A_409 = arith.constant 368 : index
      %get3A_410 = tpu.vector_load %arg7[%get3A_408, %get3A_409] {strides = array<i32>} : memref<16x768xf32, #tpu.memory_space<vmem>>, vector<1x16xf32>,
      %get3A_411 = vector.shape_cast %get3A_410 : vector<1x16xf32> to vector<16xf32>
      %parallel_loop3A_412 = arith.constant 0 : i32
      %parallel_loop3A_413 = arith.constant 32 : i32
      %parallel_loop3A_414 = arith.constant 1 : i32
      scf.for %parallel_loop3A_990 = %parallel_loop3A_412 to %parallel_loop3A_413 step %parallel_loop3A_414  : i32 {
        %parallel_loop3A_991 = arith.index_cast %parallel_loop3A_990 : i32 to index
        %parallel_loop3A_992 = arith.constant 0 : index
        %parallel_loop3A_993 = tpu.vector_load %arg9[%parallel_loop3A_991, %parallel_loop3A_992] {strides = array<i32>} : memref<32x768xf32, #tpu.memory_space<vmem>>, vector<1x16xf32>,
        %parallel_loop3A_994 = vector.shape_cast %parallel_loop3A_993 : vector<1x16xf32> to vector<16xf32>
        %parallel_loop3A_995 = arith.addf %parallel_loop3A_994, %get3A_319 : vector<16xf32>
        %parallel_loop3A_996 = arith.index_cast %parallel_loop3A_990 : i32 to index
        %parallel_loop3A_997 = arith.constant 0 : index
        %parallel_loop3A_998 = tpu.vector_load %arg9[%parallel_loop3A_996, %parallel_loop3A_997] {strides = array<i32>} : memref<32x768xf32, #tpu.memory_space<vmem>>, vector<1x16xf32>,
        %parallel_loop3A_999 = vector.shape_cast %parallel_loop3A_998 : vector<1x16xf32> to vector<16xf32>
        %parallel_loop3A_1000 = vector.shape_cast %parallel_loop3A_995 : vector<16xf32> to vector<1x16xf32>
        tpu.vector_store %arg9[%parallel_loop3A_996, %parallel_loop3A_997], %parallel_loop3A_1000 {strides = array<i32>} : memref<32x768xf32, #tpu.memory_space<vmem>>, vector<1x16xf32>,
        %parallel_loop3A_1001 = arith.index_cast %parallel_loop3A_990 : i32 to index
        %parallel_loop3A_1002 = arith.constant 16 : index
        %parallel_loop3A_1003 = tpu.vector_load %arg9[%parallel_loop3A_1001, %parallel_loop3A_1002] {strides = array<i32>} : memref<32x768xf32, #tpu.memory_space<vmem>>, vector<1x16xf32>,
        %parallel_loop3A_1004 = vector.shape_cast %parallel_loop3A_1003 : vector<1x16xf32> to vector<16xf32>
        %parallel_loop3A_1005 = arith.addf %parallel_loop3A_1004, %get3A_323 : vector<16xf32>
        %parallel_loop3A_1006 = arith.index_cast %parallel_loop3A_990 : i32 to index
        %parallel_loop3A_1007 = arith.constant 16 : index
        %parallel_loop3A_1008 = tpu.vector_load %arg9[%parallel_loop3A_1006, %parallel_loop3A_1007] {strides = array<i32>} : memref<32x768xf32, #tpu.memory_space<vmem>>, vector<1x16xf32>,
        %parallel_loop3A_1009 = vector.shape_cast %parallel_loop3A_1008 : vector<1x16xf32> to vector<16xf32>
        %parallel_loop3A_1010 = vector.shape_cast %parallel_loop3A_1005 : vector<16xf32> to vector<1x16xf32>
        tpu.vector_store %arg9[%parallel_loop3A_1006, %parallel_loop3A_1007], %parallel_loop3A_1010 {strides = array<i32>} : memref<32x768xf32, #tpu.memory_space<vmem>>, vector<1x16xf32>,
        %parallel_loop3A_1011 = arith.index_cast %parallel_loop3A_990 : i32 to index
        %parallel_loop3A_1012 = arith.constant 32 : index
        %parallel_loop3A_1013 = tpu.vector_load %arg9[%parallel_loop3A_1011, %parallel_loop3A_1012] {strides = array<i32>} : memref<32x768xf32, #tpu.memory_space<vmem>>, vector<1x16xf32>,
        %parallel_loop3A_1014 = vector.shape_cast %parallel_loop3A_1013 : vector<1x16xf32> to vector<16xf32>
        %parallel_loop3A_1015 = arith.addf %parallel_loop3A_1014, %get3A_327 : vector<16xf32>
        %parallel_loop3A_1016 = arith.index_cast %parallel_loop3A_990 : i32 to index
        %parallel_loop3A_1017 = arith.constant 32 : index
        %parallel_loop3A_1018 = tpu.vector_load %arg9[%parallel_loop3A_1016, %parallel_loop3A_1017] {strides = array<i32>} : memref<32x768xf32, #tpu.memory_space<vmem>>, vector<1x16xf32>,
        %parallel_loop3A_1019 = vector.shape_cast %parallel_loop3A_1018 : vector<1x16xf32> to vector<16xf32>
        %parallel_loop3A_1020 = vector.shape_cast %parallel_loop3A_1015 : vector<16xf32> to vector<1x16xf32>
        tpu.vector_store %arg9[%parallel_loop3A_1016, %parallel_loop3A_1017], %parallel_loop3A_1020 {strides = array<i32>} : memref<32x768xf32, #tpu.memory_space<vmem>>, vector<1x16xf32>,
        %parallel_loop3A_1021 = arith.index_cast %parallel_loop3A_990 : i32 to index
        %parallel_loop3A_1022 = arith.constant 48 : index
        %parallel_loop3A_1023 = tpu.vector_load %arg9[%parallel_loop3A_1021, %parallel_loop3A_1022] {strides = array<i32>} : memref<32x768xf32, #tpu.memory_space<vmem>>, vector<1x16xf32>,
        %parallel_loop3A_1024 = vector.shape_cast %parallel_loop3A_1023 : vector<1x16xf32> to vector<16xf32>
        %parallel_loop3A_1025 = arith.addf %parallel_loop3A_1024, %get3A_331 : vector<16xf32>
        %parallel_loop3A_1026 = arith.index_cast %parallel_loop3A_990 : i32 to index
        %parallel_loop3A_1027 = arith.constant 48 : index
        %parallel_loop3A_1028 = tpu.vector_load %arg9[%parallel_loop3A_1026, %parallel_loop3A_1027] {strides = array<i32>} : memref<32x768xf32, #tpu.memory_space<vmem>>, vector<1x16xf32>,
        %parallel_loop3A_1029 = vector.shape_cast %parallel_loop3A_1028 : vector<1x16xf32> to vector<16xf32>
        %parallel_loop3A_1030 = vector.shape_cast %parallel_loop3A_1025 : vector<16xf32> to vector<1x16xf32>
        tpu.vector_store %arg9[%parallel_loop3A_1026, %parallel_loop3A_1027], %parallel_loop3A_1030 {strides = array<i32>} : memref<32x768xf32, #tpu.memory_space<vmem>>, vector<1x16xf32>,
        %parallel_loop3A_1031 = arith.index_cast %parallel_loop3A_990 : i32 to index
        %parallel_loop3A_1032 = arith.constant 64 : index
        %parallel_loop3A_1033 = tpu.vector_load %arg9[%parallel_loop3A_1031, %parallel_loop3A_1032] {strides = array<i32>} : memref<32x768xf32, #tpu.memory_space<vmem>>, vector<1x16xf32>,
        %parallel_loop3A_1034 = vector.shape_cast %parallel_loop3A_1033 : vector<1x16xf32> to vector<16xf32>
        %parallel_loop3A_1035 = arith.addf %parallel_loop3A_1034, %get3A_335 : vector<16xf32>
        %parallel_loop3A_1036 = arith.index_cast %parallel_loop3A_990 : i32 to index
        %parallel_loop3A_1037 = arith.constant 64 : index
        %parallel_loop3A_1038 = tpu.vector_load %arg9[%parallel_loop3A_1036, %parallel_loop3A_1037] {strides = array<i32>} : memref<32x768xf32, #tpu.memory_space<vmem>>, vector<1x16xf32>,
        %parallel_loop3A_1039 = vector.shape_cast %parallel_loop3A_1038 : vector<1x16xf32> to vector<16xf32>
        %parallel_loop3A_1040 = vector.shape_cast %parallel_loop3A_1035 : vector<16xf32> to vector<1x16xf32>
        tpu.vector_store %arg9[%parallel_loop3A_1036, %parallel_loop3A_1037], %parallel_loop3A_1040 {strides = array<i32>} : memref<32x768xf32, #tpu.memory_space<vmem>>, vector<1x16xf32>,
        %parallel_loop3A_1041 = arith.index_cast %parallel_loop3A_990 : i32 to index
        %parallel_loop3A_1042 = arith.constant 80 : index
        %parallel_loop3A_1043 = tpu.vector_load %arg9[%parallel_loop3A_1041, %parallel_loop3A_1042] {strides = array<i32>} : memref<32x768xf32, #tpu.memory_space<vmem>>, vector<1x16xf32>,
        %parallel_loop3A_1044 = vector.shape_cast %parallel_loop3A_1043 : vector<1x16xf32> to vector<16xf32>
        %parallel_loop3A_1045 = arith.addf %parallel_loop3A_1044, %get3A_339 : vector<16xf32>
        %parallel_loop3A_1046 = arith.index_cast %parallel_loop3A_990 : i32 to index
        %parallel_loop3A_1047 = arith.constant 80 : index
        %parallel_loop3A_1048 = tpu.vector_load %arg9[%parallel_loop3A_1046, %parallel_loop3A_1047] {strides = array<i32>} : memref<32x768xf32, #tpu.memory_space<vmem>>, vector<1x16xf32>,
        %parallel_loop3A_1049 = vector.shape_cast %parallel_loop3A_1048 : vector<1x16xf32> to vector<16xf32>
        %parallel_loop3A_1050 = vector.shape_cast %parallel_loop3A_1045 : vector<16xf32> to vector<1x16xf32>
        tpu.vector_store %arg9[%parallel_loop3A_1046, %parallel_loop3A_1047], %parallel_loop3A_1050 {strides = array<i32>} : memref<32x768xf32, #tpu.memory_space<vmem>>, vector<1x16xf32>,
        %parallel_loop3A_1051 = arith.index_cast %parallel_loop3A_990 : i32 to index
        %parallel_loop3A_1052 = arith.constant 96 : index
        %parallel_loop3A_1053 = tpu.vector_load %arg9[%parallel_loop3A_1051, %parallel_loop3A_1052] {strides = array<i32>} : memref<32x768xf32, #tpu.memory_space<vmem>>, vector<1x16xf32>,
        %parallel_loop3A_1054 = vector.shape_cast %parallel_loop3A_1053 : vector<1x16xf32> to vector<16xf32>
        %parallel_loop3A_1055 = arith.addf %parallel_loop3A_1054, %get3A_343 : vector<16xf32>
        %parallel_loop3A_1056 = arith.index_cast %parallel_loop3A_990 : i32 to index
        %parallel_loop3A_1057 = arith.constant 96 : index
        %parallel_loop3A_1058 = tpu.vector_load %arg9[%parallel_loop3A_1056, %parallel_loop3A_1057] {strides = array<i32>} : memref<32x768xf32, #tpu.memory_space<vmem>>, vector<1x16xf32>,
        %parallel_loop3A_1059 = vector.shape_cast %parallel_loop3A_1058 : vector<1x16xf32> to vector<16xf32>
        %parallel_loop3A_1060 = vector.shape_cast %parallel_loop3A_1055 : vector<16xf32> to vector<1x16xf32>
        tpu.vector_store %arg9[%parallel_loop3A_1056, %parallel_loop3A_1057], %parallel_loop3A_1060 {strides = array<i32>} : memref<32x768xf32, #tpu.memory_space<vmem>>, vector<1x16xf32>,
        %parallel_loop3A_1061 = arith.index_cast %parallel_loop3A_990 : i32 to index
        %parallel_loop3A_1062 = arith.constant 112 : index
        %parallel_loop3A_1063 = tpu.vector_load %arg9[%parallel_loop3A_1061, %parallel_loop3A_1062] {strides = array<i32>} : memref<32x768xf32, #tpu.memory_space<vmem>>, vector<1x16xf32>,
        %parallel_loop3A_1064 = vector.shape_cast %parallel_loop3A_1063 : vector<1x16xf32> to vector<16xf32>
        %parallel_loop3A_1065 = arith.addf %parallel_loop3A_1064, %get3A_347 : vector<16xf32>
        %parallel_loop3A_1066 = arith.index_cast %parallel_loop3A_990 : i32 to index
        %parallel_loop3A_1067 = arith.constant 112 : index
        %parallel_loop3A_1068 = tpu.vector_load %arg9[%parallel_loop3A_1066, %parallel_loop3A_1067] {strides = array<i32>} : memref<32x768xf32, #tpu.memory_space<vmem>>, vector<1x16xf32>,
        %parallel_loop3A_1069 = vector.shape_cast %parallel_loop3A_1068 : vector<1x16xf32> to vector<16xf32>
        %parallel_loop3A_1070 = vector.shape_cast %parallel_loop3A_1065 : vector<16xf32> to vector<1x16xf32>
        tpu.vector_store %arg9[%parallel_loop3A_1066, %parallel_loop3A_1067], %parallel_loop3A_1070 {strides = array<i32>} : memref<32x768xf32, #tpu.memory_space<vmem>>, vector<1x16xf32>,
        %parallel_loop3A_1071 = arith.index_cast %parallel_loop3A_990 : i32 to index
        %parallel_loop3A_1072 = arith.constant 128 : index
        %parallel_loop3A_1073 = tpu.vector_load %arg9[%parallel_loop3A_1071, %parallel_loop3A_1072] {strides = array<i32>} : memref<32x768xf32, #tpu.memory_space<vmem>>, vector<1x16xf32>,
        %parallel_loop3A_1074 = vector.shape_cast %parallel_loop3A_1073 : vector<1x16xf32> to vector<16xf32>
        %parallel_loop3A_1075 = arith.addf %parallel_loop3A_1074, %get3A_351 : vector<16xf32>
        %parallel_loop3A_1076 = arith.index_cast %parallel_loop3A_990 : i32 to index
        %parallel_loop3A_1077 = arith.constant 128 : index
        %parallel_loop3A_1078 = tpu.vector_load %arg9[%parallel_loop3A_1076, %parallel_loop3A_1077] {strides = array<i32>} : memref<32x768xf32, #tpu.memory_space<vmem>>, vector<1x16xf32>,
        %parallel_loop3A_1079 = vector.shape_cast %parallel_loop3A_1078 : vector<1x16xf32> to vector<16xf32>
        %parallel_loop3A_1080 = vector.shape_cast %parallel_loop3A_1075 : vector<16xf32> to vector<1x16xf32>
        tpu.vector_store %arg9[%parallel_loop3A_1076, %parallel_loop3A_1077], %parallel_loop3A_1080 {strides = array<i32>} : memref<32x768xf32, #tpu.memory_space<vmem>>, vector<1x16xf32>,
        %parallel_loop3A_1081 = arith.index_cast %parallel_loop3A_990 : i32 to index
        %parallel_loop3A_1082 = arith.constant 144 : index
        %parallel_loop3A_1083 = tpu.vector_load %arg9[%parallel_loop3A_1081, %parallel_loop3A_1082] {strides = array<i32>} : memref<32x768xf32, #tpu.memory_space<vmem>>, vector<1x16xf32>,
        %parallel_loop3A_1084 = vector.shape_cast %parallel_loop3A_1083 : vector<1x16xf32> to vector<16xf32>
        %parallel_loop3A_1085 = arith.addf %parallel_loop3A_1084, %get3A_355 : vector<16xf32>
        %parallel_loop3A_1086 = arith.index_cast %parallel_loop3A_990 : i32 to index
        %parallel_loop3A_1087 = arith.constant 144 : index
        %parallel_loop3A_1088 = tpu.vector_load %arg9[%parallel_loop3A_1086, %parallel_loop3A_1087] {strides = array<i32>} : memref<32x768xf32, #tpu.memory_space<vmem>>, vector<1x16xf32>,
        %parallel_loop3A_1089 = vector.shape_cast %parallel_loop3A_1088 : vector<1x16xf32> to vector<16xf32>
        %parallel_loop3A_1090 = vector.shape_cast %parallel_loop3A_1085 : vector<16xf32> to vector<1x16xf32>
        tpu.vector_store %arg9[%parallel_loop3A_1086, %parallel_loop3A_1087], %parallel_loop3A_1090 {strides = array<i32>} : memref<32x768xf32, #tpu.memory_space<vmem>>, vector<1x16xf32>,
        %parallel_loop3A_1091 = arith.index_cast %parallel_loop3A_990 : i32 to index
        %parallel_loop3A_1092 = arith.constant 160 : index
        %parallel_loop3A_1093 = tpu.vector_load %arg9[%parallel_loop3A_1091, %parallel_loop3A_1092] {strides = array<i32>} : memref<32x768xf32, #tpu.memory_space<vmem>>, vector<1x16xf32>,
        %parallel_loop3A_1094 = vector.shape_cast %parallel_loop3A_1093 : vector<1x16xf32> to vector<16xf32>
        %parallel_loop3A_1095 = arith.addf %parallel_loop3A_1094, %get3A_359 : vector<16xf32>
        %parallel_loop3A_1096 = arith.index_cast %parallel_loop3A_990 : i32 to index
        %parallel_loop3A_1097 = arith.constant 160 : index
        %parallel_loop3A_1098 = tpu.vector_load %arg9[%parallel_loop3A_1096, %parallel_loop3A_1097] {strides = array<i32>} : memref<32x768xf32, #tpu.memory_space<vmem>>, vector<1x16xf32>,
        %parallel_loop3A_1099 = vector.shape_cast %parallel_loop3A_1098 : vector<1x16xf32> to vector<16xf32>
        %parallel_loop3A_1100 = vector.shape_cast %parallel_loop3A_1095 : vector<16xf32> to vector<1x16xf32>
        tpu.vector_store %arg9[%parallel_loop3A_1096, %parallel_loop3A_1097], %parallel_loop3A_1100 {strides = array<i32>} : memref<32x768xf32, #tpu.memory_space<vmem>>, vector<1x16xf32>,
        %parallel_loop3A_1101 = arith.index_cast %parallel_loop3A_990 : i32 to index
        %parallel_loop3A_1102 = arith.constant 176 : index
        %parallel_loop3A_1103 = tpu.vector_load %arg9[%parallel_loop3A_1101, %parallel_loop3A_1102] {strides = array<i32>} : memref<32x768xf32, #tpu.memory_space<vmem>>, vector<1x16xf32>,
        %parallel_loop3A_1104 = vector.shape_cast %parallel_loop3A_1103 : vector<1x16xf32> to vector<16xf32>
        %parallel_loop3A_1105 = arith.addf %parallel_loop3A_1104, %get3A_363 : vector<16xf32>
        %parallel_loop3A_1106 = arith.index_cast %parallel_loop3A_990 : i32 to index
        %parallel_loop3A_1107 = arith.constant 176 : index
        %parallel_loop3A_1108 = tpu.vector_load %arg9[%parallel_loop3A_1106, %parallel_loop3A_1107] {strides = array<i32>} : memref<32x768xf32, #tpu.memory_space<vmem>>, vector<1x16xf32>,
        %parallel_loop3A_1109 = vector.shape_cast %parallel_loop3A_1108 : vector<1x16xf32> to vector<16xf32>
        %parallel_loop3A_1110 = vector.shape_cast %parallel_loop3A_1105 : vector<16xf32> to vector<1x16xf32>
        tpu.vector_store %arg9[%parallel_loop3A_1106, %parallel_loop3A_1107], %parallel_loop3A_1110 {strides = array<i32>} : memref<32x768xf32, #tpu.memory_space<vmem>>, vector<1x16xf32>,
        %parallel_loop3A_1111 = arith.index_cast %parallel_loop3A_990 : i32 to index
        %parallel_loop3A_1112 = arith.constant 192 : index
        %parallel_loop3A_1113 = tpu.vector_load %arg9[%parallel_loop3A_1111, %parallel_loop3A_1112] {strides = array<i32>} : memref<32x768xf32, #tpu.memory_space<vmem>>, vector<1x16xf32>,
        %parallel_loop3A_1114 = vector.shape_cast %parallel_loop3A_1113 : vector<1x16xf32> to vector<16xf32>
        %parallel_loop3A_1115 = arith.addf %parallel_loop3A_1114, %get3A_367 : vector<16xf32>
        %parallel_loop3A_1116 = arith.index_cast %parallel_loop3A_990 : i32 to index
        %parallel_loop3A_1117 = arith.constant 192 : index
        %parallel_loop3A_1118 = tpu.vector_load %arg9[%parallel_loop3A_1116, %parallel_loop3A_1117] {strides = array<i32>} : memref<32x768xf32, #tpu.memory_space<vmem>>, vector<1x16xf32>,
        %parallel_loop3A_1119 = vector.shape_cast %parallel_loop3A_1118 : vector<1x16xf32> to vector<16xf32>
        %parallel_loop3A_1120 = vector.shape_cast %parallel_loop3A_1115 : vector<16xf32> to vector<1x16xf32>
        tpu.vector_store %arg9[%parallel_loop3A_1116, %parallel_loop3A_1117], %parallel_loop3A_1120 {strides = array<i32>} : memref<32x768xf32, #tpu.memory_space<vmem>>, vector<1x16xf32>,
        %parallel_loop3A_1121 = arith.index_cast %parallel_loop3A_990 : i32 to index
        %parallel_loop3A_1122 = arith.constant 208 : index
        %parallel_loop3A_1123 = tpu.vector_load %arg9[%parallel_loop3A_1121, %parallel_loop3A_1122] {strides = array<i32>} : memref<32x768xf32, #tpu.memory_space<vmem>>, vector<1x16xf32>,
        %parallel_loop3A_1124 = vector.shape_cast %parallel_loop3A_1123 : vector<1x16xf32> to vector<16xf32>
        %parallel_loop3A_1125 = arith.addf %parallel_loop3A_1124, %get3A_371 : vector<16xf32>
        %parallel_loop3A_1126 = arith.index_cast %parallel_loop3A_990 : i32 to index
        %parallel_loop3A_1127 = arith.constant 208 : index
        %parallel_loop3A_1128 = tpu.vector_load %arg9[%parallel_loop3A_1126, %parallel_loop3A_1127] {strides = array<i32>} : memref<32x768xf32, #tpu.memory_space<vmem>>, vector<1x16xf32>,
        %parallel_loop3A_1129 = vector.shape_cast %parallel_loop3A_1128 : vector<1x16xf32> to vector<16xf32>
        %parallel_loop3A_1130 = vector.shape_cast %parallel_loop3A_1125 : vector<16xf32> to vector<1x16xf32>
        tpu.vector_store %arg9[%parallel_loop3A_1126, %parallel_loop3A_1127], %parallel_loop3A_1130 {strides = array<i32>} : memref<32x768xf32, #tpu.memory_space<vmem>>, vector<1x16xf32>,
        %parallel_loop3A_1131 = arith.index_cast %parallel_loop3A_990 : i32 to index
        %parallel_loop3A_1132 = arith.constant 224 : index
        %parallel_loop3A_1133 = tpu.vector_load %arg9[%parallel_loop3A_1131, %parallel_loop3A_1132] {strides = array<i32>} : memref<32x768xf32, #tpu.memory_space<vmem>>, vector<1x16xf32>,
        %parallel_loop3A_1134 = vector.shape_cast %parallel_loop3A_1133 : vector<1x16xf32> to vector<16xf32>
        %parallel_loop3A_1135 = arith.addf %parallel_loop3A_1134, %get3A_375 : vector<16xf32>
        %parallel_loop3A_1136 = arith.index_cast %parallel_loop3A_990 : i32 to index
        %parallel_loop3A_1137 = arith.constant 224 : index
        %parallel_loop3A_1138 = tpu.vector_load %arg9[%parallel_loop3A_1136, %parallel_loop3A_1137] {strides = array<i32>} : memref<32x768xf32, #tpu.memory_space<vmem>>, vector<1x16xf32>,
        %parallel_loop3A_1139 = vector.shape_cast %parallel_loop3A_1138 : vector<1x16xf32> to vector<16xf32>
        %parallel_loop3A_1140 = vector.shape_cast %parallel_loop3A_1135 : vector<16xf32> to vector<1x16xf32>
        tpu.vector_store %arg9[%parallel_loop3A_1136, %parallel_loop3A_1137], %parallel_loop3A_1140 {strides = array<i32>} : memref<32x768xf32, #tpu.memory_space<vmem>>, vector<1x16xf32>,
        %parallel_loop3A_1141 = arith.index_cast %parallel_loop3A_990 : i32 to index
        %parallel_loop3A_1142 = arith.constant 240 : index
        %parallel_loop3A_1143 = tpu.vector_load %arg9[%parallel_loop3A_1141, %parallel_loop3A_1142] {strides = array<i32>} : memref<32x768xf32, #tpu.memory_space<vmem>>, vector<1x16xf32>,
        %parallel_loop3A_1144 = vector.shape_cast %parallel_loop3A_1143 : vector<1x16xf32> to vector<16xf32>
        %parallel_loop3A_1145 = arith.addf %parallel_loop3A_1144, %get3A_379 : vector<16xf32>
        %parallel_loop3A_1146 = arith.index_cast %parallel_loop3A_990 : i32 to index
        %parallel_loop3A_1147 = arith.constant 240 : index
        %parallel_loop3A_1148 = tpu.vector_load %arg9[%parallel_loop3A_1146, %parallel_loop3A_1147] {strides = array<i32>} : memref<32x768xf32, #tpu.memory_space<vmem>>, vector<1x16xf32>,
        %parallel_loop3A_1149 = vector.shape_cast %parallel_loop3A_1148 : vector<1x16xf32> to vector<16xf32>
        %parallel_loop3A_1150 = vector.shape_cast %parallel_loop3A_1145 : vector<16xf32> to vector<1x16xf32>
        tpu.vector_store %arg9[%parallel_loop3A_1146, %parallel_loop3A_1147], %parallel_loop3A_1150 {strides = array<i32>} : memref<32x768xf32, #tpu.memory_space<vmem>>, vector<1x16xf32>,
        %parallel_loop3A_1151 = arith.index_cast %parallel_loop3A_990 : i32 to index
        %parallel_loop3A_1152 = arith.constant 256 : index
        %parallel_loop3A_1153 = tpu.vector_load %arg9[%parallel_loop3A_1151, %parallel_loop3A_1152] {strides = array<i32>} : memref<32x768xf32, #tpu.memory_space<vmem>>, vector<1x16xf32>,
        %parallel_loop3A_1154 = vector.shape_cast %parallel_loop3A_1153 : vector<1x16xf32> to vector<16xf32>
        %parallel_loop3A_1155 = arith.addf %parallel_loop3A_1154, %get3A_383 : vector<16xf32>
        %parallel_loop3A_1156 = arith.index_cast %parallel_loop3A_990 : i32 to index
        %parallel_loop3A_1157 = arith.constant 256 : index
        %parallel_loop3A_1158 = tpu.vector_load %arg9[%parallel_loop3A_1156, %parallel_loop3A_1157] {strides = array<i32>} : memref<32x768xf32, #tpu.memory_space<vmem>>, vector<1x16xf32>,
        %parallel_loop3A_1159 = vector.shape_cast %parallel_loop3A_1158 : vector<1x16xf32> to vector<16xf32>
        %parallel_loop3A_1160 = vector.shape_cast %parallel_loop3A_1155 : vector<16xf32> to vector<1x16xf32>
        tpu.vector_store %arg9[%parallel_loop3A_1156, %parallel_loop3A_1157], %parallel_loop3A_1160 {strides = array<i32>} : memref<32x768xf32, #tpu.memory_space<vmem>>, vector<1x16xf32>,
        %parallel_loop3A_1161 = arith.index_cast %parallel_loop3A_990 : i32 to index
        %parallel_loop3A_1162 = arith.constant 272 : index
        %parallel_loop3A_1163 = tpu.vector_load %arg9[%parallel_loop3A_1161, %parallel_loop3A_1162] {strides = array<i32>} : memref<32x768xf32, #tpu.memory_space<vmem>>, vector<1x16xf32>,
        %parallel_loop3A_1164 = vector.shape_cast %parallel_loop3A_1163 : vector<1x16xf32> to vector<16xf32>
        %parallel_loop3A_1165 = arith.addf %parallel_loop3A_1164, %get3A_387 : vector<16xf32>
        %parallel_loop3A_1166 = arith.index_cast %parallel_loop3A_990 : i32 to index
        %parallel_loop3A_1167 = arith.constant 272 : index
        %parallel_loop3A_1168 = tpu.vector_load %arg9[%parallel_loop3A_1166, %parallel_loop3A_1167] {strides = array<i32>} : memref<32x768xf32, #tpu.memory_space<vmem>>, vector<1x16xf32>,
        %parallel_loop3A_1169 = vector.shape_cast %parallel_loop3A_1168 : vector<1x16xf32> to vector<16xf32>
        %parallel_loop3A_1170 = vector.shape_cast %parallel_loop3A_1165 : vector<16xf32> to vector<1x16xf32>
        tpu.vector_store %arg9[%parallel_loop3A_1166, %parallel_loop3A_1167], %parallel_loop3A_1170 {strides = array<i32>} : memref<32x768xf32, #tpu.memory_space<vmem>>, vector<1x16xf32>,
        %parallel_loop3A_1171 = arith.index_cast %parallel_loop3A_990 : i32 to index
        %parallel_loop3A_1172 = arith.constant 288 : index
        %parallel_loop3A_1173 = tpu.vector_load %arg9[%parallel_loop3A_1171, %parallel_loop3A_1172] {strides = array<i32>} : memref<32x768xf32, #tpu.memory_space<vmem>>, vector<1x16xf32>,
        %parallel_loop3A_1174 = vector.shape_cast %parallel_loop3A_1173 : vector<1x16xf32> to vector<16xf32>
        %parallel_loop3A_1175 = arith.addf %parallel_loop3A_1174, %get3A_391 : vector<16xf32>
        %parallel_loop3A_1176 = arith.index_cast %parallel_loop3A_990 : i32 to index
        %parallel_loop3A_1177 = arith.constant 288 : index
        %parallel_loop3A_1178 = tpu.vector_load %arg9[%parallel_loop3A_1176, %parallel_loop3A_1177] {strides = array<i32>} : memref<32x768xf32, #tpu.memory_space<vmem>>, vector<1x16xf32>,
        %parallel_loop3A_1179 = vector.shape_cast %parallel_loop3A_1178 : vector<1x16xf32> to vector<16xf32>
        %parallel_loop3A_1180 = vector.shape_cast %parallel_loop3A_1175 : vector<16xf32> to vector<1x16xf32>
        tpu.vector_store %arg9[%parallel_loop3A_1176, %parallel_loop3A_1177], %parallel_loop3A_1180 {strides = array<i32>} : memref<32x768xf32, #tpu.memory_space<vmem>>, vector<1x16xf32>,
        %parallel_loop3A_1181 = arith.index_cast %parallel_loop3A_990 : i32 to index
        %parallel_loop3A_1182 = arith.constant 304 : index
        %parallel_loop3A_1183 = tpu.vector_load %arg9[%parallel_loop3A_1181, %parallel_loop3A_1182] {strides = array<i32>} : memref<32x768xf32, #tpu.memory_space<vmem>>, vector<1x16xf32>,
        %parallel_loop3A_1184 = vector.shape_cast %parallel_loop3A_1183 : vector<1x16xf32> to vector<16xf32>
        %parallel_loop3A_1185 = arith.addf %parallel_loop3A_1184, %get3A_395 : vector<16xf32>
        %parallel_loop3A_1186 = arith.index_cast %parallel_loop3A_990 : i32 to index
        %parallel_loop3A_1187 = arith.constant 304 : index
        %parallel_loop3A_1188 = tpu.vector_load %arg9[%parallel_loop3A_1186, %parallel_loop3A_1187] {strides = array<i32>} : memref<32x768xf32, #tpu.memory_space<vmem>>, vector<1x16xf32>,
        %parallel_loop3A_1189 = vector.shape_cast %parallel_loop3A_1188 : vector<1x16xf32> to vector<16xf32>
        %parallel_loop3A_1190 = vector.shape_cast %parallel_loop3A_1185 : vector<16xf32> to vector<1x16xf32>
        tpu.vector_store %arg9[%parallel_loop3A_1186, %parallel_loop3A_1187], %parallel_loop3A_1190 {strides = array<i32>} : memref<32x768xf32, #tpu.memory_space<vmem>>, vector<1x16xf32>,
        %parallel_loop3A_1191 = arith.index_cast %parallel_loop3A_990 : i32 to index
        %parallel_loop3A_1192 = arith.constant 320 : index
        %parallel_loop3A_1193 = tpu.vector_load %arg9[%parallel_loop3A_1191, %parallel_loop3A_1192] {strides = array<i32>} : memref<32x768xf32, #tpu.memory_space<vmem>>, vector<1x16xf32>,
        %parallel_loop3A_1194 = vector.shape_cast %parallel_loop3A_1193 : vector<1x16xf32> to vector<16xf32>
        %parallel_loop3A_1195 = arith.addf %parallel_loop3A_1194, %get3A_399 : vector<16xf32>
        %parallel_loop3A_1196 = arith.index_cast %parallel_loop3A_990 : i32 to index
        %parallel_loop3A_1197 = arith.constant 320 : index
        %parallel_loop3A_1198 = tpu.vector_load %arg9[%parallel_loop3A_1196, %parallel_loop3A_1197] {strides = array<i32>} : memref<32x768xf32, #tpu.memory_space<vmem>>, vector<1x16xf32>,
        %parallel_loop3A_1199 = vector.shape_cast %parallel_loop3A_1198 : vector<1x16xf32> to vector<16xf32>
        %parallel_loop3A_1200 = vector.shape_cast %parallel_loop3A_1195 : vector<16xf32> to vector<1x16xf32>
        tpu.vector_store %arg9[%parallel_loop3A_1196, %parallel_loop3A_1197], %parallel_loop3A_1200 {strides = array<i32>} : memref<32x768xf32, #tpu.memory_space<vmem>>, vector<1x16xf32>,
        %parallel_loop3A_1201 = arith.index_cast %parallel_loop3A_990 : i32 to index
        %parallel_loop3A_1202 = arith.constant 336 : index
        %parallel_loop3A_1203 = tpu.vector_load %arg9[%parallel_loop3A_1201, %parallel_loop3A_1202] {strides = array<i32>} : memref<32x768xf32, #tpu.memory_space<vmem>>, vector<1x16xf32>,
        %parallel_loop3A_1204 = vector.shape_cast %parallel_loop3A_1203 : vector<1x16xf32> to vector<16xf32>
        %parallel_loop3A_1205 = arith.addf %parallel_loop3A_1204, %get3A_403 : vector<16xf32>
        %parallel_loop3A_1206 = arith.index_cast %parallel_loop3A_990 : i32 to index
        %parallel_loop3A_1207 = arith.constant 336 : index
        %parallel_loop3A_1208 = tpu.vector_load %arg9[%parallel_loop3A_1206, %parallel_loop3A_1207] {strides = array<i32>} : memref<32x768xf32, #tpu.memory_space<vmem>>, vector<1x16xf32>,
        %parallel_loop3A_1209 = vector.shape_cast %parallel_loop3A_1208 : vector<1x16xf32> to vector<16xf32>
        %parallel_loop3A_1210 = vector.shape_cast %parallel_loop3A_1205 : vector<16xf32> to vector<1x16xf32>
        tpu.vector_store %arg9[%parallel_loop3A_1206, %parallel_loop3A_1207], %parallel_loop3A_1210 {strides = array<i32>} : memref<32x768xf32, #tpu.memory_space<vmem>>, vector<1x16xf32>,
        %parallel_loop3A_1211 = arith.index_cast %parallel_loop3A_990 : i32 to index
        %parallel_loop3A_1212 = arith.constant 352 : index
        %parallel_loop3A_1213 = tpu.vector_load %arg9[%parallel_loop3A_1211, %parallel_loop3A_1212] {strides = array<i32>} : memref<32x768xf32, #tpu.memory_space<vmem>>, vector<1x16xf32>,
        %parallel_loop3A_1214 = vector.shape_cast %parallel_loop3A_1213 : vector<1x16xf32> to vector<16xf32>
        %parallel_loop3A_1215 = arith.addf %parallel_loop3A_1214, %get3A_407 : vector<16xf32>
        %parallel_loop3A_1216 = arith.index_cast %parallel_loop3A_990 : i32 to index
        %parallel_loop3A_1217 = arith.constant 352 : index
        %parallel_loop3A_1218 = tpu.vector_load %arg9[%parallel_loop3A_1216, %parallel_loop3A_1217] {strides = array<i32>} : memref<32x768xf32, #tpu.memory_space<vmem>>, vector<1x16xf32>,
        %parallel_loop3A_1219 = vector.shape_cast %parallel_loop3A_1218 : vector<1x16xf32> to vector<16xf32>
        %parallel_loop3A_1220 = vector.shape_cast %parallel_loop3A_1215 : vector<16xf32> to vector<1x16xf32>
        tpu.vector_store %arg9[%parallel_loop3A_1216, %parallel_loop3A_1217], %parallel_loop3A_1220 {strides = array<i32>} : memref<32x768xf32, #tpu.memory_space<vmem>>, vector<1x16xf32>,
        %parallel_loop3A_1221 = arith.index_cast %parallel_loop3A_990 : i32 to index
        %parallel_loop3A_1222 = arith.constant 368 : index
        %parallel_loop3A_1223 = tpu.vector_load %arg9[%parallel_loop3A_1221, %parallel_loop3A_1222] {strides = array<i32>} : memref<32x768xf32, #tpu.memory_space<vmem>>, vector<1x16xf32>,
        %parallel_loop3A_1224 = vector.shape_cast %parallel_loop3A_1223 : vector<1x16xf32> to vector<16xf32>
        %parallel_loop3A_1225 = arith.addf %parallel_loop3A_1224, %get3A_411 : vector<16xf32>
        %parallel_loop3A_1226 = arith.index_cast %parallel_loop3A_990 : i32 to index
        %parallel_loop3A_1227 = arith.constant 368 : index
        %parallel_loop3A_1228 = tpu.vector_load %arg9[%parallel_loop3A_1226, %parallel_loop3A_1227] {strides = array<i32>} : memref<32x768xf32, #tpu.memory_space<vmem>>, vector<1x16xf32>,
        %parallel_loop3A_1229 = vector.shape_cast %parallel_loop3A_1228 : vector<1x16xf32> to vector<16xf32>
        %parallel_loop3A_1230 = vector.shape_cast %parallel_loop3A_1225 : vector<16xf32> to vector<1x16xf32>
        tpu.vector_store %arg9[%parallel_loop3A_1226, %parallel_loop3A_1227], %parallel_loop3A_1230 {strides = array<i32>} : memref<32x768xf32, #tpu.memory_space<vmem>>, vector<1x16xf32>,
      } {sc.loop_unroll_factor = 1 : i64, sc.parallel_access}
      %get3A_415 = arith.index_cast %shift_right_logical3A_315 : i32 to index
      %get3A_416 = arith.constant 384 : index
      %get3A_417 = tpu.vector_load %arg7[%get3A_415, %get3A_416] {strides = array<i32>} : memref<16x768xf32, #tpu.memory_space<vmem>>, vector<1x16xf32>,
      %get3A_418 = vector.shape_cast %get3A_417 : vector<1x16xf32> to vector<16xf32>
      %get3A_419 = arith.index_cast %shift_right_logical3A_315 : i32 to index
      %get3A_420 = arith.constant 400 : index
      %get3A_421 = tpu.vector_load %arg7[%get3A_419, %get3A_420] {strides = array<i32>} : memref<16x768xf32, #tpu.memory_space<vmem>>, vector<1x16xf32>,
      %get3A_422 = vector.shape_cast %get3A_421 : vector<1x16xf32> to vector<16xf32>
      %get3A_423 = arith.index_cast %shift_right_logical3A_315 : i32 to index
      %get3A_424 = arith.constant 416 : index
      %get3A_425 = tpu.vector_load %arg7[%get3A_423, %get3A_424] {strides = array<i32>} : memref<16x768xf32, #tpu.memory_space<vmem>>, vector<1x16xf32>,
      %get3A_426 = vector.shape_cast %get3A_425 : vector<1x16xf32> to vector<16xf32>
      %get3A_427 = arith.index_cast %shift_right_logical3A_315 : i32 to index
      %get3A_428 = arith.constant 432 : index
      %get3A_429 = tpu.vector_load %arg7[%get3A_427, %get3A_428] {strides = array<i32>} : memref<16x768xf32, #tpu.memory_space<vmem>>, vector<1x16xf32>,
      %get3A_430 = vector.shape_cast %get3A_429 : vector<1x16xf32> to vector<16xf32>
      %get3A_431 = arith.index_cast %shift_right_logical3A_315 : i32 to index
      %get3A_432 = arith.constant 448 : index
      %get3A_433 = tpu.vector_load %arg7[%get3A_431, %get3A_432] {strides = array<i32>} : memref<16x768xf32, #tpu.memory_space<vmem>>, vector<1x16xf32>,
      %get3A_434 = vector.shape_cast %get3A_433 : vector<1x16xf32> to vector<16xf32>
      %get3A_435 = arith.index_cast %shift_right_logical3A_315 : i32 to index
      %get3A_436 = arith.constant 464 : index
      %get3A_437 = tpu.vector_load %arg7[%get3A_435, %get3A_436] {strides = array<i32>} : memref<16x768xf32, #tpu.memory_space<vmem>>, vector<1x16xf32>,
      %get3A_438 = vector.shape_cast %get3A_437 : vector<1x16xf32> to vector<16xf32>
      %get3A_439 = arith.index_cast %shift_right_logical3A_315 : i32 to index
      %get3A_440 = arith.constant 480 : index
      %get3A_441 = tpu.vector_load %arg7[%get3A_439, %get3A_440] {strides = array<i32>} : memref<16x768xf32, #tpu.memory_space<vmem>>, vector<1x16xf32>,
      %get3A_442 = vector.shape_cast %get3A_441 : vector<1x16xf32> to vector<16xf32>
      %get3A_443 = arith.index_cast %shift_right_logical3A_315 : i32 to index
      %get3A_444 = arith.constant 496 : index
      %get3A_445 = tpu.vector_load %arg7[%get3A_443, %get3A_444] {strides = array<i32>} : memref<16x768xf32, #tpu.memory_space<vmem>>, vector<1x16xf32>,
      %get3A_446 = vector.shape_cast %get3A_445 : vector<1x16xf32> to vector<16xf32>
      %get3A_447 = arith.index_cast %shift_right_logical3A_315 : i32 to index
      %get3A_448 = arith.constant 512 : index
      %get3A_449 = tpu.vector_load %arg7[%get3A_447, %get3A_448] {strides = array<i32>} : memref<16x768xf32, #tpu.memory_space<vmem>>, vector<1x16xf32>,
      %get3A_450 = vector.shape_cast %get3A_449 : vector<1x16xf32> to vector<16xf32>
      %get3A_451 = arith.index_cast %shift_right_logical3A_315 : i32 to index
      %get3A_452 = arith.constant 528 : index
      %get3A_453 = tpu.vector_load %arg7[%get3A_451, %get3A_452] {strides = array<i32>} : memref<16x768xf32, #tpu.memory_space<vmem>>, vector<1x16xf32>,
      %get3A_454 = vector.shape_cast %get3A_453 : vector<1x16xf32> to vector<16xf32>
      %get3A_455 = arith.index_cast %shift_right_logical3A_315 : i32 to index
      %get3A_456 = arith.constant 544 : index
      %get3A_457 = tpu.vector_load %arg7[%get3A_455, %get3A_456] {strides = array<i32>} : memref<16x768xf32, #tpu.memory_space<vmem>>, vector<1x16xf32>,
      %get3A_458 = vector.shape_cast %get3A_457 : vector<1x16xf32> to vector<16xf32>
      %get3A_459 = arith.index_cast %shift_right_logical3A_315 : i32 to index
      %get3A_460 = arith.constant 560 : index
      %get3A_461 = tpu.vector_load %arg7[%get3A_459, %get3A_460] {strides = array<i32>} : memref<16x768xf32, #tpu.memory_space<vmem>>, vector<1x16xf32>,
      %get3A_462 = vector.shape_cast %get3A_461 : vector<1x16xf32> to vector<16xf32>
      %get3A_463 = arith.index_cast %shift_right_logical3A_315 : i32 to index
      %get3A_464 = arith.constant 576 : index
      %get3A_465 = tpu.vector_load %arg7[%get3A_463, %get3A_464] {strides = array<i32>} : memref<16x768xf32, #tpu.memory_space<vmem>>, vector<1x16xf32>,
      %get3A_466 = vector.shape_cast %get3A_465 : vector<1x16xf32> to vector<16xf32>
      %get3A_467 = arith.index_cast %shift_right_logical3A_315 : i32 to index
      %get3A_468 = arith.constant 592 : index
      %get3A_469 = tpu.vector_load %arg7[%get3A_467, %get3A_468] {strides = array<i32>} : memref<16x768xf32, #tpu.memory_space<vmem>>, vector<1x16xf32>,
      %get3A_470 = vector.shape_cast %get3A_469 : vector<1x16xf32> to vector<16xf32>
      %get3A_471 = arith.index_cast %shift_right_logical3A_315 : i32 to index
      %get3A_472 = arith.constant 608 : index
      %get3A_473 = tpu.vector_load %arg7[%get3A_471, %get3A_472] {strides = array<i32>} : memref<16x768xf32, #tpu.memory_space<vmem>>, vector<1x16xf32>,
      %get3A_474 = vector.shape_cast %get3A_473 : vector<1x16xf32> to vector<16xf32>
      %get3A_475 = arith.index_cast %shift_right_logical3A_315 : i32 to index
      %get3A_476 = arith.constant 624 : index
      %get3A_477 = tpu.vector_load %arg7[%get3A_475, %get3A_476] {strides = array<i32>} : memref<16x768xf32, #tpu.memory_space<vmem>>, vector<1x16xf32>,
      %get3A_478 = vector.shape_cast %get3A_477 : vector<1x16xf32> to vector<16xf32>
      %get3A_479 = arith.index_cast %shift_right_logical3A_315 : i32 to index
      %get3A_480 = arith.constant 640 : index
      %get3A_481 = tpu.vector_load %arg7[%get3A_479, %get3A_480] {strides = array<i32>} : memref<16x768xf32, #tpu.memory_space<vmem>>, vector<1x16xf32>,
      %get3A_482 = vector.shape_cast %get3A_481 : vector<1x16xf32> to vector<16xf32>
      %get3A_483 = arith.index_cast %shift_right_logical3A_315 : i32 to index
      %get3A_484 = arith.constant 656 : index
      %get3A_485 = tpu.vector_load %arg7[%get3A_483, %get3A_484] {strides = array<i32>} : memref<16x768xf32, #tpu.memory_space<vmem>>, vector<1x16xf32>,
      %get3A_486 = vector.shape_cast %get3A_485 : vector<1x16xf32> to vector<16xf32>
      %get3A_487 = arith.index_cast %shift_right_logical3A_315 : i32 to index
      %get3A_488 = arith.constant 672 : index
      %get3A_489 = tpu.vector_load %arg7[%get3A_487, %get3A_488] {strides = array<i32>} : memref<16x768xf32, #tpu.memory_space<vmem>>, vector<1x16xf32>,
      %get3A_490 = vector.shape_cast %get3A_489 : vector<1x16xf32> to vector<16xf32>
      %get3A_491 = arith.index_cast %shift_right_logical3A_315 : i32 to index
      %get3A_492 = arith.constant 688 : index
      %get3A_493 = tpu.vector_load %arg7[%get3A_491, %get3A_492] {strides = array<i32>} : memref<16x768xf32, #tpu.memory_space<vmem>>, vector<1x16xf32>,
      %get3A_494 = vector.shape_cast %get3A_493 : vector<1x16xf32> to vector<16xf32>
      %get3A_495 = arith.index_cast %shift_right_logical3A_315 : i32 to index
      %get3A_496 = arith.constant 704 : index
      %get3A_497 = tpu.vector_load %arg7[%get3A_495, %get3A_496] {strides = array<i32>} : memref<16x768xf32, #tpu.memory_space<vmem>>, vector<1x16xf32>,
      %get3A_498 = vector.shape_cast %get3A_497 : vector<1x16xf32> to vector<16xf32>
      %get3A_499 = arith.index_cast %shift_right_logical3A_315 : i32 to index
      %get3A_500 = arith.constant 720 : index
      %get3A_501 = tpu.vector_load %arg7[%get3A_499, %get3A_500] {strides = array<i32>} : memref<16x768xf32, #tpu.memory_space<vmem>>, vector<1x16xf32>,
      %get3A_502 = vector.shape_cast %get3A_501 : vector<1x16xf32> to vector<16xf32>
      %get3A_503 = arith.index_cast %shift_right_logical3A_315 : i32 to index
      %get3A_504 = arith.constant 736 : index
      %get3A_505 = tpu.vector_load %arg7[%get3A_503, %get3A_504] {strides = array<i32>} : memref<16x768xf32, #tpu.memory_space<vmem>>, vector<1x16xf32>,
      %get3A_506 = vector.shape_cast %get3A_505 : vector<1x16xf32> to vector<16xf32>
      %get3A_507 = arith.index_cast %shift_right_logical3A_315 : i32 to index
      %get3A_508 = arith.constant 752 : index
      %get3A_509 = tpu.vector_load %arg7[%get3A_507, %get3A_508] {strides = array<i32>} : memref<16x768xf32, #tpu.memory_space<vmem>>, vector<1x16xf32>,
      %get3A_510 = vector.shape_cast %get3A_509 : vector<1x16xf32> to vector<16xf32>
      %parallel_loop3A_511 = arith.constant 0 : i32
      %parallel_loop3A_512 = arith.constant 32 : i32
      %parallel_loop3A_513 = arith.constant 1 : i32
      scf.for %parallel_loop3A_990 = %parallel_loop3A_511 to %parallel_loop3A_512 step %parallel_loop3A_513  : i32 {
        %parallel_loop3A_991 = arith.index_cast %parallel_loop3A_990 : i32 to index
        %parallel_loop3A_992 = arith.constant 384 : index
        %parallel_loop3A_993 = tpu.vector_load %arg9[%parallel_loop3A_991, %parallel_loop3A_992] {strides = array<i32>} : memref<32x768xf32, #tpu.memory_space<vmem>>, vector<1x16xf32>,
        %parallel_loop3A_994 = vector.shape_cast %parallel_loop3A_993 : vector<1x16xf32> to vector<16xf32>
        %parallel_loop3A_995 = arith.addf %parallel_loop3A_994, %get3A_418 : vector<16xf32>
        %parallel_loop3A_996 = arith.index_cast %parallel_loop3A_990 : i32 to index
        %parallel_loop3A_997 = arith.constant 384 : index
        %parallel_loop3A_998 = tpu.vector_load %arg9[%parallel_loop3A_996, %parallel_loop3A_997] {strides = array<i32>} : memref<32x768xf32, #tpu.memory_space<vmem>>, vector<1x16xf32>,
        %parallel_loop3A_999 = vector.shape_cast %parallel_loop3A_998 : vector<1x16xf32> to vector<16xf32>
        %parallel_loop3A_1000 = vector.shape_cast %parallel_loop3A_995 : vector<16xf32> to vector<1x16xf32>
        tpu.vector_store %arg9[%parallel_loop3A_996, %parallel_loop3A_997], %parallel_loop3A_1000 {strides = array<i32>} : memref<32x768xf32, #tpu.memory_space<vmem>>, vector<1x16xf32>,
        %parallel_loop3A_1001 = arith.index_cast %parallel_loop3A_990 : i32 to index
        %parallel_loop3A_1002 = arith.constant 400 : index
        %parallel_loop3A_1003 = tpu.vector_load %arg9[%parallel_loop3A_1001, %parallel_loop3A_1002] {strides = array<i32>} : memref<32x768xf32, #tpu.memory_space<vmem>>, vector<1x16xf32>,
        %parallel_loop3A_1004 = vector.shape_cast %parallel_loop3A_1003 : vector<1x16xf32> to vector<16xf32>
        %parallel_loop3A_1005 = arith.addf %parallel_loop3A_1004, %get3A_422 : vector<16xf32>
        %parallel_loop3A_1006 = arith.index_cast %parallel_loop3A_990 : i32 to index
        %parallel_loop3A_1007 = arith.constant 400 : index
        %parallel_loop3A_1008 = tpu.vector_load %arg9[%parallel_loop3A_1006, %parallel_loop3A_1007] {strides = array<i32>} : memref<32x768xf32, #tpu.memory_space<vmem>>, vector<1x16xf32>,
        %parallel_loop3A_1009 = vector.shape_cast %parallel_loop3A_1008 : vector<1x16xf32> to vector<16xf32>
        %parallel_loop3A_1010 = vector.shape_cast %parallel_loop3A_1005 : vector<16xf32> to vector<1x16xf32>
        tpu.vector_store %arg9[%parallel_loop3A_1006, %parallel_loop3A_1007], %parallel_loop3A_1010 {strides = array<i32>} : memref<32x768xf32, #tpu.memory_space<vmem>>, vector<1x16xf32>,
        %parallel_loop3A_1011 = arith.index_cast %parallel_loop3A_990 : i32 to index
        %parallel_loop3A_1012 = arith.constant 416 : index
        %parallel_loop3A_1013 = tpu.vector_load %arg9[%parallel_loop3A_1011, %parallel_loop3A_1012] {strides = array<i32>} : memref<32x768xf32, #tpu.memory_space<vmem>>, vector<1x16xf32>,
        %parallel_loop3A_1014 = vector.shape_cast %parallel_loop3A_1013 : vector<1x16xf32> to vector<16xf32>
        %parallel_loop3A_1015 = arith.addf %parallel_loop3A_1014, %get3A_426 : vector<16xf32>
        %parallel_loop3A_1016 = arith.index_cast %parallel_loop3A_990 : i32 to index
        %parallel_loop3A_1017 = arith.constant 416 : index
        %parallel_loop3A_1018 = tpu.vector_load %arg9[%parallel_loop3A_1016, %parallel_loop3A_1017] {strides = array<i32>} : memref<32x768xf32, #tpu.memory_space<vmem>>, vector<1x16xf32>,
        %parallel_loop3A_1019 = vector.shape_cast %parallel_loop3A_1018 : vector<1x16xf32> to vector<16xf32>
        %parallel_loop3A_1020 = vector.shape_cast %parallel_loop3A_1015 : vector<16xf32> to vector<1x16xf32>
        tpu.vector_store %arg9[%parallel_loop3A_1016, %parallel_loop3A_1017], %parallel_loop3A_1020 {strides = array<i32>} : memref<32x768xf32, #tpu.memory_space<vmem>>, vector<1x16xf32>,
        %parallel_loop3A_1021 = arith.index_cast %parallel_loop3A_990 : i32 to index
        %parallel_loop3A_1022 = arith.constant 432 : index
        %parallel_loop3A_1023 = tpu.vector_load %arg9[%parallel_loop3A_1021, %parallel_loop3A_1022] {strides = array<i32>} : memref<32x768xf32, #tpu.memory_space<vmem>>, vector<1x16xf32>,
        %parallel_loop3A_1024 = vector.shape_cast %parallel_loop3A_1023 : vector<1x16xf32> to vector<16xf32>
        %parallel_loop3A_1025 = arith.addf %parallel_loop3A_1024, %get3A_430 : vector<16xf32>
        %parallel_loop3A_1026 = arith.index_cast %parallel_loop3A_990 : i32 to index
        %parallel_loop3A_1027 = arith.constant 432 : index
        %parallel_loop3A_1028 = tpu.vector_load %arg9[%parallel_loop3A_1026, %parallel_loop3A_1027] {strides = array<i32>} : memref<32x768xf32, #tpu.memory_space<vmem>>, vector<1x16xf32>,
        %parallel_loop3A_1029 = vector.shape_cast %parallel_loop3A_1028 : vector<1x16xf32> to vector<16xf32>
        %parallel_loop3A_1030 = vector.shape_cast %parallel_loop3A_1025 : vector<16xf32> to vector<1x16xf32>
        tpu.vector_store %arg9[%parallel_loop3A_1026, %parallel_loop3A_1027], %parallel_loop3A_1030 {strides = array<i32>} : memref<32x768xf32, #tpu.memory_space<vmem>>, vector<1x16xf32>,
        %parallel_loop3A_1031 = arith.index_cast %parallel_loop3A_990 : i32 to index
        %parallel_loop3A_1032 = arith.constant 448 : index
        %parallel_loop3A_1033 = tpu.vector_load %arg9[%parallel_loop3A_1031, %parallel_loop3A_1032] {strides = array<i32>} : memref<32x768xf32, #tpu.memory_space<vmem>>, vector<1x16xf32>,
        %parallel_loop3A_1034 = vector.shape_cast %parallel_loop3A_1033 : vector<1x16xf32> to vector<16xf32>
        %parallel_loop3A_1035 = arith.addf %parallel_loop3A_1034, %get3A_434 : vector<16xf32>
        %parallel_loop3A_1036 = arith.index_cast %parallel_loop3A_990 : i32 to index
        %parallel_loop3A_1037 = arith.constant 448 : index
        %parallel_loop3A_1038 = tpu.vector_load %arg9[%parallel_loop3A_1036, %parallel_loop3A_1037] {strides = array<i32>} : memref<32x768xf32, #tpu.memory_space<vmem>>, vector<1x16xf32>,
        %parallel_loop3A_1039 = vector.shape_cast %parallel_loop3A_1038 : vector<1x16xf32> to vector<16xf32>
        %parallel_loop3A_1040 = vector.shape_cast %parallel_loop3A_1035 : vector<16xf32> to vector<1x16xf32>
        tpu.vector_store %arg9[%parallel_loop3A_1036, %parallel_loop3A_1037], %parallel_loop3A_1040 {strides = array<i32>} : memref<32x768xf32, #tpu.memory_space<vmem>>, vector<1x16xf32>,
        %parallel_loop3A_1041 = arith.index_cast %parallel_loop3A_990 : i32 to index
        %parallel_loop3A_1042 = arith.constant 464 : index
        %parallel_loop3A_1043 = tpu.vector_load %arg9[%parallel_loop3A_1041, %parallel_loop3A_1042] {strides = array<i32>} : memref<32x768xf32, #tpu.memory_space<vmem>>, vector<1x16xf32>,
        %parallel_loop3A_1044 = vector.shape_cast %parallel_loop3A_1043 : vector<1x16xf32> to vector<16xf32>
        %parallel_loop3A_1045 = arith.addf %parallel_loop3A_1044, %get3A_438 : vector<16xf32>
        %parallel_loop3A_1046 = arith.index_cast %parallel_loop3A_990 : i32 to index
        %parallel_loop3A_1047 = arith.constant 464 : index
        %parallel_loop3A_1048 = tpu.vector_load %arg9[%parallel_loop3A_1046, %parallel_loop3A_1047] {strides = array<i32>} : memref<32x768xf32, #tpu.memory_space<vmem>>, vector<1x16xf32>,
        %parallel_loop3A_1049 = vector.shape_cast %parallel_loop3A_1048 : vector<1x16xf32> to vector<16xf32>
        %parallel_loop3A_1050 = vector.shape_cast %parallel_loop3A_1045 : vector<16xf32> to vector<1x16xf32>
        tpu.vector_store %arg9[%parallel_loop3A_1046, %parallel_loop3A_1047], %parallel_loop3A_1050 {strides = array<i32>} : memref<32x768xf32, #tpu.memory_space<vmem>>, vector<1x16xf32>,
        %parallel_loop3A_1051 = arith.index_cast %parallel_loop3A_990 : i32 to index
        %parallel_loop3A_1052 = arith.constant 480 : index
        %parallel_loop3A_1053 = tpu.vector_load %arg9[%parallel_loop3A_1051, %parallel_loop3A_1052] {strides = array<i32>} : memref<32x768xf32, #tpu.memory_space<vmem>>, vector<1x16xf32>,
        %parallel_loop3A_1054 = vector.shape_cast %parallel_loop3A_1053 : vector<1x16xf32> to vector<16xf32>
        %parallel_loop3A_1055 = arith.addf %parallel_loop3A_1054, %get3A_442 : vector<16xf32>
        %parallel_loop3A_1056 = arith.index_cast %parallel_loop3A_990 : i32 to index
        %parallel_loop3A_1057 = arith.constant 480 : index
        %parallel_loop3A_1058 = tpu.vector_load %arg9[%parallel_loop3A_1056, %parallel_loop3A_1057] {strides = array<i32>} : memref<32x768xf32, #tpu.memory_space<vmem>>, vector<1x16xf32>,
        %parallel_loop3A_1059 = vector.shape_cast %parallel_loop3A_1058 : vector<1x16xf32> to vector<16xf32>
        %parallel_loop3A_1060 = vector.shape_cast %parallel_loop3A_1055 : vector<16xf32> to vector<1x16xf32>
        tpu.vector_store %arg9[%parallel_loop3A_1056, %parallel_loop3A_1057], %parallel_loop3A_1060 {strides = array<i32>} : memref<32x768xf32, #tpu.memory_space<vmem>>, vector<1x16xf32>,
        %parallel_loop3A_1061 = arith.index_cast %parallel_loop3A_990 : i32 to index
        %parallel_loop3A_1062 = arith.constant 496 : index
        %parallel_loop3A_1063 = tpu.vector_load %arg9[%parallel_loop3A_1061, %parallel_loop3A_1062] {strides = array<i32>} : memref<32x768xf32, #tpu.memory_space<vmem>>, vector<1x16xf32>,
        %parallel_loop3A_1064 = vector.shape_cast %parallel_loop3A_1063 : vector<1x16xf32> to vector<16xf32>
        %parallel_loop3A_1065 = arith.addf %parallel_loop3A_1064, %get3A_446 : vector<16xf32>
        %parallel_loop3A_1066 = arith.index_cast %parallel_loop3A_990 : i32 to index
        %parallel_loop3A_1067 = arith.constant 496 : index
        %parallel_loop3A_1068 = tpu.vector_load %arg9[%parallel_loop3A_1066, %parallel_loop3A_1067] {strides = array<i32>} : memref<32x768xf32, #tpu.memory_space<vmem>>, vector<1x16xf32>,
        %parallel_loop3A_1069 = vector.shape_cast %parallel_loop3A_1068 : vector<1x16xf32> to vector<16xf32>
        %parallel_loop3A_1070 = vector.shape_cast %parallel_loop3A_1065 : vector<16xf32> to vector<1x16xf32>
        tpu.vector_store %arg9[%parallel_loop3A_1066, %parallel_loop3A_1067], %parallel_loop3A_1070 {strides = array<i32>} : memref<32x768xf32, #tpu.memory_space<vmem>>, vector<1x16xf32>,
        %parallel_loop3A_1071 = arith.index_cast %parallel_loop3A_990 : i32 to index
        %parallel_loop3A_1072 = arith.constant 512 : index
        %parallel_loop3A_1073 = tpu.vector_load %arg9[%parallel_loop3A_1071, %parallel_loop3A_1072] {strides = array<i32>} : memref<32x768xf32, #tpu.memory_space<vmem>>, vector<1x16xf32>,
        %parallel_loop3A_1074 = vector.shape_cast %parallel_loop3A_1073 : vector<1x16xf32> to vector<16xf32>
        %parallel_loop3A_1075 = arith.addf %parallel_loop3A_1074, %get3A_450 : vector<16xf32>
        %parallel_loop3A_1076 = arith.index_cast %parallel_loop3A_990 : i32 to index
        %parallel_loop3A_1077 = arith.constant 512 : index
        %parallel_loop3A_1078 = tpu.vector_load %arg9[%parallel_loop3A_1076, %parallel_loop3A_1077] {strides = array<i32>} : memref<32x768xf32, #tpu.memory_space<vmem>>, vector<1x16xf32>,
        %parallel_loop3A_1079 = vector.shape_cast %parallel_loop3A_1078 : vector<1x16xf32> to vector<16xf32>
        %parallel_loop3A_1080 = vector.shape_cast %parallel_loop3A_1075 : vector<16xf32> to vector<1x16xf32>
        tpu.vector_store %arg9[%parallel_loop3A_1076, %parallel_loop3A_1077], %parallel_loop3A_1080 {strides = array<i32>} : memref<32x768xf32, #tpu.memory_space<vmem>>, vector<1x16xf32>,
        %parallel_loop3A_1081 = arith.index_cast %parallel_loop3A_990 : i32 to index
        %parallel_loop3A_1082 = arith.constant 528 : index
        %parallel_loop3A_1083 = tpu.vector_load %arg9[%parallel_loop3A_1081, %parallel_loop3A_1082] {strides = array<i32>} : memref<32x768xf32, #tpu.memory_space<vmem>>, vector<1x16xf32>,
        %parallel_loop3A_1084 = vector.shape_cast %parallel_loop3A_1083 : vector<1x16xf32> to vector<16xf32>
        %parallel_loop3A_1085 = arith.addf %parallel_loop3A_1084, %get3A_454 : vector<16xf32>
        %parallel_loop3A_1086 = arith.index_cast %parallel_loop3A_990 : i32 to index
        %parallel_loop3A_1087 = arith.constant 528 : index
        %parallel_loop3A_1088 = tpu.vector_load %arg9[%parallel_loop3A_1086, %parallel_loop3A_1087] {strides = array<i32>} : memref<32x768xf32, #tpu.memory_space<vmem>>, vector<1x16xf32>,
        %parallel_loop3A_1089 = vector.shape_cast %parallel_loop3A_1088 : vector<1x16xf32> to vector<16xf32>
        %parallel_loop3A_1090 = vector.shape_cast %parallel_loop3A_1085 : vector<16xf32> to vector<1x16xf32>
        tpu.vector_store %arg9[%parallel_loop3A_1086, %parallel_loop3A_1087], %parallel_loop3A_1090 {strides = array<i32>} : memref<32x768xf32, #tpu.memory_space<vmem>>, vector<1x16xf32>,
        %parallel_loop3A_1091 = arith.index_cast %parallel_loop3A_990 : i32 to index
        %parallel_loop3A_1092 = arith.constant 544 : index
        %parallel_loop3A_1093 = tpu.vector_load %arg9[%parallel_loop3A_1091, %parallel_loop3A_1092] {strides = array<i32>} : memref<32x768xf32, #tpu.memory_space<vmem>>, vector<1x16xf32>,
        %parallel_loop3A_1094 = vector.shape_cast %parallel_loop3A_1093 : vector<1x16xf32> to vector<16xf32>
        %parallel_loop3A_1095 = arith.addf %parallel_loop3A_1094, %get3A_458 : vector<16xf32>
        %parallel_loop3A_1096 = arith.index_cast %parallel_loop3A_990 : i32 to index
        %parallel_loop3A_1097 = arith.constant 544 : index
        %parallel_loop3A_1098 = tpu.vector_load %arg9[%parallel_loop3A_1096, %parallel_loop3A_1097] {strides = array<i32>} : memref<32x768xf32, #tpu.memory_space<vmem>>, vector<1x16xf32>,
        %parallel_loop3A_1099 = vector.shape_cast %parallel_loop3A_1098 : vector<1x16xf32> to vector<16xf32>
        %parallel_loop3A_1100 = vector.shape_cast %parallel_loop3A_1095 : vector<16xf32> to vector<1x16xf32>
        tpu.vector_store %arg9[%parallel_loop3A_1096, %parallel_loop3A_1097], %parallel_loop3A_1100 {strides = array<i32>} : memref<32x768xf32, #tpu.memory_space<vmem>>, vector<1x16xf32>,
        %parallel_loop3A_1101 = arith.index_cast %parallel_loop3A_990 : i32 to index
        %parallel_loop3A_1102 = arith.constant 560 : index
        %parallel_loop3A_1103 = tpu.vector_load %arg9[%parallel_loop3A_1101, %parallel_loop3A_1102] {strides = array<i32>} : memref<32x768xf32, #tpu.memory_space<vmem>>, vector<1x16xf32>,
        %parallel_loop3A_1104 = vector.shape_cast %parallel_loop3A_1103 : vector<1x16xf32> to vector<16xf32>
        %parallel_loop3A_1105 = arith.addf %parallel_loop3A_1104, %get3A_462 : vector<16xf32>
        %parallel_loop3A_1106 = arith.index_cast %parallel_loop3A_990 : i32 to index
        %parallel_loop3A_1107 = arith.constant 560 : index
        %parallel_loop3A_1108 = tpu.vector_load %arg9[%parallel_loop3A_1106, %parallel_loop3A_1107] {strides = array<i32>} : memref<32x768xf32, #tpu.memory_space<vmem>>, vector<1x16xf32>,
        %parallel_loop3A_1109 = vector.shape_cast %parallel_loop3A_1108 : vector<1x16xf32> to vector<16xf32>
        %parallel_loop3A_1110 = vector.shape_cast %parallel_loop3A_1105 : vector<16xf32> to vector<1x16xf32>
        tpu.vector_store %arg9[%parallel_loop3A_1106, %parallel_loop3A_1107], %parallel_loop3A_1110 {strides = array<i32>} : memref<32x768xf32, #tpu.memory_space<vmem>>, vector<1x16xf32>,
        %parallel_loop3A_1111 = arith.index_cast %parallel_loop3A_990 : i32 to index
        %parallel_loop3A_1112 = arith.constant 576 : index
        %parallel_loop3A_1113 = tpu.vector_load %arg9[%parallel_loop3A_1111, %parallel_loop3A_1112] {strides = array<i32>} : memref<32x768xf32, #tpu.memory_space<vmem>>, vector<1x16xf32>,
        %parallel_loop3A_1114 = vector.shape_cast %parallel_loop3A_1113 : vector<1x16xf32> to vector<16xf32>
        %parallel_loop3A_1115 = arith.addf %parallel_loop3A_1114, %get3A_466 : vector<16xf32>
        %parallel_loop3A_1116 = arith.index_cast %parallel_loop3A_990 : i32 to index
        %parallel_loop3A_1117 = arith.constant 576 : index
        %parallel_loop3A_1118 = tpu.vector_load %arg9[%parallel_loop3A_1116, %parallel_loop3A_1117] {strides = array<i32>} : memref<32x768xf32, #tpu.memory_space<vmem>>, vector<1x16xf32>,
        %parallel_loop3A_1119 = vector.shape_cast %parallel_loop3A_1118 : vector<1x16xf32> to vector<16xf32>
        %parallel_loop3A_1120 = vector.shape_cast %parallel_loop3A_1115 : vector<16xf32> to vector<1x16xf32>
        tpu.vector_store %arg9[%parallel_loop3A_1116, %parallel_loop3A_1117], %parallel_loop3A_1120 {strides = array<i32>} : memref<32x768xf32, #tpu.memory_space<vmem>>, vector<1x16xf32>,
        %parallel_loop3A_1121 = arith.index_cast %parallel_loop3A_990 : i32 to index
        %parallel_loop3A_1122 = arith.constant 592 : index
        %parallel_loop3A_1123 = tpu.vector_load %arg9[%parallel_loop3A_1121, %parallel_loop3A_1122] {strides = array<i32>} : memref<32x768xf32, #tpu.memory_space<vmem>>, vector<1x16xf32>,
        %parallel_loop3A_1124 = vector.shape_cast %parallel_loop3A_1123 : vector<1x16xf32> to vector<16xf32>
        %parallel_loop3A_1125 = arith.addf %parallel_loop3A_1124, %get3A_470 : vector<16xf32>
        %parallel_loop3A_1126 = arith.index_cast %parallel_loop3A_990 : i32 to index
        %parallel_loop3A_1127 = arith.constant 592 : index
        %parallel_loop3A_1128 = tpu.vector_load %arg9[%parallel_loop3A_1126, %parallel_loop3A_1127] {strides = array<i32>} : memref<32x768xf32, #tpu.memory_space<vmem>>, vector<1x16xf32>,
        %parallel_loop3A_1129 = vector.shape_cast %parallel_loop3A_1128 : vector<1x16xf32> to vector<16xf32>
        %parallel_loop3A_1130 = vector.shape_cast %parallel_loop3A_1125 : vector<16xf32> to vector<1x16xf32>
        tpu.vector_store %arg9[%parallel_loop3A_1126, %parallel_loop3A_1127], %parallel_loop3A_1130 {strides = array<i32>} : memref<32x768xf32, #tpu.memory_space<vmem>>, vector<1x16xf32>,
        %parallel_loop3A_1131 = arith.index_cast %parallel_loop3A_990 : i32 to index
        %parallel_loop3A_1132 = arith.constant 608 : index
        %parallel_loop3A_1133 = tpu.vector_load %arg9[%parallel_loop3A_1131, %parallel_loop3A_1132] {strides = array<i32>} : memref<32x768xf32, #tpu.memory_space<vmem>>, vector<1x16xf32>,
        %parallel_loop3A_1134 = vector.shape_cast %parallel_loop3A_1133 : vector<1x16xf32> to vector<16xf32>
        %parallel_loop3A_1135 = arith.addf %parallel_loop3A_1134, %get3A_474 : vector<16xf32>
        %parallel_loop3A_1136 = arith.index_cast %parallel_loop3A_990 : i32 to index
        %parallel_loop3A_1137 = arith.constant 608 : index
        %parallel_loop3A_1138 = tpu.vector_load %arg9[%parallel_loop3A_1136, %parallel_loop3A_1137] {strides = array<i32>} : memref<32x768xf32, #tpu.memory_space<vmem>>, vector<1x16xf32>,
        %parallel_loop3A_1139 = vector.shape_cast %parallel_loop3A_1138 : vector<1x16xf32> to vector<16xf32>
        %parallel_loop3A_1140 = vector.shape_cast %parallel_loop3A_1135 : vector<16xf32> to vector<1x16xf32>
        tpu.vector_store %arg9[%parallel_loop3A_1136, %parallel_loop3A_1137], %parallel_loop3A_1140 {strides = array<i32>} : memref<32x768xf32, #tpu.memory_space<vmem>>, vector<1x16xf32>,
        %parallel_loop3A_1141 = arith.index_cast %parallel_loop3A_990 : i32 to index
        %parallel_loop3A_1142 = arith.constant 624 : index
        %parallel_loop3A_1143 = tpu.vector_load %arg9[%parallel_loop3A_1141, %parallel_loop3A_1142] {strides = array<i32>} : memref<32x768xf32, #tpu.memory_space<vmem>>, vector<1x16xf32>,
        %parallel_loop3A_1144 = vector.shape_cast %parallel_loop3A_1143 : vector<1x16xf32> to vector<16xf32>
        %parallel_loop3A_1145 = arith.addf %parallel_loop3A_1144, %get3A_478 : vector<16xf32>
        %parallel_loop3A_1146 = arith.index_cast %parallel_loop3A_990 : i32 to index
        %parallel_loop3A_1147 = arith.constant 624 : index
        %parallel_loop3A_1148 = tpu.vector_load %arg9[%parallel_loop3A_1146, %parallel_loop3A_1147] {strides = array<i32>} : memref<32x768xf32, #tpu.memory_space<vmem>>, vector<1x16xf32>,
        %parallel_loop3A_1149 = vector.shape_cast %parallel_loop3A_1148 : vector<1x16xf32> to vector<16xf32>
        %parallel_loop3A_1150 = vector.shape_cast %parallel_loop3A_1145 : vector<16xf32> to vector<1x16xf32>
        tpu.vector_store %arg9[%parallel_loop3A_1146, %parallel_loop3A_1147], %parallel_loop3A_1150 {strides = array<i32>} : memref<32x768xf32, #tpu.memory_space<vmem>>, vector<1x16xf32>,
        %parallel_loop3A_1151 = arith.index_cast %parallel_loop3A_990 : i32 to index
        %parallel_loop3A_1152 = arith.constant 640 : index
        %parallel_loop3A_1153 = tpu.vector_load %arg9[%parallel_loop3A_1151, %parallel_loop3A_1152] {strides = array<i32>} : memref<32x768xf32, #tpu.memory_space<vmem>>, vector<1x16xf32>,
        %parallel_loop3A_1154 = vector.shape_cast %parallel_loop3A_1153 : vector<1x16xf32> to vector<16xf32>
        %parallel_loop3A_1155 = arith.addf %parallel_loop3A_1154, %get3A_482 : vector<16xf32>
        %parallel_loop3A_1156 = arith.index_cast %parallel_loop3A_990 : i32 to index
        %parallel_loop3A_1157 = arith.constant 640 : index
        %parallel_loop3A_1158 = tpu.vector_load %arg9[%parallel_loop3A_1156, %parallel_loop3A_1157] {strides = array<i32>} : memref<32x768xf32, #tpu.memory_space<vmem>>, vector<1x16xf32>,
        %parallel_loop3A_1159 = vector.shape_cast %parallel_loop3A_1158 : vector<1x16xf32> to vector<16xf32>
        %parallel_loop3A_1160 = vector.shape_cast %parallel_loop3A_1155 : vector<16xf32> to vector<1x16xf32>
        tpu.vector_store %arg9[%parallel_loop3A_1156, %parallel_loop3A_1157], %parallel_loop3A_1160 {strides = array<i32>} : memref<32x768xf32, #tpu.memory_space<vmem>>, vector<1x16xf32>,
        %parallel_loop3A_1161 = arith.index_cast %parallel_loop3A_990 : i32 to index
        %parallel_loop3A_1162 = arith.constant 656 : index
        %parallel_loop3A_1163 = tpu.vector_load %arg9[%parallel_loop3A_1161, %parallel_loop3A_1162] {strides = array<i32>} : memref<32x768xf32, #tpu.memory_space<vmem>>, vector<1x16xf32>,
        %parallel_loop3A_1164 = vector.shape_cast %parallel_loop3A_1163 : vector<1x16xf32> to vector<16xf32>
        %parallel_loop3A_1165 = arith.addf %parallel_loop3A_1164, %get3A_486 : vector<16xf32>
        %parallel_loop3A_1166 = arith.index_cast %parallel_loop3A_990 : i32 to index
        %parallel_loop3A_1167 = arith.constant 656 : index
        %parallel_loop3A_1168 = tpu.vector_load %arg9[%parallel_loop3A_1166, %parallel_loop3A_1167] {strides = array<i32>} : memref<32x768xf32, #tpu.memory_space<vmem>>, vector<1x16xf32>,
        %parallel_loop3A_1169 = vector.shape_cast %parallel_loop3A_1168 : vector<1x16xf32> to vector<16xf32>
        %parallel_loop3A_1170 = vector.shape_cast %parallel_loop3A_1165 : vector<16xf32> to vector<1x16xf32>
        tpu.vector_store %arg9[%parallel_loop3A_1166, %parallel_loop3A_1167], %parallel_loop3A_1170 {strides = array<i32>} : memref<32x768xf32, #tpu.memory_space<vmem>>, vector<1x16xf32>,
        %parallel_loop3A_1171 = arith.index_cast %parallel_loop3A_990 : i32 to index
        %parallel_loop3A_1172 = arith.constant 672 : index
        %parallel_loop3A_1173 = tpu.vector_load %arg9[%parallel_loop3A_1171, %parallel_loop3A_1172] {strides = array<i32>} : memref<32x768xf32, #tpu.memory_space<vmem>>, vector<1x16xf32>,
        %parallel_loop3A_1174 = vector.shape_cast %parallel_loop3A_1173 : vector<1x16xf32> to vector<16xf32>
        %parallel_loop3A_1175 = arith.addf %parallel_loop3A_1174, %get3A_490 : vector<16xf32>
        %parallel_loop3A_1176 = arith.index_cast %parallel_loop3A_990 : i32 to index
        %parallel_loop3A_1177 = arith.constant 672 : index
        %parallel_loop3A_1178 = tpu.vector_load %arg9[%parallel_loop3A_1176, %parallel_loop3A_1177] {strides = array<i32>} : memref<32x768xf32, #tpu.memory_space<vmem>>, vector<1x16xf32>,
        %parallel_loop3A_1179 = vector.shape_cast %parallel_loop3A_1178 : vector<1x16xf32> to vector<16xf32>
        %parallel_loop3A_1180 = vector.shape_cast %parallel_loop3A_1175 : vector<16xf32> to vector<1x16xf32>
        tpu.vector_store %arg9[%parallel_loop3A_1176, %parallel_loop3A_1177], %parallel_loop3A_1180 {strides = array<i32>} : memref<32x768xf32, #tpu.memory_space<vmem>>, vector<1x16xf32>,
        %parallel_loop3A_1181 = arith.index_cast %parallel_loop3A_990 : i32 to index
        %parallel_loop3A_1182 = arith.constant 688 : index
        %parallel_loop3A_1183 = tpu.vector_load %arg9[%parallel_loop3A_1181, %parallel_loop3A_1182] {strides = array<i32>} : memref<32x768xf32, #tpu.memory_space<vmem>>, vector<1x16xf32>,
        %parallel_loop3A_1184 = vector.shape_cast %parallel_loop3A_1183 : vector<1x16xf32> to vector<16xf32>
        %parallel_loop3A_1185 = arith.addf %parallel_loop3A_1184, %get3A_494 : vector<16xf32>
        %parallel_loop3A_1186 = arith.index_cast %parallel_loop3A_990 : i32 to index
        %parallel_loop3A_1187 = arith.constant 688 : index
        %parallel_loop3A_1188 = tpu.vector_load %arg9[%parallel_loop3A_1186, %parallel_loop3A_1187] {strides = array<i32>} : memref<32x768xf32, #tpu.memory_space<vmem>>, vector<1x16xf32>,
        %parallel_loop3A_1189 = vector.shape_cast %parallel_loop3A_1188 : vector<1x16xf32> to vector<16xf32>
        %parallel_loop3A_1190 = vector.shape_cast %parallel_loop3A_1185 : vector<16xf32> to vector<1x16xf32>
        tpu.vector_store %arg9[%parallel_loop3A_1186, %parallel_loop3A_1187], %parallel_loop3A_1190 {strides = array<i32>} : memref<32x768xf32, #tpu.memory_space<vmem>>, vector<1x16xf32>,
        %parallel_loop3A_1191 = arith.index_cast %parallel_loop3A_990 : i32 to index
        %parallel_loop3A_1192 = arith.constant 704 : index
        %parallel_loop3A_1193 = tpu.vector_load %arg9[%parallel_loop3A_1191, %parallel_loop3A_1192] {strides = array<i32>} : memref<32x768xf32, #tpu.memory_space<vmem>>, vector<1x16xf32>,
        %parallel_loop3A_1194 = vector.shape_cast %parallel_loop3A_1193 : vector<1x16xf32> to vector<16xf32>
        %parallel_loop3A_1195 = arith.addf %parallel_loop3A_1194, %get3A_498 : vector<16xf32>
        %parallel_loop3A_1196 = arith.index_cast %parallel_loop3A_990 : i32 to index
        %parallel_loop3A_1197 = arith.constant 704 : index
        %parallel_loop3A_1198 = tpu.vector_load %arg9[%parallel_loop3A_1196, %parallel_loop3A_1197] {strides = array<i32>} : memref<32x768xf32, #tpu.memory_space<vmem>>, vector<1x16xf32>,
        %parallel_loop3A_1199 = vector.shape_cast %parallel_loop3A_1198 : vector<1x16xf32> to vector<16xf32>
        %parallel_loop3A_1200 = vector.shape_cast %parallel_loop3A_1195 : vector<16xf32> to vector<1x16xf32>
        tpu.vector_store %arg9[%parallel_loop3A_1196, %parallel_loop3A_1197], %parallel_loop3A_1200 {strides = array<i32>} : memref<32x768xf32, #tpu.memory_space<vmem>>, vector<1x16xf32>,
        %parallel_loop3A_1201 = arith.index_cast %parallel_loop3A_990 : i32 to index
        %parallel_loop3A_1202 = arith.constant 720 : index
        %parallel_loop3A_1203 = tpu.vector_load %arg9[%parallel_loop3A_1201, %parallel_loop3A_1202] {strides = array<i32>} : memref<32x768xf32, #tpu.memory_space<vmem>>, vector<1x16xf32>,
        %parallel_loop3A_1204 = vector.shape_cast %parallel_loop3A_1203 : vector<1x16xf32> to vector<16xf32>
        %parallel_loop3A_1205 = arith.addf %parallel_loop3A_1204, %get3A_502 : vector<16xf32>
        %parallel_loop3A_1206 = arith.index_cast %parallel_loop3A_990 : i32 to index
        %parallel_loop3A_1207 = arith.constant 720 : index
        %parallel_loop3A_1208 = tpu.vector_load %arg9[%parallel_loop3A_1206, %parallel_loop3A_1207] {strides = array<i32>} : memref<32x768xf32, #tpu.memory_space<vmem>>, vector<1x16xf32>,
        %parallel_loop3A_1209 = vector.shape_cast %parallel_loop3A_1208 : vector<1x16xf32> to vector<16xf32>
        %parallel_loop3A_1210 = vector.shape_cast %parallel_loop3A_1205 : vector<16xf32> to vector<1x16xf32>
        tpu.vector_store %arg9[%parallel_loop3A_1206, %parallel_loop3A_1207], %parallel_loop3A_1210 {strides = array<i32>} : memref<32x768xf32, #tpu.memory_space<vmem>>, vector<1x16xf32>,
        %parallel_loop3A_1211 = arith.index_cast %parallel_loop3A_990 : i32 to index
        %parallel_loop3A_1212 = arith.constant 736 : index
        %parallel_loop3A_1213 = tpu.vector_load %arg9[%parallel_loop3A_1211, %parallel_loop3A_1212] {strides = array<i32>} : memref<32x768xf32, #tpu.memory_space<vmem>>, vector<1x16xf32>,
        %parallel_loop3A_1214 = vector.shape_cast %parallel_loop3A_1213 : vector<1x16xf32> to vector<16xf32>
        %parallel_loop3A_1215 = arith.addf %parallel_loop3A_1214, %get3A_506 : vector<16xf32>
        %parallel_loop3A_1216 = arith.index_cast %parallel_loop3A_990 : i32 to index
        %parallel_loop3A_1217 = arith.constant 736 : index
        %parallel_loop3A_1218 = tpu.vector_load %arg9[%parallel_loop3A_1216, %parallel_loop3A_1217] {strides = array<i32>} : memref<32x768xf32, #tpu.memory_space<vmem>>, vector<1x16xf32>,
        %parallel_loop3A_1219 = vector.shape_cast %parallel_loop3A_1218 : vector<1x16xf32> to vector<16xf32>
        %parallel_loop3A_1220 = vector.shape_cast %parallel_loop3A_1215 : vector<16xf32> to vector<1x16xf32>
        tpu.vector_store %arg9[%parallel_loop3A_1216, %parallel_loop3A_1217], %parallel_loop3A_1220 {strides = array<i32>} : memref<32x768xf32, #tpu.memory_space<vmem>>, vector<1x16xf32>,
        %parallel_loop3A_1221 = arith.index_cast %parallel_loop3A_990 : i32 to index
        %parallel_loop3A_1222 = arith.constant 752 : index
        %parallel_loop3A_1223 = tpu.vector_load %arg9[%parallel_loop3A_1221, %parallel_loop3A_1222] {strides = array<i32>} : memref<32x768xf32, #tpu.memory_space<vmem>>, vector<1x16xf32>,
        %parallel_loop3A_1224 = vector.shape_cast %parallel_loop3A_1223 : vector<1x16xf32> to vector<16xf32>
        %parallel_loop3A_1225 = arith.addf %parallel_loop3A_1224, %get3A_510 : vector<16xf32>
        %parallel_loop3A_1226 = arith.index_cast %parallel_loop3A_990 : i32 to index
        %parallel_loop3A_1227 = arith.constant 752 : index
        %parallel_loop3A_1228 = tpu.vector_load %arg9[%parallel_loop3A_1226, %parallel_loop3A_1227] {strides = array<i32>} : memref<32x768xf32, #tpu.memory_space<vmem>>, vector<1x16xf32>,
        %parallel_loop3A_1229 = vector.shape_cast %parallel_loop3A_1228 : vector<1x16xf32> to vector<16xf32>
        %parallel_loop3A_1230 = vector.shape_cast %parallel_loop3A_1225 : vector<16xf32> to vector<1x16xf32>
        tpu.vector_store %arg9[%parallel_loop3A_1226, %parallel_loop3A_1227], %parallel_loop3A_1230 {strides = array<i32>} : memref<32x768xf32, #tpu.memory_space<vmem>>, vector<1x16xf32>,
      } {sc.loop_unroll_factor = 1 : i64, sc.parallel_access}
      %shift_right_logical3A_514 = arith.constant 1 : i32
      %shift_right_logical3A_515 = arith.shrui %add3A_306, %shift_right_logical3A_514 : i32
      %and3A_516 = arith.constant 1 : i32
      %and3A_517 = arith.andi %add3A_306, %and3A_516 : i32
      %mul3A_518 = arith.constant 32 : i32
      %mul3A_519 = arith.muli %and3A_517, %mul3A_518 : i32
      %add3A_520 = arith.addi %mul3A_2, %shift_right_logical3A_515 : i32
      %dma_start3A_521 = arith.constant 0 : i32
      %dma_start3A_522 = tpu.memref_slice %arg5[%mul3A_519, %add3A_520, %dma_start3A_521] : memref<64x512x768xf32, #tpu.memory_space<hbm>> -> memref<32x1x768xf32, #tpu.memory_space<hbm>>
      %dma_start3A_523 = tpu.memref_squeeze %dma_start3A_522 : memref<32x1x768xf32, #tpu.memory_space<hbm>> -> memref<32x768xf32, #tpu.memory_space<hbm>>
      %dma_start3A_524 = arith.constant 0 : i32
      %dma_start3A_525 = tpu.memref_slice %arg5[%mul3A_519, %add3A_520, %dma_start3A_524] : memref<64x512x768xf32, #tpu.memory_space<hbm>> -> memref<32x1x768xf32, #tpu.memory_space<hbm>>
      %dma_start3A_526 = tpu.memref_squeeze %dma_start3A_525 : memref<32x1x768xf32, #tpu.memory_space<hbm>> -> memref<32x768xf32, #tpu.memory_space<hbm>>
      tpu.enqueue_dma source(%arg9 : memref<32x768xf32, #tpu.memory_space<vmem>>) target(%dma_start3A_526 : memref<32x768xf32, #tpu.memory_space<hbm>>) target_semaphore(%arg17 : memref<!tpu.dma_semaphore, #tpu.memory_space<semaphore_mem>>)
      %lt3A_527 = arith.constant 30 : i32
      %lt3A_528 = arith.cmpi slt, %add3A_306, %lt3A_527 : i32
      %convert_element_type3A_529 = arith.extui %lt3A_528 : i1 to i32
      %cond3A_530 = arith.constant 0 : i32
      %cond3A_531 = arith.cmpi ne, %convert_element_type3A_529, %cond3A_530 : i32
      scf.if %cond3A_531 {
        %ge3A = arith.constant 2 : i32
        %ge3A_990 = arith.cmpi sge, %add3A_306, %ge3A : i32
        %convert_element_type3A_991 = arith.extui %ge3A_990 : i1 to i32
        %cond3A_992 = arith.constant 0 : i32
        %cond3A_993 = arith.cmpi ne, %convert_element_type3A_991, %cond3A_992 : i32
        scf.if %cond3A_993 {
          %dma_wait3A_1007 = arith.constant 0 : i32
          %dma_wait3A_1008 = arith.constant 0 : i32
          %dma_wait3A_1009 = tpu.memref_slice %arg5[%dma_wait3A_1007, %mul3A_2, %dma_wait3A_1008] : memref<64x512x768xf32, #tpu.memory_space<hbm>> -> memref<32x1x768xf32, #tpu.memory_space<hbm>>
          %dma_wait3A_1010 = tpu.memref_squeeze %dma_wait3A_1009 : memref<32x1x768xf32, #tpu.memory_space<hbm>> -> memref<32x768xf32, #tpu.memory_space<hbm>>
          %dma_wait3A_1011 = arith.constant 0 : i32
          %dma_wait3A_1012 = arith.constant 0 : i32
          %dma_wait3A_1013 = tpu.memref_slice %arg5[%dma_wait3A_1011, %mul3A_2, %dma_wait3A_1012] : memref<64x512x768xf32, #tpu.memory_space<hbm>> -> memref<32x1x768xf32, #tpu.memory_space<hbm>>
          %dma_wait3A_1014 = tpu.memref_squeeze %dma_wait3A_1013 : memref<32x1x768xf32, #tpu.memory_space<hbm>> -> memref<32x768xf32, #tpu.memory_space<hbm>>
          tpu.wait_dma2 semaphore(%arg19 : memref<!tpu.dma_semaphore, #tpu.memory_space<semaphore_mem>>) src(%arg11 : memref<32x768xf32, #tpu.memory_space<vmem>>) dst(%dma_wait3A_1014 : memref<32x768xf32, #tpu.memory_space<hbm>>)
        } else {
        }
        %add3A_994 = arith.constant 2 : i32
        %add3A_995 = arith.addi %add3A_306, %add3A_994 : i32
        %shift_right_logical3A_996 = arith.constant 1 : i32
        %shift_right_logical3A_997 = arith.shrui %add3A_995, %shift_right_logical3A_996 : i32
        %and3A_998 = arith.constant 1 : i32
        %and3A_999 = arith.andi %add3A_995, %and3A_998 : i32
        %mul3A_1000 = arith.constant 32 : i32
        %mul3A_1001 = arith.muli %and3A_999, %mul3A_1000 : i32
        %dma_start3A_1002 = tpu.memref_slice %arg6[%shift_right_logical3A_997, %mul3A_1001] : memref<16x64xi32, #tpu.memory_space<vmem>> -> memref<1x32xi32, #tpu.memory_space<vmem>>
        %dma_start3A_1003 = tpu.memref_squeeze %dma_start3A_1002 : memref<1x32xi32, #tpu.memory_space<vmem>> -> memref<32xi32, #tpu.memory_space<vmem>>
        %dma_start3A_1004 = arith.constant 0 : i32
        %dma_start3A_1005 = arith.constant 0 : i32
        %dma_start3A_1006 = tpu.memref_slice %arg4[%dma_start3A_1004, %dma_start3A_1005] : memref<100000x768xf32, #tpu.memory_space<hbm>> -> memref<100000x768xf32, #tpu.memory_space<hbm>>
        tpu.enqueue_indirect_dma source(%dma_start3A_1006 : memref<100000x768xf32, #tpu.memory_space<hbm>>) target(%arg11 : memref<32x768xf32, #tpu.memory_space<vmem>>) offsets(%dma_start3A_1003 : memref<32xi32, #tpu.memory_space<vmem>>) semaphore(%arg15 : memref<!tpu.dma_semaphore, #tpu.memory_space<semaphore_mem>>)
      } else {
      }
      %mul3A_532 = arith.constant 4 : i32
      %mul3A_533 = arith.muli %mul3A_532, %scan3A_78 : i32
      %add3A_534 = arith.constant 2 : i32
      %add3A_535 = arith.addi %mul3A_533, %add3A_534 : i32
      %dma_wait3A_536 = arith.constant 0 : i32
      %dma_wait3A_537 = arith.constant 0 : i32
      %dma_wait3A_538 = tpu.memref_slice %arg6[%dma_wait3A_536, %dma_wait3A_537] : memref<16x64xi32, #tpu.memory_space<vmem>> -> memref<1x32xi32, #tpu.memory_space<vmem>>
      %dma_wait3A_539 = tpu.memref_squeeze %dma_wait3A_538 : memref<1x32xi32, #tpu.memory_space<vmem>> -> memref<32xi32, #tpu.memory_space<vmem>>
      %dma_wait3A_540 = arith.constant 0 : i32
      %dma_wait3A_541 = arith.constant 0 : i32
      %dma_wait3A_542 = tpu.memref_slice %arg4[%dma_wait3A_540, %dma_wait3A_541] : memref<100000x768xf32, #tpu.memory_space<hbm>> -> memref<100000x768xf32, #tpu.memory_space<hbm>>
      tpu.wait_indirect_dma semaphore(%arg14 : memref<!tpu.dma_semaphore, #tpu.memory_space<semaphore_mem>>) src(%dma_wait3A_542 : memref<100000x768xf32, #tpu.memory_space<hbm>>) dst(%arg10 : memref<32x768xf32, #tpu.memory_space<vmem>>)
      %shift_right_logical3A_543 = arith.constant 1 : i32
      %shift_right_logical3A_544 = arith.shrui %add3A_535, %shift_right_logical3A_543 : i32
      %get3A_545 = arith.index_cast %shift_right_logical3A_544 : i32 to index
      %get3A_546 = arith.constant 0 : index
      %get3A_547 = tpu.vector_load %arg7[%get3A_545, %get3A_546] {strides = array<i32>} : memref<16x768xf32, #tpu.memory_space<vmem>>, vector<1x16xf32>,
      %get3A_548 = vector.shape_cast %get3A_547 : vector<1x16xf32> to vector<16xf32>
      %get3A_549 = arith.index_cast %shift_right_logical3A_544 : i32 to index
      %get3A_550 = arith.constant 16 : index
      %get3A_551 = tpu.vector_load %arg7[%get3A_549, %get3A_550] {strides = array<i32>} : memref<16x768xf32, #tpu.memory_space<vmem>>, vector<1x16xf32>,
      %get3A_552 = vector.shape_cast %get3A_551 : vector<1x16xf32> to vector<16xf32>
      %get3A_553 = arith.index_cast %shift_right_logical3A_544 : i32 to index
      %get3A_554 = arith.constant 32 : index
      %get3A_555 = tpu.vector_load %arg7[%get3A_553, %get3A_554] {strides = array<i32>} : memref<16x768xf32, #tpu.memory_space<vmem>>, vector<1x16xf32>,
      %get3A_556 = vector.shape_cast %get3A_555 : vector<1x16xf32> to vector<16xf32>
      %get3A_557 = arith.index_cast %shift_right_logical3A_544 : i32 to index
      %get3A_558 = arith.constant 48 : index
      %get3A_559 = tpu.vector_load %arg7[%get3A_557, %get3A_558] {strides = array<i32>} : memref<16x768xf32, #tpu.memory_space<vmem>>, vector<1x16xf32>,
      %get3A_560 = vector.shape_cast %get3A_559 : vector<1x16xf32> to vector<16xf32>
      %get3A_561 = arith.index_cast %shift_right_logical3A_544 : i32 to index
      %get3A_562 = arith.constant 64 : index
      %get3A_563 = tpu.vector_load %arg7[%get3A_561, %get3A_562] {strides = array<i32>} : memref<16x768xf32, #tpu.memory_space<vmem>>, vector<1x16xf32>,
      %get3A_564 = vector.shape_cast %get3A_563 : vector<1x16xf32> to vector<16xf32>
      %get3A_565 = arith.index_cast %shift_right_logical3A_544 : i32 to index
      %get3A_566 = arith.constant 80 : index
      %get3A_567 = tpu.vector_load %arg7[%get3A_565, %get3A_566] {strides = array<i32>} : memref<16x768xf32, #tpu.memory_space<vmem>>, vector<1x16xf32>,
      %get3A_568 = vector.shape_cast %get3A_567 : vector<1x16xf32> to vector<16xf32>
      %get3A_569 = arith.index_cast %shift_right_logical3A_544 : i32 to index
      %get3A_570 = arith.constant 96 : index
      %get3A_571 = tpu.vector_load %arg7[%get3A_569, %get3A_570] {strides = array<i32>} : memref<16x768xf32, #tpu.memory_space<vmem>>, vector<1x16xf32>,
      %get3A_572 = vector.shape_cast %get3A_571 : vector<1x16xf32> to vector<16xf32>
      %get3A_573 = arith.index_cast %shift_right_logical3A_544 : i32 to index
      %get3A_574 = arith.constant 112 : index
      %get3A_575 = tpu.vector_load %arg7[%get3A_573, %get3A_574] {strides = array<i32>} : memref<16x768xf32, #tpu.memory_space<vmem>>, vector<1x16xf32>,
      %get3A_576 = vector.shape_cast %get3A_575 : vector<1x16xf32> to vector<16xf32>
      %get3A_577 = arith.index_cast %shift_right_logical3A_544 : i32 to index
      %get3A_578 = arith.constant 128 : index
      %get3A_579 = tpu.vector_load %arg7[%get3A_577, %get3A_578] {strides = array<i32>} : memref<16x768xf32, #tpu.memory_space<vmem>>, vector<1x16xf32>,
      %get3A_580 = vector.shape_cast %get3A_579 : vector<1x16xf32> to vector<16xf32>
      %get3A_581 = arith.index_cast %shift_right_logical3A_544 : i32 to index
      %get3A_582 = arith.constant 144 : index
      %get3A_583 = tpu.vector_load %arg7[%get3A_581, %get3A_582] {strides = array<i32>} : memref<16x768xf32, #tpu.memory_space<vmem>>, vector<1x16xf32>,
      %get3A_584 = vector.shape_cast %get3A_583 : vector<1x16xf32> to vector<16xf32>
      %get3A_585 = arith.index_cast %shift_right_logical3A_544 : i32 to index
      %get3A_586 = arith.constant 160 : index
      %get3A_587 = tpu.vector_load %arg7[%get3A_585, %get3A_586] {strides = array<i32>} : memref<16x768xf32, #tpu.memory_space<vmem>>, vector<1x16xf32>,
      %get3A_588 = vector.shape_cast %get3A_587 : vector<1x16xf32> to vector<16xf32>
      %get3A_589 = arith.index_cast %shift_right_logical3A_544 : i32 to index
      %get3A_590 = arith.constant 176 : index
      %get3A_591 = tpu.vector_load %arg7[%get3A_589, %get3A_590] {strides = array<i32>} : memref<16x768xf32, #tpu.memory_space<vmem>>, vector<1x16xf32>,
      %get3A_592 = vector.shape_cast %get3A_591 : vector<1x16xf32> to vector<16xf32>
      %get3A_593 = arith.index_cast %shift_right_logical3A_544 : i32 to index
      %get3A_594 = arith.constant 192 : index
      %get3A_595 = tpu.vector_load %arg7[%get3A_593, %get3A_594] {strides = array<i32>} : memref<16x768xf32, #tpu.memory_space<vmem>>, vector<1x16xf32>,
      %get3A_596 = vector.shape_cast %get3A_595 : vector<1x16xf32> to vector<16xf32>
      %get3A_597 = arith.index_cast %shift_right_logical3A_544 : i32 to index
      %get3A_598 = arith.constant 208 : index
      %get3A_599 = tpu.vector_load %arg7[%get3A_597, %get3A_598] {strides = array<i32>} : memref<16x768xf32, #tpu.memory_space<vmem>>, vector<1x16xf32>,
      %get3A_600 = vector.shape_cast %get3A_599 : vector<1x16xf32> to vector<16xf32>
      %get3A_601 = arith.index_cast %shift_right_logical3A_544 : i32 to index
      %get3A_602 = arith.constant 224 : index
      %get3A_603 = tpu.vector_load %arg7[%get3A_601, %get3A_602] {strides = array<i32>} : memref<16x768xf32, #tpu.memory_space<vmem>>, vector<1x16xf32>,
      %get3A_604 = vector.shape_cast %get3A_603 : vector<1x16xf32> to vector<16xf32>
      %get3A_605 = arith.index_cast %shift_right_logical3A_544 : i32 to index
      %get3A_606 = arith.constant 240 : index
      %get3A_607 = tpu.vector_load %arg7[%get3A_605, %get3A_606] {strides = array<i32>} : memref<16x768xf32, #tpu.memory_space<vmem>>, vector<1x16xf32>,
      %get3A_608 = vector.shape_cast %get3A_607 : vector<1x16xf32> to vector<16xf32>
      %get3A_609 = arith.index_cast %shift_right_logical3A_544 : i32 to index
      %get3A_610 = arith.constant 256 : index
      %get3A_611 = tpu.vector_load %arg7[%get3A_609, %get3A_610] {strides = array<i32>} : memref<16x768xf32, #tpu.memory_space<vmem>>, vector<1x16xf32>,
      %get3A_612 = vector.shape_cast %get3A_611 : vector<1x16xf32> to vector<16xf32>
      %get3A_613 = arith.index_cast %shift_right_logical3A_544 : i32 to index
      %get3A_614 = arith.constant 272 : index
      %get3A_615 = tpu.vector_load %arg7[%get3A_613, %get3A_614] {strides = array<i32>} : memref<16x768xf32, #tpu.memory_space<vmem>>, vector<1x16xf32>,
      %get3A_616 = vector.shape_cast %get3A_615 : vector<1x16xf32> to vector<16xf32>
      %get3A_617 = arith.index_cast %shift_right_logical3A_544 : i32 to index
      %get3A_618 = arith.constant 288 : index
      %get3A_619 = tpu.vector_load %arg7[%get3A_617, %get3A_618] {strides = array<i32>} : memref<16x768xf32, #tpu.memory_space<vmem>>, vector<1x16xf32>,
      %get3A_620 = vector.shape_cast %get3A_619 : vector<1x16xf32> to vector<16xf32>
      %get3A_621 = arith.index_cast %shift_right_logical3A_544 : i32 to index
      %get3A_622 = arith.constant 304 : index
      %get3A_623 = tpu.vector_load %arg7[%get3A_621, %get3A_622] {strides = array<i32>} : memref<16x768xf32, #tpu.memory_space<vmem>>, vector<1x16xf32>,
      %get3A_624 = vector.shape_cast %get3A_623 : vector<1x16xf32> to vector<16xf32>
      %get3A_625 = arith.index_cast %shift_right_logical3A_544 : i32 to index
      %get3A_626 = arith.constant 320 : index
      %get3A_627 = tpu.vector_load %arg7[%get3A_625, %get3A_626] {strides = array<i32>} : memref<16x768xf32, #tpu.memory_space<vmem>>, vector<1x16xf32>,
      %get3A_628 = vector.shape_cast %get3A_627 : vector<1x16xf32> to vector<16xf32>
      %get3A_629 = arith.index_cast %shift_right_logical3A_544 : i32 to index
      %get3A_630 = arith.constant 336 : index
      %get3A_631 = tpu.vector_load %arg7[%get3A_629, %get3A_630] {strides = array<i32>} : memref<16x768xf32, #tpu.memory_space<vmem>>, vector<1x16xf32>,
      %get3A_632 = vector.shape_cast %get3A_631 : vector<1x16xf32> to vector<16xf32>
      %get3A_633 = arith.index_cast %shift_right_logical3A_544 : i32 to index
      %get3A_634 = arith.constant 352 : index
      %get3A_635 = tpu.vector_load %arg7[%get3A_633, %get3A_634] {strides = array<i32>} : memref<16x768xf32, #tpu.memory_space<vmem>>, vector<1x16xf32>,
      %get3A_636 = vector.shape_cast %get3A_635 : vector<1x16xf32> to vector<16xf32>
      %get3A_637 = arith.index_cast %shift_right_logical3A_544 : i32 to index
      %get3A_638 = arith.constant 368 : index
      %get3A_639 = tpu.vector_load %arg7[%get3A_637, %get3A_638] {strides = array<i32>} : memref<16x768xf32, #tpu.memory_space<vmem>>, vector<1x16xf32>,
      %get3A_640 = vector.shape_cast %get3A_639 : vector<1x16xf32> to vector<16xf32>
      %parallel_loop3A_641 = arith.constant 0 : i32
      %parallel_loop3A_642 = arith.constant 32 : i32
      %parallel_loop3A_643 = arith.constant 1 : i32
      scf.for %parallel_loop3A_990 = %parallel_loop3A_641 to %parallel_loop3A_642 step %parallel_loop3A_643  : i32 {
        %parallel_loop3A_991 = arith.index_cast %parallel_loop3A_990 : i32 to index
        %parallel_loop3A_992 = arith.constant 0 : index
        %parallel_loop3A_993 = tpu.vector_load %arg10[%parallel_loop3A_991, %parallel_loop3A_992] {strides = array<i32>} : memref<32x768xf32, #tpu.memory_space<vmem>>, vector<1x16xf32>,
        %parallel_loop3A_994 = vector.shape_cast %parallel_loop3A_993 : vector<1x16xf32> to vector<16xf32>
        %parallel_loop3A_995 = arith.addf %parallel_loop3A_994, %get3A_548 : vector<16xf32>
        %parallel_loop3A_996 = arith.index_cast %parallel_loop3A_990 : i32 to index
        %parallel_loop3A_997 = arith.constant 0 : index
        %parallel_loop3A_998 = tpu.vector_load %arg10[%parallel_loop3A_996, %parallel_loop3A_997] {strides = array<i32>} : memref<32x768xf32, #tpu.memory_space<vmem>>, vector<1x16xf32>,
        %parallel_loop3A_999 = vector.shape_cast %parallel_loop3A_998 : vector<1x16xf32> to vector<16xf32>
        %parallel_loop3A_1000 = vector.shape_cast %parallel_loop3A_995 : vector<16xf32> to vector<1x16xf32>
        tpu.vector_store %arg10[%parallel_loop3A_996, %parallel_loop3A_997], %parallel_loop3A_1000 {strides = array<i32>} : memref<32x768xf32, #tpu.memory_space<vmem>>, vector<1x16xf32>,
        %parallel_loop3A_1001 = arith.index_cast %parallel_loop3A_990 : i32 to index
        %parallel_loop3A_1002 = arith.constant 16 : index
        %parallel_loop3A_1003 = tpu.vector_load %arg10[%parallel_loop3A_1001, %parallel_loop3A_1002] {strides = array<i32>} : memref<32x768xf32, #tpu.memory_space<vmem>>, vector<1x16xf32>,
        %parallel_loop3A_1004 = vector.shape_cast %parallel_loop3A_1003 : vector<1x16xf32> to vector<16xf32>
        %parallel_loop3A_1005 = arith.addf %parallel_loop3A_1004, %get3A_552 : vector<16xf32>
        %parallel_loop3A_1006 = arith.index_cast %parallel_loop3A_990 : i32 to index
        %parallel_loop3A_1007 = arith.constant 16 : index
        %parallel_loop3A_1008 = tpu.vector_load %arg10[%parallel_loop3A_1006, %parallel_loop3A_1007] {strides = array<i32>} : memref<32x768xf32, #tpu.memory_space<vmem>>, vector<1x16xf32>,
        %parallel_loop3A_1009 = vector.shape_cast %parallel_loop3A_1008 : vector<1x16xf32> to vector<16xf32>
        %parallel_loop3A_1010 = vector.shape_cast %parallel_loop3A_1005 : vector<16xf32> to vector<1x16xf32>
        tpu.vector_store %arg10[%parallel_loop3A_1006, %parallel_loop3A_1007], %parallel_loop3A_1010 {strides = array<i32>} : memref<32x768xf32, #tpu.memory_space<vmem>>, vector<1x16xf32>,
        %parallel_loop3A_1011 = arith.index_cast %parallel_loop3A_990 : i32 to index
        %parallel_loop3A_1012 = arith.constant 32 : index
        %parallel_loop3A_1013 = tpu.vector_load %arg10[%parallel_loop3A_1011, %parallel_loop3A_1012] {strides = array<i32>} : memref<32x768xf32, #tpu.memory_space<vmem>>, vector<1x16xf32>,
        %parallel_loop3A_1014 = vector.shape_cast %parallel_loop3A_1013 : vector<1x16xf32> to vector<16xf32>
        %parallel_loop3A_1015 = arith.addf %parallel_loop3A_1014, %get3A_556 : vector<16xf32>
        %parallel_loop3A_1016 = arith.index_cast %parallel_loop3A_990 : i32 to index
        %parallel_loop3A_1017 = arith.constant 32 : index
        %parallel_loop3A_1018 = tpu.vector_load %arg10[%parallel_loop3A_1016, %parallel_loop3A_1017] {strides = array<i32>} : memref<32x768xf32, #tpu.memory_space<vmem>>, vector<1x16xf32>,
        %parallel_loop3A_1019 = vector.shape_cast %parallel_loop3A_1018 : vector<1x16xf32> to vector<16xf32>
        %parallel_loop3A_1020 = vector.shape_cast %parallel_loop3A_1015 : vector<16xf32> to vector<1x16xf32>
        tpu.vector_store %arg10[%parallel_loop3A_1016, %parallel_loop3A_1017], %parallel_loop3A_1020 {strides = array<i32>} : memref<32x768xf32, #tpu.memory_space<vmem>>, vector<1x16xf32>,
        %parallel_loop3A_1021 = arith.index_cast %parallel_loop3A_990 : i32 to index
        %parallel_loop3A_1022 = arith.constant 48 : index
        %parallel_loop3A_1023 = tpu.vector_load %arg10[%parallel_loop3A_1021, %parallel_loop3A_1022] {strides = array<i32>} : memref<32x768xf32, #tpu.memory_space<vmem>>, vector<1x16xf32>,
        %parallel_loop3A_1024 = vector.shape_cast %parallel_loop3A_1023 : vector<1x16xf32> to vector<16xf32>
        %parallel_loop3A_1025 = arith.addf %parallel_loop3A_1024, %get3A_560 : vector<16xf32>
        %parallel_loop3A_1026 = arith.index_cast %parallel_loop3A_990 : i32 to index
        %parallel_loop3A_1027 = arith.constant 48 : index
        %parallel_loop3A_1028 = tpu.vector_load %arg10[%parallel_loop3A_1026, %parallel_loop3A_1027] {strides = array<i32>} : memref<32x768xf32, #tpu.memory_space<vmem>>, vector<1x16xf32>,
        %parallel_loop3A_1029 = vector.shape_cast %parallel_loop3A_1028 : vector<1x16xf32> to vector<16xf32>
        %parallel_loop3A_1030 = vector.shape_cast %parallel_loop3A_1025 : vector<16xf32> to vector<1x16xf32>
        tpu.vector_store %arg10[%parallel_loop3A_1026, %parallel_loop3A_1027], %parallel_loop3A_1030 {strides = array<i32>} : memref<32x768xf32, #tpu.memory_space<vmem>>, vector<1x16xf32>,
        %parallel_loop3A_1031 = arith.index_cast %parallel_loop3A_990 : i32 to index
        %parallel_loop3A_1032 = arith.constant 64 : index
        %parallel_loop3A_1033 = tpu.vector_load %arg10[%parallel_loop3A_1031, %parallel_loop3A_1032] {strides = array<i32>} : memref<32x768xf32, #tpu.memory_space<vmem>>, vector<1x16xf32>,
        %parallel_loop3A_1034 = vector.shape_cast %parallel_loop3A_1033 : vector<1x16xf32> to vector<16xf32>
        %parallel_loop3A_1035 = arith.addf %parallel_loop3A_1034, %get3A_564 : vector<16xf32>
        %parallel_loop3A_1036 = arith.index_cast %parallel_loop3A_990 : i32 to index
        %parallel_loop3A_1037 = arith.constant 64 : index
        %parallel_loop3A_1038 = tpu.vector_load %arg10[%parallel_loop3A_1036, %parallel_loop3A_1037] {strides = array<i32>} : memref<32x768xf32, #tpu.memory_space<vmem>>, vector<1x16xf32>,
        %parallel_loop3A_1039 = vector.shape_cast %parallel_loop3A_1038 : vector<1x16xf32> to vector<16xf32>
        %parallel_loop3A_1040 = vector.shape_cast %parallel_loop3A_1035 : vector<16xf32> to vector<1x16xf32>
        tpu.vector_store %arg10[%parallel_loop3A_1036, %parallel_loop3A_1037], %parallel_loop3A_1040 {strides = array<i32>} : memref<32x768xf32, #tpu.memory_space<vmem>>, vector<1x16xf32>,
        %parallel_loop3A_1041 = arith.index_cast %parallel_loop3A_990 : i32 to index
        %parallel_loop3A_1042 = arith.constant 80 : index
        %parallel_loop3A_1043 = tpu.vector_load %arg10[%parallel_loop3A_1041, %parallel_loop3A_1042] {strides = array<i32>} : memref<32x768xf32, #tpu.memory_space<vmem>>, vector<1x16xf32>,
        %parallel_loop3A_1044 = vector.shape_cast %parallel_loop3A_1043 : vector<1x16xf32> to vector<16xf32>
        %parallel_loop3A_1045 = arith.addf %parallel_loop3A_1044, %get3A_568 : vector<16xf32>
        %parallel_loop3A_1046 = arith.index_cast %parallel_loop3A_990 : i32 to index
        %parallel_loop3A_1047 = arith.constant 80 : index
        %parallel_loop3A_1048 = tpu.vector_load %arg10[%parallel_loop3A_1046, %parallel_loop3A_1047] {strides = array<i32>} : memref<32x768xf32, #tpu.memory_space<vmem>>, vector<1x16xf32>,
        %parallel_loop3A_1049 = vector.shape_cast %parallel_loop3A_1048 : vector<1x16xf32> to vector<16xf32>
        %parallel_loop3A_1050 = vector.shape_cast %parallel_loop3A_1045 : vector<16xf32> to vector<1x16xf32>
        tpu.vector_store %arg10[%parallel_loop3A_1046, %parallel_loop3A_1047], %parallel_loop3A_1050 {strides = array<i32>} : memref<32x768xf32, #tpu.memory_space<vmem>>, vector<1x16xf32>,
        %parallel_loop3A_1051 = arith.index_cast %parallel_loop3A_990 : i32 to index
        %parallel_loop3A_1052 = arith.constant 96 : index
        %parallel_loop3A_1053 = tpu.vector_load %arg10[%parallel_loop3A_1051, %parallel_loop3A_1052] {strides = array<i32>} : memref<32x768xf32, #tpu.memory_space<vmem>>, vector<1x16xf32>,
        %parallel_loop3A_1054 = vector.shape_cast %parallel_loop3A_1053 : vector<1x16xf32> to vector<16xf32>
        %parallel_loop3A_1055 = arith.addf %parallel_loop3A_1054, %get3A_572 : vector<16xf32>
        %parallel_loop3A_1056 = arith.index_cast %parallel_loop3A_990 : i32 to index
        %parallel_loop3A_1057 = arith.constant 96 : index
        %parallel_loop3A_1058 = tpu.vector_load %arg10[%parallel_loop3A_1056, %parallel_loop3A_1057] {strides = array<i32>} : memref<32x768xf32, #tpu.memory_space<vmem>>, vector<1x16xf32>,
        %parallel_loop3A_1059 = vector.shape_cast %parallel_loop3A_1058 : vector<1x16xf32> to vector<16xf32>
        %parallel_loop3A_1060 = vector.shape_cast %parallel_loop3A_1055 : vector<16xf32> to vector<1x16xf32>
        tpu.vector_store %arg10[%parallel_loop3A_1056, %parallel_loop3A_1057], %parallel_loop3A_1060 {strides = array<i32>} : memref<32x768xf32, #tpu.memory_space<vmem>>, vector<1x16xf32>,
        %parallel_loop3A_1061 = arith.index_cast %parallel_loop3A_990 : i32 to index
        %parallel_loop3A_1062 = arith.constant 112 : index
        %parallel_loop3A_1063 = tpu.vector_load %arg10[%parallel_loop3A_1061, %parallel_loop3A_1062] {strides = array<i32>} : memref<32x768xf32, #tpu.memory_space<vmem>>, vector<1x16xf32>,
        %parallel_loop3A_1064 = vector.shape_cast %parallel_loop3A_1063 : vector<1x16xf32> to vector<16xf32>
        %parallel_loop3A_1065 = arith.addf %parallel_loop3A_1064, %get3A_576 : vector<16xf32>
        %parallel_loop3A_1066 = arith.index_cast %parallel_loop3A_990 : i32 to index
        %parallel_loop3A_1067 = arith.constant 112 : index
        %parallel_loop3A_1068 = tpu.vector_load %arg10[%parallel_loop3A_1066, %parallel_loop3A_1067] {strides = array<i32>} : memref<32x768xf32, #tpu.memory_space<vmem>>, vector<1x16xf32>,
        %parallel_loop3A_1069 = vector.shape_cast %parallel_loop3A_1068 : vector<1x16xf32> to vector<16xf32>
        %parallel_loop3A_1070 = vector.shape_cast %parallel_loop3A_1065 : vector<16xf32> to vector<1x16xf32>
        tpu.vector_store %arg10[%parallel_loop3A_1066, %parallel_loop3A_1067], %parallel_loop3A_1070 {strides = array<i32>} : memref<32x768xf32, #tpu.memory_space<vmem>>, vector<1x16xf32>,
        %parallel_loop3A_1071 = arith.index_cast %parallel_loop3A_990 : i32 to index
        %parallel_loop3A_1072 = arith.constant 128 : index
        %parallel_loop3A_1073 = tpu.vector_load %arg10[%parallel_loop3A_1071, %parallel_loop3A_1072] {strides = array<i32>} : memref<32x768xf32, #tpu.memory_space<vmem>>, vector<1x16xf32>,
        %parallel_loop3A_1074 = vector.shape_cast %parallel_loop3A_1073 : vector<1x16xf32> to vector<16xf32>
        %parallel_loop3A_1075 = arith.addf %parallel_loop3A_1074, %get3A_580 : vector<16xf32>
        %parallel_loop3A_1076 = arith.index_cast %parallel_loop3A_990 : i32 to index
        %parallel_loop3A_1077 = arith.constant 128 : index
        %parallel_loop3A_1078 = tpu.vector_load %arg10[%parallel_loop3A_1076, %parallel_loop3A_1077] {strides = array<i32>} : memref<32x768xf32, #tpu.memory_space<vmem>>, vector<1x16xf32>,
        %parallel_loop3A_1079 = vector.shape_cast %parallel_loop3A_1078 : vector<1x16xf32> to vector<16xf32>
        %parallel_loop3A_1080 = vector.shape_cast %parallel_loop3A_1075 : vector<16xf32> to vector<1x16xf32>
        tpu.vector_store %arg10[%parallel_loop3A_1076, %parallel_loop3A_1077], %parallel_loop3A_1080 {strides = array<i32>} : memref<32x768xf32, #tpu.memory_space<vmem>>, vector<1x16xf32>,
        %parallel_loop3A_1081 = arith.index_cast %parallel_loop3A_990 : i32 to index
        %parallel_loop3A_1082 = arith.constant 144 : index
        %parallel_loop3A_1083 = tpu.vector_load %arg10[%parallel_loop3A_1081, %parallel_loop3A_1082] {strides = array<i32>} : memref<32x768xf32, #tpu.memory_space<vmem>>, vector<1x16xf32>,
        %parallel_loop3A_1084 = vector.shape_cast %parallel_loop3A_1083 : vector<1x16xf32> to vector<16xf32>
        %parallel_loop3A_1085 = arith.addf %parallel_loop3A_1084, %get3A_584 : vector<16xf32>
        %parallel_loop3A_1086 = arith.index_cast %parallel_loop3A_990 : i32 to index
        %parallel_loop3A_1087 = arith.constant 144 : index
        %parallel_loop3A_1088 = tpu.vector_load %arg10[%parallel_loop3A_1086, %parallel_loop3A_1087] {strides = array<i32>} : memref<32x768xf32, #tpu.memory_space<vmem>>, vector<1x16xf32>,
        %parallel_loop3A_1089 = vector.shape_cast %parallel_loop3A_1088 : vector<1x16xf32> to vector<16xf32>
        %parallel_loop3A_1090 = vector.shape_cast %parallel_loop3A_1085 : vector<16xf32> to vector<1x16xf32>
        tpu.vector_store %arg10[%parallel_loop3A_1086, %parallel_loop3A_1087], %parallel_loop3A_1090 {strides = array<i32>} : memref<32x768xf32, #tpu.memory_space<vmem>>, vector<1x16xf32>,
        %parallel_loop3A_1091 = arith.index_cast %parallel_loop3A_990 : i32 to index
        %parallel_loop3A_1092 = arith.constant 160 : index
        %parallel_loop3A_1093 = tpu.vector_load %arg10[%parallel_loop3A_1091, %parallel_loop3A_1092] {strides = array<i32>} : memref<32x768xf32, #tpu.memory_space<vmem>>, vector<1x16xf32>,
        %parallel_loop3A_1094 = vector.shape_cast %parallel_loop3A_1093 : vector<1x16xf32> to vector<16xf32>
        %parallel_loop3A_1095 = arith.addf %parallel_loop3A_1094, %get3A_588 : vector<16xf32>
        %parallel_loop3A_1096 = arith.index_cast %parallel_loop3A_990 : i32 to index
        %parallel_loop3A_1097 = arith.constant 160 : index
        %parallel_loop3A_1098 = tpu.vector_load %arg10[%parallel_loop3A_1096, %parallel_loop3A_1097] {strides = array<i32>} : memref<32x768xf32, #tpu.memory_space<vmem>>, vector<1x16xf32>,
        %parallel_loop3A_1099 = vector.shape_cast %parallel_loop3A_1098 : vector<1x16xf32> to vector<16xf32>
        %parallel_loop3A_1100 = vector.shape_cast %parallel_loop3A_1095 : vector<16xf32> to vector<1x16xf32>
        tpu.vector_store %arg10[%parallel_loop3A_1096, %parallel_loop3A_1097], %parallel_loop3A_1100 {strides = array<i32>} : memref<32x768xf32, #tpu.memory_space<vmem>>, vector<1x16xf32>,
        %parallel_loop3A_1101 = arith.index_cast %parallel_loop3A_990 : i32 to index
        %parallel_loop3A_1102 = arith.constant 176 : index
        %parallel_loop3A_1103 = tpu.vector_load %arg10[%parallel_loop3A_1101, %parallel_loop3A_1102] {strides = array<i32>} : memref<32x768xf32, #tpu.memory_space<vmem>>, vector<1x16xf32>,
        %parallel_loop3A_1104 = vector.shape_cast %parallel_loop3A_1103 : vector<1x16xf32> to vector<16xf32>
        %parallel_loop3A_1105 = arith.addf %parallel_loop3A_1104, %get3A_592 : vector<16xf32>
        %parallel_loop3A_1106 = arith.index_cast %parallel_loop3A_990 : i32 to index
        %parallel_loop3A_1107 = arith.constant 176 : index
        %parallel_loop3A_1108 = tpu.vector_load %arg10[%parallel_loop3A_1106, %parallel_loop3A_1107] {strides = array<i32>} : memref<32x768xf32, #tpu.memory_space<vmem>>, vector<1x16xf32>,
        %parallel_loop3A_1109 = vector.shape_cast %parallel_loop3A_1108 : vector<1x16xf32> to vector<16xf32>
        %parallel_loop3A_1110 = vector.shape_cast %parallel_loop3A_1105 : vector<16xf32> to vector<1x16xf32>
        tpu.vector_store %arg10[%parallel_loop3A_1106, %parallel_loop3A_1107], %parallel_loop3A_1110 {strides = array<i32>} : memref<32x768xf32, #tpu.memory_space<vmem>>, vector<1x16xf32>,
        %parallel_loop3A_1111 = arith.index_cast %parallel_loop3A_990 : i32 to index
        %parallel_loop3A_1112 = arith.constant 192 : index
        %parallel_loop3A_1113 = tpu.vector_load %arg10[%parallel_loop3A_1111, %parallel_loop3A_1112] {strides = array<i32>} : memref<32x768xf32, #tpu.memory_space<vmem>>, vector<1x16xf32>,
        %parallel_loop3A_1114 = vector.shape_cast %parallel_loop3A_1113 : vector<1x16xf32> to vector<16xf32>
        %parallel_loop3A_1115 = arith.addf %parallel_loop3A_1114, %get3A_596 : vector<16xf32>
        %parallel_loop3A_1116 = arith.index_cast %parallel_loop3A_990 : i32 to index
        %parallel_loop3A_1117 = arith.constant 192 : index
        %parallel_loop3A_1118 = tpu.vector_load %arg10[%parallel_loop3A_1116, %parallel_loop3A_1117] {strides = array<i32>} : memref<32x768xf32, #tpu.memory_space<vmem>>, vector<1x16xf32>,
        %parallel_loop3A_1119 = vector.shape_cast %parallel_loop3A_1118 : vector<1x16xf32> to vector<16xf32>
        %parallel_loop3A_1120 = vector.shape_cast %parallel_loop3A_1115 : vector<16xf32> to vector<1x16xf32>
        tpu.vector_store %arg10[%parallel_loop3A_1116, %parallel_loop3A_1117], %parallel_loop3A_1120 {strides = array<i32>} : memref<32x768xf32, #tpu.memory_space<vmem>>, vector<1x16xf32>,
        %parallel_loop3A_1121 = arith.index_cast %parallel_loop3A_990 : i32 to index
        %parallel_loop3A_1122 = arith.constant 208 : index
        %parallel_loop3A_1123 = tpu.vector_load %arg10[%parallel_loop3A_1121, %parallel_loop3A_1122] {strides = array<i32>} : memref<32x768xf32, #tpu.memory_space<vmem>>, vector<1x16xf32>,
        %parallel_loop3A_1124 = vector.shape_cast %parallel_loop3A_1123 : vector<1x16xf32> to vector<16xf32>
        %parallel_loop3A_1125 = arith.addf %parallel_loop3A_1124, %get3A_600 : vector<16xf32>
        %parallel_loop3A_1126 = arith.index_cast %parallel_loop3A_990 : i32 to index
        %parallel_loop3A_1127 = arith.constant 208 : index
        %parallel_loop3A_1128 = tpu.vector_load %arg10[%parallel_loop3A_1126, %parallel_loop3A_1127] {strides = array<i32>} : memref<32x768xf32, #tpu.memory_space<vmem>>, vector<1x16xf32>,
        %parallel_loop3A_1129 = vector.shape_cast %parallel_loop3A_1128 : vector<1x16xf32> to vector<16xf32>
        %parallel_loop3A_1130 = vector.shape_cast %parallel_loop3A_1125 : vector<16xf32> to vector<1x16xf32>
        tpu.vector_store %arg10[%parallel_loop3A_1126, %parallel_loop3A_1127], %parallel_loop3A_1130 {strides = array<i32>} : memref<32x768xf32, #tpu.memory_space<vmem>>, vector<1x16xf32>,
        %parallel_loop3A_1131 = arith.index_cast %parallel_loop3A_990 : i32 to index
        %parallel_loop3A_1132 = arith.constant 224 : index
        %parallel_loop3A_1133 = tpu.vector_load %arg10[%parallel_loop3A_1131, %parallel_loop3A_1132] {strides = array<i32>} : memref<32x768xf32, #tpu.memory_space<vmem>>, vector<1x16xf32>,
        %parallel_loop3A_1134 = vector.shape_cast %parallel_loop3A_1133 : vector<1x16xf32> to vector<16xf32>
        %parallel_loop3A_1135 = arith.addf %parallel_loop3A_1134, %get3A_604 : vector<16xf32>
        %parallel_loop3A_1136 = arith.index_cast %parallel_loop3A_990 : i32 to index
        %parallel_loop3A_1137 = arith.constant 224 : index
        %parallel_loop3A_1138 = tpu.vector_load %arg10[%parallel_loop3A_1136, %parallel_loop3A_1137] {strides = array<i32>} : memref<32x768xf32, #tpu.memory_space<vmem>>, vector<1x16xf32>,
        %parallel_loop3A_1139 = vector.shape_cast %parallel_loop3A_1138 : vector<1x16xf32> to vector<16xf32>
        %parallel_loop3A_1140 = vector.shape_cast %parallel_loop3A_1135 : vector<16xf32> to vector<1x16xf32>
        tpu.vector_store %arg10[%parallel_loop3A_1136, %parallel_loop3A_1137], %parallel_loop3A_1140 {strides = array<i32>} : memref<32x768xf32, #tpu.memory_space<vmem>>, vector<1x16xf32>,
        %parallel_loop3A_1141 = arith.index_cast %parallel_loop3A_990 : i32 to index
        %parallel_loop3A_1142 = arith.constant 240 : index
        %parallel_loop3A_1143 = tpu.vector_load %arg10[%parallel_loop3A_1141, %parallel_loop3A_1142] {strides = array<i32>} : memref<32x768xf32, #tpu.memory_space<vmem>>, vector<1x16xf32>,
        %parallel_loop3A_1144 = vector.shape_cast %parallel_loop3A_1143 : vector<1x16xf32> to vector<16xf32>
        %parallel_loop3A_1145 = arith.addf %parallel_loop3A_1144, %get3A_608 : vector<16xf32>
        %parallel_loop3A_1146 = arith.index_cast %parallel_loop3A_990 : i32 to index
        %parallel_loop3A_1147 = arith.constant 240 : index
        %parallel_loop3A_1148 = tpu.vector_load %arg10[%parallel_loop3A_1146, %parallel_loop3A_1147] {strides = array<i32>} : memref<32x768xf32, #tpu.memory_space<vmem>>, vector<1x16xf32>,
        %parallel_loop3A_1149 = vector.shape_cast %parallel_loop3A_1148 : vector<1x16xf32> to vector<16xf32>
        %parallel_loop3A_1150 = vector.shape_cast %parallel_loop3A_1145 : vector<16xf32> to vector<1x16xf32>
        tpu.vector_store %arg10[%parallel_loop3A_1146, %parallel_loop3A_1147], %parallel_loop3A_1150 {strides = array<i32>} : memref<32x768xf32, #tpu.memory_space<vmem>>, vector<1x16xf32>,
        %parallel_loop3A_1151 = arith.index_cast %parallel_loop3A_990 : i32 to index
        %parallel_loop3A_1152 = arith.constant 256 : index
        %parallel_loop3A_1153 = tpu.vector_load %arg10[%parallel_loop3A_1151, %parallel_loop3A_1152] {strides = array<i32>} : memref<32x768xf32, #tpu.memory_space<vmem>>, vector<1x16xf32>,
        %parallel_loop3A_1154 = vector.shape_cast %parallel_loop3A_1153 : vector<1x16xf32> to vector<16xf32>
        %parallel_loop3A_1155 = arith.addf %parallel_loop3A_1154, %get3A_612 : vector<16xf32>
        %parallel_loop3A_1156 = arith.index_cast %parallel_loop3A_990 : i32 to index
        %parallel_loop3A_1157 = arith.constant 256 : index
        %parallel_loop3A_1158 = tpu.vector_load %arg10[%parallel_loop3A_1156, %parallel_loop3A_1157] {strides = array<i32>} : memref<32x768xf32, #tpu.memory_space<vmem>>, vector<1x16xf32>,
        %parallel_loop3A_1159 = vector.shape_cast %parallel_loop3A_1158 : vector<1x16xf32> to vector<16xf32>
        %parallel_loop3A_1160 = vector.shape_cast %parallel_loop3A_1155 : vector<16xf32> to vector<1x16xf32>
        tpu.vector_store %arg10[%parallel_loop3A_1156, %parallel_loop3A_1157], %parallel_loop3A_1160 {strides = array<i32>} : memref<32x768xf32, #tpu.memory_space<vmem>>, vector<1x16xf32>,
        %parallel_loop3A_1161 = arith.index_cast %parallel_loop3A_990 : i32 to index
        %parallel_loop3A_1162 = arith.constant 272 : index
        %parallel_loop3A_1163 = tpu.vector_load %arg10[%parallel_loop3A_1161, %parallel_loop3A_1162] {strides = array<i32>} : memref<32x768xf32, #tpu.memory_space<vmem>>, vector<1x16xf32>,
        %parallel_loop3A_1164 = vector.shape_cast %parallel_loop3A_1163 : vector<1x16xf32> to vector<16xf32>
        %parallel_loop3A_1165 = arith.addf %parallel_loop3A_1164, %get3A_616 : vector<16xf32>
        %parallel_loop3A_1166 = arith.index_cast %parallel_loop3A_990 : i32 to index
        %parallel_loop3A_1167 = arith.constant 272 : index
        %parallel_loop3A_1168 = tpu.vector_load %arg10[%parallel_loop3A_1166, %parallel_loop3A_1167] {strides = array<i32>} : memref<32x768xf32, #tpu.memory_space<vmem>>, vector<1x16xf32>,
        %parallel_loop3A_1169 = vector.shape_cast %parallel_loop3A_1168 : vector<1x16xf32> to vector<16xf32>
        %parallel_loop3A_1170 = vector.shape_cast %parallel_loop3A_1165 : vector<16xf32> to vector<1x16xf32>
        tpu.vector_store %arg10[%parallel_loop3A_1166, %parallel_loop3A_1167], %parallel_loop3A_1170 {strides = array<i32>} : memref<32x768xf32, #tpu.memory_space<vmem>>, vector<1x16xf32>,
        %parallel_loop3A_1171 = arith.index_cast %parallel_loop3A_990 : i32 to index
        %parallel_loop3A_1172 = arith.constant 288 : index
        %parallel_loop3A_1173 = tpu.vector_load %arg10[%parallel_loop3A_1171, %parallel_loop3A_1172] {strides = array<i32>} : memref<32x768xf32, #tpu.memory_space<vmem>>, vector<1x16xf32>,
        %parallel_loop3A_1174 = vector.shape_cast %parallel_loop3A_1173 : vector<1x16xf32> to vector<16xf32>
        %parallel_loop3A_1175 = arith.addf %parallel_loop3A_1174, %get3A_620 : vector<16xf32>
        %parallel_loop3A_1176 = arith.index_cast %parallel_loop3A_990 : i32 to index
        %parallel_loop3A_1177 = arith.constant 288 : index
        %parallel_loop3A_1178 = tpu.vector_load %arg10[%parallel_loop3A_1176, %parallel_loop3A_1177] {strides = array<i32>} : memref<32x768xf32, #tpu.memory_space<vmem>>, vector<1x16xf32>,
        %parallel_loop3A_1179 = vector.shape_cast %parallel_loop3A_1178 : vector<1x16xf32> to vector<16xf32>
        %parallel_loop3A_1180 = vector.shape_cast %parallel_loop3A_1175 : vector<16xf32> to vector<1x16xf32>
        tpu.vector_store %arg10[%parallel_loop3A_1176, %parallel_loop3A_1177], %parallel_loop3A_1180 {strides = array<i32>} : memref<32x768xf32, #tpu.memory_space<vmem>>, vector<1x16xf32>,
        %parallel_loop3A_1181 = arith.index_cast %parallel_loop3A_990 : i32 to index
        %parallel_loop3A_1182 = arith.constant 304 : index
        %parallel_loop3A_1183 = tpu.vector_load %arg10[%parallel_loop3A_1181, %parallel_loop3A_1182] {strides = array<i32>} : memref<32x768xf32, #tpu.memory_space<vmem>>, vector<1x16xf32>,
        %parallel_loop3A_1184 = vector.shape_cast %parallel_loop3A_1183 : vector<1x16xf32> to vector<16xf32>
        %parallel_loop3A_1185 = arith.addf %parallel_loop3A_1184, %get3A_624 : vector<16xf32>
        %parallel_loop3A_1186 = arith.index_cast %parallel_loop3A_990 : i32 to index
        %parallel_loop3A_1187 = arith.constant 304 : index
        %parallel_loop3A_1188 = tpu.vector_load %arg10[%parallel_loop3A_1186, %parallel_loop3A_1187] {strides = array<i32>} : memref<32x768xf32, #tpu.memory_space<vmem>>, vector<1x16xf32>,
        %parallel_loop3A_1189 = vector.shape_cast %parallel_loop3A_1188 : vector<1x16xf32> to vector<16xf32>
        %parallel_loop3A_1190 = vector.shape_cast %parallel_loop3A_1185 : vector<16xf32> to vector<1x16xf32>
        tpu.vector_store %arg10[%parallel_loop3A_1186, %parallel_loop3A_1187], %parallel_loop3A_1190 {strides = array<i32>} : memref<32x768xf32, #tpu.memory_space<vmem>>, vector<1x16xf32>,
        %parallel_loop3A_1191 = arith.index_cast %parallel_loop3A_990 : i32 to index
        %parallel_loop3A_1192 = arith.constant 320 : index
        %parallel_loop3A_1193 = tpu.vector_load %arg10[%parallel_loop3A_1191, %parallel_loop3A_1192] {strides = array<i32>} : memref<32x768xf32, #tpu.memory_space<vmem>>, vector<1x16xf32>,
        %parallel_loop3A_1194 = vector.shape_cast %parallel_loop3A_1193 : vector<1x16xf32> to vector<16xf32>
        %parallel_loop3A_1195 = arith.addf %parallel_loop3A_1194, %get3A_628 : vector<16xf32>
        %parallel_loop3A_1196 = arith.index_cast %parallel_loop3A_990 : i32 to index
        %parallel_loop3A_1197 = arith.constant 320 : index
        %parallel_loop3A_1198 = tpu.vector_load %arg10[%parallel_loop3A_1196, %parallel_loop3A_1197] {strides = array<i32>} : memref<32x768xf32, #tpu.memory_space<vmem>>, vector<1x16xf32>,
        %parallel_loop3A_1199 = vector.shape_cast %parallel_loop3A_1198 : vector<1x16xf32> to vector<16xf32>
        %parallel_loop3A_1200 = vector.shape_cast %parallel_loop3A_1195 : vector<16xf32> to vector<1x16xf32>
        tpu.vector_store %arg10[%parallel_loop3A_1196, %parallel_loop3A_1197], %parallel_loop3A_1200 {strides = array<i32>} : memref<32x768xf32, #tpu.memory_space<vmem>>, vector<1x16xf32>,
        %parallel_loop3A_1201 = arith.index_cast %parallel_loop3A_990 : i32 to index
        %parallel_loop3A_1202 = arith.constant 336 : index
        %parallel_loop3A_1203 = tpu.vector_load %arg10[%parallel_loop3A_1201, %parallel_loop3A_1202] {strides = array<i32>} : memref<32x768xf32, #tpu.memory_space<vmem>>, vector<1x16xf32>,
        %parallel_loop3A_1204 = vector.shape_cast %parallel_loop3A_1203 : vector<1x16xf32> to vector<16xf32>
        %parallel_loop3A_1205 = arith.addf %parallel_loop3A_1204, %get3A_632 : vector<16xf32>
        %parallel_loop3A_1206 = arith.index_cast %parallel_loop3A_990 : i32 to index
        %parallel_loop3A_1207 = arith.constant 336 : index
        %parallel_loop3A_1208 = tpu.vector_load %arg10[%parallel_loop3A_1206, %parallel_loop3A_1207] {strides = array<i32>} : memref<32x768xf32, #tpu.memory_space<vmem>>, vector<1x16xf32>,
        %parallel_loop3A_1209 = vector.shape_cast %parallel_loop3A_1208 : vector<1x16xf32> to vector<16xf32>
        %parallel_loop3A_1210 = vector.shape_cast %parallel_loop3A_1205 : vector<16xf32> to vector<1x16xf32>
        tpu.vector_store %arg10[%parallel_loop3A_1206, %parallel_loop3A_1207], %parallel_loop3A_1210 {strides = array<i32>} : memref<32x768xf32, #tpu.memory_space<vmem>>, vector<1x16xf32>,
        %parallel_loop3A_1211 = arith.index_cast %parallel_loop3A_990 : i32 to index
        %parallel_loop3A_1212 = arith.constant 352 : index
        %parallel_loop3A_1213 = tpu.vector_load %arg10[%parallel_loop3A_1211, %parallel_loop3A_1212] {strides = array<i32>} : memref<32x768xf32, #tpu.memory_space<vmem>>, vector<1x16xf32>,
        %parallel_loop3A_1214 = vector.shape_cast %parallel_loop3A_1213 : vector<1x16xf32> to vector<16xf32>
        %parallel_loop3A_1215 = arith.addf %parallel_loop3A_1214, %get3A_636 : vector<16xf32>
        %parallel_loop3A_1216 = arith.index_cast %parallel_loop3A_990 : i32 to index
        %parallel_loop3A_1217 = arith.constant 352 : index
        %parallel_loop3A_1218 = tpu.vector_load %arg10[%parallel_loop3A_1216, %parallel_loop3A_1217] {strides = array<i32>} : memref<32x768xf32, #tpu.memory_space<vmem>>, vector<1x16xf32>,
        %parallel_loop3A_1219 = vector.shape_cast %parallel_loop3A_1218 : vector<1x16xf32> to vector<16xf32>
        %parallel_loop3A_1220 = vector.shape_cast %parallel_loop3A_1215 : vector<16xf32> to vector<1x16xf32>
        tpu.vector_store %arg10[%parallel_loop3A_1216, %parallel_loop3A_1217], %parallel_loop3A_1220 {strides = array<i32>} : memref<32x768xf32, #tpu.memory_space<vmem>>, vector<1x16xf32>,
        %parallel_loop3A_1221 = arith.index_cast %parallel_loop3A_990 : i32 to index
        %parallel_loop3A_1222 = arith.constant 368 : index
        %parallel_loop3A_1223 = tpu.vector_load %arg10[%parallel_loop3A_1221, %parallel_loop3A_1222] {strides = array<i32>} : memref<32x768xf32, #tpu.memory_space<vmem>>, vector<1x16xf32>,
        %parallel_loop3A_1224 = vector.shape_cast %parallel_loop3A_1223 : vector<1x16xf32> to vector<16xf32>
        %parallel_loop3A_1225 = arith.addf %parallel_loop3A_1224, %get3A_640 : vector<16xf32>
        %parallel_loop3A_1226 = arith.index_cast %parallel_loop3A_990 : i32 to index
        %parallel_loop3A_1227 = arith.constant 368 : index
        %parallel_loop3A_1228 = tpu.vector_load %arg10[%parallel_loop3A_1226, %parallel_loop3A_1227] {strides = array<i32>} : memref<32x768xf32, #tpu.memory_space<vmem>>, vector<1x16xf32>,
        %parallel_loop3A_1229 = vector.shape_cast %parallel_loop3A_1228 : vector<1x16xf32> to vector<16xf32>
        %parallel_loop3A_1230 = vector.shape_cast %parallel_loop3A_1225 : vector<16xf32> to vector<1x16xf32>
        tpu.vector_store %arg10[%parallel_loop3A_1226, %parallel_loop3A_1227], %parallel_loop3A_1230 {strides = array<i32>} : memref<32x768xf32, #tpu.memory_space<vmem>>, vector<1x16xf32>,
      } {sc.loop_unroll_factor = 1 : i64, sc.parallel_access}
      %get3A_644 = arith.index_cast %shift_right_logical3A_544 : i32 to index
      %get3A_645 = arith.constant 384 : index
      %get3A_646 = tpu.vector_load %arg7[%get3A_644, %get3A_645] {strides = array<i32>} : memref<16x768xf32, #tpu.memory_space<vmem>>, vector<1x16xf32>,
      %get3A_647 = vector.shape_cast %get3A_646 : vector<1x16xf32> to vector<16xf32>
      %get3A_648 = arith.index_cast %shift_right_logical3A_544 : i32 to index
      %get3A_649 = arith.constant 400 : index
      %get3A_650 = tpu.vector_load %arg7[%get3A_648, %get3A_649] {strides = array<i32>} : memref<16x768xf32, #tpu.memory_space<vmem>>, vector<1x16xf32>,
      %get3A_651 = vector.shape_cast %get3A_650 : vector<1x16xf32> to vector<16xf32>
      %get3A_652 = arith.index_cast %shift_right_logical3A_544 : i32 to index
      %get3A_653 = arith.constant 416 : index
      %get3A_654 = tpu.vector_load %arg7[%get3A_652, %get3A_653] {strides = array<i32>} : memref<16x768xf32, #tpu.memory_space<vmem>>, vector<1x16xf32>,
      %get3A_655 = vector.shape_cast %get3A_654 : vector<1x16xf32> to vector<16xf32>
      %get3A_656 = arith.index_cast %shift_right_logical3A_544 : i32 to index
      %get3A_657 = arith.constant 432 : index
      %get3A_658 = tpu.vector_load %arg7[%get3A_656, %get3A_657] {strides = array<i32>} : memref<16x768xf32, #tpu.memory_space<vmem>>, vector<1x16xf32>,
      %get3A_659 = vector.shape_cast %get3A_658 : vector<1x16xf32> to vector<16xf32>
      %get3A_660 = arith.index_cast %shift_right_logical3A_544 : i32 to index
      %get3A_661 = arith.constant 448 : index
      %get3A_662 = tpu.vector_load %arg7[%get3A_660, %get3A_661] {strides = array<i32>} : memref<16x768xf32, #tpu.memory_space<vmem>>, vector<1x16xf32>,
      %get3A_663 = vector.shape_cast %get3A_662 : vector<1x16xf32> to vector<16xf32>
      %get3A_664 = arith.index_cast %shift_right_logical3A_544 : i32 to index
      %get3A_665 = arith.constant 464 : index
      %get3A_666 = tpu.vector_load %arg7[%get3A_664, %get3A_665] {strides = array<i32>} : memref<16x768xf32, #tpu.memory_space<vmem>>, vector<1x16xf32>,
      %get3A_667 = vector.shape_cast %get3A_666 : vector<1x16xf32> to vector<16xf32>
      %get3A_668 = arith.index_cast %shift_right_logical3A_544 : i32 to index
      %get3A_669 = arith.constant 480 : index
      %get3A_670 = tpu.vector_load %arg7[%get3A_668, %get3A_669] {strides = array<i32>} : memref<16x768xf32, #tpu.memory_space<vmem>>, vector<1x16xf32>,
      %get3A_671 = vector.shape_cast %get3A_670 : vector<1x16xf32> to vector<16xf32>
      %get3A_672 = arith.index_cast %shift_right_logical3A_544 : i32 to index
      %get3A_673 = arith.constant 496 : index
      %get3A_674 = tpu.vector_load %arg7[%get3A_672, %get3A_673] {strides = array<i32>} : memref<16x768xf32, #tpu.memory_space<vmem>>, vector<1x16xf32>,
      %get3A_675 = vector.shape_cast %get3A_674 : vector<1x16xf32> to vector<16xf32>
      %get3A_676 = arith.index_cast %shift_right_logical3A_544 : i32 to index
      %get3A_677 = arith.constant 512 : index
      %get3A_678 = tpu.vector_load %arg7[%get3A_676, %get3A_677] {strides = array<i32>} : memref<16x768xf32, #tpu.memory_space<vmem>>, vector<1x16xf32>,
      %get3A_679 = vector.shape_cast %get3A_678 : vector<1x16xf32> to vector<16xf32>
      %get3A_680 = arith.index_cast %shift_right_logical3A_544 : i32 to index
      %get3A_681 = arith.constant 528 : index
      %get3A_682 = tpu.vector_load %arg7[%get3A_680, %get3A_681] {strides = array<i32>} : memref<16x768xf32, #tpu.memory_space<vmem>>, vector<1x16xf32>,
      %get3A_683 = vector.shape_cast %get3A_682 : vector<1x16xf32> to vector<16xf32>
      %get3A_684 = arith.index_cast %shift_right_logical3A_544 : i32 to index
      %get3A_685 = arith.constant 544 : index
      %get3A_686 = tpu.vector_load %arg7[%get3A_684, %get3A_685] {strides = array<i32>} : memref<16x768xf32, #tpu.memory_space<vmem>>, vector<1x16xf32>,
      %get3A_687 = vector.shape_cast %get3A_686 : vector<1x16xf32> to vector<16xf32>
      %get3A_688 = arith.index_cast %shift_right_logical3A_544 : i32 to index
      %get3A_689 = arith.constant 560 : index
      %get3A_690 = tpu.vector_load %arg7[%get3A_688, %get3A_689] {strides = array<i32>} : memref<16x768xf32, #tpu.memory_space<vmem>>, vector<1x16xf32>,
      %get3A_691 = vector.shape_cast %get3A_690 : vector<1x16xf32> to vector<16xf32>
      %get3A_692 = arith.index_cast %shift_right_logical3A_544 : i32 to index
      %get3A_693 = arith.constant 576 : index
      %get3A_694 = tpu.vector_load %arg7[%get3A_692, %get3A_693] {strides = array<i32>} : memref<16x768xf32, #tpu.memory_space<vmem>>, vector<1x16xf32>,
      %get3A_695 = vector.shape_cast %get3A_694 : vector<1x16xf32> to vector<16xf32>
      %get3A_696 = arith.index_cast %shift_right_logical3A_544 : i32 to index
      %get3A_697 = arith.constant 592 : index
      %get3A_698 = tpu.vector_load %arg7[%get3A_696, %get3A_697] {strides = array<i32>} : memref<16x768xf32, #tpu.memory_space<vmem>>, vector<1x16xf32>,
      %get3A_699 = vector.shape_cast %get3A_698 : vector<1x16xf32> to vector<16xf32>
      %get3A_700 = arith.index_cast %shift_right_logical3A_544 : i32 to index
      %get3A_701 = arith.constant 608 : index
      %get3A_702 = tpu.vector_load %arg7[%get3A_700, %get3A_701] {strides = array<i32>} : memref<16x768xf32, #tpu.memory_space<vmem>>, vector<1x16xf32>,
      %get3A_703 = vector.shape_cast %get3A_702 : vector<1x16xf32> to vector<16xf32>
      %get3A_704 = arith.index_cast %shift_right_logical3A_544 : i32 to index
      %get3A_705 = arith.constant 624 : index
      %get3A_706 = tpu.vector_load %arg7[%get3A_704, %get3A_705] {strides = array<i32>} : memref<16x768xf32, #tpu.memory_space<vmem>>, vector<1x16xf32>,
      %get3A_707 = vector.shape_cast %get3A_706 : vector<1x16xf32> to vector<16xf32>
      %get3A_708 = arith.index_cast %shift_right_logical3A_544 : i32 to index
      %get3A_709 = arith.constant 640 : index
      %get3A_710 = tpu.vector_load %arg7[%get3A_708, %get3A_709] {strides = array<i32>} : memref<16x768xf32, #tpu.memory_space<vmem>>, vector<1x16xf32>,
      %get3A_711 = vector.shape_cast %get3A_710 : vector<1x16xf32> to vector<16xf32>
      %get3A_712 = arith.index_cast %shift_right_logical3A_544 : i32 to index
      %get3A_713 = arith.constant 656 : index
      %get3A_714 = tpu.vector_load %arg7[%get3A_712, %get3A_713] {strides = array<i32>} : memref<16x768xf32, #tpu.memory_space<vmem>>, vector<1x16xf32>,
      %get3A_715 = vector.shape_cast %get3A_714 : vector<1x16xf32> to vector<16xf32>
      %get3A_716 = arith.index_cast %shift_right_logical3A_544 : i32 to index
      %get3A_717 = arith.constant 672 : index
      %get3A_718 = tpu.vector_load %arg7[%get3A_716, %get3A_717] {strides = array<i32>} : memref<16x768xf32, #tpu.memory_space<vmem>>, vector<1x16xf32>,
      %get3A_719 = vector.shape_cast %get3A_718 : vector<1x16xf32> to vector<16xf32>
      %get3A_720 = arith.index_cast %shift_right_logical3A_544 : i32 to index
      %get3A_721 = arith.constant 688 : index
      %get3A_722 = tpu.vector_load %arg7[%get3A_720, %get3A_721] {strides = array<i32>} : memref<16x768xf32, #tpu.memory_space<vmem>>, vector<1x16xf32>,
      %get3A_723 = vector.shape_cast %get3A_722 : vector<1x16xf32> to vector<16xf32>
      %get3A_724 = arith.index_cast %shift_right_logical3A_544 : i32 to index
      %get3A_725 = arith.constant 704 : index
      %get3A_726 = tpu.vector_load %arg7[%get3A_724, %get3A_725] {strides = array<i32>} : memref<16x768xf32, #tpu.memory_space<vmem>>, vector<1x16xf32>,
      %get3A_727 = vector.shape_cast %get3A_726 : vector<1x16xf32> to vector<16xf32>
      %get3A_728 = arith.index_cast %shift_right_logical3A_544 : i32 to index
      %get3A_729 = arith.constant 720 : index
      %get3A_730 = tpu.vector_load %arg7[%get3A_728, %get3A_729] {strides = array<i32>} : memref<16x768xf32, #tpu.memory_space<vmem>>, vector<1x16xf32>,
      %get3A_731 = vector.shape_cast %get3A_730 : vector<1x16xf32> to vector<16xf32>
      %get3A_732 = arith.index_cast %shift_right_logical3A_544 : i32 to index
      %get3A_733 = arith.constant 736 : index
      %get3A_734 = tpu.vector_load %arg7[%get3A_732, %get3A_733] {strides = array<i32>} : memref<16x768xf32, #tpu.memory_space<vmem>>, vector<1x16xf32>,
      %get3A_735 = vector.shape_cast %get3A_734 : vector<1x16xf32> to vector<16xf32>
      %get3A_736 = arith.index_cast %shift_right_logical3A_544 : i32 to index
      %get3A_737 = arith.constant 752 : index
      %get3A_738 = tpu.vector_load %arg7[%get3A_736, %get3A_737] {strides = array<i32>} : memref<16x768xf32, #tpu.memory_space<vmem>>, vector<1x16xf32>,
      %get3A_739 = vector.shape_cast %get3A_738 : vector<1x16xf32> to vector<16xf32>
      %parallel_loop3A_740 = arith.constant 0 : i32
      %parallel_loop3A_741 = arith.constant 32 : i32
      %parallel_loop3A_742 = arith.constant 1 : i32
      scf.for %parallel_loop3A_990 = %parallel_loop3A_740 to %parallel_loop3A_741 step %parallel_loop3A_742  : i32 {
        %parallel_loop3A_991 = arith.index_cast %parallel_loop3A_990 : i32 to index
        %parallel_loop3A_992 = arith.constant 384 : index
        %parallel_loop3A_993 = tpu.vector_load %arg10[%parallel_loop3A_991, %parallel_loop3A_992] {strides = array<i32>} : memref<32x768xf32, #tpu.memory_space<vmem>>, vector<1x16xf32>,
        %parallel_loop3A_994 = vector.shape_cast %parallel_loop3A_993 : vector<1x16xf32> to vector<16xf32>
        %parallel_loop3A_995 = arith.addf %parallel_loop3A_994, %get3A_647 : vector<16xf32>
        %parallel_loop3A_996 = arith.index_cast %parallel_loop3A_990 : i32 to index
        %parallel_loop3A_997 = arith.constant 384 : index
        %parallel_loop3A_998 = tpu.vector_load %arg10[%parallel_loop3A_996, %parallel_loop3A_997] {strides = array<i32>} : memref<32x768xf32, #tpu.memory_space<vmem>>, vector<1x16xf32>,
        %parallel_loop3A_999 = vector.shape_cast %parallel_loop3A_998 : vector<1x16xf32> to vector<16xf32>
        %parallel_loop3A_1000 = vector.shape_cast %parallel_loop3A_995 : vector<16xf32> to vector<1x16xf32>
        tpu.vector_store %arg10[%parallel_loop3A_996, %parallel_loop3A_997], %parallel_loop3A_1000 {strides = array<i32>} : memref<32x768xf32, #tpu.memory_space<vmem>>, vector<1x16xf32>,
        %parallel_loop3A_1001 = arith.index_cast %parallel_loop3A_990 : i32 to index
        %parallel_loop3A_1002 = arith.constant 400 : index
        %parallel_loop3A_1003 = tpu.vector_load %arg10[%parallel_loop3A_1001, %parallel_loop3A_1002] {strides = array<i32>} : memref<32x768xf32, #tpu.memory_space<vmem>>, vector<1x16xf32>,
        %parallel_loop3A_1004 = vector.shape_cast %parallel_loop3A_1003 : vector<1x16xf32> to vector<16xf32>
        %parallel_loop3A_1005 = arith.addf %parallel_loop3A_1004, %get3A_651 : vector<16xf32>
        %parallel_loop3A_1006 = arith.index_cast %parallel_loop3A_990 : i32 to index
        %parallel_loop3A_1007 = arith.constant 400 : index
        %parallel_loop3A_1008 = tpu.vector_load %arg10[%parallel_loop3A_1006, %parallel_loop3A_1007] {strides = array<i32>} : memref<32x768xf32, #tpu.memory_space<vmem>>, vector<1x16xf32>,
        %parallel_loop3A_1009 = vector.shape_cast %parallel_loop3A_1008 : vector<1x16xf32> to vector<16xf32>
        %parallel_loop3A_1010 = vector.shape_cast %parallel_loop3A_1005 : vector<16xf32> to vector<1x16xf32>
        tpu.vector_store %arg10[%parallel_loop3A_1006, %parallel_loop3A_1007], %parallel_loop3A_1010 {strides = array<i32>} : memref<32x768xf32, #tpu.memory_space<vmem>>, vector<1x16xf32>,
        %parallel_loop3A_1011 = arith.index_cast %parallel_loop3A_990 : i32 to index
        %parallel_loop3A_1012 = arith.constant 416 : index
        %parallel_loop3A_1013 = tpu.vector_load %arg10[%parallel_loop3A_1011, %parallel_loop3A_1012] {strides = array<i32>} : memref<32x768xf32, #tpu.memory_space<vmem>>, vector<1x16xf32>,
        %parallel_loop3A_1014 = vector.shape_cast %parallel_loop3A_1013 : vector<1x16xf32> to vector<16xf32>
        %parallel_loop3A_1015 = arith.addf %parallel_loop3A_1014, %get3A_655 : vector<16xf32>
        %parallel_loop3A_1016 = arith.index_cast %parallel_loop3A_990 : i32 to index
        %parallel_loop3A_1017 = arith.constant 416 : index
        %parallel_loop3A_1018 = tpu.vector_load %arg10[%parallel_loop3A_1016, %parallel_loop3A_1017] {strides = array<i32>} : memref<32x768xf32, #tpu.memory_space<vmem>>, vector<1x16xf32>,
        %parallel_loop3A_1019 = vector.shape_cast %parallel_loop3A_1018 : vector<1x16xf32> to vector<16xf32>
        %parallel_loop3A_1020 = vector.shape_cast %parallel_loop3A_1015 : vector<16xf32> to vector<1x16xf32>
        tpu.vector_store %arg10[%parallel_loop3A_1016, %parallel_loop3A_1017], %parallel_loop3A_1020 {strides = array<i32>} : memref<32x768xf32, #tpu.memory_space<vmem>>, vector<1x16xf32>,
        %parallel_loop3A_1021 = arith.index_cast %parallel_loop3A_990 : i32 to index
        %parallel_loop3A_1022 = arith.constant 432 : index
        %parallel_loop3A_1023 = tpu.vector_load %arg10[%parallel_loop3A_1021, %parallel_loop3A_1022] {strides = array<i32>} : memref<32x768xf32, #tpu.memory_space<vmem>>, vector<1x16xf32>,
        %parallel_loop3A_1024 = vector.shape_cast %parallel_loop3A_1023 : vector<1x16xf32> to vector<16xf32>
        %parallel_loop3A_1025 = arith.addf %parallel_loop3A_1024, %get3A_659 : vector<16xf32>
        %parallel_loop3A_1026 = arith.index_cast %parallel_loop3A_990 : i32 to index
        %parallel_loop3A_1027 = arith.constant 432 : index
        %parallel_loop3A_1028 = tpu.vector_load %arg10[%parallel_loop3A_1026, %parallel_loop3A_1027] {strides = array<i32>} : memref<32x768xf32, #tpu.memory_space<vmem>>, vector<1x16xf32>,
        %parallel_loop3A_1029 = vector.shape_cast %parallel_loop3A_1028 : vector<1x16xf32> to vector<16xf32>
        %parallel_loop3A_1030 = vector.shape_cast %parallel_loop3A_1025 : vector<16xf32> to vector<1x16xf32>
        tpu.vector_store %arg10[%parallel_loop3A_1026, %parallel_loop3A_1027], %parallel_loop3A_1030 {strides = array<i32>} : memref<32x768xf32, #tpu.memory_space<vmem>>, vector<1x16xf32>,
        %parallel_loop3A_1031 = arith.index_cast %parallel_loop3A_990 : i32 to index
        %parallel_loop3A_1032 = arith.constant 448 : index
        %parallel_loop3A_1033 = tpu.vector_load %arg10[%parallel_loop3A_1031, %parallel_loop3A_1032] {strides = array<i32>} : memref<32x768xf32, #tpu.memory_space<vmem>>, vector<1x16xf32>,
        %parallel_loop3A_1034 = vector.shape_cast %parallel_loop3A_1033 : vector<1x16xf32> to vector<16xf32>
        %parallel_loop3A_1035 = arith.addf %parallel_loop3A_1034, %get3A_663 : vector<16xf32>
        %parallel_loop3A_1036 = arith.index_cast %parallel_loop3A_990 : i32 to index
        %parallel_loop3A_1037 = arith.constant 448 : index
        %parallel_loop3A_1038 = tpu.vector_load %arg10[%parallel_loop3A_1036, %parallel_loop3A_1037] {strides = array<i32>} : memref<32x768xf32, #tpu.memory_space<vmem>>, vector<1x16xf32>,
        %parallel_loop3A_1039 = vector.shape_cast %parallel_loop3A_1038 : vector<1x16xf32> to vector<16xf32>
        %parallel_loop3A_1040 = vector.shape_cast %parallel_loop3A_1035 : vector<16xf32> to vector<1x16xf32>
        tpu.vector_store %arg10[%parallel_loop3A_1036, %parallel_loop3A_1037], %parallel_loop3A_1040 {strides = array<i32>} : memref<32x768xf32, #tpu.memory_space<vmem>>, vector<1x16xf32>,
        %parallel_loop3A_1041 = arith.index_cast %parallel_loop3A_990 : i32 to index
        %parallel_loop3A_1042 = arith.constant 464 : index
        %parallel_loop3A_1043 = tpu.vector_load %arg10[%parallel_loop3A_1041, %parallel_loop3A_1042] {strides = array<i32>} : memref<32x768xf32, #tpu.memory_space<vmem>>, vector<1x16xf32>,
        %parallel_loop3A_1044 = vector.shape_cast %parallel_loop3A_1043 : vector<1x16xf32> to vector<16xf32>
        %parallel_loop3A_1045 = arith.addf %parallel_loop3A_1044, %get3A_667 : vector<16xf32>
        %parallel_loop3A_1046 = arith.index_cast %parallel_loop3A_990 : i32 to index
        %parallel_loop3A_1047 = arith.constant 464 : index
        %parallel_loop3A_1048 = tpu.vector_load %arg10[%parallel_loop3A_1046, %parallel_loop3A_1047] {strides = array<i32>} : memref<32x768xf32, #tpu.memory_space<vmem>>, vector<1x16xf32>,
        %parallel_loop3A_1049 = vector.shape_cast %parallel_loop3A_1048 : vector<1x16xf32> to vector<16xf32>
        %parallel_loop3A_1050 = vector.shape_cast %parallel_loop3A_1045 : vector<16xf32> to vector<1x16xf32>
        tpu.vector_store %arg10[%parallel_loop3A_1046, %parallel_loop3A_1047], %parallel_loop3A_1050 {strides = array<i32>} : memref<32x768xf32, #tpu.memory_space<vmem>>, vector<1x16xf32>,
        %parallel_loop3A_1051 = arith.index_cast %parallel_loop3A_990 : i32 to index
        %parallel_loop3A_1052 = arith.constant 480 : index
        %parallel_loop3A_1053 = tpu.vector_load %arg10[%parallel_loop3A_1051, %parallel_loop3A_1052] {strides = array<i32>} : memref<32x768xf32, #tpu.memory_space<vmem>>, vector<1x16xf32>,
        %parallel_loop3A_1054 = vector.shape_cast %parallel_loop3A_1053 : vector<1x16xf32> to vector<16xf32>
        %parallel_loop3A_1055 = arith.addf %parallel_loop3A_1054, %get3A_671 : vector<16xf32>
        %parallel_loop3A_1056 = arith.index_cast %parallel_loop3A_990 : i32 to index
        %parallel_loop3A_1057 = arith.constant 480 : index
        %parallel_loop3A_1058 = tpu.vector_load %arg10[%parallel_loop3A_1056, %parallel_loop3A_1057] {strides = array<i32>} : memref<32x768xf32, #tpu.memory_space<vmem>>, vector<1x16xf32>,
        %parallel_loop3A_1059 = vector.shape_cast %parallel_loop3A_1058 : vector<1x16xf32> to vector<16xf32>
        %parallel_loop3A_1060 = vector.shape_cast %parallel_loop3A_1055 : vector<16xf32> to vector<1x16xf32>
        tpu.vector_store %arg10[%parallel_loop3A_1056, %parallel_loop3A_1057], %parallel_loop3A_1060 {strides = array<i32>} : memref<32x768xf32, #tpu.memory_space<vmem>>, vector<1x16xf32>,
        %parallel_loop3A_1061 = arith.index_cast %parallel_loop3A_990 : i32 to index
        %parallel_loop3A_1062 = arith.constant 496 : index
        %parallel_loop3A_1063 = tpu.vector_load %arg10[%parallel_loop3A_1061, %parallel_loop3A_1062] {strides = array<i32>} : memref<32x768xf32, #tpu.memory_space<vmem>>, vector<1x16xf32>,
        %parallel_loop3A_1064 = vector.shape_cast %parallel_loop3A_1063 : vector<1x16xf32> to vector<16xf32>
        %parallel_loop3A_1065 = arith.addf %parallel_loop3A_1064, %get3A_675 : vector<16xf32>
        %parallel_loop3A_1066 = arith.index_cast %parallel_loop3A_990 : i32 to index
        %parallel_loop3A_1067 = arith.constant 496 : index
        %parallel_loop3A_1068 = tpu.vector_load %arg10[%parallel_loop3A_1066, %parallel_loop3A_1067] {strides = array<i32>} : memref<32x768xf32, #tpu.memory_space<vmem>>, vector<1x16xf32>,
        %parallel_loop3A_1069 = vector.shape_cast %parallel_loop3A_1068 : vector<1x16xf32> to vector<16xf32>
        %parallel_loop3A_1070 = vector.shape_cast %parallel_loop3A_1065 : vector<16xf32> to vector<1x16xf32>
        tpu.vector_store %arg10[%parallel_loop3A_1066, %parallel_loop3A_1067], %parallel_loop3A_1070 {strides = array<i32>} : memref<32x768xf32, #tpu.memory_space<vmem>>, vector<1x16xf32>,
        %parallel_loop3A_1071 = arith.index_cast %parallel_loop3A_990 : i32 to index
        %parallel_loop3A_1072 = arith.constant 512 : index
        %parallel_loop3A_1073 = tpu.vector_load %arg10[%parallel_loop3A_1071, %parallel_loop3A_1072] {strides = array<i32>} : memref<32x768xf32, #tpu.memory_space<vmem>>, vector<1x16xf32>,
        %parallel_loop3A_1074 = vector.shape_cast %parallel_loop3A_1073 : vector<1x16xf32> to vector<16xf32>
        %parallel_loop3A_1075 = arith.addf %parallel_loop3A_1074, %get3A_679 : vector<16xf32>
        %parallel_loop3A_1076 = arith.index_cast %parallel_loop3A_990 : i32 to index
        %parallel_loop3A_1077 = arith.constant 512 : index
        %parallel_loop3A_1078 = tpu.vector_load %arg10[%parallel_loop3A_1076, %parallel_loop3A_1077] {strides = array<i32>} : memref<32x768xf32, #tpu.memory_space<vmem>>, vector<1x16xf32>,
        %parallel_loop3A_1079 = vector.shape_cast %parallel_loop3A_1078 : vector<1x16xf32> to vector<16xf32>
        %parallel_loop3A_1080 = vector.shape_cast %parallel_loop3A_1075 : vector<16xf32> to vector<1x16xf32>
        tpu.vector_store %arg10[%parallel_loop3A_1076, %parallel_loop3A_1077], %parallel_loop3A_1080 {strides = array<i32>} : memref<32x768xf32, #tpu.memory_space<vmem>>, vector<1x16xf32>,
        %parallel_loop3A_1081 = arith.index_cast %parallel_loop3A_990 : i32 to index
        %parallel_loop3A_1082 = arith.constant 528 : index
        %parallel_loop3A_1083 = tpu.vector_load %arg10[%parallel_loop3A_1081, %parallel_loop3A_1082] {strides = array<i32>} : memref<32x768xf32, #tpu.memory_space<vmem>>, vector<1x16xf32>,
        %parallel_loop3A_1084 = vector.shape_cast %parallel_loop3A_1083 : vector<1x16xf32> to vector<16xf32>
        %parallel_loop3A_1085 = arith.addf %parallel_loop3A_1084, %get3A_683 : vector<16xf32>
        %parallel_loop3A_1086 = arith.index_cast %parallel_loop3A_990 : i32 to index
        %parallel_loop3A_1087 = arith.constant 528 : index
        %parallel_loop3A_1088 = tpu.vector_load %arg10[%parallel_loop3A_1086, %parallel_loop3A_1087] {strides = array<i32>} : memref<32x768xf32, #tpu.memory_space<vmem>>, vector<1x16xf32>,
        %parallel_loop3A_1089 = vector.shape_cast %parallel_loop3A_1088 : vector<1x16xf32> to vector<16xf32>
        %parallel_loop3A_1090 = vector.shape_cast %parallel_loop3A_1085 : vector<16xf32> to vector<1x16xf32>
        tpu.vector_store %arg10[%parallel_loop3A_1086, %parallel_loop3A_1087], %parallel_loop3A_1090 {strides = array<i32>} : memref<32x768xf32, #tpu.memory_space<vmem>>, vector<1x16xf32>,
        %parallel_loop3A_1091 = arith.index_cast %parallel_loop3A_990 : i32 to index
        %parallel_loop3A_1092 = arith.constant 544 : index
        %parallel_loop3A_1093 = tpu.vector_load %arg10[%parallel_loop3A_1091, %parallel_loop3A_1092] {strides = array<i32>} : memref<32x768xf32, #tpu.memory_space<vmem>>, vector<1x16xf32>,
        %parallel_loop3A_1094 = vector.shape_cast %parallel_loop3A_1093 : vector<1x16xf32> to vector<16xf32>
        %parallel_loop3A_1095 = arith.addf %parallel_loop3A_1094, %get3A_687 : vector<16xf32>
        %parallel_loop3A_1096 = arith.index_cast %parallel_loop3A_990 : i32 to index
        %parallel_loop3A_1097 = arith.constant 544 : index
        %parallel_loop3A_1098 = tpu.vector_load %arg10[%parallel_loop3A_1096, %parallel_loop3A_1097] {strides = array<i32>} : memref<32x768xf32, #tpu.memory_space<vmem>>, vector<1x16xf32>,
        %parallel_loop3A_1099 = vector.shape_cast %parallel_loop3A_1098 : vector<1x16xf32> to vector<16xf32>
        %parallel_loop3A_1100 = vector.shape_cast %parallel_loop3A_1095 : vector<16xf32> to vector<1x16xf32>
        tpu.vector_store %arg10[%parallel_loop3A_1096, %parallel_loop3A_1097], %parallel_loop3A_1100 {strides = array<i32>} : memref<32x768xf32, #tpu.memory_space<vmem>>, vector<1x16xf32>,
        %parallel_loop3A_1101 = arith.index_cast %parallel_loop3A_990 : i32 to index
        %parallel_loop3A_1102 = arith.constant 560 : index
        %parallel_loop3A_1103 = tpu.vector_load %arg10[%parallel_loop3A_1101, %parallel_loop3A_1102] {strides = array<i32>} : memref<32x768xf32, #tpu.memory_space<vmem>>, vector<1x16xf32>,
        %parallel_loop3A_1104 = vector.shape_cast %parallel_loop3A_1103 : vector<1x16xf32> to vector<16xf32>
        %parallel_loop3A_1105 = arith.addf %parallel_loop3A_1104, %get3A_691 : vector<16xf32>
        %parallel_loop3A_1106 = arith.index_cast %parallel_loop3A_990 : i32 to index
        %parallel_loop3A_1107 = arith.constant 560 : index
        %parallel_loop3A_1108 = tpu.vector_load %arg10[%parallel_loop3A_1106, %parallel_loop3A_1107] {strides = array<i32>} : memref<32x768xf32, #tpu.memory_space<vmem>>, vector<1x16xf32>,
        %parallel_loop3A_1109 = vector.shape_cast %parallel_loop3A_1108 : vector<1x16xf32> to vector<16xf32>
        %parallel_loop3A_1110 = vector.shape_cast %parallel_loop3A_1105 : vector<16xf32> to vector<1x16xf32>
        tpu.vector_store %arg10[%parallel_loop3A_1106, %parallel_loop3A_1107], %parallel_loop3A_1110 {strides = array<i32>} : memref<32x768xf32, #tpu.memory_space<vmem>>, vector<1x16xf32>,
        %parallel_loop3A_1111 = arith.index_cast %parallel_loop3A_990 : i32 to index
        %parallel_loop3A_1112 = arith.constant 576 : index
        %parallel_loop3A_1113 = tpu.vector_load %arg10[%parallel_loop3A_1111, %parallel_loop3A_1112] {strides = array<i32>} : memref<32x768xf32, #tpu.memory_space<vmem>>, vector<1x16xf32>,
        %parallel_loop3A_1114 = vector.shape_cast %parallel_loop3A_1113 : vector<1x16xf32> to vector<16xf32>
        %parallel_loop3A_1115 = arith.addf %parallel_loop3A_1114, %get3A_695 : vector<16xf32>
        %parallel_loop3A_1116 = arith.index_cast %parallel_loop3A_990 : i32 to index
        %parallel_loop3A_1117 = arith.constant 576 : index
        %parallel_loop3A_1118 = tpu.vector_load %arg10[%parallel_loop3A_1116, %parallel_loop3A_1117] {strides = array<i32>} : memref<32x768xf32, #tpu.memory_space<vmem>>, vector<1x16xf32>,
        %parallel_loop3A_1119 = vector.shape_cast %parallel_loop3A_1118 : vector<1x16xf32> to vector<16xf32>
        %parallel_loop3A_1120 = vector.shape_cast %parallel_loop3A_1115 : vector<16xf32> to vector<1x16xf32>
        tpu.vector_store %arg10[%parallel_loop3A_1116, %parallel_loop3A_1117], %parallel_loop3A_1120 {strides = array<i32>} : memref<32x768xf32, #tpu.memory_space<vmem>>, vector<1x16xf32>,
        %parallel_loop3A_1121 = arith.index_cast %parallel_loop3A_990 : i32 to index
        %parallel_loop3A_1122 = arith.constant 592 : index
        %parallel_loop3A_1123 = tpu.vector_load %arg10[%parallel_loop3A_1121, %parallel_loop3A_1122] {strides = array<i32>} : memref<32x768xf32, #tpu.memory_space<vmem>>, vector<1x16xf32>,
        %parallel_loop3A_1124 = vector.shape_cast %parallel_loop3A_1123 : vector<1x16xf32> to vector<16xf32>
        %parallel_loop3A_1125 = arith.addf %parallel_loop3A_1124, %get3A_699 : vector<16xf32>
        %parallel_loop3A_1126 = arith.index_cast %parallel_loop3A_990 : i32 to index
        %parallel_loop3A_1127 = arith.constant 592 : index
        %parallel_loop3A_1128 = tpu.vector_load %arg10[%parallel_loop3A_1126, %parallel_loop3A_1127] {strides = array<i32>} : memref<32x768xf32, #tpu.memory_space<vmem>>, vector<1x16xf32>,
        %parallel_loop3A_1129 = vector.shape_cast %parallel_loop3A_1128 : vector<1x16xf32> to vector<16xf32>
        %parallel_loop3A_1130 = vector.shape_cast %parallel_loop3A_1125 : vector<16xf32> to vector<1x16xf32>
        tpu.vector_store %arg10[%parallel_loop3A_1126, %parallel_loop3A_1127], %parallel_loop3A_1130 {strides = array<i32>} : memref<32x768xf32, #tpu.memory_space<vmem>>, vector<1x16xf32>,
        %parallel_loop3A_1131 = arith.index_cast %parallel_loop3A_990 : i32 to index
        %parallel_loop3A_1132 = arith.constant 608 : index
        %parallel_loop3A_1133 = tpu.vector_load %arg10[%parallel_loop3A_1131, %parallel_loop3A_1132] {strides = array<i32>} : memref<32x768xf32, #tpu.memory_space<vmem>>, vector<1x16xf32>,
        %parallel_loop3A_1134 = vector.shape_cast %parallel_loop3A_1133 : vector<1x16xf32> to vector<16xf32>
        %parallel_loop3A_1135 = arith.addf %parallel_loop3A_1134, %get3A_703 : vector<16xf32>
        %parallel_loop3A_1136 = arith.index_cast %parallel_loop3A_990 : i32 to index
        %parallel_loop3A_1137 = arith.constant 608 : index
        %parallel_loop3A_1138 = tpu.vector_load %arg10[%parallel_loop3A_1136, %parallel_loop3A_1137] {strides = array<i32>} : memref<32x768xf32, #tpu.memory_space<vmem>>, vector<1x16xf32>,
        %parallel_loop3A_1139 = vector.shape_cast %parallel_loop3A_1138 : vector<1x16xf32> to vector<16xf32>
        %parallel_loop3A_1140 = vector.shape_cast %parallel_loop3A_1135 : vector<16xf32> to vector<1x16xf32>
        tpu.vector_store %arg10[%parallel_loop3A_1136, %parallel_loop3A_1137], %parallel_loop3A_1140 {strides = array<i32>} : memref<32x768xf32, #tpu.memory_space<vmem>>, vector<1x16xf32>,
        %parallel_loop3A_1141 = arith.index_cast %parallel_loop3A_990 : i32 to index
        %parallel_loop3A_1142 = arith.constant 624 : index
        %parallel_loop3A_1143 = tpu.vector_load %arg10[%parallel_loop3A_1141, %parallel_loop3A_1142] {strides = array<i32>} : memref<32x768xf32, #tpu.memory_space<vmem>>, vector<1x16xf32>,
        %parallel_loop3A_1144 = vector.shape_cast %parallel_loop3A_1143 : vector<1x16xf32> to vector<16xf32>
        %parallel_loop3A_1145 = arith.addf %parallel_loop3A_1144, %get3A_707 : vector<16xf32>
        %parallel_loop3A_1146 = arith.index_cast %parallel_loop3A_990 : i32 to index
        %parallel_loop3A_1147 = arith.constant 624 : index
        %parallel_loop3A_1148 = tpu.vector_load %arg10[%parallel_loop3A_1146, %parallel_loop3A_1147] {strides = array<i32>} : memref<32x768xf32, #tpu.memory_space<vmem>>, vector<1x16xf32>,
        %parallel_loop3A_1149 = vector.shape_cast %parallel_loop3A_1148 : vector<1x16xf32> to vector<16xf32>
        %parallel_loop3A_1150 = vector.shape_cast %parallel_loop3A_1145 : vector<16xf32> to vector<1x16xf32>
        tpu.vector_store %arg10[%parallel_loop3A_1146, %parallel_loop3A_1147], %parallel_loop3A_1150 {strides = array<i32>} : memref<32x768xf32, #tpu.memory_space<vmem>>, vector<1x16xf32>,
        %parallel_loop3A_1151 = arith.index_cast %parallel_loop3A_990 : i32 to index
        %parallel_loop3A_1152 = arith.constant 640 : index
        %parallel_loop3A_1153 = tpu.vector_load %arg10[%parallel_loop3A_1151, %parallel_loop3A_1152] {strides = array<i32>} : memref<32x768xf32, #tpu.memory_space<vmem>>, vector<1x16xf32>,
        %parallel_loop3A_1154 = vector.shape_cast %parallel_loop3A_1153 : vector<1x16xf32> to vector<16xf32>
        %parallel_loop3A_1155 = arith.addf %parallel_loop3A_1154, %get3A_711 : vector<16xf32>
        %parallel_loop3A_1156 = arith.index_cast %parallel_loop3A_990 : i32 to index
        %parallel_loop3A_1157 = arith.constant 640 : index
        %parallel_loop3A_1158 = tpu.vector_load %arg10[%parallel_loop3A_1156, %parallel_loop3A_1157] {strides = array<i32>} : memref<32x768xf32, #tpu.memory_space<vmem>>, vector<1x16xf32>,
        %parallel_loop3A_1159 = vector.shape_cast %parallel_loop3A_1158 : vector<1x16xf32> to vector<16xf32>
        %parallel_loop3A_1160 = vector.shape_cast %parallel_loop3A_1155 : vector<16xf32> to vector<1x16xf32>
        tpu.vector_store %arg10[%parallel_loop3A_1156, %parallel_loop3A_1157], %parallel_loop3A_1160 {strides = array<i32>} : memref<32x768xf32, #tpu.memory_space<vmem>>, vector<1x16xf32>,
        %parallel_loop3A_1161 = arith.index_cast %parallel_loop3A_990 : i32 to index
        %parallel_loop3A_1162 = arith.constant 656 : index
        %parallel_loop3A_1163 = tpu.vector_load %arg10[%parallel_loop3A_1161, %parallel_loop3A_1162] {strides = array<i32>} : memref<32x768xf32, #tpu.memory_space<vmem>>, vector<1x16xf32>,
        %parallel_loop3A_1164 = vector.shape_cast %parallel_loop3A_1163 : vector<1x16xf32> to vector<16xf32>
        %parallel_loop3A_1165 = arith.addf %parallel_loop3A_1164, %get3A_715 : vector<16xf32>
        %parallel_loop3A_1166 = arith.index_cast %parallel_loop3A_990 : i32 to index
        %parallel_loop3A_1167 = arith.constant 656 : index
        %parallel_loop3A_1168 = tpu.vector_load %arg10[%parallel_loop3A_1166, %parallel_loop3A_1167] {strides = array<i32>} : memref<32x768xf32, #tpu.memory_space<vmem>>, vector<1x16xf32>,
        %parallel_loop3A_1169 = vector.shape_cast %parallel_loop3A_1168 : vector<1x16xf32> to vector<16xf32>
        %parallel_loop3A_1170 = vector.shape_cast %parallel_loop3A_1165 : vector<16xf32> to vector<1x16xf32>
        tpu.vector_store %arg10[%parallel_loop3A_1166, %parallel_loop3A_1167], %parallel_loop3A_1170 {strides = array<i32>} : memref<32x768xf32, #tpu.memory_space<vmem>>, vector<1x16xf32>,
        %parallel_loop3A_1171 = arith.index_cast %parallel_loop3A_990 : i32 to index
        %parallel_loop3A_1172 = arith.constant 672 : index
        %parallel_loop3A_1173 = tpu.vector_load %arg10[%parallel_loop3A_1171, %parallel_loop3A_1172] {strides = array<i32>} : memref<32x768xf32, #tpu.memory_space<vmem>>, vector<1x16xf32>,
        %parallel_loop3A_1174 = vector.shape_cast %parallel_loop3A_1173 : vector<1x16xf32> to vector<16xf32>
        %parallel_loop3A_1175 = arith.addf %parallel_loop3A_1174, %get3A_719 : vector<16xf32>
        %parallel_loop3A_1176 = arith.index_cast %parallel_loop3A_990 : i32 to index
        %parallel_loop3A_1177 = arith.constant 672 : index
        %parallel_loop3A_1178 = tpu.vector_load %arg10[%parallel_loop3A_1176, %parallel_loop3A_1177] {strides = array<i32>} : memref<32x768xf32, #tpu.memory_space<vmem>>, vector<1x16xf32>,
        %parallel_loop3A_1179 = vector.shape_cast %parallel_loop3A_1178 : vector<1x16xf32> to vector<16xf32>
        %parallel_loop3A_1180 = vector.shape_cast %parallel_loop3A_1175 : vector<16xf32> to vector<1x16xf32>
        tpu.vector_store %arg10[%parallel_loop3A_1176, %parallel_loop3A_1177], %parallel_loop3A_1180 {strides = array<i32>} : memref<32x768xf32, #tpu.memory_space<vmem>>, vector<1x16xf32>,
        %parallel_loop3A_1181 = arith.index_cast %parallel_loop3A_990 : i32 to index
        %parallel_loop3A_1182 = arith.constant 688 : index
        %parallel_loop3A_1183 = tpu.vector_load %arg10[%parallel_loop3A_1181, %parallel_loop3A_1182] {strides = array<i32>} : memref<32x768xf32, #tpu.memory_space<vmem>>, vector<1x16xf32>,
        %parallel_loop3A_1184 = vector.shape_cast %parallel_loop3A_1183 : vector<1x16xf32> to vector<16xf32>
        %parallel_loop3A_1185 = arith.addf %parallel_loop3A_1184, %get3A_723 : vector<16xf32>
        %parallel_loop3A_1186 = arith.index_cast %parallel_loop3A_990 : i32 to index
        %parallel_loop3A_1187 = arith.constant 688 : index
        %parallel_loop3A_1188 = tpu.vector_load %arg10[%parallel_loop3A_1186, %parallel_loop3A_1187] {strides = array<i32>} : memref<32x768xf32, #tpu.memory_space<vmem>>, vector<1x16xf32>,
        %parallel_loop3A_1189 = vector.shape_cast %parallel_loop3A_1188 : vector<1x16xf32> to vector<16xf32>
        %parallel_loop3A_1190 = vector.shape_cast %parallel_loop3A_1185 : vector<16xf32> to vector<1x16xf32>
        tpu.vector_store %arg10[%parallel_loop3A_1186, %parallel_loop3A_1187], %parallel_loop3A_1190 {strides = array<i32>} : memref<32x768xf32, #tpu.memory_space<vmem>>, vector<1x16xf32>,
        %parallel_loop3A_1191 = arith.index_cast %parallel_loop3A_990 : i32 to index
        %parallel_loop3A_1192 = arith.constant 704 : index
        %parallel_loop3A_1193 = tpu.vector_load %arg10[%parallel_loop3A_1191, %parallel_loop3A_1192] {strides = array<i32>} : memref<32x768xf32, #tpu.memory_space<vmem>>, vector<1x16xf32>,
        %parallel_loop3A_1194 = vector.shape_cast %parallel_loop3A_1193 : vector<1x16xf32> to vector<16xf32>
        %parallel_loop3A_1195 = arith.addf %parallel_loop3A_1194, %get3A_727 : vector<16xf32>
        %parallel_loop3A_1196 = arith.index_cast %parallel_loop3A_990 : i32 to index
        %parallel_loop3A_1197 = arith.constant 704 : index
        %parallel_loop3A_1198 = tpu.vector_load %arg10[%parallel_loop3A_1196, %parallel_loop3A_1197] {strides = array<i32>} : memref<32x768xf32, #tpu.memory_space<vmem>>, vector<1x16xf32>,
        %parallel_loop3A_1199 = vector.shape_cast %parallel_loop3A_1198 : vector<1x16xf32> to vector<16xf32>
        %parallel_loop3A_1200 = vector.shape_cast %parallel_loop3A_1195 : vector<16xf32> to vector<1x16xf32>
        tpu.vector_store %arg10[%parallel_loop3A_1196, %parallel_loop3A_1197], %parallel_loop3A_1200 {strides = array<i32>} : memref<32x768xf32, #tpu.memory_space<vmem>>, vector<1x16xf32>,
        %parallel_loop3A_1201 = arith.index_cast %parallel_loop3A_990 : i32 to index
        %parallel_loop3A_1202 = arith.constant 720 : index
        %parallel_loop3A_1203 = tpu.vector_load %arg10[%parallel_loop3A_1201, %parallel_loop3A_1202] {strides = array<i32>} : memref<32x768xf32, #tpu.memory_space<vmem>>, vector<1x16xf32>,
        %parallel_loop3A_1204 = vector.shape_cast %parallel_loop3A_1203 : vector<1x16xf32> to vector<16xf32>
        %parallel_loop3A_1205 = arith.addf %parallel_loop3A_1204, %get3A_731 : vector<16xf32>
        %parallel_loop3A_1206 = arith.index_cast %parallel_loop3A_990 : i32 to index
        %parallel_loop3A_1207 = arith.constant 720 : index
        %parallel_loop3A_1208 = tpu.vector_load %arg10[%parallel_loop3A_1206, %parallel_loop3A_1207] {strides = array<i32>} : memref<32x768xf32, #tpu.memory_space<vmem>>, vector<1x16xf32>,
        %parallel_loop3A_1209 = vector.shape_cast %parallel_loop3A_1208 : vector<1x16xf32> to vector<16xf32>
        %parallel_loop3A_1210 = vector.shape_cast %parallel_loop3A_1205 : vector<16xf32> to vector<1x16xf32>
        tpu.vector_store %arg10[%parallel_loop3A_1206, %parallel_loop3A_1207], %parallel_loop3A_1210 {strides = array<i32>} : memref<32x768xf32, #tpu.memory_space<vmem>>, vector<1x16xf32>,
        %parallel_loop3A_1211 = arith.index_cast %parallel_loop3A_990 : i32 to index
        %parallel_loop3A_1212 = arith.constant 736 : index
        %parallel_loop3A_1213 = tpu.vector_load %arg10[%parallel_loop3A_1211, %parallel_loop3A_1212] {strides = array<i32>} : memref<32x768xf32, #tpu.memory_space<vmem>>, vector<1x16xf32>,
        %parallel_loop3A_1214 = vector.shape_cast %parallel_loop3A_1213 : vector<1x16xf32> to vector<16xf32>
        %parallel_loop3A_1215 = arith.addf %parallel_loop3A_1214, %get3A_735 : vector<16xf32>
        %parallel_loop3A_1216 = arith.index_cast %parallel_loop3A_990 : i32 to index
        %parallel_loop3A_1217 = arith.constant 736 : index
        %parallel_loop3A_1218 = tpu.vector_load %arg10[%parallel_loop3A_1216, %parallel_loop3A_1217] {strides = array<i32>} : memref<32x768xf32, #tpu.memory_space<vmem>>, vector<1x16xf32>,
        %parallel_loop3A_1219 = vector.shape_cast %parallel_loop3A_1218 : vector<1x16xf32> to vector<16xf32>
        %parallel_loop3A_1220 = vector.shape_cast %parallel_loop3A_1215 : vector<16xf32> to vector<1x16xf32>
        tpu.vector_store %arg10[%parallel_loop3A_1216, %parallel_loop3A_1217], %parallel_loop3A_1220 {strides = array<i32>} : memref<32x768xf32, #tpu.memory_space<vmem>>, vector<1x16xf32>,
        %parallel_loop3A_1221 = arith.index_cast %parallel_loop3A_990 : i32 to index
        %parallel_loop3A_1222 = arith.constant 752 : index
        %parallel_loop3A_1223 = tpu.vector_load %arg10[%parallel_loop3A_1221, %parallel_loop3A_1222] {strides = array<i32>} : memref<32x768xf32, #tpu.memory_space<vmem>>, vector<1x16xf32>,
        %parallel_loop3A_1224 = vector.shape_cast %parallel_loop3A_1223 : vector<1x16xf32> to vector<16xf32>
        %parallel_loop3A_1225 = arith.addf %parallel_loop3A_1224, %get3A_739 : vector<16xf32>
        %parallel_loop3A_1226 = arith.index_cast %parallel_loop3A_990 : i32 to index
        %parallel_loop3A_1227 = arith.constant 752 : index
        %parallel_loop3A_1228 = tpu.vector_load %arg10[%parallel_loop3A_1226, %parallel_loop3A_1227] {strides = array<i32>} : memref<32x768xf32, #tpu.memory_space<vmem>>, vector<1x16xf32>,
        %parallel_loop3A_1229 = vector.shape_cast %parallel_loop3A_1228 : vector<1x16xf32> to vector<16xf32>
        %parallel_loop3A_1230 = vector.shape_cast %parallel_loop3A_1225 : vector<16xf32> to vector<1x16xf32>
        tpu.vector_store %arg10[%parallel_loop3A_1226, %parallel_loop3A_1227], %parallel_loop3A_1230 {strides = array<i32>} : memref<32x768xf32, #tpu.memory_space<vmem>>, vector<1x16xf32>,
      } {sc.loop_unroll_factor = 1 : i64, sc.parallel_access}
      %shift_right_logical3A_743 = arith.constant 1 : i32
      %shift_right_logical3A_744 = arith.shrui %add3A_535, %shift_right_logical3A_743 : i32
      %and3A_745 = arith.constant 1 : i32
      %and3A_746 = arith.andi %add3A_535, %and3A_745 : i32
      %mul3A_747 = arith.constant 32 : i32
      %mul3A_748 = arith.muli %and3A_746, %mul3A_747 : i32
      %add3A_749 = arith.addi %mul3A_2, %shift_right_logical3A_744 : i32
      %dma_start3A_750 = arith.constant 0 : i32
      %dma_start3A_751 = tpu.memref_slice %arg5[%mul3A_748, %add3A_749, %dma_start3A_750] : memref<64x512x768xf32, #tpu.memory_space<hbm>> -> memref<32x1x768xf32, #tpu.memory_space<hbm>>
      %dma_start3A_752 = tpu.memref_squeeze %dma_start3A_751 : memref<32x1x768xf32, #tpu.memory_space<hbm>> -> memref<32x768xf32, #tpu.memory_space<hbm>>
      %dma_start3A_753 = arith.constant 0 : i32
      %dma_start3A_754 = tpu.memref_slice %arg5[%mul3A_748, %add3A_749, %dma_start3A_753] : memref<64x512x768xf32, #tpu.memory_space<hbm>> -> memref<32x1x768xf32, #tpu.memory_space<hbm>>
      %dma_start3A_755 = tpu.memref_squeeze %dma_start3A_754 : memref<32x1x768xf32, #tpu.memory_space<hbm>> -> memref<32x768xf32, #tpu.memory_space<hbm>>
      tpu.enqueue_dma source(%arg10 : memref<32x768xf32, #tpu.memory_space<vmem>>) target(%dma_start3A_755 : memref<32x768xf32, #tpu.memory_space<hbm>>) target_semaphore(%arg18 : memref<!tpu.dma_semaphore, #tpu.memory_space<semaphore_mem>>)
      %lt3A_756 = arith.constant 30 : i32
      %lt3A_757 = arith.cmpi slt, %add3A_535, %lt3A_756 : i32
      %convert_element_type3A_758 = arith.extui %lt3A_757 : i1 to i32
      %cond3A_759 = arith.constant 0 : i32
      %cond3A_760 = arith.cmpi ne, %convert_element_type3A_758, %cond3A_759 : i32
      scf.if %cond3A_760 {
        %ge3A = arith.constant 2 : i32
        %ge3A_990 = arith.cmpi sge, %add3A_535, %ge3A : i32
        %convert_element_type3A_991 = arith.extui %ge3A_990 : i1 to i32
        %cond3A_992 = arith.constant 0 : i32
        %cond3A_993 = arith.cmpi ne, %convert_element_type3A_991, %cond3A_992 : i32
        scf.if %cond3A_993 {
          %dma_wait3A_1007 = arith.constant 0 : i32
          %dma_wait3A_1008 = arith.constant 0 : i32
          %dma_wait3A_1009 = tpu.memref_slice %arg5[%dma_wait3A_1007, %mul3A_2, %dma_wait3A_1008] : memref<64x512x768xf32, #tpu.memory_space<hbm>> -> memref<32x1x768xf32, #tpu.memory_space<hbm>>
          %dma_wait3A_1010 = tpu.memref_squeeze %dma_wait3A_1009 : memref<32x1x768xf32, #tpu.memory_space<hbm>> -> memref<32x768xf32, #tpu.memory_space<hbm>>
          %dma_wait3A_1011 = arith.constant 0 : i32
          %dma_wait3A_1012 = arith.constant 0 : i32
          %dma_wait3A_1013 = tpu.memref_slice %arg5[%dma_wait3A_1011, %mul3A_2, %dma_wait3A_1012] : memref<64x512x768xf32, #tpu.memory_space<hbm>> -> memref<32x1x768xf32, #tpu.memory_space<hbm>>
          %dma_wait3A_1014 = tpu.memref_squeeze %dma_wait3A_1013 : memref<32x1x768xf32, #tpu.memory_space<hbm>> -> memref<32x768xf32, #tpu.memory_space<hbm>>
          tpu.wait_dma2 semaphore(%arg16 : memref<!tpu.dma_semaphore, #tpu.memory_space<semaphore_mem>>) src(%arg8 : memref<32x768xf32, #tpu.memory_space<vmem>>) dst(%dma_wait3A_1014 : memref<32x768xf32, #tpu.memory_space<hbm>>)
        } else {
        }
        %add3A_994 = arith.constant 2 : i32
        %add3A_995 = arith.addi %add3A_535, %add3A_994 : i32
        %shift_right_logical3A_996 = arith.constant 1 : i32
        %shift_right_logical3A_997 = arith.shrui %add3A_995, %shift_right_logical3A_996 : i32
        %and3A_998 = arith.constant 1 : i32
        %and3A_999 = arith.andi %add3A_995, %and3A_998 : i32
        %mul3A_1000 = arith.constant 32 : i32
        %mul3A_1001 = arith.muli %and3A_999, %mul3A_1000 : i32
        %dma_start3A_1002 = tpu.memref_slice %arg6[%shift_right_logical3A_997, %mul3A_1001] : memref<16x64xi32, #tpu.memory_space<vmem>> -> memref<1x32xi32, #tpu.memory_space<vmem>>
        %dma_start3A_1003 = tpu.memref_squeeze %dma_start3A_1002 : memref<1x32xi32, #tpu.memory_space<vmem>> -> memref<32xi32, #tpu.memory_space<vmem>>
        %dma_start3A_1004 = arith.constant 0 : i32
        %dma_start3A_1005 = arith.constant 0 : i32
        %dma_start3A_1006 = tpu.memref_slice %arg4[%dma_start3A_1004, %dma_start3A_1005] : memref<100000x768xf32, #tpu.memory_space<hbm>> -> memref<100000x768xf32, #tpu.memory_space<hbm>>
        tpu.enqueue_indirect_dma source(%dma_start3A_1006 : memref<100000x768xf32, #tpu.memory_space<hbm>>) target(%arg8 : memref<32x768xf32, #tpu.memory_space<vmem>>) offsets(%dma_start3A_1003 : memref<32xi32, #tpu.memory_space<vmem>>) semaphore(%arg12 : memref<!tpu.dma_semaphore, #tpu.memory_space<semaphore_mem>>)
      } else {
      }
      %mul3A_761 = arith.constant 4 : i32
      %mul3A_762 = arith.muli %mul3A_761, %scan3A_78 : i32
      %add3A_763 = arith.constant 3 : i32
      %add3A_764 = arith.addi %mul3A_762, %add3A_763 : i32
      %dma_wait3A_765 = arith.constant 0 : i32
      %dma_wait3A_766 = arith.constant 0 : i32
      %dma_wait3A_767 = tpu.memref_slice %arg6[%dma_wait3A_765, %dma_wait3A_766] : memref<16x64xi32, #tpu.memory_space<vmem>> -> memref<1x32xi32, #tpu.memory_space<vmem>>
      %dma_wait3A_768 = tpu.memref_squeeze %dma_wait3A_767 : memref<1x32xi32, #tpu.memory_space<vmem>> -> memref<32xi32, #tpu.memory_space<vmem>>
      %dma_wait3A_769 = arith.constant 0 : i32
      %dma_wait3A_770 = arith.constant 0 : i32
      %dma_wait3A_771 = tpu.memref_slice %arg4[%dma_wait3A_769, %dma_wait3A_770] : memref<100000x768xf32, #tpu.memory_space<hbm>> -> memref<100000x768xf32, #tpu.memory_space<hbm>>
      tpu.wait_indirect_dma semaphore(%arg15 : memref<!tpu.dma_semaphore, #tpu.memory_space<semaphore_mem>>) src(%dma_wait3A_771 : memref<100000x768xf32, #tpu.memory_space<hbm>>) dst(%arg11 : memref<32x768xf32, #tpu.memory_space<vmem>>)
      %shift_right_logical3A_772 = arith.constant 1 : i32
      %shift_right_logical3A_773 = arith.shrui %add3A_764, %shift_right_logical3A_772 : i32
      %get3A_774 = arith.index_cast %shift_right_logical3A_773 : i32 to index
      %get3A_775 = arith.constant 0 : index
      %get3A_776 = tpu.vector_load %arg7[%get3A_774, %get3A_775] {strides = array<i32>} : memref<16x768xf32, #tpu.memory_space<vmem>>, vector<1x16xf32>,
      %get3A_777 = vector.shape_cast %get3A_776 : vector<1x16xf32> to vector<16xf32>
      %get3A_778 = arith.index_cast %shift_right_logical3A_773 : i32 to index
      %get3A_779 = arith.constant 16 : index
      %get3A_780 = tpu.vector_load %arg7[%get3A_778, %get3A_779] {strides = array<i32>} : memref<16x768xf32, #tpu.memory_space<vmem>>, vector<1x16xf32>,
      %get3A_781 = vector.shape_cast %get3A_780 : vector<1x16xf32> to vector<16xf32>
      %get3A_782 = arith.index_cast %shift_right_logical3A_773 : i32 to index
      %get3A_783 = arith.constant 32 : index
      %get3A_784 = tpu.vector_load %arg7[%get3A_782, %get3A_783] {strides = array<i32>} : memref<16x768xf32, #tpu.memory_space<vmem>>, vector<1x16xf32>,
      %get3A_785 = vector.shape_cast %get3A_784 : vector<1x16xf32> to vector<16xf32>
      %get3A_786 = arith.index_cast %shift_right_logical3A_773 : i32 to index
      %get3A_787 = arith.constant 48 : index
      %get3A_788 = tpu.vector_load %arg7[%get3A_786, %get3A_787] {strides = array<i32>} : memref<16x768xf32, #tpu.memory_space<vmem>>, vector<1x16xf32>,
      %get3A_789 = vector.shape_cast %get3A_788 : vector<1x16xf32> to vector<16xf32>
      %get3A_790 = arith.index_cast %shift_right_logical3A_773 : i32 to index
      %get3A_791 = arith.constant 64 : index
      %get3A_792 = tpu.vector_load %arg7[%get3A_790, %get3A_791] {strides = array<i32>} : memref<16x768xf32, #tpu.memory_space<vmem>>, vector<1x16xf32>,
      %get3A_793 = vector.shape_cast %get3A_792 : vector<1x16xf32> to vector<16xf32>
      %get3A_794 = arith.index_cast %shift_right_logical3A_773 : i32 to index
      %get3A_795 = arith.constant 80 : index
      %get3A_796 = tpu.vector_load %arg7[%get3A_794, %get3A_795] {strides = array<i32>} : memref<16x768xf32, #tpu.memory_space<vmem>>, vector<1x16xf32>,
      %get3A_797 = vector.shape_cast %get3A_796 : vector<1x16xf32> to vector<16xf32>
      %get3A_798 = arith.index_cast %shift_right_logical3A_773 : i32 to index
      %get3A_799 = arith.constant 96 : index
      %get3A_800 = tpu.vector_load %arg7[%get3A_798, %get3A_799] {strides = array<i32>} : memref<16x768xf32, #tpu.memory_space<vmem>>, vector<1x16xf32>,
      %get3A_801 = vector.shape_cast %get3A_800 : vector<1x16xf32> to vector<16xf32>
      %get3A_802 = arith.index_cast %shift_right_logical3A_773 : i32 to index
      %get3A_803 = arith.constant 112 : index
      %get3A_804 = tpu.vector_load %arg7[%get3A_802, %get3A_803] {strides = array<i32>} : memref<16x768xf32, #tpu.memory_space<vmem>>, vector<1x16xf32>,
      %get3A_805 = vector.shape_cast %get3A_804 : vector<1x16xf32> to vector<16xf32>
      %get3A_806 = arith.index_cast %shift_right_logical3A_773 : i32 to index
      %get3A_807 = arith.constant 128 : index
      %get3A_808 = tpu.vector_load %arg7[%get3A_806, %get3A_807] {strides = array<i32>} : memref<16x768xf32, #tpu.memory_space<vmem>>, vector<1x16xf32>,
      %get3A_809 = vector.shape_cast %get3A_808 : vector<1x16xf32> to vector<16xf32>
      %get3A_810 = arith.index_cast %shift_right_logical3A_773 : i32 to index
      %get3A_811 = arith.constant 144 : index
      %get3A_812 = tpu.vector_load %arg7[%get3A_810, %get3A_811] {strides = array<i32>} : memref<16x768xf32, #tpu.memory_space<vmem>>, vector<1x16xf32>,
      %get3A_813 = vector.shape_cast %get3A_812 : vector<1x16xf32> to vector<16xf32>
      %get3A_814 = arith.index_cast %shift_right_logical3A_773 : i32 to index
      %get3A_815 = arith.constant 160 : index
      %get3A_816 = tpu.vector_load %arg7[%get3A_814, %get3A_815] {strides = array<i32>} : memref<16x768xf32, #tpu.memory_space<vmem>>, vector<1x16xf32>,
      %get3A_817 = vector.shape_cast %get3A_816 : vector<1x16xf32> to vector<16xf32>
      %get3A_818 = arith.index_cast %shift_right_logical3A_773 : i32 to index
      %get3A_819 = arith.constant 176 : index
      %get3A_820 = tpu.vector_load %arg7[%get3A_818, %get3A_819] {strides = array<i32>} : memref<16x768xf32, #tpu.memory_space<vmem>>, vector<1x16xf32>,
      %get3A_821 = vector.shape_cast %get3A_820 : vector<1x16xf32> to vector<16xf32>
      %get3A_822 = arith.index_cast %shift_right_logical3A_773 : i32 to index
      %get3A_823 = arith.constant 192 : index
      %get3A_824 = tpu.vector_load %arg7[%get3A_822, %get3A_823] {strides = array<i32>} : memref<16x768xf32, #tpu.memory_space<vmem>>, vector<1x16xf32>,
      %get3A_825 = vector.shape_cast %get3A_824 : vector<1x16xf32> to vector<16xf32>
      %get3A_826 = arith.index_cast %shift_right_logical3A_773 : i32 to index
      %get3A_827 = arith.constant 208 : index
      %get3A_828 = tpu.vector_load %arg7[%get3A_826, %get3A_827] {strides = array<i32>} : memref<16x768xf32, #tpu.memory_space<vmem>>, vector<1x16xf32>,
      %get3A_829 = vector.shape_cast %get3A_828 : vector<1x16xf32> to vector<16xf32>
      %get3A_830 = arith.index_cast %shift_right_logical3A_773 : i32 to index
      %get3A_831 = arith.constant 224 : index
      %get3A_832 = tpu.vector_load %arg7[%get3A_830, %get3A_831] {strides = array<i32>} : memref<16x768xf32, #tpu.memory_space<vmem>>, vector<1x16xf32>,
      %get3A_833 = vector.shape_cast %get3A_832 : vector<1x16xf32> to vector<16xf32>
      %get3A_834 = arith.index_cast %shift_right_logical3A_773 : i32 to index
      %get3A_835 = arith.constant 240 : index
      %get3A_836 = tpu.vector_load %arg7[%get3A_834, %get3A_835] {strides = array<i32>} : memref<16x768xf32, #tpu.memory_space<vmem>>, vector<1x16xf32>,
      %get3A_837 = vector.shape_cast %get3A_836 : vector<1x16xf32> to vector<16xf32>
      %get3A_838 = arith.index_cast %shift_right_logical3A_773 : i32 to index
      %get3A_839 = arith.constant 256 : index
      %get3A_840 = tpu.vector_load %arg7[%get3A_838, %get3A_839] {strides = array<i32>} : memref<16x768xf32, #tpu.memory_space<vmem>>, vector<1x16xf32>,
      %get3A_841 = vector.shape_cast %get3A_840 : vector<1x16xf32> to vector<16xf32>
      %get3A_842 = arith.index_cast %shift_right_logical3A_773 : i32 to index
      %get3A_843 = arith.constant 272 : index
      %get3A_844 = tpu.vector_load %arg7[%get3A_842, %get3A_843] {strides = array<i32>} : memref<16x768xf32, #tpu.memory_space<vmem>>, vector<1x16xf32>,
      %get3A_845 = vector.shape_cast %get3A_844 : vector<1x16xf32> to vector<16xf32>
      %get3A_846 = arith.index_cast %shift_right_logical3A_773 : i32 to index
      %get3A_847 = arith.constant 288 : index
      %get3A_848 = tpu.vector_load %arg7[%get3A_846, %get3A_847] {strides = array<i32>} : memref<16x768xf32, #tpu.memory_space<vmem>>, vector<1x16xf32>,
      %get3A_849 = vector.shape_cast %get3A_848 : vector<1x16xf32> to vector<16xf32>
      %get3A_850 = arith.index_cast %shift_right_logical3A_773 : i32 to index
      %get3A_851 = arith.constant 304 : index
      %get3A_852 = tpu.vector_load %arg7[%get3A_850, %get3A_851] {strides = array<i32>} : memref<16x768xf32, #tpu.memory_space<vmem>>, vector<1x16xf32>,
      %get3A_853 = vector.shape_cast %get3A_852 : vector<1x16xf32> to vector<16xf32>
      %get3A_854 = arith.index_cast %shift_right_logical3A_773 : i32 to index
      %get3A_855 = arith.constant 320 : index
      %get3A_856 = tpu.vector_load %arg7[%get3A_854, %get3A_855] {strides = array<i32>} : memref<16x768xf32, #tpu.memory_space<vmem>>, vector<1x16xf32>,
      %get3A_857 = vector.shape_cast %get3A_856 : vector<1x16xf32> to vector<16xf32>
      %get3A_858 = arith.index_cast %shift_right_logical3A_773 : i32 to index
      %get3A_859 = arith.constant 336 : index
      %get3A_860 = tpu.vector_load %arg7[%get3A_858, %get3A_859] {strides = array<i32>} : memref<16x768xf32, #tpu.memory_space<vmem>>, vector<1x16xf32>,
      %get3A_861 = vector.shape_cast %get3A_860 : vector<1x16xf32> to vector<16xf32>
      %get3A_862 = arith.index_cast %shift_right_logical3A_773 : i32 to index
      %get3A_863 = arith.constant 352 : index
      %get3A_864 = tpu.vector_load %arg7[%get3A_862, %get3A_863] {strides = array<i32>} : memref<16x768xf32, #tpu.memory_space<vmem>>, vector<1x16xf32>,
      %get3A_865 = vector.shape_cast %get3A_864 : vector<1x16xf32> to vector<16xf32>
      %get3A_866 = arith.index_cast %shift_right_logical3A_773 : i32 to index
      %get3A_867 = arith.constant 368 : index
      %get3A_868 = tpu.vector_load %arg7[%get3A_866, %get3A_867] {strides = array<i32>} : memref<16x768xf32, #tpu.memory_space<vmem>>, vector<1x16xf32>,
      %get3A_869 = vector.shape_cast %get3A_868 : vector<1x16xf32> to vector<16xf32>
      %parallel_loop3A_870 = arith.constant 0 : i32
      %parallel_loop3A_871 = arith.constant 32 : i32
      %parallel_loop3A_872 = arith.constant 1 : i32
      scf.for %parallel_loop3A_990 = %parallel_loop3A_870 to %parallel_loop3A_871 step %parallel_loop3A_872  : i32 {
        %parallel_loop3A_991 = arith.index_cast %parallel_loop3A_990 : i32 to index
        %parallel_loop3A_992 = arith.constant 0 : index
        %parallel_loop3A_993 = tpu.vector_load %arg11[%parallel_loop3A_991, %parallel_loop3A_992] {strides = array<i32>} : memref<32x768xf32, #tpu.memory_space<vmem>>, vector<1x16xf32>,
        %parallel_loop3A_994 = vector.shape_cast %parallel_loop3A_993 : vector<1x16xf32> to vector<16xf32>
        %parallel_loop3A_995 = arith.addf %parallel_loop3A_994, %get3A_777 : vector<16xf32>
        %parallel_loop3A_996 = arith.index_cast %parallel_loop3A_990 : i32 to index
        %parallel_loop3A_997 = arith.constant 0 : index
        %parallel_loop3A_998 = tpu.vector_load %arg11[%parallel_loop3A_996, %parallel_loop3A_997] {strides = array<i32>} : memref<32x768xf32, #tpu.memory_space<vmem>>, vector<1x16xf32>,
        %parallel_loop3A_999 = vector.shape_cast %parallel_loop3A_998 : vector<1x16xf32> to vector<16xf32>
        %parallel_loop3A_1000 = vector.shape_cast %parallel_loop3A_995 : vector<16xf32> to vector<1x16xf32>
        tpu.vector_store %arg11[%parallel_loop3A_996, %parallel_loop3A_997], %parallel_loop3A_1000 {strides = array<i32>} : memref<32x768xf32, #tpu.memory_space<vmem>>, vector<1x16xf32>,
        %parallel_loop3A_1001 = arith.index_cast %parallel_loop3A_990 : i32 to index
        %parallel_loop3A_1002 = arith.constant 16 : index
        %parallel_loop3A_1003 = tpu.vector_load %arg11[%parallel_loop3A_1001, %parallel_loop3A_1002] {strides = array<i32>} : memref<32x768xf32, #tpu.memory_space<vmem>>, vector<1x16xf32>,
        %parallel_loop3A_1004 = vector.shape_cast %parallel_loop3A_1003 : vector<1x16xf32> to vector<16xf32>
        %parallel_loop3A_1005 = arith.addf %parallel_loop3A_1004, %get3A_781 : vector<16xf32>
        %parallel_loop3A_1006 = arith.index_cast %parallel_loop3A_990 : i32 to index
        %parallel_loop3A_1007 = arith.constant 16 : index
        %parallel_loop3A_1008 = tpu.vector_load %arg11[%parallel_loop3A_1006, %parallel_loop3A_1007] {strides = array<i32>} : memref<32x768xf32, #tpu.memory_space<vmem>>, vector<1x16xf32>,
        %parallel_loop3A_1009 = vector.shape_cast %parallel_loop3A_1008 : vector<1x16xf32> to vector<16xf32>
        %parallel_loop3A_1010 = vector.shape_cast %parallel_loop3A_1005 : vector<16xf32> to vector<1x16xf32>
        tpu.vector_store %arg11[%parallel_loop3A_1006, %parallel_loop3A_1007], %parallel_loop3A_1010 {strides = array<i32>} : memref<32x768xf32, #tpu.memory_space<vmem>>, vector<1x16xf32>,
        %parallel_loop3A_1011 = arith.index_cast %parallel_loop3A_990 : i32 to index
        %parallel_loop3A_1012 = arith.constant 32 : index
        %parallel_loop3A_1013 = tpu.vector_load %arg11[%parallel_loop3A_1011, %parallel_loop3A_1012] {strides = array<i32>} : memref<32x768xf32, #tpu.memory_space<vmem>>, vector<1x16xf32>,
        %parallel_loop3A_1014 = vector.shape_cast %parallel_loop3A_1013 : vector<1x16xf32> to vector<16xf32>
        %parallel_loop3A_1015 = arith.addf %parallel_loop3A_1014, %get3A_785 : vector<16xf32>
        %parallel_loop3A_1016 = arith.index_cast %parallel_loop3A_990 : i32 to index
        %parallel_loop3A_1017 = arith.constant 32 : index
        %parallel_loop3A_1018 = tpu.vector_load %arg11[%parallel_loop3A_1016, %parallel_loop3A_1017] {strides = array<i32>} : memref<32x768xf32, #tpu.memory_space<vmem>>, vector<1x16xf32>,
        %parallel_loop3A_1019 = vector.shape_cast %parallel_loop3A_1018 : vector<1x16xf32> to vector<16xf32>
        %parallel_loop3A_1020 = vector.shape_cast %parallel_loop3A_1015 : vector<16xf32> to vector<1x16xf32>
        tpu.vector_store %arg11[%parallel_loop3A_1016, %parallel_loop3A_1017], %parallel_loop3A_1020 {strides = array<i32>} : memref<32x768xf32, #tpu.memory_space<vmem>>, vector<1x16xf32>,
        %parallel_loop3A_1021 = arith.index_cast %parallel_loop3A_990 : i32 to index
        %parallel_loop3A_1022 = arith.constant 48 : index
        %parallel_loop3A_1023 = tpu.vector_load %arg11[%parallel_loop3A_1021, %parallel_loop3A_1022] {strides = array<i32>} : memref<32x768xf32, #tpu.memory_space<vmem>>, vector<1x16xf32>,
        %parallel_loop3A_1024 = vector.shape_cast %parallel_loop3A_1023 : vector<1x16xf32> to vector<16xf32>
        %parallel_loop3A_1025 = arith.addf %parallel_loop3A_1024, %get3A_789 : vector<16xf32>
        %parallel_loop3A_1026 = arith.index_cast %parallel_loop3A_990 : i32 to index
        %parallel_loop3A_1027 = arith.constant 48 : index
        %parallel_loop3A_1028 = tpu.vector_load %arg11[%parallel_loop3A_1026, %parallel_loop3A_1027] {strides = array<i32>} : memref<32x768xf32, #tpu.memory_space<vmem>>, vector<1x16xf32>,
        %parallel_loop3A_1029 = vector.shape_cast %parallel_loop3A_1028 : vector<1x16xf32> to vector<16xf32>
        %parallel_loop3A_1030 = vector.shape_cast %parallel_loop3A_1025 : vector<16xf32> to vector<1x16xf32>
        tpu.vector_store %arg11[%parallel_loop3A_1026, %parallel_loop3A_1027], %parallel_loop3A_1030 {strides = array<i32>} : memref<32x768xf32, #tpu.memory_space<vmem>>, vector<1x16xf32>,
        %parallel_loop3A_1031 = arith.index_cast %parallel_loop3A_990 : i32 to index
        %parallel_loop3A_1032 = arith.constant 64 : index
        %parallel_loop3A_1033 = tpu.vector_load %arg11[%parallel_loop3A_1031, %parallel_loop3A_1032] {strides = array<i32>} : memref<32x768xf32, #tpu.memory_space<vmem>>, vector<1x16xf32>,
        %parallel_loop3A_1034 = vector.shape_cast %parallel_loop3A_1033 : vector<1x16xf32> to vector<16xf32>
        %parallel_loop3A_1035 = arith.addf %parallel_loop3A_1034, %get3A_793 : vector<16xf32>
        %parallel_loop3A_1036 = arith.index_cast %parallel_loop3A_990 : i32 to index
        %parallel_loop3A_1037 = arith.constant 64 : index
        %parallel_loop3A_1038 = tpu.vector_load %arg11[%parallel_loop3A_1036, %parallel_loop3A_1037] {strides = array<i32>} : memref<32x768xf32, #tpu.memory_space<vmem>>, vector<1x16xf32>,
        %parallel_loop3A_1039 = vector.shape_cast %parallel_loop3A_1038 : vector<1x16xf32> to vector<16xf32>
        %parallel_loop3A_1040 = vector.shape_cast %parallel_loop3A_1035 : vector<16xf32> to vector<1x16xf32>
        tpu.vector_store %arg11[%parallel_loop3A_1036, %parallel_loop3A_1037], %parallel_loop3A_1040 {strides = array<i32>} : memref<32x768xf32, #tpu.memory_space<vmem>>, vector<1x16xf32>,
        %parallel_loop3A_1041 = arith.index_cast %parallel_loop3A_990 : i32 to index
        %parallel_loop3A_1042 = arith.constant 80 : index
        %parallel_loop3A_1043 = tpu.vector_load %arg11[%parallel_loop3A_1041, %parallel_loop3A_1042] {strides = array<i32>} : memref<32x768xf32, #tpu.memory_space<vmem>>, vector<1x16xf32>,
        %parallel_loop3A_1044 = vector.shape_cast %parallel_loop3A_1043 : vector<1x16xf32> to vector<16xf32>
        %parallel_loop3A_1045 = arith.addf %parallel_loop3A_1044, %get3A_797 : vector<16xf32>
        %parallel_loop3A_1046 = arith.index_cast %parallel_loop3A_990 : i32 to index
        %parallel_loop3A_1047 = arith.constant 80 : index
        %parallel_loop3A_1048 = tpu.vector_load %arg11[%parallel_loop3A_1046, %parallel_loop3A_1047] {strides = array<i32>} : memref<32x768xf32, #tpu.memory_space<vmem>>, vector<1x16xf32>,
        %parallel_loop3A_1049 = vector.shape_cast %parallel_loop3A_1048 : vector<1x16xf32> to vector<16xf32>
        %parallel_loop3A_1050 = vector.shape_cast %parallel_loop3A_1045 : vector<16xf32> to vector<1x16xf32>
        tpu.vector_store %arg11[%parallel_loop3A_1046, %parallel_loop3A_1047], %parallel_loop3A_1050 {strides = array<i32>} : memref<32x768xf32, #tpu.memory_space<vmem>>, vector<1x16xf32>,
        %parallel_loop3A_1051 = arith.index_cast %parallel_loop3A_990 : i32 to index
        %parallel_loop3A_1052 = arith.constant 96 : index
        %parallel_loop3A_1053 = tpu.vector_load %arg11[%parallel_loop3A_1051, %parallel_loop3A_1052] {strides = array<i32>} : memref<32x768xf32, #tpu.memory_space<vmem>>, vector<1x16xf32>,
        %parallel_loop3A_1054 = vector.shape_cast %parallel_loop3A_1053 : vector<1x16xf32> to vector<16xf32>
        %parallel_loop3A_1055 = arith.addf %parallel_loop3A_1054, %get3A_801 : vector<16xf32>
        %parallel_loop3A_1056 = arith.index_cast %parallel_loop3A_990 : i32 to index
        %parallel_loop3A_1057 = arith.constant 96 : index
        %parallel_loop3A_1058 = tpu.vector_load %arg11[%parallel_loop3A_1056, %parallel_loop3A_1057] {strides = array<i32>} : memref<32x768xf32, #tpu.memory_space<vmem>>, vector<1x16xf32>,
        %parallel_loop3A_1059 = vector.shape_cast %parallel_loop3A_1058 : vector<1x16xf32> to vector<16xf32>
        %parallel_loop3A_1060 = vector.shape_cast %parallel_loop3A_1055 : vector<16xf32> to vector<1x16xf32>
        tpu.vector_store %arg11[%parallel_loop3A_1056, %parallel_loop3A_1057], %parallel_loop3A_1060 {strides = array<i32>} : memref<32x768xf32, #tpu.memory_space<vmem>>, vector<1x16xf32>,
        %parallel_loop3A_1061 = arith.index_cast %parallel_loop3A_990 : i32 to index
        %parallel_loop3A_1062 = arith.constant 112 : index
        %parallel_loop3A_1063 = tpu.vector_load %arg11[%parallel_loop3A_1061, %parallel_loop3A_1062] {strides = array<i32>} : memref<32x768xf32, #tpu.memory_space<vmem>>, vector<1x16xf32>,
        %parallel_loop3A_1064 = vector.shape_cast %parallel_loop3A_1063 : vector<1x16xf32> to vector<16xf32>
        %parallel_loop3A_1065 = arith.addf %parallel_loop3A_1064, %get3A_805 : vector<16xf32>
        %parallel_loop3A_1066 = arith.index_cast %parallel_loop3A_990 : i32 to index
        %parallel_loop3A_1067 = arith.constant 112 : index
        %parallel_loop3A_1068 = tpu.vector_load %arg11[%parallel_loop3A_1066, %parallel_loop3A_1067] {strides = array<i32>} : memref<32x768xf32, #tpu.memory_space<vmem>>, vector<1x16xf32>,
        %parallel_loop3A_1069 = vector.shape_cast %parallel_loop3A_1068 : vector<1x16xf32> to vector<16xf32>
        %parallel_loop3A_1070 = vector.shape_cast %parallel_loop3A_1065 : vector<16xf32> to vector<1x16xf32>
        tpu.vector_store %arg11[%parallel_loop3A_1066, %parallel_loop3A_1067], %parallel_loop3A_1070 {strides = array<i32>} : memref<32x768xf32, #tpu.memory_space<vmem>>, vector<1x16xf32>,
        %parallel_loop3A_1071 = arith.index_cast %parallel_loop3A_990 : i32 to index
        %parallel_loop3A_1072 = arith.constant 128 : index
        %parallel_loop3A_1073 = tpu.vector_load %arg11[%parallel_loop3A_1071, %parallel_loop3A_1072] {strides = array<i32>} : memref<32x768xf32, #tpu.memory_space<vmem>>, vector<1x16xf32>,
        %parallel_loop3A_1074 = vector.shape_cast %parallel_loop3A_1073 : vector<1x16xf32> to vector<16xf32>
        %parallel_loop3A_1075 = arith.addf %parallel_loop3A_1074, %get3A_809 : vector<16xf32>
        %parallel_loop3A_1076 = arith.index_cast %parallel_loop3A_990 : i32 to index
        %parallel_loop3A_1077 = arith.constant 128 : index
        %parallel_loop3A_1078 = tpu.vector_load %arg11[%parallel_loop3A_1076, %parallel_loop3A_1077] {strides = array<i32>} : memref<32x768xf32, #tpu.memory_space<vmem>>, vector<1x16xf32>,
        %parallel_loop3A_1079 = vector.shape_cast %parallel_loop3A_1078 : vector<1x16xf32> to vector<16xf32>
        %parallel_loop3A_1080 = vector.shape_cast %parallel_loop3A_1075 : vector<16xf32> to vector<1x16xf32>
        tpu.vector_store %arg11[%parallel_loop3A_1076, %parallel_loop3A_1077], %parallel_loop3A_1080 {strides = array<i32>} : memref<32x768xf32, #tpu.memory_space<vmem>>, vector<1x16xf32>,
        %parallel_loop3A_1081 = arith.index_cast %parallel_loop3A_990 : i32 to index
        %parallel_loop3A_1082 = arith.constant 144 : index
        %parallel_loop3A_1083 = tpu.vector_load %arg11[%parallel_loop3A_1081, %parallel_loop3A_1082] {strides = array<i32>} : memref<32x768xf32, #tpu.memory_space<vmem>>, vector<1x16xf32>,
        %parallel_loop3A_1084 = vector.shape_cast %parallel_loop3A_1083 : vector<1x16xf32> to vector<16xf32>
        %parallel_loop3A_1085 = arith.addf %parallel_loop3A_1084, %get3A_813 : vector<16xf32>
        %parallel_loop3A_1086 = arith.index_cast %parallel_loop3A_990 : i32 to index
        %parallel_loop3A_1087 = arith.constant 144 : index
        %parallel_loop3A_1088 = tpu.vector_load %arg11[%parallel_loop3A_1086, %parallel_loop3A_1087] {strides = array<i32>} : memref<32x768xf32, #tpu.memory_space<vmem>>, vector<1x16xf32>,
        %parallel_loop3A_1089 = vector.shape_cast %parallel_loop3A_1088 : vector<1x16xf32> to vector<16xf32>
        %parallel_loop3A_1090 = vector.shape_cast %parallel_loop3A_1085 : vector<16xf32> to vector<1x16xf32>
        tpu.vector_store %arg11[%parallel_loop3A_1086, %parallel_loop3A_1087], %parallel_loop3A_1090 {strides = array<i32>} : memref<32x768xf32, #tpu.memory_space<vmem>>, vector<1x16xf32>,
        %parallel_loop3A_1091 = arith.index_cast %parallel_loop3A_990 : i32 to index
        %parallel_loop3A_1092 = arith.constant 160 : index
        %parallel_loop3A_1093 = tpu.vector_load %arg11[%parallel_loop3A_1091, %parallel_loop3A_1092] {strides = array<i32>} : memref<32x768xf32, #tpu.memory_space<vmem>>, vector<1x16xf32>,
        %parallel_loop3A_1094 = vector.shape_cast %parallel_loop3A_1093 : vector<1x16xf32> to vector<16xf32>
        %parallel_loop3A_1095 = arith.addf %parallel_loop3A_1094, %get3A_817 : vector<16xf32>
        %parallel_loop3A_1096 = arith.index_cast %parallel_loop3A_990 : i32 to index
        %parallel_loop3A_1097 = arith.constant 160 : index
        %parallel_loop3A_1098 = tpu.vector_load %arg11[%parallel_loop3A_1096, %parallel_loop3A_1097] {strides = array<i32>} : memref<32x768xf32, #tpu.memory_space<vmem>>, vector<1x16xf32>,
        %parallel_loop3A_1099 = vector.shape_cast %parallel_loop3A_1098 : vector<1x16xf32> to vector<16xf32>
        %parallel_loop3A_1100 = vector.shape_cast %parallel_loop3A_1095 : vector<16xf32> to vector<1x16xf32>
        tpu.vector_store %arg11[%parallel_loop3A_1096, %parallel_loop3A_1097], %parallel_loop3A_1100 {strides = array<i32>} : memref<32x768xf32, #tpu.memory_space<vmem>>, vector<1x16xf32>,
        %parallel_loop3A_1101 = arith.index_cast %parallel_loop3A_990 : i32 to index
        %parallel_loop3A_1102 = arith.constant 176 : index
        %parallel_loop3A_1103 = tpu.vector_load %arg11[%parallel_loop3A_1101, %parallel_loop3A_1102] {strides = array<i32>} : memref<32x768xf32, #tpu.memory_space<vmem>>, vector<1x16xf32>,
        %parallel_loop3A_1104 = vector.shape_cast %parallel_loop3A_1103 : vector<1x16xf32> to vector<16xf32>
        %parallel_loop3A_1105 = arith.addf %parallel_loop3A_1104, %get3A_821 : vector<16xf32>
        %parallel_loop3A_1106 = arith.index_cast %parallel_loop3A_990 : i32 to index
        %parallel_loop3A_1107 = arith.constant 176 : index
        %parallel_loop3A_1108 = tpu.vector_load %arg11[%parallel_loop3A_1106, %parallel_loop3A_1107] {strides = array<i32>} : memref<32x768xf32, #tpu.memory_space<vmem>>, vector<1x16xf32>,
        %parallel_loop3A_1109 = vector.shape_cast %parallel_loop3A_1108 : vector<1x16xf32> to vector<16xf32>
        %parallel_loop3A_1110 = vector.shape_cast %parallel_loop3A_1105 : vector<16xf32> to vector<1x16xf32>
        tpu.vector_store %arg11[%parallel_loop3A_1106, %parallel_loop3A_1107], %parallel_loop3A_1110 {strides = array<i32>} : memref<32x768xf32, #tpu.memory_space<vmem>>, vector<1x16xf32>,
        %parallel_loop3A_1111 = arith.index_cast %parallel_loop3A_990 : i32 to index
        %parallel_loop3A_1112 = arith.constant 192 : index
        %parallel_loop3A_1113 = tpu.vector_load %arg11[%parallel_loop3A_1111, %parallel_loop3A_1112] {strides = array<i32>} : memref<32x768xf32, #tpu.memory_space<vmem>>, vector<1x16xf32>,
        %parallel_loop3A_1114 = vector.shape_cast %parallel_loop3A_1113 : vector<1x16xf32> to vector<16xf32>
        %parallel_loop3A_1115 = arith.addf %parallel_loop3A_1114, %get3A_825 : vector<16xf32>
        %parallel_loop3A_1116 = arith.index_cast %parallel_loop3A_990 : i32 to index
        %parallel_loop3A_1117 = arith.constant 192 : index
        %parallel_loop3A_1118 = tpu.vector_load %arg11[%parallel_loop3A_1116, %parallel_loop3A_1117] {strides = array<i32>} : memref<32x768xf32, #tpu.memory_space<vmem>>, vector<1x16xf32>,
        %parallel_loop3A_1119 = vector.shape_cast %parallel_loop3A_1118 : vector<1x16xf32> to vector<16xf32>
        %parallel_loop3A_1120 = vector.shape_cast %parallel_loop3A_1115 : vector<16xf32> to vector<1x16xf32>
        tpu.vector_store %arg11[%parallel_loop3A_1116, %parallel_loop3A_1117], %parallel_loop3A_1120 {strides = array<i32>} : memref<32x768xf32, #tpu.memory_space<vmem>>, vector<1x16xf32>,
        %parallel_loop3A_1121 = arith.index_cast %parallel_loop3A_990 : i32 to index
        %parallel_loop3A_1122 = arith.constant 208 : index
        %parallel_loop3A_1123 = tpu.vector_load %arg11[%parallel_loop3A_1121, %parallel_loop3A_1122] {strides = array<i32>} : memref<32x768xf32, #tpu.memory_space<vmem>>, vector<1x16xf32>,
        %parallel_loop3A_1124 = vector.shape_cast %parallel_loop3A_1123 : vector<1x16xf32> to vector<16xf32>
        %parallel_loop3A_1125 = arith.addf %parallel_loop3A_1124, %get3A_829 : vector<16xf32>
        %parallel_loop3A_1126 = arith.index_cast %parallel_loop3A_990 : i32 to index
        %parallel_loop3A_1127 = arith.constant 208 : index
        %parallel_loop3A_1128 = tpu.vector_load %arg11[%parallel_loop3A_1126, %parallel_loop3A_1127] {strides = array<i32>} : memref<32x768xf32, #tpu.memory_space<vmem>>, vector<1x16xf32>,
        %parallel_loop3A_1129 = vector.shape_cast %parallel_loop3A_1128 : vector<1x16xf32> to vector<16xf32>
        %parallel_loop3A_1130 = vector.shape_cast %parallel_loop3A_1125 : vector<16xf32> to vector<1x16xf32>
        tpu.vector_store %arg11[%parallel_loop3A_1126, %parallel_loop3A_1127], %parallel_loop3A_1130 {strides = array<i32>} : memref<32x768xf32, #tpu.memory_space<vmem>>, vector<1x16xf32>,
        %parallel_loop3A_1131 = arith.index_cast %parallel_loop3A_990 : i32 to index
        %parallel_loop3A_1132 = arith.constant 224 : index
        %parallel_loop3A_1133 = tpu.vector_load %arg11[%parallel_loop3A_1131, %parallel_loop3A_1132] {strides = array<i32>} : memref<32x768xf32, #tpu.memory_space<vmem>>, vector<1x16xf32>,
        %parallel_loop3A_1134 = vector.shape_cast %parallel_loop3A_1133 : vector<1x16xf32> to vector<16xf32>
        %parallel_loop3A_1135 = arith.addf %parallel_loop3A_1134, %get3A_833 : vector<16xf32>
        %parallel_loop3A_1136 = arith.index_cast %parallel_loop3A_990 : i32 to index
        %parallel_loop3A_1137 = arith.constant 224 : index
        %parallel_loop3A_1138 = tpu.vector_load %arg11[%parallel_loop3A_1136, %parallel_loop3A_1137] {strides = array<i32>} : memref<32x768xf32, #tpu.memory_space<vmem>>, vector<1x16xf32>,
        %parallel_loop3A_1139 = vector.shape_cast %parallel_loop3A_1138 : vector<1x16xf32> to vector<16xf32>
        %parallel_loop3A_1140 = vector.shape_cast %parallel_loop3A_1135 : vector<16xf32> to vector<1x16xf32>
        tpu.vector_store %arg11[%parallel_loop3A_1136, %parallel_loop3A_1137], %parallel_loop3A_1140 {strides = array<i32>} : memref<32x768xf32, #tpu.memory_space<vmem>>, vector<1x16xf32>,
        %parallel_loop3A_1141 = arith.index_cast %parallel_loop3A_990 : i32 to index
        %parallel_loop3A_1142 = arith.constant 240 : index
        %parallel_loop3A_1143 = tpu.vector_load %arg11[%parallel_loop3A_1141, %parallel_loop3A_1142] {strides = array<i32>} : memref<32x768xf32, #tpu.memory_space<vmem>>, vector<1x16xf32>,
        %parallel_loop3A_1144 = vector.shape_cast %parallel_loop3A_1143 : vector<1x16xf32> to vector<16xf32>
        %parallel_loop3A_1145 = arith.addf %parallel_loop3A_1144, %get3A_837 : vector<16xf32>
        %parallel_loop3A_1146 = arith.index_cast %parallel_loop3A_990 : i32 to index
        %parallel_loop3A_1147 = arith.constant 240 : index
        %parallel_loop3A_1148 = tpu.vector_load %arg11[%parallel_loop3A_1146, %parallel_loop3A_1147] {strides = array<i32>} : memref<32x768xf32, #tpu.memory_space<vmem>>, vector<1x16xf32>,
        %parallel_loop3A_1149 = vector.shape_cast %parallel_loop3A_1148 : vector<1x16xf32> to vector<16xf32>
        %parallel_loop3A_1150 = vector.shape_cast %parallel_loop3A_1145 : vector<16xf32> to vector<1x16xf32>
        tpu.vector_store %arg11[%parallel_loop3A_1146, %parallel_loop3A_1147], %parallel_loop3A_1150 {strides = array<i32>} : memref<32x768xf32, #tpu.memory_space<vmem>>, vector<1x16xf32>,
        %parallel_loop3A_1151 = arith.index_cast %parallel_loop3A_990 : i32 to index
        %parallel_loop3A_1152 = arith.constant 256 : index
        %parallel_loop3A_1153 = tpu.vector_load %arg11[%parallel_loop3A_1151, %parallel_loop3A_1152] {strides = array<i32>} : memref<32x768xf32, #tpu.memory_space<vmem>>, vector<1x16xf32>,
        %parallel_loop3A_1154 = vector.shape_cast %parallel_loop3A_1153 : vector<1x16xf32> to vector<16xf32>
        %parallel_loop3A_1155 = arith.addf %parallel_loop3A_1154, %get3A_841 : vector<16xf32>
        %parallel_loop3A_1156 = arith.index_cast %parallel_loop3A_990 : i32 to index
        %parallel_loop3A_1157 = arith.constant 256 : index
        %parallel_loop3A_1158 = tpu.vector_load %arg11[%parallel_loop3A_1156, %parallel_loop3A_1157] {strides = array<i32>} : memref<32x768xf32, #tpu.memory_space<vmem>>, vector<1x16xf32>,
        %parallel_loop3A_1159 = vector.shape_cast %parallel_loop3A_1158 : vector<1x16xf32> to vector<16xf32>
        %parallel_loop3A_1160 = vector.shape_cast %parallel_loop3A_1155 : vector<16xf32> to vector<1x16xf32>
        tpu.vector_store %arg11[%parallel_loop3A_1156, %parallel_loop3A_1157], %parallel_loop3A_1160 {strides = array<i32>} : memref<32x768xf32, #tpu.memory_space<vmem>>, vector<1x16xf32>,
        %parallel_loop3A_1161 = arith.index_cast %parallel_loop3A_990 : i32 to index
        %parallel_loop3A_1162 = arith.constant 272 : index
        %parallel_loop3A_1163 = tpu.vector_load %arg11[%parallel_loop3A_1161, %parallel_loop3A_1162] {strides = array<i32>} : memref<32x768xf32, #tpu.memory_space<vmem>>, vector<1x16xf32>,
        %parallel_loop3A_1164 = vector.shape_cast %parallel_loop3A_1163 : vector<1x16xf32> to vector<16xf32>
        %parallel_loop3A_1165 = arith.addf %parallel_loop3A_1164, %get3A_845 : vector<16xf32>
        %parallel_loop3A_1166 = arith.index_cast %parallel_loop3A_990 : i32 to index
        %parallel_loop3A_1167 = arith.constant 272 : index
        %parallel_loop3A_1168 = tpu.vector_load %arg11[%parallel_loop3A_1166, %parallel_loop3A_1167] {strides = array<i32>} : memref<32x768xf32, #tpu.memory_space<vmem>>, vector<1x16xf32>,
        %parallel_loop3A_1169 = vector.shape_cast %parallel_loop3A_1168 : vector<1x16xf32> to vector<16xf32>
        %parallel_loop3A_1170 = vector.shape_cast %parallel_loop3A_1165 : vector<16xf32> to vector<1x16xf32>
        tpu.vector_store %arg11[%parallel_loop3A_1166, %parallel_loop3A_1167], %parallel_loop3A_1170 {strides = array<i32>} : memref<32x768xf32, #tpu.memory_space<vmem>>, vector<1x16xf32>,
        %parallel_loop3A_1171 = arith.index_cast %parallel_loop3A_990 : i32 to index
        %parallel_loop3A_1172 = arith.constant 288 : index
        %parallel_loop3A_1173 = tpu.vector_load %arg11[%parallel_loop3A_1171, %parallel_loop3A_1172] {strides = array<i32>} : memref<32x768xf32, #tpu.memory_space<vmem>>, vector<1x16xf32>,
        %parallel_loop3A_1174 = vector.shape_cast %parallel_loop3A_1173 : vector<1x16xf32> to vector<16xf32>
        %parallel_loop3A_1175 = arith.addf %parallel_loop3A_1174, %get3A_849 : vector<16xf32>
        %parallel_loop3A_1176 = arith.index_cast %parallel_loop3A_990 : i32 to index
        %parallel_loop3A_1177 = arith.constant 288 : index
        %parallel_loop3A_1178 = tpu.vector_load %arg11[%parallel_loop3A_1176, %parallel_loop3A_1177] {strides = array<i32>} : memref<32x768xf32, #tpu.memory_space<vmem>>, vector<1x16xf32>,
        %parallel_loop3A_1179 = vector.shape_cast %parallel_loop3A_1178 : vector<1x16xf32> to vector<16xf32>
        %parallel_loop3A_1180 = vector.shape_cast %parallel_loop3A_1175 : vector<16xf32> to vector<1x16xf32>
        tpu.vector_store %arg11[%parallel_loop3A_1176, %parallel_loop3A_1177], %parallel_loop3A_1180 {strides = array<i32>} : memref<32x768xf32, #tpu.memory_space<vmem>>, vector<1x16xf32>,
        %parallel_loop3A_1181 = arith.index_cast %parallel_loop3A_990 : i32 to index
        %parallel_loop3A_1182 = arith.constant 304 : index
        %parallel_loop3A_1183 = tpu.vector_load %arg11[%parallel_loop3A_1181, %parallel_loop3A_1182] {strides = array<i32>} : memref<32x768xf32, #tpu.memory_space<vmem>>, vector<1x16xf32>,
        %parallel_loop3A_1184 = vector.shape_cast %parallel_loop3A_1183 : vector<1x16xf32> to vector<16xf32>
        %parallel_loop3A_1185 = arith.addf %parallel_loop3A_1184, %get3A_853 : vector<16xf32>
        %parallel_loop3A_1186 = arith.index_cast %parallel_loop3A_990 : i32 to index
        %parallel_loop3A_1187 = arith.constant 304 : index
        %parallel_loop3A_1188 = tpu.vector_load %arg11[%parallel_loop3A_1186, %parallel_loop3A_1187] {strides = array<i32>} : memref<32x768xf32, #tpu.memory_space<vmem>>, vector<1x16xf32>,
        %parallel_loop3A_1189 = vector.shape_cast %parallel_loop3A_1188 : vector<1x16xf32> to vector<16xf32>
        %parallel_loop3A_1190 = vector.shape_cast %parallel_loop3A_1185 : vector<16xf32> to vector<1x16xf32>
        tpu.vector_store %arg11[%parallel_loop3A_1186, %parallel_loop3A_1187], %parallel_loop3A_1190 {strides = array<i32>} : memref<32x768xf32, #tpu.memory_space<vmem>>, vector<1x16xf32>,
        %parallel_loop3A_1191 = arith.index_cast %parallel_loop3A_990 : i32 to index
        %parallel_loop3A_1192 = arith.constant 320 : index
        %parallel_loop3A_1193 = tpu.vector_load %arg11[%parallel_loop3A_1191, %parallel_loop3A_1192] {strides = array<i32>} : memref<32x768xf32, #tpu.memory_space<vmem>>, vector<1x16xf32>,
        %parallel_loop3A_1194 = vector.shape_cast %parallel_loop3A_1193 : vector<1x16xf32> to vector<16xf32>
        %parallel_loop3A_1195 = arith.addf %parallel_loop3A_1194, %get3A_857 : vector<16xf32>
        %parallel_loop3A_1196 = arith.index_cast %parallel_loop3A_990 : i32 to index
        %parallel_loop3A_1197 = arith.constant 320 : index
        %parallel_loop3A_1198 = tpu.vector_load %arg11[%parallel_loop3A_1196, %parallel_loop3A_1197] {strides = array<i32>} : memref<32x768xf32, #tpu.memory_space<vmem>>, vector<1x16xf32>,
        %parallel_loop3A_1199 = vector.shape_cast %parallel_loop3A_1198 : vector<1x16xf32> to vector<16xf32>
        %parallel_loop3A_1200 = vector.shape_cast %parallel_loop3A_1195 : vector<16xf32> to vector<1x16xf32>
        tpu.vector_store %arg11[%parallel_loop3A_1196, %parallel_loop3A_1197], %parallel_loop3A_1200 {strides = array<i32>} : memref<32x768xf32, #tpu.memory_space<vmem>>, vector<1x16xf32>,
        %parallel_loop3A_1201 = arith.index_cast %parallel_loop3A_990 : i32 to index
        %parallel_loop3A_1202 = arith.constant 336 : index
        %parallel_loop3A_1203 = tpu.vector_load %arg11[%parallel_loop3A_1201, %parallel_loop3A_1202] {strides = array<i32>} : memref<32x768xf32, #tpu.memory_space<vmem>>, vector<1x16xf32>,
        %parallel_loop3A_1204 = vector.shape_cast %parallel_loop3A_1203 : vector<1x16xf32> to vector<16xf32>
        %parallel_loop3A_1205 = arith.addf %parallel_loop3A_1204, %get3A_861 : vector<16xf32>
        %parallel_loop3A_1206 = arith.index_cast %parallel_loop3A_990 : i32 to index
        %parallel_loop3A_1207 = arith.constant 336 : index
        %parallel_loop3A_1208 = tpu.vector_load %arg11[%parallel_loop3A_1206, %parallel_loop3A_1207] {strides = array<i32>} : memref<32x768xf32, #tpu.memory_space<vmem>>, vector<1x16xf32>,
        %parallel_loop3A_1209 = vector.shape_cast %parallel_loop3A_1208 : vector<1x16xf32> to vector<16xf32>
        %parallel_loop3A_1210 = vector.shape_cast %parallel_loop3A_1205 : vector<16xf32> to vector<1x16xf32>
        tpu.vector_store %arg11[%parallel_loop3A_1206, %parallel_loop3A_1207], %parallel_loop3A_1210 {strides = array<i32>} : memref<32x768xf32, #tpu.memory_space<vmem>>, vector<1x16xf32>,
        %parallel_loop3A_1211 = arith.index_cast %parallel_loop3A_990 : i32 to index
        %parallel_loop3A_1212 = arith.constant 352 : index
        %parallel_loop3A_1213 = tpu.vector_load %arg11[%parallel_loop3A_1211, %parallel_loop3A_1212] {strides = array<i32>} : memref<32x768xf32, #tpu.memory_space<vmem>>, vector<1x16xf32>,
        %parallel_loop3A_1214 = vector.shape_cast %parallel_loop3A_1213 : vector<1x16xf32> to vector<16xf32>
        %parallel_loop3A_1215 = arith.addf %parallel_loop3A_1214, %get3A_865 : vector<16xf32>
        %parallel_loop3A_1216 = arith.index_cast %parallel_loop3A_990 : i32 to index
        %parallel_loop3A_1217 = arith.constant 352 : index
        %parallel_loop3A_1218 = tpu.vector_load %arg11[%parallel_loop3A_1216, %parallel_loop3A_1217] {strides = array<i32>} : memref<32x768xf32, #tpu.memory_space<vmem>>, vector<1x16xf32>,
        %parallel_loop3A_1219 = vector.shape_cast %parallel_loop3A_1218 : vector<1x16xf32> to vector<16xf32>
        %parallel_loop3A_1220 = vector.shape_cast %parallel_loop3A_1215 : vector<16xf32> to vector<1x16xf32>
        tpu.vector_store %arg11[%parallel_loop3A_1216, %parallel_loop3A_1217], %parallel_loop3A_1220 {strides = array<i32>} : memref<32x768xf32, #tpu.memory_space<vmem>>, vector<1x16xf32>,
        %parallel_loop3A_1221 = arith.index_cast %parallel_loop3A_990 : i32 to index
        %parallel_loop3A_1222 = arith.constant 368 : index
        %parallel_loop3A_1223 = tpu.vector_load %arg11[%parallel_loop3A_1221, %parallel_loop3A_1222] {strides = array<i32>} : memref<32x768xf32, #tpu.memory_space<vmem>>, vector<1x16xf32>,
        %parallel_loop3A_1224 = vector.shape_cast %parallel_loop3A_1223 : vector<1x16xf32> to vector<16xf32>
        %parallel_loop3A_1225 = arith.addf %parallel_loop3A_1224, %get3A_869 : vector<16xf32>
        %parallel_loop3A_1226 = arith.index_cast %parallel_loop3A_990 : i32 to index
        %parallel_loop3A_1227 = arith.constant 368 : index
        %parallel_loop3A_1228 = tpu.vector_load %arg11[%parallel_loop3A_1226, %parallel_loop3A_1227] {strides = array<i32>} : memref<32x768xf32, #tpu.memory_space<vmem>>, vector<1x16xf32>,
        %parallel_loop3A_1229 = vector.shape_cast %parallel_loop3A_1228 : vector<1x16xf32> to vector<16xf32>
        %parallel_loop3A_1230 = vector.shape_cast %parallel_loop3A_1225 : vector<16xf32> to vector<1x16xf32>
        tpu.vector_store %arg11[%parallel_loop3A_1226, %parallel_loop3A_1227], %parallel_loop3A_1230 {strides = array<i32>} : memref<32x768xf32, #tpu.memory_space<vmem>>, vector<1x16xf32>,
      } {sc.loop_unroll_factor = 1 : i64, sc.parallel_access}
      %get3A_873 = arith.index_cast %shift_right_logical3A_773 : i32 to index
      %get3A_874 = arith.constant 384 : index
      %get3A_875 = tpu.vector_load %arg7[%get3A_873, %get3A_874] {strides = array<i32>} : memref<16x768xf32, #tpu.memory_space<vmem>>, vector<1x16xf32>,
      %get3A_876 = vector.shape_cast %get3A_875 : vector<1x16xf32> to vector<16xf32>
      %get3A_877 = arith.index_cast %shift_right_logical3A_773 : i32 to index
      %get3A_878 = arith.constant 400 : index
      %get3A_879 = tpu.vector_load %arg7[%get3A_877, %get3A_878] {strides = array<i32>} : memref<16x768xf32, #tpu.memory_space<vmem>>, vector<1x16xf32>,
      %get3A_880 = vector.shape_cast %get3A_879 : vector<1x16xf32> to vector<16xf32>
      %get3A_881 = arith.index_cast %shift_right_logical3A_773 : i32 to index
      %get3A_882 = arith.constant 416 : index
      %get3A_883 = tpu.vector_load %arg7[%get3A_881, %get3A_882] {strides = array<i32>} : memref<16x768xf32, #tpu.memory_space<vmem>>, vector<1x16xf32>,
      %get3A_884 = vector.shape_cast %get3A_883 : vector<1x16xf32> to vector<16xf32>
      %get3A_885 = arith.index_cast %shift_right_logical3A_773 : i32 to index
      %get3A_886 = arith.constant 432 : index
      %get3A_887 = tpu.vector_load %arg7[%get3A_885, %get3A_886] {strides = array<i32>} : memref<16x768xf32, #tpu.memory_space<vmem>>, vector<1x16xf32>,
      %get3A_888 = vector.shape_cast %get3A_887 : vector<1x16xf32> to vector<16xf32>
      %get3A_889 = arith.index_cast %shift_right_logical3A_773 : i32 to index
      %get3A_890 = arith.constant 448 : index
      %get3A_891 = tpu.vector_load %arg7[%get3A_889, %get3A_890] {strides = array<i32>} : memref<16x768xf32, #tpu.memory_space<vmem>>, vector<1x16xf32>,
      %get3A_892 = vector.shape_cast %get3A_891 : vector<1x16xf32> to vector<16xf32>
      %get3A_893 = arith.index_cast %shift_right_logical3A_773 : i32 to index
      %get3A_894 = arith.constant 464 : index
      %get3A_895 = tpu.vector_load %arg7[%get3A_893, %get3A_894] {strides = array<i32>} : memref<16x768xf32, #tpu.memory_space<vmem>>, vector<1x16xf32>,
      %get3A_896 = vector.shape_cast %get3A_895 : vector<1x16xf32> to vector<16xf32>
      %get3A_897 = arith.index_cast %shift_right_logical3A_773 : i32 to index
      %get3A_898 = arith.constant 480 : index
      %get3A_899 = tpu.vector_load %arg7[%get3A_897, %get3A_898] {strides = array<i32>} : memref<16x768xf32, #tpu.memory_space<vmem>>, vector<1x16xf32>,
      %get3A_900 = vector.shape_cast %get3A_899 : vector<1x16xf32> to vector<16xf32>
      %get3A_901 = arith.index_cast %shift_right_logical3A_773 : i32 to index
      %get3A_902 = arith.constant 496 : index
      %get3A_903 = tpu.vector_load %arg7[%get3A_901, %get3A_902] {strides = array<i32>} : memref<16x768xf32, #tpu.memory_space<vmem>>, vector<1x16xf32>,
      %get3A_904 = vector.shape_cast %get3A_903 : vector<1x16xf32> to vector<16xf32>
      %get3A_905 = arith.index_cast %shift_right_logical3A_773 : i32 to index
      %get3A_906 = arith.constant 512 : index
      %get3A_907 = tpu.vector_load %arg7[%get3A_905, %get3A_906] {strides = array<i32>} : memref<16x768xf32, #tpu.memory_space<vmem>>, vector<1x16xf32>,
      %get3A_908 = vector.shape_cast %get3A_907 : vector<1x16xf32> to vector<16xf32>
      %get3A_909 = arith.index_cast %shift_right_logical3A_773 : i32 to index
      %get3A_910 = arith.constant 528 : index
      %get3A_911 = tpu.vector_load %arg7[%get3A_909, %get3A_910] {strides = array<i32>} : memref<16x768xf32, #tpu.memory_space<vmem>>, vector<1x16xf32>,
      %get3A_912 = vector.shape_cast %get3A_911 : vector<1x16xf32> to vector<16xf32>
      %get3A_913 = arith.index_cast %shift_right_logical3A_773 : i32 to index
      %get3A_914 = arith.constant 544 : index
      %get3A_915 = tpu.vector_load %arg7[%get3A_913, %get3A_914] {strides = array<i32>} : memref<16x768xf32, #tpu.memory_space<vmem>>, vector<1x16xf32>,
      %get3A_916 = vector.shape_cast %get3A_915 : vector<1x16xf32> to vector<16xf32>
      %get3A_917 = arith.index_cast %shift_right_logical3A_773 : i32 to index
      %get3A_918 = arith.constant 560 : index
      %get3A_919 = tpu.vector_load %arg7[%get3A_917, %get3A_918] {strides = array<i32>} : memref<16x768xf32, #tpu.memory_space<vmem>>, vector<1x16xf32>,
      %get3A_920 = vector.shape_cast %get3A_919 : vector<1x16xf32> to vector<16xf32>
      %get3A_921 = arith.index_cast %shift_right_logical3A_773 : i32 to index
      %get3A_922 = arith.constant 576 : index
      %get3A_923 = tpu.vector_load %arg7[%get3A_921, %get3A_922] {strides = array<i32>} : memref<16x768xf32, #tpu.memory_space<vmem>>, vector<1x16xf32>,
      %get3A_924 = vector.shape_cast %get3A_923 : vector<1x16xf32> to vector<16xf32>
      %get3A_925 = arith.index_cast %shift_right_logical3A_773 : i32 to index
      %get3A_926 = arith.constant 592 : index
      %get3A_927 = tpu.vector_load %arg7[%get3A_925, %get3A_926] {strides = array<i32>} : memref<16x768xf32, #tpu.memory_space<vmem>>, vector<1x16xf32>,
      %get3A_928 = vector.shape_cast %get3A_927 : vector<1x16xf32> to vector<16xf32>
      %get3A_929 = arith.index_cast %shift_right_logical3A_773 : i32 to index
      %get3A_930 = arith.constant 608 : index
      %get3A_931 = tpu.vector_load %arg7[%get3A_929, %get3A_930] {strides = array<i32>} : memref<16x768xf32, #tpu.memory_space<vmem>>, vector<1x16xf32>,
      %get3A_932 = vector.shape_cast %get3A_931 : vector<1x16xf32> to vector<16xf32>
      %get3A_933 = arith.index_cast %shift_right_logical3A_773 : i32 to index
      %get3A_934 = arith.constant 624 : index
      %get3A_935 = tpu.vector_load %arg7[%get3A_933, %get3A_934] {strides = array<i32>} : memref<16x768xf32, #tpu.memory_space<vmem>>, vector<1x16xf32>,
      %get3A_936 = vector.shape_cast %get3A_935 : vector<1x16xf32> to vector<16xf32>
      %get3A_937 = arith.index_cast %shift_right_logical3A_773 : i32 to index
      %get3A_938 = arith.constant 640 : index
      %get3A_939 = tpu.vector_load %arg7[%get3A_937, %get3A_938] {strides = array<i32>} : memref<16x768xf32, #tpu.memory_space<vmem>>, vector<1x16xf32>,
      %get3A_940 = vector.shape_cast %get3A_939 : vector<1x16xf32> to vector<16xf32>
      %get3A_941 = arith.index_cast %shift_right_logical3A_773 : i32 to index
      %get3A_942 = arith.constant 656 : index
      %get3A_943 = tpu.vector_load %arg7[%get3A_941, %get3A_942] {strides = array<i32>} : memref<16x768xf32, #tpu.memory_space<vmem>>, vector<1x16xf32>,
      %get3A_944 = vector.shape_cast %get3A_943 : vector<1x16xf32> to vector<16xf32>
      %get3A_945 = arith.index_cast %shift_right_logical3A_773 : i32 to index
      %get3A_946 = arith.constant 672 : index
      %get3A_947 = tpu.vector_load %arg7[%get3A_945, %get3A_946] {strides = array<i32>} : memref<16x768xf32, #tpu.memory_space<vmem>>, vector<1x16xf32>,
      %get3A_948 = vector.shape_cast %get3A_947 : vector<1x16xf32> to vector<16xf32>
      %get3A_949 = arith.index_cast %shift_right_logical3A_773 : i32 to index
      %get3A_950 = arith.constant 688 : index
      %get3A_951 = tpu.vector_load %arg7[%get3A_949, %get3A_950] {strides = array<i32>} : memref<16x768xf32, #tpu.memory_space<vmem>>, vector<1x16xf32>,
      %get3A_952 = vector.shape_cast %get3A_951 : vector<1x16xf32> to vector<16xf32>
      %get3A_953 = arith.index_cast %shift_right_logical3A_773 : i32 to index
      %get3A_954 = arith.constant 704 : index
      %get3A_955 = tpu.vector_load %arg7[%get3A_953, %get3A_954] {strides = array<i32>} : memref<16x768xf32, #tpu.memory_space<vmem>>, vector<1x16xf32>,
      %get3A_956 = vector.shape_cast %get3A_955 : vector<1x16xf32> to vector<16xf32>
      %get3A_957 = arith.index_cast %shift_right_logical3A_773 : i32 to index
      %get3A_958 = arith.constant 720 : index
      %get3A_959 = tpu.vector_load %arg7[%get3A_957, %get3A_958] {strides = array<i32>} : memref<16x768xf32, #tpu.memory_space<vmem>>, vector<1x16xf32>,
      %get3A_960 = vector.shape_cast %get3A_959 : vector<1x16xf32> to vector<16xf32>
      %get3A_961 = arith.index_cast %shift_right_logical3A_773 : i32 to index
      %get3A_962 = arith.constant 736 : index
      %get3A_963 = tpu.vector_load %arg7[%get3A_961, %get3A_962] {strides = array<i32>} : memref<16x768xf32, #tpu.memory_space<vmem>>, vector<1x16xf32>,
      %get3A_964 = vector.shape_cast %get3A_963 : vector<1x16xf32> to vector<16xf32>
      %get3A_965 = arith.index_cast %shift_right_logical3A_773 : i32 to index
      %get3A_966 = arith.constant 752 : index
      %get3A_967 = tpu.vector_load %arg7[%get3A_965, %get3A_966] {strides = array<i32>} : memref<16x768xf32, #tpu.memory_space<vmem>>, vector<1x16xf32>,
      %get3A_968 = vector.shape_cast %get3A_967 : vector<1x16xf32> to vector<16xf32>
      %parallel_loop3A_969 = arith.constant 0 : i32
      %parallel_loop3A_970 = arith.constant 32 : i32
      %parallel_loop3A_971 = arith.constant 1 : i32
      scf.for %parallel_loop3A_990 = %parallel_loop3A_969 to %parallel_loop3A_970 step %parallel_loop3A_971  : i32 {
        %parallel_loop3A_991 = arith.index_cast %parallel_loop3A_990 : i32 to index
        %parallel_loop3A_992 = arith.constant 384 : index
        %parallel_loop3A_993 = tpu.vector_load %arg11[%parallel_loop3A_991, %parallel_loop3A_992] {strides = array<i32>} : memref<32x768xf32, #tpu.memory_space<vmem>>, vector<1x16xf32>,
        %parallel_loop3A_994 = vector.shape_cast %parallel_loop3A_993 : vector<1x16xf32> to vector<16xf32>
        %parallel_loop3A_995 = arith.addf %parallel_loop3A_994, %get3A_876 : vector<16xf32>
        %parallel_loop3A_996 = arith.index_cast %parallel_loop3A_990 : i32 to index
        %parallel_loop3A_997 = arith.constant 384 : index
        %parallel_loop3A_998 = tpu.vector_load %arg11[%parallel_loop3A_996, %parallel_loop3A_997] {strides = array<i32>} : memref<32x768xf32, #tpu.memory_space<vmem>>, vector<1x16xf32>,
        %parallel_loop3A_999 = vector.shape_cast %parallel_loop3A_998 : vector<1x16xf32> to vector<16xf32>
        %parallel_loop3A_1000 = vector.shape_cast %parallel_loop3A_995 : vector<16xf32> to vector<1x16xf32>
        tpu.vector_store %arg11[%parallel_loop3A_996, %parallel_loop3A_997], %parallel_loop3A_1000 {strides = array<i32>} : memref<32x768xf32, #tpu.memory_space<vmem>>, vector<1x16xf32>,
        %parallel_loop3A_1001 = arith.index_cast %parallel_loop3A_990 : i32 to index
        %parallel_loop3A_1002 = arith.constant 400 : index
        %parallel_loop3A_1003 = tpu.vector_load %arg11[%parallel_loop3A_1001, %parallel_loop3A_1002] {strides = array<i32>} : memref<32x768xf32, #tpu.memory_space<vmem>>, vector<1x16xf32>,
        %parallel_loop3A_1004 = vector.shape_cast %parallel_loop3A_1003 : vector<1x16xf32> to vector<16xf32>
        %parallel_loop3A_1005 = arith.addf %parallel_loop3A_1004, %get3A_880 : vector<16xf32>
        %parallel_loop3A_1006 = arith.index_cast %parallel_loop3A_990 : i32 to index
        %parallel_loop3A_1007 = arith.constant 400 : index
        %parallel_loop3A_1008 = tpu.vector_load %arg11[%parallel_loop3A_1006, %parallel_loop3A_1007] {strides = array<i32>} : memref<32x768xf32, #tpu.memory_space<vmem>>, vector<1x16xf32>,
        %parallel_loop3A_1009 = vector.shape_cast %parallel_loop3A_1008 : vector<1x16xf32> to vector<16xf32>
        %parallel_loop3A_1010 = vector.shape_cast %parallel_loop3A_1005 : vector<16xf32> to vector<1x16xf32>
        tpu.vector_store %arg11[%parallel_loop3A_1006, %parallel_loop3A_1007], %parallel_loop3A_1010 {strides = array<i32>} : memref<32x768xf32, #tpu.memory_space<vmem>>, vector<1x16xf32>,
        %parallel_loop3A_1011 = arith.index_cast %parallel_loop3A_990 : i32 to index
        %parallel_loop3A_1012 = arith.constant 416 : index
        %parallel_loop3A_1013 = tpu.vector_load %arg11[%parallel_loop3A_1011, %parallel_loop3A_1012] {strides = array<i32>} : memref<32x768xf32, #tpu.memory_space<vmem>>, vector<1x16xf32>,
        %parallel_loop3A_1014 = vector.shape_cast %parallel_loop3A_1013 : vector<1x16xf32> to vector<16xf32>
        %parallel_loop3A_1015 = arith.addf %parallel_loop3A_1014, %get3A_884 : vector<16xf32>
        %parallel_loop3A_1016 = arith.index_cast %parallel_loop3A_990 : i32 to index
        %parallel_loop3A_1017 = arith.constant 416 : index
        %parallel_loop3A_1018 = tpu.vector_load %arg11[%parallel_loop3A_1016, %parallel_loop3A_1017] {strides = array<i32>} : memref<32x768xf32, #tpu.memory_space<vmem>>, vector<1x16xf32>,
        %parallel_loop3A_1019 = vector.shape_cast %parallel_loop3A_1018 : vector<1x16xf32> to vector<16xf32>
        %parallel_loop3A_1020 = vector.shape_cast %parallel_loop3A_1015 : vector<16xf32> to vector<1x16xf32>
        tpu.vector_store %arg11[%parallel_loop3A_1016, %parallel_loop3A_1017], %parallel_loop3A_1020 {strides = array<i32>} : memref<32x768xf32, #tpu.memory_space<vmem>>, vector<1x16xf32>,
        %parallel_loop3A_1021 = arith.index_cast %parallel_loop3A_990 : i32 to index
        %parallel_loop3A_1022 = arith.constant 432 : index
        %parallel_loop3A_1023 = tpu.vector_load %arg11[%parallel_loop3A_1021, %parallel_loop3A_1022] {strides = array<i32>} : memref<32x768xf32, #tpu.memory_space<vmem>>, vector<1x16xf32>,
        %parallel_loop3A_1024 = vector.shape_cast %parallel_loop3A_1023 : vector<1x16xf32> to vector<16xf32>
        %parallel_loop3A_1025 = arith.addf %parallel_loop3A_1024, %get3A_888 : vector<16xf32>
        %parallel_loop3A_1026 = arith.index_cast %parallel_loop3A_990 : i32 to index
        %parallel_loop3A_1027 = arith.constant 432 : index
        %parallel_loop3A_1028 = tpu.vector_load %arg11[%parallel_loop3A_1026, %parallel_loop3A_1027] {strides = array<i32>} : memref<32x768xf32, #tpu.memory_space<vmem>>, vector<1x16xf32>,
        %parallel_loop3A_1029 = vector.shape_cast %parallel_loop3A_1028 : vector<1x16xf32> to vector<16xf32>
        %parallel_loop3A_1030 = vector.shape_cast %parallel_loop3A_1025 : vector<16xf32> to vector<1x16xf32>
        tpu.vector_store %arg11[%parallel_loop3A_1026, %parallel_loop3A_1027], %parallel_loop3A_1030 {strides = array<i32>} : memref<32x768xf32, #tpu.memory_space<vmem>>, vector<1x16xf32>,
        %parallel_loop3A_1031 = arith.index_cast %parallel_loop3A_990 : i32 to index
        %parallel_loop3A_1032 = arith.constant 448 : index
        %parallel_loop3A_1033 = tpu.vector_load %arg11[%parallel_loop3A_1031, %parallel_loop3A_1032] {strides = array<i32>} : memref<32x768xf32, #tpu.memory_space<vmem>>, vector<1x16xf32>,
        %parallel_loop3A_1034 = vector.shape_cast %parallel_loop3A_1033 : vector<1x16xf32> to vector<16xf32>
        %parallel_loop3A_1035 = arith.addf %parallel_loop3A_1034, %get3A_892 : vector<16xf32>
        %parallel_loop3A_1036 = arith.index_cast %parallel_loop3A_990 : i32 to index
        %parallel_loop3A_1037 = arith.constant 448 : index
        %parallel_loop3A_1038 = tpu.vector_load %arg11[%parallel_loop3A_1036, %parallel_loop3A_1037] {strides = array<i32>} : memref<32x768xf32, #tpu.memory_space<vmem>>, vector<1x16xf32>,
        %parallel_loop3A_1039 = vector.shape_cast %parallel_loop3A_1038 : vector<1x16xf32> to vector<16xf32>
        %parallel_loop3A_1040 = vector.shape_cast %parallel_loop3A_1035 : vector<16xf32> to vector<1x16xf32>
        tpu.vector_store %arg11[%parallel_loop3A_1036, %parallel_loop3A_1037], %parallel_loop3A_1040 {strides = array<i32>} : memref<32x768xf32, #tpu.memory_space<vmem>>, vector<1x16xf32>,
        %parallel_loop3A_1041 = arith.index_cast %parallel_loop3A_990 : i32 to index
        %parallel_loop3A_1042 = arith.constant 464 : index
        %parallel_loop3A_1043 = tpu.vector_load %arg11[%parallel_loop3A_1041, %parallel_loop3A_1042] {strides = array<i32>} : memref<32x768xf32, #tpu.memory_space<vmem>>, vector<1x16xf32>,
        %parallel_loop3A_1044 = vector.shape_cast %parallel_loop3A_1043 : vector<1x16xf32> to vector<16xf32>
        %parallel_loop3A_1045 = arith.addf %parallel_loop3A_1044, %get3A_896 : vector<16xf32>
        %parallel_loop3A_1046 = arith.index_cast %parallel_loop3A_990 : i32 to index
        %parallel_loop3A_1047 = arith.constant 464 : index
        %parallel_loop3A_1048 = tpu.vector_load %arg11[%parallel_loop3A_1046, %parallel_loop3A_1047] {strides = array<i32>} : memref<32x768xf32, #tpu.memory_space<vmem>>, vector<1x16xf32>,
        %parallel_loop3A_1049 = vector.shape_cast %parallel_loop3A_1048 : vector<1x16xf32> to vector<16xf32>
        %parallel_loop3A_1050 = vector.shape_cast %parallel_loop3A_1045 : vector<16xf32> to vector<1x16xf32>
        tpu.vector_store %arg11[%parallel_loop3A_1046, %parallel_loop3A_1047], %parallel_loop3A_1050 {strides = array<i32>} : memref<32x768xf32, #tpu.memory_space<vmem>>, vector<1x16xf32>,
        %parallel_loop3A_1051 = arith.index_cast %parallel_loop3A_990 : i32 to index
        %parallel_loop3A_1052 = arith.constant 480 : index
        %parallel_loop3A_1053 = tpu.vector_load %arg11[%parallel_loop3A_1051, %parallel_loop3A_1052] {strides = array<i32>} : memref<32x768xf32, #tpu.memory_space<vmem>>, vector<1x16xf32>,
        %parallel_loop3A_1054 = vector.shape_cast %parallel_loop3A_1053 : vector<1x16xf32> to vector<16xf32>
        %parallel_loop3A_1055 = arith.addf %parallel_loop3A_1054, %get3A_900 : vector<16xf32>
        %parallel_loop3A_1056 = arith.index_cast %parallel_loop3A_990 : i32 to index
        %parallel_loop3A_1057 = arith.constant 480 : index
        %parallel_loop3A_1058 = tpu.vector_load %arg11[%parallel_loop3A_1056, %parallel_loop3A_1057] {strides = array<i32>} : memref<32x768xf32, #tpu.memory_space<vmem>>, vector<1x16xf32>,
        %parallel_loop3A_1059 = vector.shape_cast %parallel_loop3A_1058 : vector<1x16xf32> to vector<16xf32>
        %parallel_loop3A_1060 = vector.shape_cast %parallel_loop3A_1055 : vector<16xf32> to vector<1x16xf32>
        tpu.vector_store %arg11[%parallel_loop3A_1056, %parallel_loop3A_1057], %parallel_loop3A_1060 {strides = array<i32>} : memref<32x768xf32, #tpu.memory_space<vmem>>, vector<1x16xf32>,
        %parallel_loop3A_1061 = arith.index_cast %parallel_loop3A_990 : i32 to index
        %parallel_loop3A_1062 = arith.constant 496 : index
        %parallel_loop3A_1063 = tpu.vector_load %arg11[%parallel_loop3A_1061, %parallel_loop3A_1062] {strides = array<i32>} : memref<32x768xf32, #tpu.memory_space<vmem>>, vector<1x16xf32>,
        %parallel_loop3A_1064 = vector.shape_cast %parallel_loop3A_1063 : vector<1x16xf32> to vector<16xf32>
        %parallel_loop3A_1065 = arith.addf %parallel_loop3A_1064, %get3A_904 : vector<16xf32>
        %parallel_loop3A_1066 = arith.index_cast %parallel_loop3A_990 : i32 to index
        %parallel_loop3A_1067 = arith.constant 496 : index
        %parallel_loop3A_1068 = tpu.vector_load %arg11[%parallel_loop3A_1066, %parallel_loop3A_1067] {strides = array<i32>} : memref<32x768xf32, #tpu.memory_space<vmem>>, vector<1x16xf32>,
        %parallel_loop3A_1069 = vector.shape_cast %parallel_loop3A_1068 : vector<1x16xf32> to vector<16xf32>
        %parallel_loop3A_1070 = vector.shape_cast %parallel_loop3A_1065 : vector<16xf32> to vector<1x16xf32>
        tpu.vector_store %arg11[%parallel_loop3A_1066, %parallel_loop3A_1067], %parallel_loop3A_1070 {strides = array<i32>} : memref<32x768xf32, #tpu.memory_space<vmem>>, vector<1x16xf32>,
        %parallel_loop3A_1071 = arith.index_cast %parallel_loop3A_990 : i32 to index
        %parallel_loop3A_1072 = arith.constant 512 : index
        %parallel_loop3A_1073 = tpu.vector_load %arg11[%parallel_loop3A_1071, %parallel_loop3A_1072] {strides = array<i32>} : memref<32x768xf32, #tpu.memory_space<vmem>>, vector<1x16xf32>,
        %parallel_loop3A_1074 = vector.shape_cast %parallel_loop3A_1073 : vector<1x16xf32> to vector<16xf32>
        %parallel_loop3A_1075 = arith.addf %parallel_loop3A_1074, %get3A_908 : vector<16xf32>
        %parallel_loop3A_1076 = arith.index_cast %parallel_loop3A_990 : i32 to index
        %parallel_loop3A_1077 = arith.constant 512 : index
        %parallel_loop3A_1078 = tpu.vector_load %arg11[%parallel_loop3A_1076, %parallel_loop3A_1077] {strides = array<i32>} : memref<32x768xf32, #tpu.memory_space<vmem>>, vector<1x16xf32>,
        %parallel_loop3A_1079 = vector.shape_cast %parallel_loop3A_1078 : vector<1x16xf32> to vector<16xf32>
        %parallel_loop3A_1080 = vector.shape_cast %parallel_loop3A_1075 : vector<16xf32> to vector<1x16xf32>
        tpu.vector_store %arg11[%parallel_loop3A_1076, %parallel_loop3A_1077], %parallel_loop3A_1080 {strides = array<i32>} : memref<32x768xf32, #tpu.memory_space<vmem>>, vector<1x16xf32>,
        %parallel_loop3A_1081 = arith.index_cast %parallel_loop3A_990 : i32 to index
        %parallel_loop3A_1082 = arith.constant 528 : index
        %parallel_loop3A_1083 = tpu.vector_load %arg11[%parallel_loop3A_1081, %parallel_loop3A_1082] {strides = array<i32>} : memref<32x768xf32, #tpu.memory_space<vmem>>, vector<1x16xf32>,
        %parallel_loop3A_1084 = vector.shape_cast %parallel_loop3A_1083 : vector<1x16xf32> to vector<16xf32>
        %parallel_loop3A_1085 = arith.addf %parallel_loop3A_1084, %get3A_912 : vector<16xf32>
        %parallel_loop3A_1086 = arith.index_cast %parallel_loop3A_990 : i32 to index
        %parallel_loop3A_1087 = arith.constant 528 : index
        %parallel_loop3A_1088 = tpu.vector_load %arg11[%parallel_loop3A_1086, %parallel_loop3A_1087] {strides = array<i32>} : memref<32x768xf32, #tpu.memory_space<vmem>>, vector<1x16xf32>,
        %parallel_loop3A_1089 = vector.shape_cast %parallel_loop3A_1088 : vector<1x16xf32> to vector<16xf32>
        %parallel_loop3A_1090 = vector.shape_cast %parallel_loop3A_1085 : vector<16xf32> to vector<1x16xf32>
        tpu.vector_store %arg11[%parallel_loop3A_1086, %parallel_loop3A_1087], %parallel_loop3A_1090 {strides = array<i32>} : memref<32x768xf32, #tpu.memory_space<vmem>>, vector<1x16xf32>,
        %parallel_loop3A_1091 = arith.index_cast %parallel_loop3A_990 : i32 to index
        %parallel_loop3A_1092 = arith.constant 544 : index
        %parallel_loop3A_1093 = tpu.vector_load %arg11[%parallel_loop3A_1091, %parallel_loop3A_1092] {strides = array<i32>} : memref<32x768xf32, #tpu.memory_space<vmem>>, vector<1x16xf32>,
        %parallel_loop3A_1094 = vector.shape_cast %parallel_loop3A_1093 : vector<1x16xf32> to vector<16xf32>
        %parallel_loop3A_1095 = arith.addf %parallel_loop3A_1094, %get3A_916 : vector<16xf32>
        %parallel_loop3A_1096 = arith.index_cast %parallel_loop3A_990 : i32 to index
        %parallel_loop3A_1097 = arith.constant 544 : index
        %parallel_loop3A_1098 = tpu.vector_load %arg11[%parallel_loop3A_1096, %parallel_loop3A_1097] {strides = array<i32>} : memref<32x768xf32, #tpu.memory_space<vmem>>, vector<1x16xf32>,
        %parallel_loop3A_1099 = vector.shape_cast %parallel_loop3A_1098 : vector<1x16xf32> to vector<16xf32>
        %parallel_loop3A_1100 = vector.shape_cast %parallel_loop3A_1095 : vector<16xf32> to vector<1x16xf32>
        tpu.vector_store %arg11[%parallel_loop3A_1096, %parallel_loop3A_1097], %parallel_loop3A_1100 {strides = array<i32>} : memref<32x768xf32, #tpu.memory_space<vmem>>, vector<1x16xf32>,
        %parallel_loop3A_1101 = arith.index_cast %parallel_loop3A_990 : i32 to index
        %parallel_loop3A_1102 = arith.constant 560 : index
        %parallel_loop3A_1103 = tpu.vector_load %arg11[%parallel_loop3A_1101, %parallel_loop3A_1102] {strides = array<i32>} : memref<32x768xf32, #tpu.memory_space<vmem>>, vector<1x16xf32>,
        %parallel_loop3A_1104 = vector.shape_cast %parallel_loop3A_1103 : vector<1x16xf32> to vector<16xf32>
        %parallel_loop3A_1105 = arith.addf %parallel_loop3A_1104, %get3A_920 : vector<16xf32>
        %parallel_loop3A_1106 = arith.index_cast %parallel_loop3A_990 : i32 to index
        %parallel_loop3A_1107 = arith.constant 560 : index
        %parallel_loop3A_1108 = tpu.vector_load %arg11[%parallel_loop3A_1106, %parallel_loop3A_1107] {strides = array<i32>} : memref<32x768xf32, #tpu.memory_space<vmem>>, vector<1x16xf32>,
        %parallel_loop3A_1109 = vector.shape_cast %parallel_loop3A_1108 : vector<1x16xf32> to vector<16xf32>
        %parallel_loop3A_1110 = vector.shape_cast %parallel_loop3A_1105 : vector<16xf32> to vector<1x16xf32>
        tpu.vector_store %arg11[%parallel_loop3A_1106, %parallel_loop3A_1107], %parallel_loop3A_1110 {strides = array<i32>} : memref<32x768xf32, #tpu.memory_space<vmem>>, vector<1x16xf32>,
        %parallel_loop3A_1111 = arith.index_cast %parallel_loop3A_990 : i32 to index
        %parallel_loop3A_1112 = arith.constant 576 : index
        %parallel_loop3A_1113 = tpu.vector_load %arg11[%parallel_loop3A_1111, %parallel_loop3A_1112] {strides = array<i32>} : memref<32x768xf32, #tpu.memory_space<vmem>>, vector<1x16xf32>,
        %parallel_loop3A_1114 = vector.shape_cast %parallel_loop3A_1113 : vector<1x16xf32> to vector<16xf32>
        %parallel_loop3A_1115 = arith.addf %parallel_loop3A_1114, %get3A_924 : vector<16xf32>
        %parallel_loop3A_1116 = arith.index_cast %parallel_loop3A_990 : i32 to index
        %parallel_loop3A_1117 = arith.constant 576 : index
        %parallel_loop3A_1118 = tpu.vector_load %arg11[%parallel_loop3A_1116, %parallel_loop3A_1117] {strides = array<i32>} : memref<32x768xf32, #tpu.memory_space<vmem>>, vector<1x16xf32>,
        %parallel_loop3A_1119 = vector.shape_cast %parallel_loop3A_1118 : vector<1x16xf32> to vector<16xf32>
        %parallel_loop3A_1120 = vector.shape_cast %parallel_loop3A_1115 : vector<16xf32> to vector<1x16xf32>
        tpu.vector_store %arg11[%parallel_loop3A_1116, %parallel_loop3A_1117], %parallel_loop3A_1120 {strides = array<i32>} : memref<32x768xf32, #tpu.memory_space<vmem>>, vector<1x16xf32>,
        %parallel_loop3A_1121 = arith.index_cast %parallel_loop3A_990 : i32 to index
        %parallel_loop3A_1122 = arith.constant 592 : index
        %parallel_loop3A_1123 = tpu.vector_load %arg11[%parallel_loop3A_1121, %parallel_loop3A_1122] {strides = array<i32>} : memref<32x768xf32, #tpu.memory_space<vmem>>, vector<1x16xf32>,
        %parallel_loop3A_1124 = vector.shape_cast %parallel_loop3A_1123 : vector<1x16xf32> to vector<16xf32>
        %parallel_loop3A_1125 = arith.addf %parallel_loop3A_1124, %get3A_928 : vector<16xf32>
        %parallel_loop3A_1126 = arith.index_cast %parallel_loop3A_990 : i32 to index
        %parallel_loop3A_1127 = arith.constant 592 : index
        %parallel_loop3A_1128 = tpu.vector_load %arg11[%parallel_loop3A_1126, %parallel_loop3A_1127] {strides = array<i32>} : memref<32x768xf32, #tpu.memory_space<vmem>>, vector<1x16xf32>,
        %parallel_loop3A_1129 = vector.shape_cast %parallel_loop3A_1128 : vector<1x16xf32> to vector<16xf32>
        %parallel_loop3A_1130 = vector.shape_cast %parallel_loop3A_1125 : vector<16xf32> to vector<1x16xf32>
        tpu.vector_store %arg11[%parallel_loop3A_1126, %parallel_loop3A_1127], %parallel_loop3A_1130 {strides = array<i32>} : memref<32x768xf32, #tpu.memory_space<vmem>>, vector<1x16xf32>,
        %parallel_loop3A_1131 = arith.index_cast %parallel_loop3A_990 : i32 to index
        %parallel_loop3A_1132 = arith.constant 608 : index
        %parallel_loop3A_1133 = tpu.vector_load %arg11[%parallel_loop3A_1131, %parallel_loop3A_1132] {strides = array<i32>} : memref<32x768xf32, #tpu.memory_space<vmem>>, vector<1x16xf32>,
        %parallel_loop3A_1134 = vector.shape_cast %parallel_loop3A_1133 : vector<1x16xf32> to vector<16xf32>
        %parallel_loop3A_1135 = arith.addf %parallel_loop3A_1134, %get3A_932 : vector<16xf32>
        %parallel_loop3A_1136 = arith.index_cast %parallel_loop3A_990 : i32 to index
        %parallel_loop3A_1137 = arith.constant 608 : index
        %parallel_loop3A_1138 = tpu.vector_load %arg11[%parallel_loop3A_1136, %parallel_loop3A_1137] {strides = array<i32>} : memref<32x768xf32, #tpu.memory_space<vmem>>, vector<1x16xf32>,
        %parallel_loop3A_1139 = vector.shape_cast %parallel_loop3A_1138 : vector<1x16xf32> to vector<16xf32>
        %parallel_loop3A_1140 = vector.shape_cast %parallel_loop3A_1135 : vector<16xf32> to vector<1x16xf32>
        tpu.vector_store %arg11[%parallel_loop3A_1136, %parallel_loop3A_1137], %parallel_loop3A_1140 {strides = array<i32>} : memref<32x768xf32, #tpu.memory_space<vmem>>, vector<1x16xf32>,
        %parallel_loop3A_1141 = arith.index_cast %parallel_loop3A_990 : i32 to index
        %parallel_loop3A_1142 = arith.constant 624 : index
        %parallel_loop3A_1143 = tpu.vector_load %arg11[%parallel_loop3A_1141, %parallel_loop3A_1142] {strides = array<i32>} : memref<32x768xf32, #tpu.memory_space<vmem>>, vector<1x16xf32>,
        %parallel_loop3A_1144 = vector.shape_cast %parallel_loop3A_1143 : vector<1x16xf32> to vector<16xf32>
        %parallel_loop3A_1145 = arith.addf %parallel_loop3A_1144, %get3A_936 : vector<16xf32>
        %parallel_loop3A_1146 = arith.index_cast %parallel_loop3A_990 : i32 to index
        %parallel_loop3A_1147 = arith.constant 624 : index
        %parallel_loop3A_1148 = tpu.vector_load %arg11[%parallel_loop3A_1146, %parallel_loop3A_1147] {strides = array<i32>} : memref<32x768xf32, #tpu.memory_space<vmem>>, vector<1x16xf32>,
        %parallel_loop3A_1149 = vector.shape_cast %parallel_loop3A_1148 : vector<1x16xf32> to vector<16xf32>
        %parallel_loop3A_1150 = vector.shape_cast %parallel_loop3A_1145 : vector<16xf32> to vector<1x16xf32>
        tpu.vector_store %arg11[%parallel_loop3A_1146, %parallel_loop3A_1147], %parallel_loop3A_1150 {strides = array<i32>} : memref<32x768xf32, #tpu.memory_space<vmem>>, vector<1x16xf32>,
        %parallel_loop3A_1151 = arith.index_cast %parallel_loop3A_990 : i32 to index
        %parallel_loop3A_1152 = arith.constant 640 : index
        %parallel_loop3A_1153 = tpu.vector_load %arg11[%parallel_loop3A_1151, %parallel_loop3A_1152] {strides = array<i32>} : memref<32x768xf32, #tpu.memory_space<vmem>>, vector<1x16xf32>,
        %parallel_loop3A_1154 = vector.shape_cast %parallel_loop3A_1153 : vector<1x16xf32> to vector<16xf32>
        %parallel_loop3A_1155 = arith.addf %parallel_loop3A_1154, %get3A_940 : vector<16xf32>
        %parallel_loop3A_1156 = arith.index_cast %parallel_loop3A_990 : i32 to index
        %parallel_loop3A_1157 = arith.constant 640 : index
        %parallel_loop3A_1158 = tpu.vector_load %arg11[%parallel_loop3A_1156, %parallel_loop3A_1157] {strides = array<i32>} : memref<32x768xf32, #tpu.memory_space<vmem>>, vector<1x16xf32>,
        %parallel_loop3A_1159 = vector.shape_cast %parallel_loop3A_1158 : vector<1x16xf32> to vector<16xf32>
        %parallel_loop3A_1160 = vector.shape_cast %parallel_loop3A_1155 : vector<16xf32> to vector<1x16xf32>
        tpu.vector_store %arg11[%parallel_loop3A_1156, %parallel_loop3A_1157], %parallel_loop3A_1160 {strides = array<i32>} : memref<32x768xf32, #tpu.memory_space<vmem>>, vector<1x16xf32>,
        %parallel_loop3A_1161 = arith.index_cast %parallel_loop3A_990 : i32 to index
        %parallel_loop3A_1162 = arith.constant 656 : index
        %parallel_loop3A_1163 = tpu.vector_load %arg11[%parallel_loop3A_1161, %parallel_loop3A_1162] {strides = array<i32>} : memref<32x768xf32, #tpu.memory_space<vmem>>, vector<1x16xf32>,
        %parallel_loop3A_1164 = vector.shape_cast %parallel_loop3A_1163 : vector<1x16xf32> to vector<16xf32>
        %parallel_loop3A_1165 = arith.addf %parallel_loop3A_1164, %get3A_944 : vector<16xf32>
        %parallel_loop3A_1166 = arith.index_cast %parallel_loop3A_990 : i32 to index
        %parallel_loop3A_1167 = arith.constant 656 : index
        %parallel_loop3A_1168 = tpu.vector_load %arg11[%parallel_loop3A_1166, %parallel_loop3A_1167] {strides = array<i32>} : memref<32x768xf32, #tpu.memory_space<vmem>>, vector<1x16xf32>,
        %parallel_loop3A_1169 = vector.shape_cast %parallel_loop3A_1168 : vector<1x16xf32> to vector<16xf32>
        %parallel_loop3A_1170 = vector.shape_cast %parallel_loop3A_1165 : vector<16xf32> to vector<1x16xf32>
        tpu.vector_store %arg11[%parallel_loop3A_1166, %parallel_loop3A_1167], %parallel_loop3A_1170 {strides = array<i32>} : memref<32x768xf32, #tpu.memory_space<vmem>>, vector<1x16xf32>,
        %parallel_loop3A_1171 = arith.index_cast %parallel_loop3A_990 : i32 to index
        %parallel_loop3A_1172 = arith.constant 672 : index
        %parallel_loop3A_1173 = tpu.vector_load %arg11[%parallel_loop3A_1171, %parallel_loop3A_1172] {strides = array<i32>} : memref<32x768xf32, #tpu.memory_space<vmem>>, vector<1x16xf32>,
        %parallel_loop3A_1174 = vector.shape_cast %parallel_loop3A_1173 : vector<1x16xf32> to vector<16xf32>
        %parallel_loop3A_1175 = arith.addf %parallel_loop3A_1174, %get3A_948 : vector<16xf32>
        %parallel_loop3A_1176 = arith.index_cast %parallel_loop3A_990 : i32 to index
        %parallel_loop3A_1177 = arith.constant 672 : index
        %parallel_loop3A_1178 = tpu.vector_load %arg11[%parallel_loop3A_1176, %parallel_loop3A_1177] {strides = array<i32>} : memref<32x768xf32, #tpu.memory_space<vmem>>, vector<1x16xf32>,
        %parallel_loop3A_1179 = vector.shape_cast %parallel_loop3A_1178 : vector<1x16xf32> to vector<16xf32>
        %parallel_loop3A_1180 = vector.shape_cast %parallel_loop3A_1175 : vector<16xf32> to vector<1x16xf32>
        tpu.vector_store %arg11[%parallel_loop3A_1176, %parallel_loop3A_1177], %parallel_loop3A_1180 {strides = array<i32>} : memref<32x768xf32, #tpu.memory_space<vmem>>, vector<1x16xf32>,
        %parallel_loop3A_1181 = arith.index_cast %parallel_loop3A_990 : i32 to index
        %parallel_loop3A_1182 = arith.constant 688 : index
        %parallel_loop3A_1183 = tpu.vector_load %arg11[%parallel_loop3A_1181, %parallel_loop3A_1182] {strides = array<i32>} : memref<32x768xf32, #tpu.memory_space<vmem>>, vector<1x16xf32>,
        %parallel_loop3A_1184 = vector.shape_cast %parallel_loop3A_1183 : vector<1x16xf32> to vector<16xf32>
        %parallel_loop3A_1185 = arith.addf %parallel_loop3A_1184, %get3A_952 : vector<16xf32>
        %parallel_loop3A_1186 = arith.index_cast %parallel_loop3A_990 : i32 to index
        %parallel_loop3A_1187 = arith.constant 688 : index
        %parallel_loop3A_1188 = tpu.vector_load %arg11[%parallel_loop3A_1186, %parallel_loop3A_1187] {strides = array<i32>} : memref<32x768xf32, #tpu.memory_space<vmem>>, vector<1x16xf32>,
        %parallel_loop3A_1189 = vector.shape_cast %parallel_loop3A_1188 : vector<1x16xf32> to vector<16xf32>
        %parallel_loop3A_1190 = vector.shape_cast %parallel_loop3A_1185 : vector<16xf32> to vector<1x16xf32>
        tpu.vector_store %arg11[%parallel_loop3A_1186, %parallel_loop3A_1187], %parallel_loop3A_1190 {strides = array<i32>} : memref<32x768xf32, #tpu.memory_space<vmem>>, vector<1x16xf32>,
        %parallel_loop3A_1191 = arith.index_cast %parallel_loop3A_990 : i32 to index
        %parallel_loop3A_1192 = arith.constant 704 : index
        %parallel_loop3A_1193 = tpu.vector_load %arg11[%parallel_loop3A_1191, %parallel_loop3A_1192] {strides = array<i32>} : memref<32x768xf32, #tpu.memory_space<vmem>>, vector<1x16xf32>,
        %parallel_loop3A_1194 = vector.shape_cast %parallel_loop3A_1193 : vector<1x16xf32> to vector<16xf32>
        %parallel_loop3A_1195 = arith.addf %parallel_loop3A_1194, %get3A_956 : vector<16xf32>
        %parallel_loop3A_1196 = arith.index_cast %parallel_loop3A_990 : i32 to index
        %parallel_loop3A_1197 = arith.constant 704 : index
        %parallel_loop3A_1198 = tpu.vector_load %arg11[%parallel_loop3A_1196, %parallel_loop3A_1197] {strides = array<i32>} : memref<32x768xf32, #tpu.memory_space<vmem>>, vector<1x16xf32>,
        %parallel_loop3A_1199 = vector.shape_cast %parallel_loop3A_1198 : vector<1x16xf32> to vector<16xf32>
        %parallel_loop3A_1200 = vector.shape_cast %parallel_loop3A_1195 : vector<16xf32> to vector<1x16xf32>
        tpu.vector_store %arg11[%parallel_loop3A_1196, %parallel_loop3A_1197], %parallel_loop3A_1200 {strides = array<i32>} : memref<32x768xf32, #tpu.memory_space<vmem>>, vector<1x16xf32>,
        %parallel_loop3A_1201 = arith.index_cast %parallel_loop3A_990 : i32 to index
        %parallel_loop3A_1202 = arith.constant 720 : index
        %parallel_loop3A_1203 = tpu.vector_load %arg11[%parallel_loop3A_1201, %parallel_loop3A_1202] {strides = array<i32>} : memref<32x768xf32, #tpu.memory_space<vmem>>, vector<1x16xf32>,
        %parallel_loop3A_1204 = vector.shape_cast %parallel_loop3A_1203 : vector<1x16xf32> to vector<16xf32>
        %parallel_loop3A_1205 = arith.addf %parallel_loop3A_1204, %get3A_960 : vector<16xf32>
        %parallel_loop3A_1206 = arith.index_cast %parallel_loop3A_990 : i32 to index
        %parallel_loop3A_1207 = arith.constant 720 : index
        %parallel_loop3A_1208 = tpu.vector_load %arg11[%parallel_loop3A_1206, %parallel_loop3A_1207] {strides = array<i32>} : memref<32x768xf32, #tpu.memory_space<vmem>>, vector<1x16xf32>,
        %parallel_loop3A_1209 = vector.shape_cast %parallel_loop3A_1208 : vector<1x16xf32> to vector<16xf32>
        %parallel_loop3A_1210 = vector.shape_cast %parallel_loop3A_1205 : vector<16xf32> to vector<1x16xf32>
        tpu.vector_store %arg11[%parallel_loop3A_1206, %parallel_loop3A_1207], %parallel_loop3A_1210 {strides = array<i32>} : memref<32x768xf32, #tpu.memory_space<vmem>>, vector<1x16xf32>,
        %parallel_loop3A_1211 = arith.index_cast %parallel_loop3A_990 : i32 to index
        %parallel_loop3A_1212 = arith.constant 736 : index
        %parallel_loop3A_1213 = tpu.vector_load %arg11[%parallel_loop3A_1211, %parallel_loop3A_1212] {strides = array<i32>} : memref<32x768xf32, #tpu.memory_space<vmem>>, vector<1x16xf32>,
        %parallel_loop3A_1214 = vector.shape_cast %parallel_loop3A_1213 : vector<1x16xf32> to vector<16xf32>
        %parallel_loop3A_1215 = arith.addf %parallel_loop3A_1214, %get3A_964 : vector<16xf32>
        %parallel_loop3A_1216 = arith.index_cast %parallel_loop3A_990 : i32 to index
        %parallel_loop3A_1217 = arith.constant 736 : index
        %parallel_loop3A_1218 = tpu.vector_load %arg11[%parallel_loop3A_1216, %parallel_loop3A_1217] {strides = array<i32>} : memref<32x768xf32, #tpu.memory_space<vmem>>, vector<1x16xf32>,
        %parallel_loop3A_1219 = vector.shape_cast %parallel_loop3A_1218 : vector<1x16xf32> to vector<16xf32>
        %parallel_loop3A_1220 = vector.shape_cast %parallel_loop3A_1215 : vector<16xf32> to vector<1x16xf32>
        tpu.vector_store %arg11[%parallel_loop3A_1216, %parallel_loop3A_1217], %parallel_loop3A_1220 {strides = array<i32>} : memref<32x768xf32, #tpu.memory_space<vmem>>, vector<1x16xf32>,
        %parallel_loop3A_1221 = arith.index_cast %parallel_loop3A_990 : i32 to index
        %parallel_loop3A_1222 = arith.constant 752 : index
        %parallel_loop3A_1223 = tpu.vector_load %arg11[%parallel_loop3A_1221, %parallel_loop3A_1222] {strides = array<i32>} : memref<32x768xf32, #tpu.memory_space<vmem>>, vector<1x16xf32>,
        %parallel_loop3A_1224 = vector.shape_cast %parallel_loop3A_1223 : vector<1x16xf32> to vector<16xf32>
        %parallel_loop3A_1225 = arith.addf %parallel_loop3A_1224, %get3A_968 : vector<16xf32>
        %parallel_loop3A_1226 = arith.index_cast %parallel_loop3A_990 : i32 to index
        %parallel_loop3A_1227 = arith.constant 752 : index
        %parallel_loop3A_1228 = tpu.vector_load %arg11[%parallel_loop3A_1226, %parallel_loop3A_1227] {strides = array<i32>} : memref<32x768xf32, #tpu.memory_space<vmem>>, vector<1x16xf32>,
        %parallel_loop3A_1229 = vector.shape_cast %parallel_loop3A_1228 : vector<1x16xf32> to vector<16xf32>
        %parallel_loop3A_1230 = vector.shape_cast %parallel_loop3A_1225 : vector<16xf32> to vector<1x16xf32>
        tpu.vector_store %arg11[%parallel_loop3A_1226, %parallel_loop3A_1227], %parallel_loop3A_1230 {strides = array<i32>} : memref<32x768xf32, #tpu.memory_space<vmem>>, vector<1x16xf32>,
      } {sc.loop_unroll_factor = 1 : i64, sc.parallel_access}
      %shift_right_logical3A_972 = arith.constant 1 : i32
      %shift_right_logical3A_973 = arith.shrui %add3A_764, %shift_right_logical3A_972 : i32
      %and3A_974 = arith.constant 1 : i32
      %and3A_975 = arith.andi %add3A_764, %and3A_974 : i32
      %mul3A_976 = arith.constant 32 : i32
      %mul3A_977 = arith.muli %and3A_975, %mul3A_976 : i32
      %add3A_978 = arith.addi %mul3A_2, %shift_right_logical3A_973 : i32
      %dma_start3A_979 = arith.constant 0 : i32
      %dma_start3A_980 = tpu.memref_slice %arg5[%mul3A_977, %add3A_978, %dma_start3A_979] : memref<64x512x768xf32, #tpu.memory_space<hbm>> -> memref<32x1x768xf32, #tpu.memory_space<hbm>>
      %dma_start3A_981 = tpu.memref_squeeze %dma_start3A_980 : memref<32x1x768xf32, #tpu.memory_space<hbm>> -> memref<32x768xf32, #tpu.memory_space<hbm>>
      %dma_start3A_982 = arith.constant 0 : i32
      %dma_start3A_983 = tpu.memref_slice %arg5[%mul3A_977, %add3A_978, %dma_start3A_982] : memref<64x512x768xf32, #tpu.memory_space<hbm>> -> memref<32x1x768xf32, #tpu.memory_space<hbm>>
      %dma_start3A_984 = tpu.memref_squeeze %dma_start3A_983 : memref<32x1x768xf32, #tpu.memory_space<hbm>> -> memref<32x768xf32, #tpu.memory_space<hbm>>
      tpu.enqueue_dma source(%arg11 : memref<32x768xf32, #tpu.memory_space<vmem>>) target(%dma_start3A_984 : memref<32x768xf32, #tpu.memory_space<hbm>>) target_semaphore(%arg19 : memref<!tpu.dma_semaphore, #tpu.memory_space<semaphore_mem>>)
      %lt3A_985 = arith.constant 30 : i32
      %lt3A_986 = arith.cmpi slt, %add3A_764, %lt3A_985 : i32
      %convert_element_type3A_987 = arith.extui %lt3A_986 : i1 to i32
      %cond3A_988 = arith.constant 0 : i32
      %cond3A_989 = arith.cmpi ne, %convert_element_type3A_987, %cond3A_988 : i32
      scf.if %cond3A_989 {
        %ge3A = arith.constant 2 : i32
        %ge3A_990 = arith.cmpi sge, %add3A_764, %ge3A : i32
        %convert_element_type3A_991 = arith.extui %ge3A_990 : i1 to i32
        %cond3A_992 = arith.constant 0 : i32
        %cond3A_993 = arith.cmpi ne, %convert_element_type3A_991, %cond3A_992 : i32
        scf.if %cond3A_993 {
          %dma_wait3A_1007 = arith.constant 0 : i32
          %dma_wait3A_1008 = arith.constant 0 : i32
          %dma_wait3A_1009 = tpu.memref_slice %arg5[%dma_wait3A_1007, %mul3A_2, %dma_wait3A_1008] : memref<64x512x768xf32, #tpu.memory_space<hbm>> -> memref<32x1x768xf32, #tpu.memory_space<hbm>>
          %dma_wait3A_1010 = tpu.memref_squeeze %dma_wait3A_1009 : memref<32x1x768xf32, #tpu.memory_space<hbm>> -> memref<32x768xf32, #tpu.memory_space<hbm>>
          %dma_wait3A_1011 = arith.constant 0 : i32
          %dma_wait3A_1012 = arith.constant 0 : i32
          %dma_wait3A_1013 = tpu.memref_slice %arg5[%dma_wait3A_1011, %mul3A_2, %dma_wait3A_1012] : memref<64x512x768xf32, #tpu.memory_space<hbm>> -> memref<32x1x768xf32, #tpu.memory_space<hbm>>
          %dma_wait3A_1014 = tpu.memref_squeeze %dma_wait3A_1013 : memref<32x1x768xf32, #tpu.memory_space<hbm>> -> memref<32x768xf32, #tpu.memory_space<hbm>>
          tpu.wait_dma2 semaphore(%arg17 : memref<!tpu.dma_semaphore, #tpu.memory_space<semaphore_mem>>) src(%arg9 : memref<32x768xf32, #tpu.memory_space<vmem>>) dst(%dma_wait3A_1014 : memref<32x768xf32, #tpu.memory_space<hbm>>)
        } else {
        }
        %add3A_994 = arith.constant 2 : i32
        %add3A_995 = arith.addi %add3A_764, %add3A_994 : i32
        %shift_right_logical3A_996 = arith.constant 1 : i32
        %shift_right_logical3A_997 = arith.shrui %add3A_995, %shift_right_logical3A_996 : i32
        %and3A_998 = arith.constant 1 : i32
        %and3A_999 = arith.andi %add3A_995, %and3A_998 : i32
        %mul3A_1000 = arith.constant 32 : i32
        %mul3A_1001 = arith.muli %and3A_999, %mul3A_1000 : i32
        %dma_start3A_1002 = tpu.memref_slice %arg6[%shift_right_logical3A_997, %mul3A_1001] : memref<16x64xi32, #tpu.memory_space<vmem>> -> memref<1x32xi32, #tpu.memory_space<vmem>>
        %dma_start3A_1003 = tpu.memref_squeeze %dma_start3A_1002 : memref<1x32xi32, #tpu.memory_space<vmem>> -> memref<32xi32, #tpu.memory_space<vmem>>
        %dma_start3A_1004 = arith.constant 0 : i32
        %dma_start3A_1005 = arith.constant 0 : i32
        %dma_start3A_1006 = tpu.memref_slice %arg4[%dma_start3A_1004, %dma_start3A_1005] : memref<100000x768xf32, #tpu.memory_space<hbm>> -> memref<100000x768xf32, #tpu.memory_space<hbm>>
        tpu.enqueue_indirect_dma source(%dma_start3A_1006 : memref<100000x768xf32, #tpu.memory_space<hbm>>) target(%arg9 : memref<32x768xf32, #tpu.memory_space<vmem>>) offsets(%dma_start3A_1003 : memref<32xi32, #tpu.memory_space<vmem>>) semaphore(%arg13 : memref<!tpu.dma_semaphore, #tpu.memory_space<semaphore_mem>>)
      } else {
      }
    }
    %scan3A_45 = arith.constant 8 : i32
    %dma_wait3A_46 = arith.constant 0 : i32
    %dma_wait3A_47 = arith.constant 0 : i32
    %dma_wait3A_48 = tpu.memref_slice %arg5[%dma_wait3A_46, %mul3A_2, %dma_wait3A_47] : memref<64x512x768xf32, #tpu.memory_space<hbm>> -> memref<32x1x768xf32, #tpu.memory_space<hbm>>
    %dma_wait3A_49 = tpu.memref_squeeze %dma_wait3A_48 : memref<32x1x768xf32, #tpu.memory_space<hbm>> -> memref<32x768xf32, #tpu.memory_space<hbm>>
    %dma_wait3A_50 = arith.constant 0 : i32
    %dma_wait3A_51 = arith.constant 0 : i32
    %dma_wait3A_52 = tpu.memref_slice %arg5[%dma_wait3A_50, %mul3A_2, %dma_wait3A_51] : memref<64x512x768xf32, #tpu.memory_space<hbm>> -> memref<32x1x768xf32, #tpu.memory_space<hbm>>
    %dma_wait3A_53 = tpu.memref_squeeze %dma_wait3A_52 : memref<32x1x768xf32, #tpu.memory_space<hbm>> -> memref<32x768xf32, #tpu.memory_space<hbm>>
    tpu.wait_dma2 semaphore(%arg16 : memref<!tpu.dma_semaphore, #tpu.memory_space<semaphore_mem>>) src(%arg8 : memref<32x768xf32, #tpu.memory_space<vmem>>) dst(%dma_wait3A_53 : memref<32x768xf32, #tpu.memory_space<hbm>>)
    %dma_wait3A_54 = arith.constant 0 : i32
    %dma_wait3A_55 = arith.constant 0 : i32
    %dma_wait3A_56 = tpu.memref_slice %arg5[%dma_wait3A_54, %mul3A_2, %dma_wait3A_55] : memref<64x512x768xf32, #tpu.memory_space<hbm>> -> memref<32x1x768xf32, #tpu.memory_space<hbm>>
    %dma_wait3A_57 = tpu.memref_squeeze %dma_wait3A_56 : memref<32x1x768xf32, #tpu.memory_space<hbm>> -> memref<32x768xf32, #tpu.memory_space<hbm>>
    %dma_wait3A_58 = arith.constant 0 : i32
    %dma_wait3A_59 = arith.constant 0 : i32
    %dma_wait3A_60 = tpu.memref_slice %arg5[%dma_wait3A_58, %mul3A_2, %dma_wait3A_59] : memref<64x512x768xf32, #tpu.memory_space<hbm>> -> memref<32x1x768xf32, #tpu.memory_space<hbm>>
    %dma_wait3A_61 = tpu.memref_squeeze %dma_wait3A_60 : memref<32x1x768xf32, #tpu.memory_space<hbm>> -> memref<32x768xf32, #tpu.memory_space<hbm>>
    tpu.wait_dma2 semaphore(%arg17 : memref<!tpu.dma_semaphore, #tpu.memory_space<semaphore_mem>>) src(%arg9 : memref<32x768xf32, #tpu.memory_space<vmem>>) dst(%dma_wait3A_61 : memref<32x768xf32, #tpu.memory_space<hbm>>)
    %dma_wait3A_62 = arith.constant 0 : i32
    %dma_wait3A_63 = arith.constant 0 : i32
    %dma_wait3A_64 = tpu.memref_slice %arg5[%dma_wait3A_62, %mul3A_2, %dma_wait3A_63] : memref<64x512x768xf32, #tpu.memory_space<hbm>> -> memref<32x1x768xf32, #tpu.memory_space<hbm>>
    %dma_wait3A_65 = tpu.memref_squeeze %dma_wait3A_64 : memref<32x1x768xf32, #tpu.memory_space<hbm>> -> memref<32x768xf32, #tpu.memory_space<hbm>>
    %dma_wait3A_66 = arith.constant 0 : i32
    %dma_wait3A_67 = arith.constant 0 : i32
    %dma_wait3A_68 = tpu.memref_slice %arg5[%dma_wait3A_66, %mul3A_2, %dma_wait3A_67] : memref<64x512x768xf32, #tpu.memory_space<hbm>> -> memref<32x1x768xf32, #tpu.memory_space<hbm>>
    %dma_wait3A_69 = tpu.memref_squeeze %dma_wait3A_68 : memref<32x1x768xf32, #tpu.memory_space<hbm>> -> memref<32x768xf32, #tpu.memory_space<hbm>>
    tpu.wait_dma2 semaphore(%arg18 : memref<!tpu.dma_semaphore, #tpu.memory_space<semaphore_mem>>) src(%arg10 : memref<32x768xf32, #tpu.memory_space<vmem>>) dst(%dma_wait3A_69 : memref<32x768xf32, #tpu.memory_space<hbm>>)
    %dma_wait3A_70 = arith.constant 0 : i32
    %dma_wait3A_71 = arith.constant 0 : i32
    %dma_wait3A_72 = tpu.memref_slice %arg5[%dma_wait3A_70, %mul3A_2, %dma_wait3A_71] : memref<64x512x768xf32, #tpu.memory_space<hbm>> -> memref<32x1x768xf32, #tpu.memory_space<hbm>>
    %dma_wait3A_73 = tpu.memref_squeeze %dma_wait3A_72 : memref<32x1x768xf32, #tpu.memory_space<hbm>> -> memref<32x768xf32, #tpu.memory_space<hbm>>
    %dma_wait3A_74 = arith.constant 0 : i32
    %dma_wait3A_75 = arith.constant 0 : i32
    %dma_wait3A_76 = tpu.memref_slice %arg5[%dma_wait3A_74, %mul3A_2, %dma_wait3A_75] : memref<64x512x768xf32, #tpu.memory_space<hbm>> -> memref<32x1x768xf32, #tpu.memory_space<hbm>>
    %dma_wait3A_77 = tpu.memref_squeeze %dma_wait3A_76 : memref<32x1x768xf32, #tpu.memory_space<hbm>> -> memref<32x768xf32, #tpu.memory_space<hbm>>
    tpu.wait_dma2 semaphore(%arg19 : memref<!tpu.dma_semaphore, #tpu.memory_space<semaphore_mem>>) src(%arg11 : memref<32x768xf32, #tpu.memory_space<vmem>>) dst(%dma_wait3A_77 : memref<32x768xf32, #tpu.memory_space<hbm>>)
    return
  }
}

</mosaic_0001>

<sc_bundles>
// kernel: kernel.3.cloned.1.call-start
scs
__scs_entry_jumppad:
0x0: {  	(pc) =	sbr.rel $0x88, $3  }
0x1: {  	(tag) =	ssettag $0x0;
	lr =	simm.s32 $0x1  }
0x2: {  	[smem:$0x3F9F] =	sst lr;
	_ =	strace $0xD0000000  }
0x3: {  	_ = 	snop  }
0x4: {  	_ = 	snop  }
0x5: {  	_ = 	snop  }
0x6: {  	_ = 	snop  }
0x7: {  	_ = 	snop  }
__scs_overlays_trampoline_lowered:
0x8: {  	[smem:$0x3FAE] =	sst s0  }
0x9: {  	[smem:$0x3FAF] =	sst s1  }
0xa: {  	[smem:$0x3FB0] =	sst s2  }
0xb: {  	[smem:$0x3FB1] =	sst s3  }
0xc: {  	[smem:$0x3FB2] =	sst s4  }
0xd: {  	[smem:$0x3FB3] =	sst s5  }
0xe: {  	[smem:$0x3FB4] =	sst s6  }
0xf: {  	[smem:$0x3FB5] =	sst s7  }
0x10: {  	[smem:$0x3FB6] =	sst s8  }
0x11: {  	[smem:$0x3FB7] =	sst s9;
	s0 =	simm.s32 @!p0 $0x0  }
0x12: {  	s1 =	sld [smem:$0x3F9D];
	s0 =	simm.s32 @p0 $0x1  }
0x13: {  	[smem:$0x3FB8] =	sst s0;
	s0 =	simm.s32 @!p1 $0x0  }
0x14: {  	s2 =	sld [smem:$0x3F9C];
	s0 =	simm.s32 @p1 $0x1  }
0x15: {  	[smem:$0x3FB9] =	sst s0;
	s0 =	simm.s32 @!p2 $0x0  }
0x16: {  	s3 =	sld [smem:$0x3FDB];
	s0 =	simm.s32 @p2 $0x1  }
0x17: {  	s4 =	simm.s32 $0x1BF5;
	[smem:$0x3FBB] =	sst s0  }
0x18: {  	s0 =	sld [smem:$0x3F9E];
	_ =	swait.ge [sflag:s4], $0x0  }
0x19: {  	s7 =	sld [smem:$0x3F9F]  }
0x1a: {  	s8 =	sadd.s32 $0xFFFFE003, lr  }
0x1b: {  	s9 =	sadd.s32 $0xFFFFFEF7, lr;
	s5 =	simm.s32 $0xFFFFFFFF;
	p2 =	slt.u32 s8, $0xFFFFF086  }
0x1c: {  	p1 =	slt.u32 s9, $0xF7A;
	s5 =	simm.s32 @!p2 $0x0  }
0x1d: {  	s5 =	simm.s32 @p1 $0x1;
	p0 =	seq.s32 s7, s2  }
0x1e: {  	s7 =	smul.u32 @!p0 $0xF7A, s2;
	p2 =	seq.s32 @!p0 s5, $0x0  }
0x1f: {  	s9 =	smul.u32 $0xF7A, s1;
	s8 =	simm.s32 @!p0 $0x1BF5;
	p2 =	por !p2, p0  }
0x20: {  	[sflag:s8] =	ssyncset.s32 @!p0 $0xFFFFF086;
	s6 =	sadd.s32 @!p0 s3, s7;
	s7 =	simm.s32 @!p0 $0x108  }
0x21: {  	s3 =	sadd.s32 s3, s9;
	s6 =	sadd.s32 @!p0 $0x88, s6;
	s7 =	simm.s32 @p2 $0x1082  }
0x22: {  	[simem:s7], [sflag:s8] =	dma.local @!p0 [hbm:s6], $0xF7A  }
0x23: {  	s9 =	sor.u32 $0xD0000000, s2;
	s6 =	simm.s32 $0x108;
	_ =	swait.ge @!p0 [sflag:s8], $0x0  }
0x24: {  	s3 =	sadd.s32 $0x88, s3;
	s6 =	simm.s32 @!p1 $0x1082;
	[sflag:s4] =	ssyncset.s32 $0xFFFFF086  }
0x25: {  	[simem:s6], [sflag:s4] =	dma.local [hbm:s3], $0xF7A  }
0x26: {  	[smem:$0x3F9F] =	sst s1;
	(tag) =	ssettag s2;
	_ =	strace s9  }
0x27: {  	s1 =	sld [smem:$0x3FAF]  }
0x28: {  	s2 =	sld [smem:$0x3FB0]  }
0x29: {  	s4 =	sld [smem:$0x3FB2]  }
0x2a: {  	p0 =	seq.s32 s5, $0x0;
	s5 =	sld [smem:$0x3FB3]  }
0x2b: {  	s6 =	sld [smem:$0x3FB4]  }
0x2c: {  	s7 =	sld [smem:$0x3FB5]  }
0x2d: {  	s3 =	simm.s32 $0x108;
	s8 =	sld [smem:$0x3FB6]  }
0x2e: {  	s3 =	simm.s32 @!p0 $0x1082;
	s9 =	sld [smem:$0x3FB7]  }
0x2f: {  	lr =	sadd.s32 s0, s3;
	s0 =	sld [smem:$0x3FAE]  }
0x30: {  	s3 =	sld [smem:$0x3FB1]  }
0x31: {  	[smem:$0x3FBA] =	sst s10  }
0x32: {  	s10 =	sld [smem:$0x3FB8];
	_ =	sdelay $0x3  }
0x33: {  	p0 =	seq.s32 s10, $0x1;
	s10 =	sld [smem:$0x3FBA];
	_ =	sdelay $0x3  }
0x34: {  	[smem:$0x3FBA] =	sst s10  }
0x35: {  	s10 =	sld [smem:$0x3FB9];
	_ =	sdelay $0x3  }
0x36: {  	p1 =	seq.s32 s10, $0x1;
	s10 =	sld [smem:$0x3FBA];
	_ =	sdelay $0x3  }
0x37: {  	[smem:$0x3FBA] =	sst s10  }
0x38: {  	s10 =	sld [smem:$0x3FBB]  }
0x39: {  	_ = 	snop;
	(pc) =	sbr.ind lr, $3  }
0x3a: {  	_ = 	snop  }
0x3b: {  	_ = 	snop  }
0x3c: {  	p2 =	seq.s32 s10, $0x1;
	s10 =	sld [smem:$0x3FBA]  }
0x3d: {  	_ =	shalt  }
0x3e: {  	_ =	shalt  }
0x3f: {  	_ =	shalt  }
0x40: {  	_ =	shalt  }
0x41: {  	_ =	shalt  }
0x42: {  	_ =	shalt  }
0x43: {  	_ =	shalt  }
0x44: {  	_ =	shalt  }
0x45: {  	_ =	shalt  }
0x46: {  	_ =	shalt  }
0x47: {  	_ =	shalt  }
0x48: {  	_ =	shalt  }
0x49: {  	_ =	shalt  }
0x4a: {  	_ =	shalt  }
0x4b: {  	_ =	shalt  }
0x4c: {  	_ =	shalt  }
0x4d: {  	_ =	shalt  }
0x4e: {  	_ =	shalt  }
0x4f: {  	_ =	shalt  }
0x50: {  	_ =	shalt  }
0x51: {  	_ =	shalt  }
0x52: {  	_ =	shalt  }
0x53: {  	_ =	shalt  }
0x54: {  	_ =	shalt  }
0x55: {  	_ =	shalt  }
0x56: {  	_ =	shalt  }
0x57: {  	_ =	shalt  }
0x58: {  	_ =	shalt  }
0x59: {  	_ =	shalt  }
0x5a: {  	_ =	shalt  }
0x5b: {  	_ =	shalt  }
0x5c: {  	_ =	shalt  }
0x5d: {  	_ =	shalt  }
0x5e: {  	_ =	shalt  }
0x5f: {  	_ =	shalt  }
0x60: {  	_ =	shalt  }
0x61: {  	_ =	shalt  }
0x62: {  	_ =	shalt  }
0x63: {  	_ =	shalt  }
0x64: {  	_ =	shalt  }
0x65: {  	_ =	shalt  }
0x66: {  	_ =	shalt  }
0x67: {  	_ =	shalt  }
0x68: {  	_ =	shalt  }
0x69: {  	_ =	shalt  }
0x6a: {  	_ =	shalt  }
0x6b: {  	_ =	shalt  }
0x6c: {  	_ =	shalt  }
0x6d: {  	_ =	shalt  }
0x6e: {  	_ =	shalt  }
0x6f: {  	_ =	shalt  }
0x70: {  	_ =	shalt  }
0x71: {  	_ =	shalt  }
0x72: {  	_ =	shalt  }
0x73: {  	_ =	shalt  }
0x74: {  	_ =	shalt  }
0x75: {  	_ =	shalt  }
0x76: {  	_ =	shalt  }
0x77: {  	_ =	shalt  }
0x78: {  	_ =	shalt  }
0x79: {  	_ =	shalt  }
0x7a: {  	_ =	shalt  }
0x7b: {  	_ =	shalt  }
0x7c: {  	_ =	shalt  }
0x7d: {  	_ =	shalt  }
0x7e: {  	_ =	shalt  }
0x7f: {  	_ =	shalt  }
0x80: {  	_ =	shalt  }
0x81: {  	_ =	shalt  }
0x82: {  	_ =	shalt  }
0x83: {  	_ =	shalt  }
0x84: {  	_ =	shalt  }
0x85: {  	_ =	shalt  }
0x86: {  	_ =	shalt  }
0x87: {  	_ =	shalt  }
.Lfunc_end0:
.L_simem_size_0:
called_computation_lowered:
.L_overlay_start_0:
0x88: {  	s2 =	sld [smem:$0x3FD9]  }
0x89: {  	s3 =	sld [smem:$0x3FFE];
	_ =	sdelay $0x1  }
0x8a: {  	s1 =	srdreg.scid  }
0x8b: {  	s0 =	sand.u32 $0x1, s1  }
0x8c: {  	s17 =	sshll.u32 s0, $0xA;
	s2 =	sadd.s32 s3, s2  }
0x8d: {  	s2 =	sadd.s32 s2, s17  }
0x8e: {  	[smem:$0x3FC6] =	sst s2  }
0x8f: {  	_ = 	snop  }
0x90: {  	s2 =	sld [smem:$0x3FC8]  }
0x91: {  	s18 =	sld [smem:$0x3FD0];
	(tm) =	ssettm $0x1  }
0x92: {  	s4 =	sld [smem:$0x3FFB];
	_ =	sdelay $0x3  }
0x93: {  	_ =	strace s4  }
0x94: {  	s4 =	sld [smem:$0x3FFC];
	_ =	sdelay $0x3  }
0x95: {  	_ =	strace s4  }
0x96: {  	s4 =	sld [smem:$0x3FFD];
	_ =	sdelay $0x3  }
0x97: {  	_ =	strace s4  }
0x98: {  	_ =	strace $0x8FFFFFFF  }
0x99: {  	s19 =	sld [smem:$0x3FDB];
	_ =	sdelay $0x1  }
0x9a: {  	s5 =	simm.s32 $_scs_section_size  }
0x9b: {  	s6 =	simm.s32 $_size__tile_overlayer_lowered;
	s7 =	simm.s32 $_tile_overlayer_lowered  }
0x9c: {  	s22 =	simm.s32 $0x1BFF;
	s21 =	sshll.u32 s7, $0x1;
	s4 =	sadd.s32 s5, s19  }
0x9d: {  	s8 =	simm.s32 $0x0;
	s20 =	sshll.u32 s6, $0x1;
	s6 =	sadd.s32 s21, s4  }
0x9e: {  	[timem:s8], [sflag:s22] =	dma.local [hbm:s6], s20  }
0x9f: {  	_ =	swait.ge [sflag:s22], s20  }
0xa0: {  	s5 =	ssub.s32 $0x0, s20;
	[sflag:s22] =	ssyncset.done $0x0  }
0xa1: {  	[sflag:s22] =	ssyncadd.s32 s5;
	_ =	sdelay $0x1  }
0xa2: {  	s23 =	simm.s32 $0x1B8B  }
0xa3: {  	_ =	swait.ge [sflag:s23], $0x1  }
0xa4: {  	[sflag:s23] =	ssyncset.done $0x0  }
0xa5: {  	s25 =	simm.s32 $0x1B8E;
	s24 =	sld [smem:$0x3FFE];
	[sflag:s23] =	ssyncadd.s32 $0xFFFFFFFF  }
0xa6: {  	s26 =	simm.s32 $execute0_lowered;
	[smem:$0x3FD2] =	sst s25  }
0xa7: {  	s6 =	sshll.u32 s26, $0x1;
	_ =	strace $0x80000046;
	[dreg:$0x1] =	wrdreg $0xFFFFFFFF  }
0xa8: {  	s28 =	simm.s32 $_size_execute0_lowered;
	s4 =	sadd.s32 s4, s6;
	[dreg:$0x0] =	wrdreg $0x0  }
0xa9: {  	s6 =	sshll.u32 s28, $0x1;
	[dreg:$0x2] =	wrdreg s4  }
0xaa: {  	[dreg:$0x3] =	wrdreg s6  }
0xab: {  	[dreg:$0x4] =	wrdreg $0xC0  }
0xac: {  	_ =	task [dreg:s8], $0x5FFFF  }
0xad: {  	[dreg:$0x1] =	wrdreg $0xFFFFFFFF  }
0xae: {  	[dreg:$0x0] =	wrdreg $0x60  }
0xaf: {  	[dreg:$0x2] =	wrdreg s24  }
0xb0: {  	[dreg:$0x3] =	wrdreg s2  }
0xb1: {  	[dreg:$0x4] =	wrdreg s18  }
0xb2: {  	[dreg:$0x5] =	wrdreg $0x9  }
0xb3: {  	_ =	task.clear_ibuf [dreg:s8], $0x6FFFF;
	_ =	strace $0x90000046  }
0xb4: {  	s29 =	simm.s32 $0x9;
	_ =	strace $0x80000048  }
0xb5: {  	_ =	swait.ge [sflag:s29], $0x1  }
0xb6: {  	[sflag:s29] =	ssyncadd.s32 $0xFFFFFFFF  }
0xb7: {  	_ =	strace $0x90000048  }
0xb8: {  	_ =	sfence  }
0xb9: {  	s30 =	sld [smem:$0x0];
	_ =	sdelay $0x2  }
0xba: {  	s31 =	sshll.u32 s1, $0xD;
	s1 =	sshrl.u32 s1, $0x2  }
0xbb: {  	s3 =	sand.u32 $0x4000, s31;
	s1 =	sadd.s32 s1, s30  }
0xbc: {  	s0 =	sor.u32 s3, s0;
	s1 =	sshll.u32 s1, $0x11  }
0xbd: {  	s0 =	sor.u32 s1, s0  }
0xbe: {  	s0 =	sadd.s32 $0x8F2B, s0  }
0xbf: {  	[sflag:s0] =	ssyncadd.remote.s32 $0x1  }
0xc0: {  	_ =	sfence.sel $0xFFFF  }
0xc1: {  	[dreg:$0x0] =	wrdreg $0xFFFFFFFF;
	(pc) =	sbr.abs _section_cstart, $3  }
0xc2: {  	[dreg:$0x1] =	wrdreg $0xFFFFFFFF  }
0xc3: {  	_ =	task.clear_ibuf [dreg:s8], $0x2FFFF;
	_ =	strace $0x9FFFFFFF  }
0xc4: {  	(tm) =	ssettm $0x7FFFFFFF  }
0xc5: {  	_ =	shalt  }
tec
execute0_lowered:
.L_overlay_start_1:
0x0: {  	(tag) =	ssettag $0x1  }
0x1: {  	s0 =	srdreg.scid  }
0x2: {  	s1 =	rddreg [dreg:$0x0];
	s3 =	stileid.u32  }
0x3: {  	s2 =	rddreg [dreg:$0x1];
	s6 =	simm.s32 $0x0;
	s7 =	simm.s32 $0x7  }
0x4: {  	s10 =	simm.s32 $0x8;
	s12 =	simm.s32 $0x1;
	s13 =	simm.s32 $0x60000  }
0x5: {  	s26 =	simm.s32 $0x2;
	s14 =	simm.s32 $0x15800;
	s15 =	simm.s32 $0x1B000  }
0x6: {  	s16 =	simm.s32 $0x3;
	s17 =	simm.s32 $0x4;
	s0 =	sand.u32 $0x1, s0  }
0x7: {  	s4 =	sshll.u32 s3, $0x5;
	s3 =	rddreg [dreg:$0x2];
	s5 =	sshll.u32 s0, $0x4  }
0x8: {  	[smem:$0x7FF] =	sst s6;
	s0 =	ssub.s32 $0x2, s0;
	s4 =	sor.u32 s5, s4  }
0x9: {  	s8 =	sadd.s32 $0x100, s2;
	s30 =	sshrl.u32 s0, $0x1;
	s5 =	sshrl.u32 s4, $0x3  }
0xa: {  	s29 =	sshll.u32 s4, $0x4;
	s0 =	ssub.s32 s0, s30;
	s5 =	smul.u32 $0x300, s5  }
0xb: {  	_ =	strace $0x80000047;
	s6 =	sadd.s32 s29, s1;
	s0 =	smax.u32 s0, $0x1  }
0xc: {  	v2 =	vlaneseq.u32;
	s31 =	sadd.s32 $0x600, s6;
	[dreg:$0x6] =	wrdreg s0;
	s1 =	sadd.s32 s5, s1  }
0xd: {  	vm0 =	vmmov $0xffff;
	s9 =	sadd.s32 $0x200, s2;
	v1 =	vshrl.u32 v2, $0x3;
	[dreg:$0x4] =	wrdreg s31;
	s1 =	sadd.s32 $0x2600, s1  }
0xe: {  	v0 =	vand.u32 $0x7, v2;
	v2 =	vor.u32 $0x8, v2;
	v1 =	vmul.u32 $0x8, v1;
	s5 =	simm.s32 $0x80;
	[dreg:$0x5] =	wrdreg s1;
	s1 =	simm.s32 $0x0  }
.LBB2_1:
0xf: {  	[dreg:$0x7] =	wrdreg s1  }
0x10: {  	s0 =	simm.s32 $0x0;
	s19 =	rddreg [dreg:$0x4]  }
0x11: {  	[tilespmem:s0], [sflag:$0x7] =	stream.linear.gather [hbm4b:s19+s0], $0x800, $0x38;
	[tilespmem:$0x1B800] =	vst v63  }
0x12: {  	s20 =	rddreg [dreg:$0x5];
	s6 =	simm.s32 $0x800  }
0x13: {  	[tilespmem:s6], [sflag:$0x8] =	stream.linear.gather [hbm4b:s20+s0], $0x3000, $0x38;
	[tilespmem:$0x1B800] =	vst v63  }
0x14: {  	_ =	swait.ge [sflag:s7], $0x800  }
0x15: {  	[sflag:s7] =	ssyncset.done $0x0  }
0x16: {  	[sflag:s7] =	ssyncadd.s32 $0xFFFFF800  }
0x17: {  	v3 =	vld [tilespmem:$0x0];
	_ =	sdelay $0x4  }
0x18: {  	v4 =	vshrl.u32 v3, $0x3  }
0x19: {  	v4 =	vmul.u32 $0x30, v4  }
0x1a: {  	v3 =	vand.u32 $0x7, v3  }
0x1b: {  	v3 =	vor.u32 v3, v4  }
0x1c: {  	v4 =	vperm.xlane v3, v0;
	_ =	sdelay $0x1  }
0x1d: {  	v4 =	vadd.s32 v1, v4;
	_ =	sdelay $0x3  }
0x1e: {  	s21 =	simm.s32 $0x3800;
	v3 =	vperm.xlane v3, v2  }
0x1f: {  	[tilespmem:s21], [sflag:$0x1] =	stream.indirect_vreg.gather [hbm4b:s2+s0], $0x80, v4, vm0, $0xb8;
	[tilespmem:$0x1B800] =	vst v63  }
0x20: {  	s22 =	simm.s32 $0x4000;
	v3 =	vadd.s32 v1, v3  }
0x21: {  	[tilespmem:s22], [sflag:$0x1] =	stream.indirect_vreg.gather [hbm4b:s8+s0], $0x80, v4, vm0, $0xb8;
	[tilespmem:$0x1B800] =	vst v63  }
0x22: {  	s23 =	simm.s32 $0x4800  }
0x23: {  	[tilespmem:s23], [sflag:$0x1] =	stream.indirect_vreg.gather [hbm4b:s9+s0], $0x80, v4, vm0, $0xb8;
	[tilespmem:$0x1B800] =	vst v63  }
0x24: {  	s24 =	simm.s32 $0x5000  }
0x25: {  	[tilespmem:s24], [sflag:$0x1] =	stream.indirect_vreg.gather [hbm4b:s2+s0], $0x80, v3, vm0, $0xb8;
	[tilespmem:$0x1B800] =	vst v63  }
0x26: {  	s25 =	simm.s32 $0x5800  }
0x27: {  	[tilespmem:s25], [sflag:$0x1] =	stream.indirect_vreg.gather [hbm4b:s8+s0], $0x80, v3, vm0, $0xb8;
	[tilespmem:$0x1B800] =	vst v63  }
0x28: {  	s28 =	simm.s32 $0x6000  }
0x29: {  	[tilespmem:s28], [sflag:$0x1] =	stream.indirect_vreg.gather [hbm4b:s9+s0], $0x80, v3, vm0, $0xb8;
	[tilespmem:$0x1B800] =	vst v63  }
0x2a: {  	v3 =	vld [tilespmem:$0x10];
	_ =	sdelay $0x4  }
0x2b: {  	v61 =	vshrl.u32 v3, $0x3  }
0x2c: {  	v4 =	vmul.u32 $0x30, v61  }
0x2d: {  	v3 =	vand.u32 $0x7, v3  }
0x2e: {  	v3 =	vor.u32 v3, v4  }
0x2f: {  	v4 =	vperm.xlane v3, v0;
	_ =	sdelay $0x1  }
0x30: {  	v4 =	vadd.s32 v1, v4;
	_ =	sdelay $0x3  }
0x31: {  	s29 =	simm.s32 $0x6800;
	v3 =	vperm.xlane v3, v2  }
0x32: {  	[tilespmem:s29], [sflag:$0x1] =	stream.indirect_vreg.gather [hbm4b:s2+s0], $0x80, v4, vm0, $0xb8;
	[tilespmem:$0x1B800] =	vst v63  }
0x33: {  	s30 =	simm.s32 $0x7000;
	v3 =	vadd.s32 v1, v3  }
0x34: {  	[tilespmem:s30], [sflag:$0x1] =	stream.indirect_vreg.gather [hbm4b:s8+s0], $0x80, v4, vm0, $0xb8;
	[tilespmem:$0x1B800] =	vst v63  }
0x35: {  	s31 =	simm.s32 $0x7800  }
0x36: {  	[tilespmem:s31], [sflag:$0x1] =	stream.indirect_vreg.gather [hbm4b:s9+s0], $0x80, v4, vm0, $0xb8;
	[tilespmem:$0x1B800] =	vst v63  }
0x37: {  	s6 =	simm.s32 $0x8000  }
0x38: {  	[tilespmem:s6], [sflag:$0x1] =	stream.indirect_vreg.gather [hbm4b:s2+s0], $0x80, v3, vm0, $0xb8;
	[tilespmem:$0x1B800] =	vst v63  }
0x39: {  	s7 =	simm.s32 $0x8800  }
0x3a: {  	[tilespmem:s7], [sflag:$0x1] =	stream.indirect_vreg.gather [hbm4b:s8+s0], $0x80, v3, vm0, $0xb8;
	[tilespmem:$0x1B800] =	vst v63  }
0x3b: {  	s11 =	simm.s32 $0x9000  }
0x3c: {  	[tilespmem:s11], [sflag:$0x1] =	stream.indirect_vreg.gather [hbm4b:s9+s0], $0x80, v3, vm0, $0xb8;
	[tilespmem:$0x1B800] =	vst v63  }
0x3d: {  	v3 =	vld [tilespmem:$0x20];
	_ =	sdelay $0x4  }
0x3e: {  	v62 =	vshrl.u32 v3, $0x3  }
0x3f: {  	v4 =	vmul.u32 $0x30, v62  }
0x40: {  	v3 =	vand.u32 $0x7, v3  }
0x41: {  	v3 =	vor.u32 v3, v4  }
0x42: {  	v4 =	vperm.xlane v3, v0;
	_ =	sdelay $0x1  }
0x43: {  	v4 =	vadd.s32 v1, v4;
	_ =	sdelay $0x3  }
0x44: {  	s18 =	simm.s32 $0x9800;
	v3 =	vperm.xlane v3, v2  }
0x45: {  	[tilespmem:s18], [sflag:$0x2] =	stream.indirect_vreg.gather [hbm4b:s2+s0], $0x80, v4, vm0, $0xb8;
	[tilespmem:$0x1B800] =	vst v63  }
0x46: {  	s19 =	simm.s32 $0xA000;
	v3 =	vadd.s32 v1, v3  }
0x47: {  	[tilespmem:s19], [sflag:$0x2] =	stream.indirect_vreg.gather [hbm4b:s8+s0], $0x80, v4, vm0, $0xb8;
	[tilespmem:$0x1B800] =	vst v63  }
0x48: {  	s20 =	simm.s32 $0xA800  }
0x49: {  	[tilespmem:s20], [sflag:$0x2] =	stream.indirect_vreg.gather [hbm4b:s9+s0], $0x80, v4, vm0, $0xb8;
	[tilespmem:$0x1B800] =	vst v63  }
0x4a: {  	s21 =	simm.s32 $0xB000  }
0x4b: {  	[tilespmem:s21], [sflag:$0x2] =	stream.indirect_vreg.gather [hbm4b:s2+s0], $0x80, v3, vm0, $0xb8;
	[tilespmem:$0x1B800] =	vst v63  }
0x4c: {  	s22 =	simm.s32 $0xB800  }
0x4d: {  	[tilespmem:s22], [sflag:$0x2] =	stream.indirect_vreg.gather [hbm4b:s8+s0], $0x80, v3, vm0, $0xb8;
	[tilespmem:$0x1B800] =	vst v63  }
0x4e: {  	s23 =	simm.s32 $0xC000  }
0x4f: {  	[tilespmem:s23], [sflag:$0x2] =	stream.indirect_vreg.gather [hbm4b:s9+s0], $0x80, v3, vm0, $0xb8;
	[tilespmem:$0x1B800] =	vst v63  }
0x50: {  	v3 =	vld [tilespmem:$0x30];
	_ =	sdelay $0x4  }
0x51: {  	v63 =	vshrl.u32 v3, $0x3  }
0x52: {  	v4 =	vmul.u32 $0x30, v63  }
0x53: {  	v3 =	vand.u32 $0x7, v3  }
0x54: {  	v3 =	vor.u32 v3, v4  }
0x55: {  	v4 =	vperm.xlane v3, v0;
	_ =	sdelay $0x1  }
0x56: {  	v4 =	vadd.s32 v1, v4;
	_ =	sdelay $0x3  }
0x57: {  	s24 =	simm.s32 $0xC800;
	v3 =	vperm.xlane v3, v2  }
0x58: {  	[tilespmem:s24], [sflag:$0x2] =	stream.indirect_vreg.gather [hbm4b:s2+s0], $0x80, v4, vm0, $0xb8;
	[tilespmem:$0x1B800] =	vst v63  }
0x59: {  	s25 =	simm.s32 $0xD000;
	v3 =	vadd.s32 v1, v3  }
0x5a: {  	[tilespmem:s25], [sflag:$0x2] =	stream.indirect_vreg.gather [hbm4b:s8+s0], $0x80, v4, vm0, $0xb8;
	[tilespmem:$0x1B800] =	vst v63  }
0x5b: {  	s28 =	simm.s32 $0xD800  }
0x5c: {  	[tilespmem:s28], [sflag:$0x2] =	stream.indirect_vreg.gather [hbm4b:s9+s0], $0x80, v4, vm0, $0xb8;
	[tilespmem:$0x1B800] =	vst v63  }
0x5d: {  	s29 =	simm.s32 $0xE000  }
0x5e: {  	[tilespmem:s29], [sflag:$0x2] =	stream.indirect_vreg.gather [hbm4b:s2+s0], $0x80, v3, vm0, $0xb8;
	[tilespmem:$0x1B800] =	vst v63  }
0x5f: {  	s30 =	simm.s32 $0xE800  }
0x60: {  	[tilespmem:s30], [sflag:$0x2] =	stream.indirect_vreg.gather [hbm4b:s8+s0], $0x80, v3, vm0, $0xb8;
	[tilespmem:$0x1B800] =	vst v63  }
0x61: {  	s31 =	simm.s32 $0xF000  }
0x62: {  	[tilespmem:s31], [sflag:$0x2] =	stream.indirect_vreg.gather [hbm4b:s9+s0], $0x80, v3, vm0, $0xb8;
	[tilespmem:$0x1B800] =	vst v63  }
0x63: {  	_ =	swait.ge [sflag:s10], $0x3000  }
0x64: {  	[sflag:s10] =	ssyncset.done $0x0  }
0x65: {  	s18 =	simm.s32 $0x0;
	[sflag:s10] =	ssyncadd.s32 $0xFFFFD000  }
.LBB2_2:
0x66: {  	s1 =	simm.s32 $0x0  }
0x67: {  	s1 =	smul.u32 $0x6000, s1  }
0x68: {  	_ =	swait.ge [sflag:s12], $0x6000;
	s11 =	simm.s32 $0x0  }
0x69: {  	[sflag:s12] =	ssyncset.done $0x0;
	s6 =	sand.u32 $0x380, s11;
	s1 =	sshra.s32 s1, $0x2  }
0x6a: {  	[sflag:s12] =	ssyncadd.s32 $0xFFFFA000;
	s1 =	sor.u32 s6, s1  }
0x6b: {  	v27 =	vld [tilespmem:s1+$0x4070]  }
0x6c: {  	v28 =	vld [tilespmem:s1+$0x3800]  }
0x6d: {  	s0 =	sshrl.u32 s18, $0x2;
	v29 =	vld [tilespmem:s1+$0x3810]  }
0x6e: {  	s0 =	smul.u32 $0x6000, s0;
	v30 =	vld [tilespmem:s1+$0x3820]  }
0x6f: {  	v31 =	vld [tilespmem:s1+$0x3830]  }
0x70: {  	s19 =	sshll.u32 s18, $0x8;
	s22 =	sshra.s32 s0, $0x2;
	v32 =	vld [tilespmem:s1+$0x3840]  }
0x71: {  	s0 =	sand.u32 $0x300, s19;
	s23 =	sadd.s32 $0x800, s22;
	v33 =	vld [tilespmem:s1+$0x3850]  }
0x72: {  	s28 =	sor.u32 s0, s23;
	v34 =	vld [tilespmem:s1+$0x3860]  }
0x73: {  	v25 =	vld [tilespmem:s28+$0x0]  }
0x74: {  	v24 =	vld [tilespmem:s28+$0x10]  }
0x75: {  	v23 =	vld [tilespmem:s28+$0x20]  }
0x76: {  	v22 =	vld [tilespmem:s28+$0x30]  }
0x77: {  	v21 =	vld [tilespmem:s28+$0x40]  }
0x78: {  	v20 =	vld [tilespmem:s28+$0x50]  }
0x79: {  	v19 =	vld [tilespmem:s28+$0x60]  }
0x7a: {  	v18 =	vld [tilespmem:s28+$0x70]  }
0x7b: {  	v17 =	vld [tilespmem:s28+$0x400]  }
0x7c: {  	v16 =	vld [tilespmem:s28+$0x410]  }
0x7d: {  	v15 =	vld [tilespmem:s28+$0x420]  }
0x7e: {  	v14 =	vld [tilespmem:s28+$0x430]  }
0x7f: {  	v13 =	vld [tilespmem:s28+$0x440]  }
0x80: {  	v12 =	vld [tilespmem:s28+$0x450]  }
0x81: {  	s24 =	sadd.s32 $0x1000, s22;
	v11 =	vld [tilespmem:s28+$0x460]  }
0x82: {  	s29 =	sor.u32 s0, s24;
	v10 =	vld [tilespmem:s28+$0x470]  }
0x83: {  	v26 =	vld [tilespmem:s29+$0x70]  }
0x84: {  	v9 =	vld [tilespmem:s29+$0x0]  }
0x85: {  	v8 =	vld [tilespmem:s29+$0x10]  }
0x86: {  	v7 =	vld [tilespmem:s29+$0x20]  }
0x87: {  	v3 =	vld [tilespmem:s29+$0x30]  }
0x88: {  	v4 =	vld [tilespmem:s29+$0x40];
	v27 =	vadd.f32 v27, v26  }
0x89: {  	v5 =	vld [tilespmem:s29+$0x50];
	v28 =	vadd.f32 v28, v25  }
0x8a: {  	v6 =	vld [tilespmem:s29+$0x60];
	[tilespmem:s1+$0x4070] =	vst v27;
	v27 =	vadd.f32 v29, v24  }
0x8b: {  	[tilespmem:s1+$0x3800] =	vst v28;
	v28 =	vld [tilespmem:s1+$0x3870];
	v29 =	vadd.f32 v30, v23  }
0x8c: {  	v30 =	vadd.f32 v31, v22;
	[tilespmem:s1+$0x3810] =	vst v27;
	v27 =	vld [tilespmem:s1+$0x3C00]  }
0x8d: {  	v31 =	vadd.f32 v32, v21;
	[tilespmem:s1+$0x3820] =	vst v29;
	v29 =	vld [tilespmem:s1+$0x3C10]  }
0x8e: {  	v61 =	vld [tilespmem:s1+$0x3C20];
	[tilespmem:s1+$0x3830] =	vst v30;
	v30 =	vadd.f32 v33, v20  }
0x8f: {  	v62 =	vld [tilespmem:s1+$0x3C30];
	[tilespmem:s1+$0x3840] =	vst v31;
	v31 =	vadd.f32 v34, v19  }
0x90: {  	v63 =	vld [tilespmem:s1+$0x3C40];
	[tilespmem:s1+$0x3850] =	vst v30;
	v28 =	vadd.f32 v28, v18  }
0x91: {  	v35 =	vld [tilespmem:s1+$0x3C50];
	[tilespmem:s1+$0x3860] =	vst v31;
	v27 =	vadd.f32 v27, v17  }
0x92: {  	v31 =	vld [tilespmem:s1+$0x3C60];
	[tilespmem:s1+$0x3870] =	vst v28;
	v28 =	vadd.f32 v29, v16  }
0x93: {  	v30 =	vld [tilespmem:s1+$0x3C70];
	[tilespmem:s1+$0x3C00] =	vst v27;
	v27 =	vadd.f32 v61, v15  }
0x94: {  	v29 =	vadd.f32 v62, v14;
	[tilespmem:s1+$0x3C10] =	vst v28;
	v28 =	vld [tilespmem:s1+$0x4000]  }
0x95: {  	v32 =	vadd.f32 v63, v13;
	[tilespmem:s1+$0x3C20] =	vst v27;
	v27 =	vld [tilespmem:s1+$0x4010]  }
0x96: {  	s7 =	simm.s32 $0x0;
	s6 =	simm.s32 $0x2;
	v33 =	vadd.f32 v35, v12;
	[tilespmem:s1+$0x3C30] =	vst v29;
	v29 =	vld [tilespmem:s1+$0x4020]  }
.LBB2_3:
0x97: {  	p0 =	sne.s32 s6, $0x1F;
	s7 =	smul.u32 $0x6000, s7;
	[tilespmem:s1+$0x3C40] =	vst v32;
	v31 =	vadd.f32 v31, v11;
	v32 =	vld [tilespmem:s1+$0x4030]  }
0x98: {  	s11 =	sadd.s32 $0x80, s11;
	[tilespmem:s1+$0x3C50] =	vst v33;
	v30 =	vadd.f32 v30, v10;
	v33 =	vld [tilespmem:s1+$0x4040]  }
0x99: {  	s10 =	sand.u32 $0x380, s11;
	s7 =	sshra.s32 s7, $0x2;
	[tilespmem:s1+$0x3C60] =	vst v31;
	v28 =	vadd.f32 v28, v9;
	v31 =	vld [tilespmem:s1+$0x4050]  }
0x9a: {  	s7 =	sor.u32 s10, s7;
	[tilespmem:s1+$0x3C70] =	vst v30;
	v27 =	vadd.f32 v27, v8;
	v30 =	vld [tilespmem:s1+$0x4060]  }
0x9b: {  	v34 =	vld [tilespmem:s7+$0x4070];
	[tilespmem:s1+$0x4000] =	vst v28;
	v28 =	vadd.f32 v29, v7  }
0x9c: {  	v29 =	vld [tilespmem:s7+$0x3800];
	[tilespmem:s1+$0x4010] =	vst v27;
	v27 =	vadd.f32 v32, v3  }
0x9d: {  	v32 =	vld [tilespmem:s7+$0x3810];
	[tilespmem:s1+$0x4020] =	vst v28;
	v28 =	vadd.f32 v33, v4  }
0x9e: {  	v33 =	vld [tilespmem:s7+$0x3820];
	[tilespmem:s1+$0x4030] =	vst v27;
	v27 =	vadd.f32 v31, v5  }
0x9f: {  	v31 =	vld [tilespmem:s7+$0x3830];
	[tilespmem:s1+$0x4040] =	vst v28;
	v28 =	vadd.f32 v30, v6  }
0xa0: {  	v30 =	vld [tilespmem:s7+$0x3840];
	v34 =	vadd.f32 v34, v26;
	[tilespmem:s1+$0x4050] =	vst v27  }
0xa1: {  	v27 =	vadd.f32 v29, v25;
	v29 =	vld [tilespmem:s7+$0x3850];
	[tilespmem:s1+$0x4060] =	vst v28;
	s1 =	smov.u32 s7  }
0xa2: {  	v28 =	vadd.f32 v32, v24;
	v32 =	vld [tilespmem:s1+$0x3860];
	[tilespmem:s1+$0x4070] =	vst v34  }
0xa3: {  	[tilespmem:s1+$0x3800] =	vst v27;
	v27 =	vadd.f32 v33, v23;
	v33 =	vld [tilespmem:s1+$0x3870]  }
0xa4: {  	[tilespmem:s1+$0x3810] =	vst v28;
	v28 =	vadd.f32 v31, v22;
	v31 =	vld [tilespmem:s1+$0x3C00]  }
0xa5: {  	[tilespmem:s1+$0x3820] =	vst v27;
	v27 =	vadd.f32 v30, v21;
	v30 =	vld [tilespmem:s1+$0x3C10]  }
0xa6: {  	[tilespmem:s1+$0x3830] =	vst v28;
	v28 =	vadd.f32 v29, v20;
	v29 =	vld [tilespmem:s1+$0x3C20]  }
0xa7: {  	[tilespmem:s1+$0x3840] =	vst v27;
	v27 =	vadd.f32 v32, v19;
	v32 =	vld [tilespmem:s1+$0x3C30]  }
0xa8: {  	[tilespmem:s1+$0x3850] =	vst v28;
	v28 =	vadd.f32 v33, v18;
	v33 =	vld [tilespmem:s1+$0x3C40]  }
0xa9: {  	[tilespmem:s1+$0x3860] =	vst v27;
	v27 =	vadd.f32 v31, v17;
	v34 =	vld [tilespmem:s1+$0x3C50]  }
.Ltmp0:
0xaa: {  	[tilespmem:s1+$0x3870] =	vst v28;
	v28 =	vadd.f32 v30, v16;
	v31 =	vld [tilespmem:s1+$0x3C60];
	(pc) =	sbr.rel @p0 .LBB2_3-.Ltmp0, $4  }
0xab: {  	[tilespmem:s1+$0x3C00] =	vst v27;
	v27 =	vadd.f32 v29, v15;
	v30 =	vld [tilespmem:s1+$0x3C70]  }
0xac: {  	[tilespmem:s1+$0x3C10] =	vst v28;
	v29 =	vadd.f32 v32, v14;
	v28 =	vld [tilespmem:s1+$0x4000]  }
0xad: {  	[tilespmem:s1+$0x3C20] =	vst v27;
	v32 =	vadd.f32 v33, v13;
	v27 =	vld [tilespmem:s1+$0x4010]  }
0xae: {  	s7 =	sshrl.u32 s6, $0x3;
	s6 =	sadd.s32 $0x1, s6;
	[tilespmem:s1+$0x3C30] =	vst v29;
	v33 =	vadd.f32 v34, v12;
	v29 =	vld [tilespmem:s1+$0x4020]  }
0xaf: {  	[tilespmem:s1+$0x3C40] =	vst v32;
	v54 =	vld [tilespmem:s1+$0x4030];
	v31 =	vadd.f32 v31, v11;
	s6 =	smul.u32 $0x6000, s7  }
0xb0: {  	v55 =	vld [tilespmem:s1+$0x4040];
	s25 =	sadd.s32 $0x80, s11;
	[tilespmem:s1+$0x3C50] =	vst v33;
	v30 =	vadd.f32 v30, v10  }
0xb1: {  	s7 =	sand.u32 $0x380, s25;
	[tilespmem:s1+$0x3C60] =	vst v31;
	v31 =	vld [tilespmem:s1+$0x4050];
	s6 =	sshra.s32 s6, $0x2;
	v28 =	vadd.f32 v28, v9  }
0xb2: {  	[tilespmem:s1+$0x3C70] =	vst v30;
	s6 =	sor.u32 s7, s6;
	v27 =	vadd.f32 v27, v8;
	v30 =	vld [tilespmem:s1+$0x4060]  }
0xb3: {  	v34 =	vld [tilespmem:s6+$0x4070];
	[tilespmem:s1+$0x4000] =	vst v28;
	v28 =	vadd.f32 v29, v7  }
0xb4: {  	v29 =	vld [tilespmem:s6+$0x3800];
	[tilespmem:s1+$0x4010] =	vst v27;
	v27 =	vadd.f32 v54, v3  }
0xb5: {  	v56 =	vld [tilespmem:s6+$0x3810];
	[tilespmem:s1+$0x4020] =	vst v28;
	v28 =	vadd.f32 v55, v4  }
0xb6: {  	v57 =	vld [tilespmem:s6+$0x3820];
	[tilespmem:s1+$0x4030] =	vst v27;
	v27 =	vadd.f32 v31, v5  }
0xb7: {  	v31 =	vld [tilespmem:s6+$0x3830];
	[tilespmem:s1+$0x4040] =	vst v28;
	v28 =	vadd.f32 v30, v6  }
0xb8: {  	v30 =	vld [tilespmem:s6+$0x3840];
	v26 =	vadd.f32 v34, v26;
	[tilespmem:s1+$0x4050] =	vst v27  }
0xb9: {  	v25 =	vadd.f32 v29, v25;
	v27 =	vld [tilespmem:s6+$0x3850];
	[tilespmem:s1+$0x4060] =	vst v28  }
0xba: {  	v24 =	vadd.f32 v56, v24;
	v28 =	vld [tilespmem:s6+$0x3860];
	[tilespmem:s6+$0x4070] =	vst v26  }
0xbb: {  	v23 =	vadd.f32 v57, v23;
	[tilespmem:s6+$0x3800] =	vst v25;
	v25 =	vld [tilespmem:s6+$0x3870]  }
0xbc: {  	[tilespmem:s6+$0x3810] =	vst v24;
	v24 =	vld [tilespmem:s6+$0x3C00];
	v22 =	vadd.f32 v31, v22  }
0xbd: {  	[tilespmem:s6+$0x3820] =	vst v23;
	v23 =	vld [tilespmem:s6+$0x3C10];
	v21 =	vadd.f32 v30, v21  }
0xbe: {  	[tilespmem:s6+$0x3830] =	vst v22;
	v20 =	vadd.f32 v27, v20;
	v22 =	vld [tilespmem:s6+$0x3C20]  }
0xbf: {  	[tilespmem:s6+$0x3840] =	vst v21;
	v19 =	vadd.f32 v28, v19;
	v21 =	vld [tilespmem:s6+$0x3C30]  }
0xc0: {  	[tilespmem:s6+$0x3850] =	vst v20;
	v18 =	vadd.f32 v25, v18;
	v20 =	vld [tilespmem:s6+$0x3C40]  }
0xc1: {  	v17 =	vadd.f32 v24, v17;
	[tilespmem:s6+$0x3860] =	vst v19;
	v19 =	vld [tilespmem:s6+$0x3C50]  }
0xc2: {  	v16 =	vadd.f32 v23, v16;
	[tilespmem:s6+$0x3870] =	vst v18;
	v18 =	vld [tilespmem:s6+$0x3C60]  }
0xc3: {  	[tilespmem:s6+$0x3C00] =	vst v17;
	v17 =	vld [tilespmem:s6+$0x3C70];
	v15 =	vadd.f32 v22, v15  }
0xc4: {  	[tilespmem:s6+$0x3C10] =	vst v16;
	v16 =	vld [tilespmem:s6+$0x4000];
	v14 =	vadd.f32 v21, v14  }
0xc5: {  	[tilespmem:s6+$0x3C20] =	vst v15;
	v13 =	vadd.f32 v20, v13;
	v15 =	vld [tilespmem:s6+$0x4010]  }
0xc6: {  	[tilespmem:s6+$0x3C30] =	vst v14;
	v12 =	vadd.f32 v19, v12;
	v14 =	vld [tilespmem:s6+$0x4020]  }
0xc7: {  	[tilespmem:s6+$0x3C40] =	vst v13;
	v11 =	vadd.f32 v18, v11;
	v13 =	vld [tilespmem:s6+$0x4030]  }
0xc8: {  	v10 =	vadd.f32 v17, v10;
	[tilespmem:s6+$0x3C50] =	vst v12;
	v12 =	vld [tilespmem:s6+$0x4040]  }
0xc9: {  	v9 =	vadd.f32 v16, v9;
	[tilespmem:s6+$0x3C60] =	vst v11;
	v11 =	vld [tilespmem:s6+$0x4050]  }
0xca: {  	[tilespmem:s6+$0x3C70] =	vst v10;
	v10 =	vld [tilespmem:s6+$0x4060];
	v8 =	vadd.f32 v15, v8  }
0xcb: {  	[tilespmem:s6+$0x4000] =	vst v9;
	v7 =	vadd.f32 v14, v7  }
0xcc: {  	[tilespmem:s6+$0x4010] =	vst v8;
	v3 =	vadd.f32 v13, v3  }
0xcd: {  	[tilespmem:s6+$0x4020] =	vst v7;
	v4 =	vadd.f32 v12, v4  }
0xce: {  	[tilespmem:s6+$0x4030] =	vst v3;
	v3 =	vadd.f32 v11, v5  }
0xcf: {  	[tilespmem:s6+$0x4040] =	vst v4;
	v4 =	vadd.f32 v10, v6  }
0xd0: {  	s20 =	sadd.s32 $0x1400, s22;
	[tilespmem:s6+$0x4050] =	vst v3  }
0xd1: {  	s31 =	sadd.s32 s0, s20;
	[tilespmem:s6+$0x4060] =	vst v4  }
0xd2: {  	v25 =	vld [tilespmem:s31+$0x0]  }
0xd3: {  	v24 =	vld [tilespmem:s31+$0x10]  }
0xd4: {  	v23 =	vld [tilespmem:s31+$0x20]  }
0xd5: {  	v22 =	vld [tilespmem:s31+$0x30]  }
0xd6: {  	v21 =	vld [tilespmem:s31+$0x40]  }
0xd7: {  	v20 =	vld [tilespmem:s31+$0x50]  }
0xd8: {  	s21 =	sadd.s32 $0x1800, s22;
	v19 =	vld [tilespmem:s31+$0x60]  }
0xd9: {  	s1 =	sadd.s32 s0, s21;
	v18 =	vld [tilespmem:s31+$0x70]  }
0xda: {  	v17 =	vld [tilespmem:s1+$0x0]  }
0xdb: {  	v16 =	vld [tilespmem:s1+$0x10]  }
0xdc: {  	v15 =	vld [tilespmem:s1+$0x20]  }
0xdd: {  	v14 =	vld [tilespmem:s1+$0x30]  }
0xde: {  	v13 =	vld [tilespmem:s1+$0x40]  }
0xdf: {  	v12 =	vld [tilespmem:s1+$0x50]  }
0xe0: {  	s22 =	sadd.s32 $0x1C00, s22;
	v11 =	vld [tilespmem:s1+$0x60]  }
0xe1: {  	s30 =	sadd.s32 s0, s22;
	v10 =	vld [tilespmem:s1+$0x70]  }
0xe2: {  	v9 =	vld [tilespmem:s30+$0x0]  }
0xe3: {  	v8 =	vld [tilespmem:s30+$0x10]  }
0xe4: {  	v7 =	vld [tilespmem:s30+$0x20]  }
0xe5: {  	s10 =	simm.s32 $0x0;
	v6 =	vld [tilespmem:s30+$0x30]  }
0xe6: {  	s6 =	smul.u32 $0x6000, s10;
	v5 =	vld [tilespmem:s30+$0x40]  }
0xe7: {  	s25 =	simm.s32 $0x0;
	v3 =	vld [tilespmem:s30+$0x50]  }
0xe8: {  	s11 =	sand.u32 $0x380, s25;
	v4 =	vld [tilespmem:s30+$0x60];
	s6 =	sshra.s32 s6, $0x2  }
0xe9: {  	v26 =	vld [tilespmem:s30+$0x70];
	s11 =	sor.u32 s11, s6  }
0xea: {  	v27 =	vld [tilespmem:s11+$0x4C70]  }
0xeb: {  	v28 =	vld [tilespmem:s11+$0x4400]  }
0xec: {  	v29 =	vld [tilespmem:s11+$0x4410]  }
0xed: {  	v30 =	vld [tilespmem:s11+$0x4420]  }
0xee: {  	v31 =	vld [tilespmem:s11+$0x4430]  }
0xef: {  	v58 =	vld [tilespmem:s11+$0x4440];
	v27 =	vadd.f32 v27, v26  }
0xf0: {  	v59 =	vld [tilespmem:s11+$0x4450];
	v28 =	vadd.f32 v28, v25  }
0xf1: {  	v60 =	vld [tilespmem:s11+$0x4460];
	[tilespmem:s11+$0x4C70] =	vst v27;
	v27 =	vadd.f32 v29, v24  }
0xf2: {  	[tilespmem:s11+$0x4400] =	vst v28;
	v28 =	vld [tilespmem:s11+$0x4470];
	v29 =	vadd.f32 v30, v23  }
0xf3: {  	v30 =	vadd.f32 v31, v22;
	[tilespmem:s11+$0x4410] =	vst v27;
	v27 =	vld [tilespmem:s11+$0x4800]  }
0xf4: {  	v31 =	vadd.f32 v58, v21;
	[tilespmem:s11+$0x4420] =	vst v29;
	v29 =	vld [tilespmem:s11+$0x4810]  }
0xf5: {  	v61 =	vld [tilespmem:s11+$0x4820];
	[tilespmem:s11+$0x4430] =	vst v30;
	v30 =	vadd.f32 v59, v20  }
0xf6: {  	v62 =	vld [tilespmem:s11+$0x4830];
	[tilespmem:s11+$0x4440] =	vst v31;
	v31 =	vadd.f32 v60, v19  }
0xf7: {  	v63 =	vld [tilespmem:s11+$0x4840];
	[tilespmem:s11+$0x4450] =	vst v30;
	v28 =	vadd.f32 v28, v18  }
0xf8: {  	v35 =	vld [tilespmem:s11+$0x4850];
	[tilespmem:s11+$0x4460] =	vst v31;
	v27 =	vadd.f32 v27, v17  }
0xf9: {  	v31 =	vld [tilespmem:s11+$0x4860];
	[tilespmem:s11+$0x4470] =	vst v28;
	v28 =	vadd.f32 v29, v16  }
0xfa: {  	v30 =	vld [tilespmem:s11+$0x4870];
	[tilespmem:s11+$0x4800] =	vst v27;
	v27 =	vadd.f32 v61, v15  }
0xfb: {  	v29 =	vadd.f32 v62, v14;
	[tilespmem:s11+$0x4810] =	vst v28;
	v28 =	vld [tilespmem:s11+$0x4C00]  }
0xfc: {  	v32 =	vadd.f32 v63, v13;
	[tilespmem:s11+$0x4820] =	vst v27;
	v27 =	vld [tilespmem:s11+$0x4C10]  }
0xfd: {  	s7 =	simm.s32 $0x0;
	s6 =	simm.s32 $0x2;
	v33 =	vadd.f32 v35, v12;
	[tilespmem:s11+$0x4830] =	vst v29;
	v29 =	vld [tilespmem:s11+$0x4C20]  }
.LBB2_5:
0xfe: {  	p0 =	sne.s32 s6, $0x1F;
	s7 =	smul.u32 $0x6000, s7;
	[tilespmem:s11+$0x4840] =	vst v32;
	v31 =	vadd.f32 v31, v11;
	v32 =	vld [tilespmem:s11+$0x4C30]  }
0xff: {  	s25 =	sadd.s32 $0x80, s25;
	[tilespmem:s11+$0x4850] =	vst v33;
	v30 =	vadd.f32 v30, v10;
	v33 =	vld [tilespmem:s11+$0x4C40]  }
0x100: {  	s10 =	sand.u32 $0x380, s25;
	s7 =	sshra.s32 s7, $0x2;
	[tilespmem:s11+$0x4860] =	vst v31;
	v28 =	vadd.f32 v28, v9;
	v31 =	vld [tilespmem:s11+$0x4C50]  }
0x101: {  	s7 =	sor.u32 s10, s7;
	[tilespmem:s11+$0x4870] =	vst v30;
	v27 =	vadd.f32 v27, v8;
	v30 =	vld [tilespmem:s11+$0x4C60]  }
0x102: {  	v34 =	vld [tilespmem:s7+$0x4C70];
	[tilespmem:s11+$0x4C00] =	vst v28;
	v28 =	vadd.f32 v29, v7  }
0x103: {  	v29 =	vld [tilespmem:s7+$0x4400];
	[tilespmem:s11+$0x4C10] =	vst v27;
	v27 =	vadd.f32 v32, v6  }
0x104: {  	v32 =	vld [tilespmem:s7+$0x4410];
	[tilespmem:s11+$0x4C20] =	vst v28;
	v28 =	vadd.f32 v33, v5  }
0x105: {  	v33 =	vld [tilespmem:s7+$0x4420];
	[tilespmem:s11+$0x4C30] =	vst v27;
	v27 =	vadd.f32 v31, v3  }
0x106: {  	v31 =	vld [tilespmem:s7+$0x4430];
	[tilespmem:s11+$0x4C40] =	vst v28;
	v28 =	vadd.f32 v30, v4  }
0x107: {  	v30 =	vld [tilespmem:s7+$0x4440];
	v34 =	vadd.f32 v34, v26;
	[tilespmem:s11+$0x4C50] =	vst v27  }
0x108: {  	v27 =	vadd.f32 v29, v25;
	v29 =	vld [tilespmem:s7+$0x4450];
	[tilespmem:s11+$0x4C60] =	vst v28;
	s11 =	smov.u32 s7  }
0x109: {  	v28 =	vadd.f32 v32, v24;
	v32 =	vld [tilespmem:s11+$0x4460];
	[tilespmem:s11+$0x4C70] =	vst v34  }
0x10a: {  	[tilespmem:s11+$0x4400] =	vst v27;
	v27 =	vadd.f32 v33, v23;
	v33 =	vld [tilespmem:s11+$0x4470]  }
0x10b: {  	[tilespmem:s11+$0x4410] =	vst v28;
	v28 =	vadd.f32 v31, v22;
	v31 =	vld [tilespmem:s11+$0x4800]  }
0x10c: {  	[tilespmem:s11+$0x4420] =	vst v27;
	v27 =	vadd.f32 v30, v21;
	v30 =	vld [tilespmem:s11+$0x4810]  }
0x10d: {  	[tilespmem:s11+$0x4430] =	vst v28;
	v28 =	vadd.f32 v29, v20;
	v29 =	vld [tilespmem:s11+$0x4820]  }
0x10e: {  	[tilespmem:s11+$0x4440] =	vst v27;
	v27 =	vadd.f32 v32, v19;
	v32 =	vld [tilespmem:s11+$0x4830]  }
0x10f: {  	[tilespmem:s11+$0x4450] =	vst v28;
	v28 =	vadd.f32 v33, v18;
	v33 =	vld [tilespmem:s11+$0x4840]  }
0x110: {  	[tilespmem:s11+$0x4460] =	vst v27;
	v27 =	vadd.f32 v31, v17;
	v34 =	vld [tilespmem:s11+$0x4850]  }
.Ltmp1:
0x111: {  	[tilespmem:s11+$0x4470] =	vst v28;
	v28 =	vadd.f32 v30, v16;
	v31 =	vld [tilespmem:s11+$0x4860];
	(pc) =	sbr.rel @p0 .LBB2_5-.Ltmp1, $4  }
0x112: {  	[tilespmem:s11+$0x4800] =	vst v27;
	v27 =	vadd.f32 v29, v15;
	v30 =	vld [tilespmem:s11+$0x4870]  }
0x113: {  	[tilespmem:s11+$0x4810] =	vst v28;
	v29 =	vadd.f32 v32, v14;
	v28 =	vld [tilespmem:s11+$0x4C00]  }
0x114: {  	[tilespmem:s11+$0x4820] =	vst v27;
	v32 =	vadd.f32 v33, v13;
	v27 =	vld [tilespmem:s11+$0x4C10]  }
0x115: {  	s7 =	sshrl.u32 s6, $0x3;
	s6 =	sadd.s32 $0x1, s6;
	[tilespmem:s11+$0x4830] =	vst v29;
	v33 =	vadd.f32 v34, v12;
	v29 =	vld [tilespmem:s11+$0x4C20]  }
0x116: {  	[tilespmem:s11+$0x4840] =	vst v32;
	v54 =	vld [tilespmem:s11+$0x4C30];
	v31 =	vadd.f32 v31, v11;
	s6 =	smul.u32 $0x6000, s7  }
0x117: {  	v55 =	vld [tilespmem:s11+$0x4C40];
	s10 =	sadd.s32 $0x80, s25;
	[tilespmem:s11+$0x4850] =	vst v33;
	v30 =	vadd.f32 v30, v10  }
0x118: {  	s7 =	sand.u32 $0x380, s10;
	[tilespmem:s11+$0x4860] =	vst v31;
	v31 =	vld [tilespmem:s11+$0x4C50];
	s6 =	sshra.s32 s6, $0x2;
	v28 =	vadd.f32 v28, v9  }
0x119: {  	[tilespmem:s11+$0x4870] =	vst v30;
	s6 =	sor.u32 s7, s6;
	v27 =	vadd.f32 v27, v8;
	v30 =	vld [tilespmem:s11+$0x4C60]  }
0x11a: {  	v34 =	vld [tilespmem:s6+$0x4C70];
	[tilespmem:s11+$0x4C00] =	vst v28;
	v28 =	vadd.f32 v29, v7  }
0x11b: {  	v29 =	vld [tilespmem:s6+$0x4400];
	[tilespmem:s11+$0x4C10] =	vst v27;
	v27 =	vadd.f32 v54, v6  }
0x11c: {  	v56 =	vld [tilespmem:s6+$0x4410];
	[tilespmem:s11+$0x4C20] =	vst v28;
	v28 =	vadd.f32 v55, v5  }
0x11d: {  	v57 =	vld [tilespmem:s6+$0x4420];
	[tilespmem:s11+$0x4C30] =	vst v27;
	v27 =	vadd.f32 v31, v3  }
0x11e: {  	v31 =	vld [tilespmem:s6+$0x4430];
	[tilespmem:s11+$0x4C40] =	vst v28;
	v28 =	vadd.f32 v30, v4  }
0x11f: {  	v30 =	vld [tilespmem:s6+$0x4440];
	v26 =	vadd.f32 v34, v26;
	[tilespmem:s11+$0x4C50] =	vst v27  }
0x120: {  	v25 =	vadd.f32 v29, v25;
	v27 =	vld [tilespmem:s6+$0x4450];
	[tilespmem:s11+$0x4C60] =	vst v28  }
0x121: {  	v24 =	vadd.f32 v56, v24;
	v28 =	vld [tilespmem:s6+$0x4460];
	[tilespmem:s6+$0x4C70] =	vst v26  }
0x122: {  	v23 =	vadd.f32 v57, v23;
	[tilespmem:s6+$0x4400] =	vst v25;
	v25 =	vld [tilespmem:s6+$0x4470]  }
0x123: {  	[tilespmem:s6+$0x4410] =	vst v24;
	v24 =	vld [tilespmem:s6+$0x4800];
	v22 =	vadd.f32 v31, v22  }
0x124: {  	[tilespmem:s6+$0x4420] =	vst v23;
	v23 =	vld [tilespmem:s6+$0x4810];
	v21 =	vadd.f32 v30, v21  }
0x125: {  	[tilespmem:s6+$0x4430] =	vst v22;
	v20 =	vadd.f32 v27, v20;
	v22 =	vld [tilespmem:s6+$0x4820]  }
0x126: {  	[tilespmem:s6+$0x4440] =	vst v21;
	v19 =	vadd.f32 v28, v19;
	v21 =	vld [tilespmem:s6+$0x4830]  }
0x127: {  	[tilespmem:s6+$0x4450] =	vst v20;
	v18 =	vadd.f32 v25, v18;
	v20 =	vld [tilespmem:s6+$0x4840]  }
0x128: {  	v17 =	vadd.f32 v24, v17;
	[tilespmem:s6+$0x4460] =	vst v19;
	v19 =	vld [tilespmem:s6+$0x4850]  }
0x129: {  	v16 =	vadd.f32 v23, v16;
	[tilespmem:s6+$0x4470] =	vst v18;
	v18 =	vld [tilespmem:s6+$0x4860]  }
0x12a: {  	[tilespmem:s6+$0x4800] =	vst v17;
	v17 =	vld [tilespmem:s6+$0x4870];
	v15 =	vadd.f32 v22, v15  }
0x12b: {  	[tilespmem:s6+$0x4810] =	vst v16;
	v16 =	vld [tilespmem:s6+$0x4C00];
	v14 =	vadd.f32 v21, v14  }
0x12c: {  	[tilespmem:s6+$0x4820] =	vst v15;
	v13 =	vadd.f32 v20, v13;
	v15 =	vld [tilespmem:s6+$0x4C10]  }
0x12d: {  	[tilespmem:s6+$0x4830] =	vst v14;
	v12 =	vadd.f32 v19, v12;
	v14 =	vld [tilespmem:s6+$0x4C20]  }
0x12e: {  	[tilespmem:s6+$0x4840] =	vst v13;
	v11 =	vadd.f32 v18, v11;
	v13 =	vld [tilespmem:s6+$0x4C30]  }
0x12f: {  	v10 =	vadd.f32 v17, v10;
	[tilespmem:s6+$0x4850] =	vst v12;
	v12 =	vld [tilespmem:s6+$0x4C40]  }
0x130: {  	v9 =	vadd.f32 v16, v9;
	[tilespmem:s6+$0x4860] =	vst v11;
	v11 =	vld [tilespmem:s6+$0x4C50]  }
0x131: {  	s25 =	sshll.u32 s18, $0x1;
	[tilespmem:s6+$0x4870] =	vst v10;
	v10 =	vld [tilespmem:s6+$0x4C60];
	v8 =	vadd.f32 v15, v8  }
0x132: {  	s7 =	sadd.s32 s4, s25;
	[tilespmem:s6+$0x4C00] =	vst v9;
	v7 =	vadd.f32 v14, v7  }
0x133: {  	s7 =	sshrl.u32 s7, $0x3;
	[tilespmem:s6+$0x4C10] =	vst v8;
	v6 =	vadd.f32 v13, v6  }
0x134: {  	s25 =	smul.u32 $0x1800, s7;
	[tilespmem:s6+$0x4C20] =	vst v7;
	v5 =	vadd.f32 v12, v5  }
0x135: {  	[tilespmem:s6+$0x4C30] =	vst v6;
	v3 =	vadd.f32 v11, v3  }
0x136: {  	s0 =	sor.u32 s0, s25;
	v4 =	vadd.f32 v10, v4;
	[tilespmem:s6+$0x4C40] =	vst v5  }
0x137: {  	s0 =	sshrl.u32 s0, $0x3;
	[tilespmem:s6+$0x4C50] =	vst v3  }
0x138: {  	s10 =	simm.s32 $0x3800;
	[tilespmem:s6+$0x4C60] =	vst v4;
	s6 =	sadd.s32 s3, s0  }
0x139: {  	[hbm4b:s6+s5] =	stream.strided.scatter [tilespmem:s10], [sflag:$0x5], $0x400, s13, s5, $0x38;
	[tilespmem:$0x1B800] =	vst v63  }
0x13a: {  	s11 =	sadd.s32 $0x80, s6;
	s10 =	simm.s32 $0x3C00  }
0x13b: {  	[hbm4b:s11+s5] =	stream.strided.scatter [tilespmem:s10], [sflag:$0x5], $0x400, s13, s5, $0x38;
	[tilespmem:$0x1B800] =	vst v63  }
0x13c: {  	s10 =	sadd.s32 $0x100, s6;
	s11 =	simm.s32 $0x4000  }
0x13d: {  	[hbm4b:s10+s5] =	stream.strided.scatter [tilespmem:s11], [sflag:$0x5], $0x400, s13, s5, $0x38;
	[tilespmem:$0x1B800] =	vst v63  }
0x13e: {  	s10 =	sadd.s32 $0x180, s6;
	s11 =	simm.s32 $0x4400  }
0x13f: {  	[hbm4b:s10+s5] =	stream.strided.scatter [tilespmem:s11], [sflag:$0x5], $0x400, s13, s5, $0x38;
	[tilespmem:$0x1B800] =	vst v63  }
0x140: {  	s10 =	sadd.s32 $0x200, s6;
	s11 =	simm.s32 $0x4800  }
0x141: {  	[hbm4b:s10+s5] =	stream.strided.scatter [tilespmem:s11], [sflag:$0x5], $0x400, s13, s5, $0x38;
	[tilespmem:$0x1B800] =	vst v63  }
0x142: {  	s10 =	sadd.s32 $0x280, s6;
	s11 =	simm.s32 $0x4C00  }
0x143: {  	[hbm4b:s10+s5] =	stream.strided.scatter [tilespmem:s11], [sflag:$0x5], $0x400, s13, s5, $0x38;
	[tilespmem:$0x1B800] =	vst v63  }
0x144: {  	s7 =	sadd.s32 $0x60000, s6;
	s11 =	simm.s32 $0x5000  }
0x145: {  	[hbm4b:s7+s5] =	stream.strided.scatter [tilespmem:s11], [sflag:$0x5], $0x400, s13, s5, $0x38;
	[tilespmem:$0x1B800] =	vst v63  }
0x146: {  	s10 =	sadd.s32 $0x80, s7;
	s11 =	simm.s32 $0x5400  }
0x147: {  	[hbm4b:s10+s5] =	stream.strided.scatter [tilespmem:s11], [sflag:$0x5], $0x400, s13, s5, $0x38;
	[tilespmem:$0x1B800] =	vst v63  }
0x148: {  	s10 =	sadd.s32 $0x100, s7;
	s11 =	simm.s32 $0x5800  }
0x149: {  	[hbm4b:s10+s5] =	stream.strided.scatter [tilespmem:s11], [sflag:$0x5], $0x400, s13, s5, $0x38;
	[tilespmem:$0x1B800] =	vst v63  }
0x14a: {  	s10 =	sadd.s32 $0x180, s7;
	s11 =	simm.s32 $0x5C00  }
0x14b: {  	[hbm4b:s10+s5] =	stream.strided.scatter [tilespmem:s11], [sflag:$0x5], $0x400, s13, s5, $0x38;
	[tilespmem:$0x1B800] =	vst v63  }
0x14c: {  	s10 =	sadd.s32 $0x200, s7;
	s11 =	simm.s32 $0x6000  }
0x14d: {  	[hbm4b:s10+s5] =	stream.strided.scatter [tilespmem:s11], [sflag:$0x5], $0x400, s13, s5, $0x38;
	[tilespmem:$0x1B800] =	vst v63  }
0x14e: {  	s7 =	sadd.s32 $0x280, s7;
	s11 =	simm.s32 $0x6400  }
0x14f: {  	[hbm4b:s7+s5] =	stream.strided.scatter [tilespmem:s11], [sflag:$0x5], $0x400, s13, s5, $0x38;
	[tilespmem:$0x1B800] =	vst v63  }
0x150: {  	s7 =	sadd.s32 $0xC0000, s6;
	s11 =	simm.s32 $0x6800  }
0x151: {  	[hbm4b:s7+s5] =	stream.strided.scatter [tilespmem:s11], [sflag:$0x5], $0x400, s13, s5, $0x38;
	[tilespmem:$0x1B800] =	vst v63  }
0x152: {  	s10 =	sadd.s32 $0x80, s7;
	s11 =	simm.s32 $0x6C00  }
0x153: {  	[hbm4b:s10+s5] =	stream.strided.scatter [tilespmem:s11], [sflag:$0x5], $0x400, s13, s5, $0x38;
	[tilespmem:$0x1B800] =	vst v63  }
0x154: {  	s10 =	sadd.s32 $0x100, s7;
	s11 =	simm.s32 $0x7000  }
0x155: {  	[hbm4b:s10+s5] =	stream.strided.scatter [tilespmem:s11], [sflag:$0x5], $0x400, s13, s5, $0x38;
	[tilespmem:$0x1B800] =	vst v63  }
0x156: {  	s10 =	sadd.s32 $0x180, s7;
	s11 =	simm.s32 $0x7400  }
0x157: {  	[hbm4b:s10+s5] =	stream.strided.scatter [tilespmem:s11], [sflag:$0x5], $0x400, s13, s5, $0x38;
	[tilespmem:$0x1B800] =	vst v63  }
0x158: {  	s10 =	sadd.s32 $0x200, s7;
	s11 =	simm.s32 $0x7800  }
0x159: {  	[hbm4b:s10+s5] =	stream.strided.scatter [tilespmem:s11], [sflag:$0x5], $0x400, s13, s5, $0x38;
	[tilespmem:$0x1B800] =	vst v63  }
0x15a: {  	s7 =	sadd.s32 $0x280, s7;
	s11 =	simm.s32 $0x7C00  }
0x15b: {  	[hbm4b:s7+s5] =	stream.strided.scatter [tilespmem:s11], [sflag:$0x5], $0x400, s13, s5, $0x38;
	[tilespmem:$0x1B800] =	vst v63  }
0x15c: {  	s6 =	sadd.s32 $0x120000, s6;
	s11 =	simm.s32 $0x8000  }
0x15d: {  	[hbm4b:s6+s5] =	stream.strided.scatter [tilespmem:s11], [sflag:$0x5], $0x400, s13, s5, $0x38;
	[tilespmem:$0x1B800] =	vst v63  }
0x15e: {  	s10 =	sadd.s32 $0x80, s6;
	s11 =	simm.s32 $0x8400  }
0x15f: {  	[hbm4b:s10+s5] =	stream.strided.scatter [tilespmem:s11], [sflag:$0x5], $0x400, s13, s5, $0x38;
	[tilespmem:$0x1B800] =	vst v63  }
0x160: {  	s10 =	sadd.s32 $0x100, s6;
	s11 =	simm.s32 $0x8800  }
0x161: {  	[hbm4b:s10+s5] =	stream.strided.scatter [tilespmem:s11], [sflag:$0x5], $0x400, s13, s5, $0x38;
	[tilespmem:$0x1B800] =	vst v63  }
0x162: {  	s10 =	sadd.s32 $0x180, s6;
	s11 =	simm.s32 $0x8C00  }
0x163: {  	[hbm4b:s10+s5] =	stream.strided.scatter [tilespmem:s11], [sflag:$0x5], $0x400, s13, s5, $0x38;
	[tilespmem:$0x1B800] =	vst v63  }
0x164: {  	s10 =	sadd.s32 $0x200, s6;
	s11 =	simm.s32 $0x9000  }
0x165: {  	[hbm4b:s10+s5] =	stream.strided.scatter [tilespmem:s11], [sflag:$0x5], $0x400, s13, s5, $0x38;
	[tilespmem:$0x1B800] =	vst v63  }
0x166: {  	p0 =	seq.s32 s18, $0x0;
	s6 =	sadd.s32 $0x280, s6;
	s11 =	simm.s32 $0x9400  }
0x167: {  	[hbm4b:s6+s5] =	stream.strided.scatter [tilespmem:s11], [sflag:$0x5], $0x400, s13, s5, $0x38;
	[tilespmem:$0x1B800] =	vst v63  }
0x168: {  	s6 =	simm.s32 @!p0 $0x7  }
0x169: {  	_ =	swait.ge @!p0 [sflag:s6], $0x6000  }
0x16a: {  	[sflag:s6] =	ssyncset.done @!p0 $0x0  }
0x16b: {  	s19 =	sand.u32 $0x3FFFFF00, s19;
	[sflag:s6] =	ssyncadd.s32 @!p0 $0xFFFFA000  }
0x16c: {  	v3 =	vld [tilespmem:s19+$0x80];
	_ =	sdelay $0x4  }
0x16d: {  	v4 =	vshrl.u32 v3, $0x3  }
0x16e: {  	v4 =	vmul.u32 $0x30, v4  }
0x16f: {  	v3 =	vand.u32 $0x7, v3  }
0x170: {  	v3 =	vor.u32 v3, v4  }
0x171: {  	v4 =	vperm.xlane v3, v0;
	_ =	sdelay $0x1  }
0x172: {  	v4 =	vadd.s32 v1, v4;
	_ =	sdelay $0x3  }
0x173: {  	s7 =	simm.s32 $0xF800;
	s11 =	simm.s32 $0x0;
	v3 =	vperm.xlane v3, v2  }
0x174: {  	[tilespmem:s7], [sflag:$0x3] =	stream.indirect_vreg.gather [hbm4b:s2+s11], $0x80, v4, vm0, $0xb8;
	[tilespmem:$0x1B800] =	vst v63  }
0x175: {  	s10 =	simm.s32 $0x10000;
	v3 =	vadd.s32 v1, v3  }
0x176: {  	[tilespmem:s10], [sflag:$0x3] =	stream.indirect_vreg.gather [hbm4b:s8+s11], $0x80, v4, vm0, $0xb8;
	[tilespmem:$0x1B800] =	vst v63  }
0x177: {  	s7 =	simm.s32 $0x10800  }
0x178: {  	[tilespmem:s7], [sflag:$0x3] =	stream.indirect_vreg.gather [hbm4b:s9+s11], $0x80, v4, vm0, $0xb8;
	[tilespmem:$0x1B800] =	vst v63  }
0x179: {  	s10 =	simm.s32 $0x11000  }
0x17a: {  	[tilespmem:s10], [sflag:$0x3] =	stream.indirect_vreg.gather [hbm4b:s2+s11], $0x80, v3, vm0, $0xb8;
	[tilespmem:$0x1B800] =	vst v63  }
0x17b: {  	s7 =	simm.s32 $0x11800  }
0x17c: {  	[tilespmem:s7], [sflag:$0x3] =	stream.indirect_vreg.gather [hbm4b:s8+s11], $0x80, v3, vm0, $0xb8;
	[tilespmem:$0x1B800] =	vst v63  }
0x17d: {  	s10 =	simm.s32 $0x12000  }
0x17e: {  	[tilespmem:s10], [sflag:$0x3] =	stream.indirect_vreg.gather [hbm4b:s9+s11], $0x80, v3, vm0, $0xb8;
	[tilespmem:$0x1B800] =	vst v63  }
0x17f: {  	v3 =	vld [tilespmem:s19+$0x90];
	_ =	sdelay $0x4  }
0x180: {  	v4 =	vshrl.u32 v3, $0x3  }
0x181: {  	v4 =	vmul.u32 $0x30, v4  }
0x182: {  	v3 =	vand.u32 $0x7, v3  }
0x183: {  	v3 =	vor.u32 v3, v4  }
0x184: {  	v4 =	vperm.xlane v3, v0;
	_ =	sdelay $0x1  }
0x185: {  	v4 =	vadd.s32 v1, v4;
	_ =	sdelay $0x3  }
0x186: {  	s7 =	simm.s32 $0x12800;
	v3 =	vperm.xlane v3, v2  }
0x187: {  	[tilespmem:s7], [sflag:$0x3] =	stream.indirect_vreg.gather [hbm4b:s2+s11], $0x80, v4, vm0, $0xb8;
	[tilespmem:$0x1B800] =	vst v63  }
0x188: {  	s10 =	simm.s32 $0x13000;
	v3 =	vadd.s32 v1, v3  }
0x189: {  	[tilespmem:s10], [sflag:$0x3] =	stream.indirect_vreg.gather [hbm4b:s8+s11], $0x80, v4, vm0, $0xb8;
	[tilespmem:$0x1B800] =	vst v63  }
0x18a: {  	s7 =	simm.s32 $0x13800  }
0x18b: {  	[tilespmem:s7], [sflag:$0x3] =	stream.indirect_vreg.gather [hbm4b:s9+s11], $0x80, v4, vm0, $0xb8;
	[tilespmem:$0x1B800] =	vst v63  }
0x18c: {  	s10 =	simm.s32 $0x14000  }
0x18d: {  	[tilespmem:s10], [sflag:$0x3] =	stream.indirect_vreg.gather [hbm4b:s2+s11], $0x80, v3, vm0, $0xb8;
	[tilespmem:$0x1B800] =	vst v63  }
0x18e: {  	s7 =	simm.s32 $0x14800  }
0x18f: {  	[tilespmem:s7], [sflag:$0x3] =	stream.indirect_vreg.gather [hbm4b:s8+s11], $0x80, v3, vm0, $0xb8;
	[tilespmem:$0x1B800] =	vst v63  }
0x190: {  	s10 =	simm.s32 $0x15000  }
0x191: {  	[tilespmem:s10], [sflag:$0x3] =	stream.indirect_vreg.gather [hbm4b:s9+s11], $0x80, v3, vm0, $0xb8;
	[tilespmem:$0x1B800] =	vst v63  }
0x192: {  	_ =	swait.ge [sflag:s26], $0x6000  }
0x193: {  	[sflag:s26] =	ssyncset.done $0x0  }
0x194: {  	[sflag:s26] =	ssyncadd.s32 $0xFFFFA000  }
0x195: {  	v25 =	vld [tilespmem:s28+$0x0]  }
0x196: {  	v24 =	vld [tilespmem:s28+$0x10]  }
0x197: {  	v23 =	vld [tilespmem:s28+$0x20]  }
0x198: {  	v22 =	vld [tilespmem:s28+$0x30]  }
0x199: {  	v21 =	vld [tilespmem:s28+$0x40]  }
0x19a: {  	v20 =	vld [tilespmem:s28+$0x50]  }
0x19b: {  	v19 =	vld [tilespmem:s28+$0x60]  }
0x19c: {  	v18 =	vld [tilespmem:s28+$0x70]  }
0x19d: {  	v17 =	vld [tilespmem:s28+$0x400]  }
0x19e: {  	v16 =	vld [tilespmem:s28+$0x410]  }
0x19f: {  	v15 =	vld [tilespmem:s28+$0x420]  }
0x1a0: {  	v14 =	vld [tilespmem:s28+$0x430]  }
0x1a1: {  	v13 =	vld [tilespmem:s28+$0x440]  }
0x1a2: {  	v12 =	vld [tilespmem:s28+$0x450]  }
0x1a3: {  	v11 =	vld [tilespmem:s28+$0x460]  }
0x1a4: {  	v10 =	vld [tilespmem:s28+$0x470]  }
0x1a5: {  	v9 =	vld [tilespmem:s29+$0x0]  }
0x1a6: {  	v8 =	vld [tilespmem:s29+$0x10]  }
0x1a7: {  	v7 =	vld [tilespmem:s29+$0x20]  }
0x1a8: {  	s7 =	simm.s32 $0x0;
	v4 =	vld [tilespmem:s29+$0x30]  }
0x1a9: {  	s6 =	smul.u32 $0x6000, s7;
	v5 =	vld [tilespmem:s29+$0x40]  }
0x1aa: {  	v6 =	vld [tilespmem:s29+$0x50]  }
0x1ab: {  	s10 =	sand.u32 $0x380, s11;
	s6 =	sshra.s32 s6, $0x2;
	v3 =	vld [tilespmem:s29+$0x60]  }
0x1ac: {  	v26 =	vld [tilespmem:s29+$0x70];
	s29 =	sor.u32 s10, s6  }
0x1ad: {  	v27 =	vld [tilespmem:s29+$0xA070]  }
0x1ae: {  	v28 =	vld [tilespmem:s29+$0x9800]  }
0x1af: {  	v29 =	vld [tilespmem:s29+$0x9810]  }
0x1b0: {  	v30 =	vld [tilespmem:s29+$0x9820]  }
0x1b1: {  	v31 =	vld [tilespmem:s29+$0x9830]  }
0x1b2: {  	v58 =	vld [tilespmem:s29+$0x9840];
	v27 =	vadd.f32 v27, v26  }
0x1b3: {  	v59 =	vld [tilespmem:s29+$0x9850];
	v28 =	vadd.f32 v28, v25  }
0x1b4: {  	v60 =	vld [tilespmem:s29+$0x9860];
	[tilespmem:s29+$0xA070] =	vst v27;
	v27 =	vadd.f32 v29, v24  }
0x1b5: {  	[tilespmem:s29+$0x9800] =	vst v28;
	v28 =	vld [tilespmem:s29+$0x9870];
	v29 =	vadd.f32 v30, v23  }
0x1b6: {  	v30 =	vadd.f32 v31, v22;
	[tilespmem:s29+$0x9810] =	vst v27;
	v27 =	vld [tilespmem:s29+$0x9C00]  }
0x1b7: {  	v31 =	vadd.f32 v58, v21;
	[tilespmem:s29+$0x9820] =	vst v29;
	v29 =	vld [tilespmem:s29+$0x9C10]  }
0x1b8: {  	v61 =	vld [tilespmem:s29+$0x9C20];
	[tilespmem:s29+$0x9830] =	vst v30;
	v30 =	vadd.f32 v59, v20  }
0x1b9: {  	v62 =	vld [tilespmem:s29+$0x9C30];
	[tilespmem:s29+$0x9840] =	vst v31;
	v31 =	vadd.f32 v60, v19  }
0x1ba: {  	v63 =	vld [tilespmem:s29+$0x9C40];
	[tilespmem:s29+$0x9850] =	vst v30;
	v28 =	vadd.f32 v28, v18  }
0x1bb: {  	v35 =	vld [tilespmem:s29+$0x9C50];
	[tilespmem:s29+$0x9860] =	vst v31;
	v27 =	vadd.f32 v27, v17  }
0x1bc: {  	v31 =	vld [tilespmem:s29+$0x9C60];
	[tilespmem:s29+$0x9870] =	vst v28;
	v28 =	vadd.f32 v29, v16  }
0x1bd: {  	v30 =	vld [tilespmem:s29+$0x9C70];
	[tilespmem:s29+$0x9C00] =	vst v27;
	v27 =	vadd.f32 v61, v15  }
0x1be: {  	v29 =	vadd.f32 v62, v14;
	[tilespmem:s29+$0x9C10] =	vst v28;
	v28 =	vld [tilespmem:s29+$0xA000]  }
0x1bf: {  	v32 =	vadd.f32 v63, v13;
	[tilespmem:s29+$0x9C20] =	vst v27;
	v27 =	vld [tilespmem:s29+$0xA010]  }
0x1c0: {  	s7 =	simm.s32 $0x0;
	s28 =	sshll.u32 s18, $0x2;
	s6 =	simm.s32 $0x2;
	v33 =	vadd.f32 v35, v12;
	[tilespmem:s29+$0x9C30] =	vst v29;
	v29 =	vld [tilespmem:s29+$0xA020]  }
.LBB2_7:
0x1c1: {  	p1 =	sne.s32 s6, $0x1F;
	s7 =	smul.u32 $0x6000, s7;
	[tilespmem:s29+$0x9C40] =	vst v32;
	v31 =	vadd.f32 v31, v11;
	v32 =	vld [tilespmem:s29+$0xA030]  }
0x1c2: {  	s11 =	sadd.s32 $0x80, s11;
	[tilespmem:s29+$0x9C50] =	vst v33;
	v30 =	vadd.f32 v30, v10;
	v33 =	vld [tilespmem:s29+$0xA040]  }
0x1c3: {  	s10 =	sand.u32 $0x380, s11;
	s7 =	sshra.s32 s7, $0x2;
	[tilespmem:s29+$0x9C60] =	vst v31;
	v28 =	vadd.f32 v28, v9;
	v31 =	vld [tilespmem:s29+$0xA050]  }
0x1c4: {  	s7 =	sor.u32 s10, s7;
	[tilespmem:s29+$0x9C70] =	vst v30;
	v27 =	vadd.f32 v27, v8;
	v30 =	vld [tilespmem:s29+$0xA060]  }
0x1c5: {  	v34 =	vld [tilespmem:s7+$0xA070];
	[tilespmem:s29+$0xA000] =	vst v28;
	v28 =	vadd.f32 v29, v7  }
0x1c6: {  	v29 =	vld [tilespmem:s7+$0x9800];
	[tilespmem:s29+$0xA010] =	vst v27;
	v27 =	vadd.f32 v32, v4  }
0x1c7: {  	v32 =	vld [tilespmem:s7+$0x9810];
	[tilespmem:s29+$0xA020] =	vst v28;
	v28 =	vadd.f32 v33, v5  }
0x1c8: {  	v33 =	vld [tilespmem:s7+$0x9820];
	[tilespmem:s29+$0xA030] =	vst v27;
	v27 =	vadd.f32 v31, v6  }
0x1c9: {  	v31 =	vld [tilespmem:s7+$0x9830];
	[tilespmem:s29+$0xA040] =	vst v28;
	v28 =	vadd.f32 v30, v3  }
0x1ca: {  	v30 =	vld [tilespmem:s7+$0x9840];
	v34 =	vadd.f32 v34, v26;
	[tilespmem:s29+$0xA050] =	vst v27  }
0x1cb: {  	v27 =	vadd.f32 v29, v25;
	v29 =	vld [tilespmem:s7+$0x9850];
	[tilespmem:s29+$0xA060] =	vst v28;
	s29 =	smov.u32 s7  }
0x1cc: {  	v28 =	vadd.f32 v32, v24;
	v32 =	vld [tilespmem:s29+$0x9860];
	[tilespmem:s29+$0xA070] =	vst v34  }
0x1cd: {  	[tilespmem:s29+$0x9800] =	vst v27;
	v27 =	vadd.f32 v33, v23;
	v33 =	vld [tilespmem:s29+$0x9870]  }
0x1ce: {  	[tilespmem:s29+$0x9810] =	vst v28;
	v28 =	vadd.f32 v31, v22;
	v31 =	vld [tilespmem:s29+$0x9C00]  }
0x1cf: {  	[tilespmem:s29+$0x9820] =	vst v27;
	v27 =	vadd.f32 v30, v21;
	v30 =	vld [tilespmem:s29+$0x9C10]  }
0x1d0: {  	[tilespmem:s29+$0x9830] =	vst v28;
	v28 =	vadd.f32 v29, v20;
	v29 =	vld [tilespmem:s29+$0x9C20]  }
0x1d1: {  	[tilespmem:s29+$0x9840] =	vst v27;
	v27 =	vadd.f32 v32, v19;
	v32 =	vld [tilespmem:s29+$0x9C30]  }
0x1d2: {  	[tilespmem:s29+$0x9850] =	vst v28;
	v28 =	vadd.f32 v33, v18;
	v33 =	vld [tilespmem:s29+$0x9C40]  }
0x1d3: {  	[tilespmem:s29+$0x9860] =	vst v27;
	v27 =	vadd.f32 v31, v17;
	v34 =	vld [tilespmem:s29+$0x9C50]  }
.Ltmp2:
0x1d4: {  	[tilespmem:s29+$0x9870] =	vst v28;
	v28 =	vadd.f32 v30, v16;
	v31 =	vld [tilespmem:s29+$0x9C60];
	(pc) =	sbr.rel @p1 .LBB2_7-.Ltmp2, $4  }
0x1d5: {  	[tilespmem:s29+$0x9C00] =	vst v27;
	v27 =	vadd.f32 v29, v15;
	v30 =	vld [tilespmem:s29+$0x9C70]  }
0x1d6: {  	[tilespmem:s29+$0x9C10] =	vst v28;
	v29 =	vadd.f32 v32, v14;
	v28 =	vld [tilespmem:s29+$0xA000]  }
0x1d7: {  	[tilespmem:s29+$0x9C20] =	vst v27;
	v32 =	vadd.f32 v33, v13;
	v27 =	vld [tilespmem:s29+$0xA010]  }
0x1d8: {  	s7 =	sshrl.u32 s6, $0x3;
	s6 =	sadd.s32 $0x1, s6;
	[tilespmem:s29+$0x9C30] =	vst v29;
	v33 =	vadd.f32 v34, v12;
	v29 =	vld [tilespmem:s29+$0xA020]  }
0x1d9: {  	[tilespmem:s29+$0x9C40] =	vst v32;
	v54 =	vld [tilespmem:s29+$0xA030];
	v31 =	vadd.f32 v31, v11;
	s6 =	smul.u32 $0x6000, s7  }
0x1da: {  	v55 =	vld [tilespmem:s29+$0xA040];
	s11 =	sadd.s32 $0x80, s11;
	[tilespmem:s29+$0x9C50] =	vst v33;
	v30 =	vadd.f32 v30, v10  }
0x1db: {  	s7 =	sand.u32 $0x380, s11;
	[tilespmem:s29+$0x9C60] =	vst v31;
	v31 =	vld [tilespmem:s29+$0xA050];
	s6 =	sshra.s32 s6, $0x2;
	v28 =	vadd.f32 v28, v9  }
0x1dc: {  	[tilespmem:s29+$0x9C70] =	vst v30;
	s6 =	sor.u32 s7, s6;
	v27 =	vadd.f32 v27, v8;
	v30 =	vld [tilespmem:s29+$0xA060]  }
0x1dd: {  	v34 =	vld [tilespmem:s6+$0xA070];
	[tilespmem:s29+$0xA000] =	vst v28;
	v28 =	vadd.f32 v29, v7  }
0x1de: {  	v29 =	vld [tilespmem:s6+$0x9800];
	[tilespmem:s29+$0xA010] =	vst v27;
	v27 =	vadd.f32 v54, v4  }
0x1df: {  	v56 =	vld [tilespmem:s6+$0x9810];
	[tilespmem:s29+$0xA020] =	vst v28;
	v28 =	vadd.f32 v55, v5  }
0x1e0: {  	v57 =	vld [tilespmem:s6+$0x9820];
	[tilespmem:s29+$0xA030] =	vst v27;
	v27 =	vadd.f32 v31, v6  }
0x1e1: {  	v31 =	vld [tilespmem:s6+$0x9830];
	[tilespmem:s29+$0xA040] =	vst v28;
	v28 =	vadd.f32 v30, v3  }
0x1e2: {  	v30 =	vld [tilespmem:s6+$0x9840];
	v26 =	vadd.f32 v34, v26;
	[tilespmem:s29+$0xA050] =	vst v27  }
0x1e3: {  	v25 =	vadd.f32 v29, v25;
	v27 =	vld [tilespmem:s6+$0x9850];
	[tilespmem:s29+$0xA060] =	vst v28  }
0x1e4: {  	v24 =	vadd.f32 v56, v24;
	v28 =	vld [tilespmem:s6+$0x9860];
	[tilespmem:s6+$0xA070] =	vst v26  }
0x1e5: {  	v23 =	vadd.f32 v57, v23;
	[tilespmem:s6+$0x9800] =	vst v25;
	v25 =	vld [tilespmem:s6+$0x9870]  }
0x1e6: {  	[tilespmem:s6+$0x9810] =	vst v24;
	v24 =	vld [tilespmem:s6+$0x9C00];
	v22 =	vadd.f32 v31, v22  }
0x1e7: {  	[tilespmem:s6+$0x9820] =	vst v23;
	v23 =	vld [tilespmem:s6+$0x9C10];
	v21 =	vadd.f32 v30, v21  }
0x1e8: {  	[tilespmem:s6+$0x9830] =	vst v22;
	v20 =	vadd.f32 v27, v20;
	v22 =	vld [tilespmem:s6+$0x9C20]  }
0x1e9: {  	[tilespmem:s6+$0x9840] =	vst v21;
	v19 =	vadd.f32 v28, v19;
	v21 =	vld [tilespmem:s6+$0x9C30]  }
0x1ea: {  	[tilespmem:s6+$0x9850] =	vst v20;
	v18 =	vadd.f32 v25, v18;
	v20 =	vld [tilespmem:s6+$0x9C40]  }
0x1eb: {  	v17 =	vadd.f32 v24, v17;
	[tilespmem:s6+$0x9860] =	vst v19;
	v19 =	vld [tilespmem:s6+$0x9C50]  }
0x1ec: {  	v16 =	vadd.f32 v23, v16;
	[tilespmem:s6+$0x9870] =	vst v18;
	v18 =	vld [tilespmem:s6+$0x9C60]  }
0x1ed: {  	[tilespmem:s6+$0x9C00] =	vst v17;
	v17 =	vld [tilespmem:s6+$0x9C70];
	v15 =	vadd.f32 v22, v15  }
0x1ee: {  	[tilespmem:s6+$0x9C10] =	vst v16;
	v16 =	vld [tilespmem:s6+$0xA000];
	v14 =	vadd.f32 v21, v14  }
0x1ef: {  	[tilespmem:s6+$0x9C20] =	vst v15;
	v13 =	vadd.f32 v20, v13;
	v15 =	vld [tilespmem:s6+$0xA010]  }
0x1f0: {  	[tilespmem:s6+$0x9C30] =	vst v14;
	v12 =	vadd.f32 v19, v12;
	v14 =	vld [tilespmem:s6+$0xA020]  }
0x1f1: {  	[tilespmem:s6+$0x9C40] =	vst v13;
	v11 =	vadd.f32 v18, v11;
	v13 =	vld [tilespmem:s6+$0xA030]  }
0x1f2: {  	v10 =	vadd.f32 v17, v10;
	[tilespmem:s6+$0x9C50] =	vst v12;
	v12 =	vld [tilespmem:s6+$0xA040]  }
0x1f3: {  	v9 =	vadd.f32 v16, v9;
	[tilespmem:s6+$0x9C60] =	vst v11;
	v11 =	vld [tilespmem:s6+$0xA050]  }
0x1f4: {  	[tilespmem:s6+$0x9C70] =	vst v10;
	v10 =	vld [tilespmem:s6+$0xA060];
	v8 =	vadd.f32 v15, v8  }
0x1f5: {  	[tilespmem:s6+$0xA000] =	vst v9;
	v7 =	vadd.f32 v14, v7  }
0x1f6: {  	[tilespmem:s6+$0xA010] =	vst v8;
	v4 =	vadd.f32 v13, v4  }
0x1f7: {  	[tilespmem:s6+$0xA020] =	vst v7;
	v5 =	vadd.f32 v12, v5  }
0x1f8: {  	[tilespmem:s6+$0xA030] =	vst v4;
	v4 =	vadd.f32 v11, v6  }
0x1f9: {  	v3 =	vadd.f32 v10, v3;
	[tilespmem:s6+$0xA040] =	vst v5  }
0x1fa: {  	[tilespmem:s6+$0xA050] =	vst v4  }
0x1fb: {  	[tilespmem:s6+$0xA060] =	vst v3  }
0x1fc: {  	v25 =	vld [tilespmem:s31+$0x0]  }
0x1fd: {  	v24 =	vld [tilespmem:s31+$0x10]  }
0x1fe: {  	v23 =	vld [tilespmem:s31+$0x20]  }
0x1ff: {  	v22 =	vld [tilespmem:s31+$0x30]  }
0x200: {  	v21 =	vld [tilespmem:s31+$0x40]  }
0x201: {  	v20 =	vld [tilespmem:s31+$0x50]  }
0x202: {  	v19 =	vld [tilespmem:s31+$0x60]  }
0x203: {  	v18 =	vld [tilespmem:s31+$0x70]  }
0x204: {  	v17 =	vld [tilespmem:s1+$0x0]  }
0x205: {  	v16 =	vld [tilespmem:s1+$0x10]  }
0x206: {  	v15 =	vld [tilespmem:s1+$0x20]  }
0x207: {  	v14 =	vld [tilespmem:s1+$0x30]  }
0x208: {  	v13 =	vld [tilespmem:s1+$0x40]  }
0x209: {  	v12 =	vld [tilespmem:s1+$0x50]  }
0x20a: {  	v11 =	vld [tilespmem:s1+$0x60]  }
0x20b: {  	v10 =	vld [tilespmem:s1+$0x70]  }
0x20c: {  	v9 =	vld [tilespmem:s30+$0x0]  }
0x20d: {  	v8 =	vld [tilespmem:s30+$0x10]  }
0x20e: {  	v7 =	vld [tilespmem:s30+$0x20]  }
0x20f: {  	s29 =	simm.s32 $0x0;
	v3 =	vld [tilespmem:s30+$0x30]  }
0x210: {  	v4 =	vld [tilespmem:s30+$0x40];
	s1 =	smul.u32 $0x6000, s29  }
0x211: {  	s11 =	simm.s32 $0x0;
	v5 =	vld [tilespmem:s30+$0x50]  }
0x212: {  	v6 =	vld [tilespmem:s30+$0x60];
	s31 =	sand.u32 $0x380, s11;
	s1 =	sshra.s32 s1, $0x2  }
0x213: {  	v26 =	vld [tilespmem:s30+$0x70];
	s1 =	sor.u32 s31, s1  }
0x214: {  	v27 =	vld [tilespmem:s1+$0xAC70]  }
0x215: {  	v28 =	vld [tilespmem:s1+$0xA400]  }
0x216: {  	v29 =	vld [tilespmem:s1+$0xA410]  }
0x217: {  	v30 =	vld [tilespmem:s1+$0xA420]  }
0x218: {  	v31 =	vld [tilespmem:s1+$0xA430]  }
0x219: {  	v58 =	vld [tilespmem:s1+$0xA440];
	v27 =	vadd.f32 v27, v26  }
0x21a: {  	v59 =	vld [tilespmem:s1+$0xA450];
	v28 =	vadd.f32 v28, v25  }
0x21b: {  	v60 =	vld [tilespmem:s1+$0xA460];
	[tilespmem:s1+$0xAC70] =	vst v27;
	v27 =	vadd.f32 v29, v24  }
0x21c: {  	[tilespmem:s1+$0xA400] =	vst v28;
	v28 =	vld [tilespmem:s1+$0xA470];
	v29 =	vadd.f32 v30, v23  }
0x21d: {  	v30 =	vadd.f32 v31, v22;
	[tilespmem:s1+$0xA410] =	vst v27;
	v27 =	vld [tilespmem:s1+$0xA800]  }
0x21e: {  	v31 =	vadd.f32 v58, v21;
	[tilespmem:s1+$0xA420] =	vst v29;
	v29 =	vld [tilespmem:s1+$0xA810]  }
0x21f: {  	v61 =	vld [tilespmem:s1+$0xA820];
	[tilespmem:s1+$0xA430] =	vst v30;
	v30 =	vadd.f32 v59, v20  }
0x220: {  	v62 =	vld [tilespmem:s1+$0xA830];
	[tilespmem:s1+$0xA440] =	vst v31;
	v31 =	vadd.f32 v60, v19  }
0x221: {  	v63 =	vld [tilespmem:s1+$0xA840];
	[tilespmem:s1+$0xA450] =	vst v30;
	v28 =	vadd.f32 v28, v18  }
0x222: {  	v35 =	vld [tilespmem:s1+$0xA850];
	[tilespmem:s1+$0xA460] =	vst v31;
	v27 =	vadd.f32 v27, v17  }
0x223: {  	v31 =	vld [tilespmem:s1+$0xA860];
	[tilespmem:s1+$0xA470] =	vst v28;
	v28 =	vadd.f32 v29, v16  }
0x224: {  	v30 =	vld [tilespmem:s1+$0xA870];
	[tilespmem:s1+$0xA800] =	vst v27;
	v27 =	vadd.f32 v61, v15  }
0x225: {  	v29 =	vadd.f32 v62, v14;
	[tilespmem:s1+$0xA810] =	vst v28;
	v28 =	vld [tilespmem:s1+$0xAC00]  }
0x226: {  	v32 =	vadd.f32 v63, v13;
	[tilespmem:s1+$0xA820] =	vst v27;
	v27 =	vld [tilespmem:s1+$0xAC10]  }
0x227: {  	s7 =	simm.s32 $0x0;
	s6 =	simm.s32 $0x2;
	v33 =	vadd.f32 v35, v12;
	[tilespmem:s1+$0xA830] =	vst v29;
	v29 =	vld [tilespmem:s1+$0xAC20]  }
.LBB2_9:
0x228: {  	p1 =	sne.s32 s6, $0x1F;
	s7 =	smul.u32 $0x6000, s7;
	[tilespmem:s1+$0xA840] =	vst v32;
	v31 =	vadd.f32 v31, v11;
	v32 =	vld [tilespmem:s1+$0xAC30]  }
0x229: {  	s11 =	sadd.s32 $0x80, s11;
	[tilespmem:s1+$0xA850] =	vst v33;
	v30 =	vadd.f32 v30, v10;
	v33 =	vld [tilespmem:s1+$0xAC40]  }
0x22a: {  	s10 =	sand.u32 $0x380, s11;
	s7 =	sshra.s32 s7, $0x2;
	[tilespmem:s1+$0xA860] =	vst v31;
	v28 =	vadd.f32 v28, v9;
	v31 =	vld [tilespmem:s1+$0xAC50]  }
0x22b: {  	s7 =	sor.u32 s10, s7;
	[tilespmem:s1+$0xA870] =	vst v30;
	v27 =	vadd.f32 v27, v8;
	v30 =	vld [tilespmem:s1+$0xAC60]  }
0x22c: {  	v34 =	vld [tilespmem:s7+$0xAC70];
	[tilespmem:s1+$0xAC00] =	vst v28;
	v28 =	vadd.f32 v29, v7  }
0x22d: {  	v29 =	vld [tilespmem:s7+$0xA400];
	[tilespmem:s1+$0xAC10] =	vst v27;
	v27 =	vadd.f32 v32, v3  }
0x22e: {  	v32 =	vld [tilespmem:s7+$0xA410];
	[tilespmem:s1+$0xAC20] =	vst v28;
	v28 =	vadd.f32 v33, v4  }
0x22f: {  	v33 =	vld [tilespmem:s7+$0xA420];
	[tilespmem:s1+$0xAC30] =	vst v27;
	v27 =	vadd.f32 v31, v5  }
0x230: {  	v31 =	vld [tilespmem:s7+$0xA430];
	[tilespmem:s1+$0xAC40] =	vst v28;
	v28 =	vadd.f32 v30, v6  }
0x231: {  	v30 =	vld [tilespmem:s7+$0xA440];
	v34 =	vadd.f32 v34, v26;
	[tilespmem:s1+$0xAC50] =	vst v27  }
0x232: {  	v27 =	vadd.f32 v29, v25;
	v29 =	vld [tilespmem:s7+$0xA450];
	[tilespmem:s1+$0xAC60] =	vst v28;
	s1 =	smov.u32 s7  }
0x233: {  	v28 =	vadd.f32 v32, v24;
	v32 =	vld [tilespmem:s1+$0xA460];
	[tilespmem:s1+$0xAC70] =	vst v34  }
0x234: {  	[tilespmem:s1+$0xA400] =	vst v27;
	v27 =	vadd.f32 v33, v23;
	v33 =	vld [tilespmem:s1+$0xA470]  }
0x235: {  	[tilespmem:s1+$0xA410] =	vst v28;
	v28 =	vadd.f32 v31, v22;
	v31 =	vld [tilespmem:s1+$0xA800]  }
0x236: {  	[tilespmem:s1+$0xA420] =	vst v27;
	v27 =	vadd.f32 v30, v21;
	v30 =	vld [tilespmem:s1+$0xA810]  }
0x237: {  	[tilespmem:s1+$0xA430] =	vst v28;
	v28 =	vadd.f32 v29, v20;
	v29 =	vld [tilespmem:s1+$0xA820]  }
0x238: {  	[tilespmem:s1+$0xA440] =	vst v27;
	v27 =	vadd.f32 v32, v19;
	v32 =	vld [tilespmem:s1+$0xA830]  }
0x239: {  	[tilespmem:s1+$0xA450] =	vst v28;
	v28 =	vadd.f32 v33, v18;
	v33 =	vld [tilespmem:s1+$0xA840]  }
0x23a: {  	[tilespmem:s1+$0xA460] =	vst v27;
	v27 =	vadd.f32 v31, v17;
	v34 =	vld [tilespmem:s1+$0xA850]  }
.Ltmp3:
0x23b: {  	[tilespmem:s1+$0xA470] =	vst v28;
	v28 =	vadd.f32 v30, v16;
	v31 =	vld [tilespmem:s1+$0xA860];
	(pc) =	sbr.rel @p1 .LBB2_9-.Ltmp3, $4  }
0x23c: {  	[tilespmem:s1+$0xA800] =	vst v27;
	v27 =	vadd.f32 v29, v15;
	v30 =	vld [tilespmem:s1+$0xA870]  }
0x23d: {  	[tilespmem:s1+$0xA810] =	vst v28;
	v29 =	vadd.f32 v32, v14;
	v28 =	vld [tilespmem:s1+$0xAC00]  }
0x23e: {  	[tilespmem:s1+$0xA820] =	vst v27;
	v32 =	vadd.f32 v33, v13;
	v27 =	vld [tilespmem:s1+$0xAC10]  }
0x23f: {  	s7 =	sshrl.u32 s6, $0x3;
	s6 =	sadd.s32 $0x1, s6;
	[tilespmem:s1+$0xA830] =	vst v29;
	v33 =	vadd.f32 v34, v12;
	v29 =	vld [tilespmem:s1+$0xAC20]  }
0x240: {  	[tilespmem:s1+$0xA840] =	vst v32;
	v50 =	vld [tilespmem:s1+$0xAC30];
	v31 =	vadd.f32 v31, v11;
	s6 =	smul.u32 $0x6000, s7  }
0x241: {  	v51 =	vld [tilespmem:s1+$0xAC40];
	s31 =	sadd.s32 $0x80, s11;
	[tilespmem:s1+$0xA850] =	vst v33;
	v30 =	vadd.f32 v30, v10  }
0x242: {  	s7 =	sand.u32 $0x380, s31;
	[tilespmem:s1+$0xA860] =	vst v31;
	v31 =	vld [tilespmem:s1+$0xAC50];
	s6 =	sshra.s32 s6, $0x2;
	v28 =	vadd.f32 v28, v9  }
0x243: {  	[tilespmem:s1+$0xA870] =	vst v30;
	s6 =	sor.u32 s7, s6;
	v27 =	vadd.f32 v27, v8;
	v30 =	vld [tilespmem:s1+$0xAC60]  }
0x244: {  	v34 =	vld [tilespmem:s6+$0xAC70];
	[tilespmem:s1+$0xAC00] =	vst v28;
	v28 =	vadd.f32 v29, v7  }
0x245: {  	v29 =	vld [tilespmem:s6+$0xA400];
	[tilespmem:s1+$0xAC10] =	vst v27;
	v27 =	vadd.f32 v50, v3  }
0x246: {  	v52 =	vld [tilespmem:s6+$0xA410];
	[tilespmem:s1+$0xAC20] =	vst v28;
	v28 =	vadd.f32 v51, v4  }
0x247: {  	v53 =	vld [tilespmem:s6+$0xA420];
	[tilespmem:s1+$0xAC30] =	vst v27;
	v27 =	vadd.f32 v31, v5  }
0x248: {  	v31 =	vld [tilespmem:s6+$0xA430];
	[tilespmem:s1+$0xAC40] =	vst v28;
	v28 =	vadd.f32 v30, v6  }
0x249: {  	v30 =	vld [tilespmem:s6+$0xA440];
	v26 =	vadd.f32 v34, v26;
	[tilespmem:s1+$0xAC50] =	vst v27  }
0x24a: {  	v25 =	vadd.f32 v29, v25;
	v27 =	vld [tilespmem:s6+$0xA450];
	[tilespmem:s1+$0xAC60] =	vst v28  }
0x24b: {  	v24 =	vadd.f32 v52, v24;
	v28 =	vld [tilespmem:s6+$0xA460];
	[tilespmem:s6+$0xAC70] =	vst v26  }
0x24c: {  	v23 =	vadd.f32 v53, v23;
	[tilespmem:s6+$0xA400] =	vst v25;
	v25 =	vld [tilespmem:s6+$0xA470]  }
0x24d: {  	[tilespmem:s6+$0xA410] =	vst v24;
	v24 =	vld [tilespmem:s6+$0xA800];
	v22 =	vadd.f32 v31, v22  }
0x24e: {  	[tilespmem:s6+$0xA420] =	vst v23;
	v23 =	vld [tilespmem:s6+$0xA810];
	v21 =	vadd.f32 v30, v21  }
0x24f: {  	[tilespmem:s6+$0xA430] =	vst v22;
	v20 =	vadd.f32 v27, v20;
	v22 =	vld [tilespmem:s6+$0xA820]  }
0x250: {  	[tilespmem:s6+$0xA440] =	vst v21;
	v19 =	vadd.f32 v28, v19;
	v21 =	vld [tilespmem:s6+$0xA830]  }
0x251: {  	[tilespmem:s6+$0xA450] =	vst v20;
	v18 =	vadd.f32 v25, v18;
	v20 =	vld [tilespmem:s6+$0xA840]  }
0x252: {  	v17 =	vadd.f32 v24, v17;
	[tilespmem:s6+$0xA460] =	vst v19;
	v19 =	vld [tilespmem:s6+$0xA850]  }
0x253: {  	v16 =	vadd.f32 v23, v16;
	[tilespmem:s6+$0xA470] =	vst v18;
	v18 =	vld [tilespmem:s6+$0xA860]  }
0x254: {  	[tilespmem:s6+$0xA800] =	vst v17;
	v17 =	vld [tilespmem:s6+$0xA870];
	v15 =	vadd.f32 v22, v15  }
0x255: {  	[tilespmem:s6+$0xA810] =	vst v16;
	v16 =	vld [tilespmem:s6+$0xAC00];
	v14 =	vadd.f32 v21, v14  }
0x256: {  	[tilespmem:s6+$0xA820] =	vst v15;
	v13 =	vadd.f32 v20, v13;
	v15 =	vld [tilespmem:s6+$0xAC10]  }
0x257: {  	[tilespmem:s6+$0xA830] =	vst v14;
	v12 =	vadd.f32 v19, v12;
	v14 =	vld [tilespmem:s6+$0xAC20]  }
0x258: {  	[tilespmem:s6+$0xA840] =	vst v13;
	v11 =	vadd.f32 v18, v11;
	v13 =	vld [tilespmem:s6+$0xAC30]  }
0x259: {  	v10 =	vadd.f32 v17, v10;
	[tilespmem:s6+$0xA850] =	vst v12;
	v12 =	vld [tilespmem:s6+$0xAC40]  }
0x25a: {  	v9 =	vadd.f32 v16, v9;
	[tilespmem:s6+$0xA860] =	vst v11;
	v11 =	vld [tilespmem:s6+$0xAC50]  }
0x25b: {  	[tilespmem:s6+$0xA870] =	vst v10;
	v10 =	vld [tilespmem:s6+$0xAC60];
	v8 =	vadd.f32 v15, v8  }
0x25c: {  	[tilespmem:s6+$0xAC00] =	vst v9;
	v7 =	vadd.f32 v14, v7  }
0x25d: {  	[tilespmem:s6+$0xAC10] =	vst v8;
	v3 =	vadd.f32 v13, v3  }
0x25e: {  	[tilespmem:s6+$0xAC20] =	vst v7;
	v4 =	vadd.f32 v12, v4  }
0x25f: {  	[tilespmem:s6+$0xAC30] =	vst v3;
	v3 =	vadd.f32 v11, v5  }
0x260: {  	[tilespmem:s6+$0xAC40] =	vst v4;
	v4 =	vadd.f32 v10, v6  }
0x261: {  	s0 =	sor.u32 $0x180000, s0;
	[tilespmem:s6+$0xAC50] =	vst v3  }
0x262: {  	s0 =	sadd.s32 s3, s0;
	[tilespmem:s6+$0xAC60] =	vst v4;
	s6 =	simm.s32 $0x9800  }
0x263: {  	[hbm4b:s0+s5] =	stream.strided.scatter [tilespmem:s6], [sflag:$0x6], $0x400, s13, s5, $0x38;
	[tilespmem:$0x1B800] =	vst v63  }
0x264: {  	s10 =	simm.s32 $0x9C00;
	s7 =	sadd.s32 $0x80, s0  }
0x265: {  	[hbm4b:s7+s5] =	stream.strided.scatter [tilespmem:s10], [sflag:$0x6], $0x400, s13, s5, $0x38;
	[tilespmem:$0x1B800] =	vst v63  }
0x266: {  	s31 =	simm.s32 $0xA000;
	s11 =	sadd.s32 $0x100, s0  }
0x267: {  	[hbm4b:s11+s5] =	stream.strided.scatter [tilespmem:s31], [sflag:$0x6], $0x400, s13, s5, $0x38;
	[tilespmem:$0x1B800] =	vst v63  }
0x268: {  	s7 =	sadd.s32 $0x180, s0;
	s10 =	simm.s32 $0xA400  }
0x269: {  	[hbm4b:s7+s5] =	stream.strided.scatter [tilespmem:s10], [sflag:$0x6], $0x400, s13, s5, $0x38;
	[tilespmem:$0x1B800] =	vst v63  }
0x26a: {  	s11 =	sadd.s32 $0x200, s0;
	s31 =	simm.s32 $0xA800  }
0x26b: {  	[hbm4b:s11+s5] =	stream.strided.scatter [tilespmem:s31], [sflag:$0x6], $0x400, s13, s5, $0x38;
	[tilespmem:$0x1B800] =	vst v63  }
0x26c: {  	s6 =	sadd.s32 $0x280, s0;
	s7 =	simm.s32 $0xAC00  }
0x26d: {  	[hbm4b:s6+s5] =	stream.strided.scatter [tilespmem:s7], [sflag:$0x6], $0x400, s13, s5, $0x38;
	[tilespmem:$0x1B800] =	vst v63  }
0x26e: {  	s1 =	sadd.s32 $0x60000, s0;
	s10 =	simm.s32 $0xB000  }
0x26f: {  	[hbm4b:s1+s5] =	stream.strided.scatter [tilespmem:s10], [sflag:$0x6], $0x400, s13, s5, $0x38;
	[tilespmem:$0x1B800] =	vst v63  }
0x270: {  	s11 =	sadd.s32 $0x80, s1;
	s31 =	simm.s32 $0xB400  }
0x271: {  	[hbm4b:s11+s5] =	stream.strided.scatter [tilespmem:s31], [sflag:$0x6], $0x400, s13, s5, $0x38;
	[tilespmem:$0x1B800] =	vst v63  }
0x272: {  	s7 =	sadd.s32 $0x100, s1;
	s10 =	simm.s32 $0xB800  }
0x273: {  	[hbm4b:s7+s5] =	stream.strided.scatter [tilespmem:s10], [sflag:$0x6], $0x400, s13, s5, $0x38;
	[tilespmem:$0x1B800] =	vst v63  }
0x274: {  	s11 =	sadd.s32 $0x180, s1;
	s31 =	simm.s32 $0xBC00  }
0x275: {  	[hbm4b:s11+s5] =	stream.strided.scatter [tilespmem:s31], [sflag:$0x6], $0x400, s13, s5, $0x38;
	[tilespmem:$0x1B800] =	vst v63  }
0x276: {  	s7 =	sadd.s32 $0x200, s1;
	s10 =	simm.s32 $0xC000  }
0x277: {  	[hbm4b:s7+s5] =	stream.strided.scatter [tilespmem:s10], [sflag:$0x6], $0x400, s13, s5, $0x38;
	[tilespmem:$0x1B800] =	vst v63  }
0x278: {  	s1 =	sadd.s32 $0x280, s1;
	s11 =	simm.s32 $0xC400  }
0x279: {  	[hbm4b:s1+s5] =	stream.strided.scatter [tilespmem:s11], [sflag:$0x6], $0x400, s13, s5, $0x38;
	[tilespmem:$0x1B800] =	vst v63  }
0x27a: {  	s31 =	simm.s32 $0xC800;
	s1 =	sadd.s32 $0xC0000, s0  }
0x27b: {  	[hbm4b:s1+s5] =	stream.strided.scatter [tilespmem:s31], [sflag:$0x6], $0x400, s13, s5, $0x38;
	[tilespmem:$0x1B800] =	vst v63  }
0x27c: {  	s10 =	simm.s32 $0xCC00;
	s7 =	sadd.s32 $0x80, s1  }
0x27d: {  	[hbm4b:s7+s5] =	stream.strided.scatter [tilespmem:s10], [sflag:$0x6], $0x400, s13, s5, $0x38;
	[tilespmem:$0x1B800] =	vst v63  }
0x27e: {  	s11 =	sadd.s32 $0x100, s1;
	s31 =	simm.s32 $0xD000  }
0x27f: {  	[hbm4b:s11+s5] =	stream.strided.scatter [tilespmem:s31], [sflag:$0x6], $0x400, s13, s5, $0x38;
	[tilespmem:$0x1B800] =	vst v63  }
0x280: {  	s7 =	sadd.s32 $0x180, s1;
	s10 =	simm.s32 $0xD400  }
0x281: {  	[hbm4b:s7+s5] =	stream.strided.scatter [tilespmem:s10], [sflag:$0x6], $0x400, s13, s5, $0x38;
	[tilespmem:$0x1B800] =	vst v63  }
0x282: {  	s11 =	sadd.s32 $0x200, s1;
	s31 =	simm.s32 $0xD800  }
0x283: {  	[hbm4b:s11+s5] =	stream.strided.scatter [tilespmem:s31], [sflag:$0x6], $0x400, s13, s5, $0x38;
	[tilespmem:$0x1B800] =	vst v63  }
0x284: {  	s1 =	sadd.s32 $0x280, s1;
	s7 =	simm.s32 $0xDC00  }
0x285: {  	[hbm4b:s1+s5] =	stream.strided.scatter [tilespmem:s7], [sflag:$0x6], $0x400, s13, s5, $0x38;
	[tilespmem:$0x1B800] =	vst v63  }
0x286: {  	s0 =	sadd.s32 $0x120000, s0;
	s10 =	simm.s32 $0xE000  }
0x287: {  	[hbm4b:s0+s5] =	stream.strided.scatter [tilespmem:s10], [sflag:$0x6], $0x400, s13, s5, $0x38;
	[tilespmem:$0x1B800] =	vst v63  }
0x288: {  	s11 =	sadd.s32 $0x80, s0;
	s31 =	simm.s32 $0xE400  }
0x289: {  	[hbm4b:s11+s5] =	stream.strided.scatter [tilespmem:s31], [sflag:$0x6], $0x400, s13, s5, $0x38;
	[tilespmem:$0x1B800] =	vst v63  }
0x28a: {  	s7 =	sadd.s32 $0x100, s0;
	s10 =	simm.s32 $0xE800  }
0x28b: {  	[hbm4b:s7+s5] =	stream.strided.scatter [tilespmem:s10], [sflag:$0x6], $0x400, s13, s5, $0x38;
	[tilespmem:$0x1B800] =	vst v63  }
0x28c: {  	s11 =	sadd.s32 $0x180, s0;
	s31 =	simm.s32 $0xEC00  }
0x28d: {  	[hbm4b:s11+s5] =	stream.strided.scatter [tilespmem:s31], [sflag:$0x6], $0x400, s13, s5, $0x38;
	[tilespmem:$0x1B800] =	vst v63  }
0x28e: {  	s6 =	sadd.s32 $0x200, s0;
	s7 =	simm.s32 $0xF000  }
0x28f: {  	[hbm4b:s6+s5] =	stream.strided.scatter [tilespmem:s7], [sflag:$0x6], $0x400, s13, s5, $0x38;
	[tilespmem:$0x1B800] =	vst v63  }
0x290: {  	s0 =	sadd.s32 $0x280, s0;
	s10 =	simm.s32 $0xF400  }
0x291: {  	[hbm4b:s0+s5] =	stream.strided.scatter [tilespmem:s10], [sflag:$0x6], $0x400, s13, s5, $0x38;
	[tilespmem:$0x1B800] =	vst v63  }
0x292: {  	s0 =	simm.s32 @!p0 $0x8  }
0x293: {  	_ =	swait.ge @!p0 [sflag:s0], $0x6000  }
0x294: {  	[sflag:s0] =	ssyncset.done @!p0 $0x0  }
0x295: {  	[sflag:s0] =	ssyncadd.s32 @!p0 $0xFFFFA000  }
0x296: {  	v3 =	vld [tilespmem:s19+$0xA0];
	_ =	sdelay $0x4  }
0x297: {  	v4 =	vshrl.u32 v3, $0x3  }
0x298: {  	v4 =	vmul.u32 $0x30, v4  }
0x299: {  	v3 =	vand.u32 $0x7, v3  }
0x29a: {  	v3 =	vor.u32 v3, v4  }
0x29b: {  	v4 =	vperm.xlane v3, v0;
	_ =	sdelay $0x1  }
0x29c: {  	v4 =	vadd.s32 v1, v4;
	_ =	sdelay $0x3  }
0x29d: {  	s0 =	simm.s32 $0x0;
	v3 =	vperm.xlane v3, v2  }
0x29e: {  	[tilespmem:s14], [sflag:$0x4] =	stream.indirect_vreg.gather [hbm4b:s2+s0], $0x80, v4, vm0, $0xb8;
	[tilespmem:$0x1B800] =	vst v63  }
0x29f: {  	s11 =	simm.s32 $0x16000;
	v3 =	vadd.s32 v1, v3  }
0x2a0: {  	[tilespmem:s11], [sflag:$0x4] =	stream.indirect_vreg.gather [hbm4b:s8+s0], $0x80, v4, vm0, $0xb8;
	[tilespmem:$0x1B800] =	vst v63  }
0x2a1: {  	s14 =	simm.s32 $0x16800  }
0x2a2: {  	[tilespmem:s14], [sflag:$0x4] =	stream.indirect_vreg.gather [hbm4b:s9+s0], $0x80, v4, vm0, $0xb8;
	[tilespmem:$0x1B800] =	vst v63  }
0x2a3: {  	s31 =	simm.s32 $0x17000  }
0x2a4: {  	[tilespmem:s31], [sflag:$0x4] =	stream.indirect_vreg.gather [hbm4b:s2+s0], $0x80, v3, vm0, $0xb8;
	[tilespmem:$0x1B800] =	vst v63  }
0x2a5: {  	s6 =	simm.s32 $0x17800  }
0x2a6: {  	[tilespmem:s6], [sflag:$0x4] =	stream.indirect_vreg.gather [hbm4b:s8+s0], $0x80, v3, vm0, $0xb8;
	[tilespmem:$0x1B800] =	vst v63  }
0x2a7: {  	s7 =	simm.s32 $0x18000  }
0x2a8: {  	[tilespmem:s7], [sflag:$0x4] =	stream.indirect_vreg.gather [hbm4b:s9+s0], $0x80, v3, vm0, $0xb8;
	[tilespmem:$0x1B800] =	vst v63  }
0x2a9: {  	v3 =	vld [tilespmem:s19+$0xB0];
	_ =	sdelay $0x4  }
0x2aa: {  	v4 =	vshrl.u32 v3, $0x3  }
0x2ab: {  	v4 =	vmul.u32 $0x30, v4  }
0x2ac: {  	v3 =	vand.u32 $0x7, v3  }
0x2ad: {  	v3 =	vor.u32 v3, v4  }
0x2ae: {  	v4 =	vperm.xlane v3, v0;
	_ =	sdelay $0x1  }
0x2af: {  	v4 =	vadd.s32 v1, v4;
	_ =	sdelay $0x3  }
0x2b0: {  	s10 =	simm.s32 $0x18800;
	v3 =	vperm.xlane v3, v2  }
0x2b1: {  	[tilespmem:s10], [sflag:$0x4] =	stream.indirect_vreg.gather [hbm4b:s2+s0], $0x80, v4, vm0, $0xb8;
	[tilespmem:$0x1B800] =	vst v63  }
0x2b2: {  	s11 =	simm.s32 $0x19000;
	v3 =	vadd.s32 v1, v3  }
0x2b3: {  	[tilespmem:s11], [sflag:$0x4] =	stream.indirect_vreg.gather [hbm4b:s8+s0], $0x80, v4, vm0, $0xb8;
	[tilespmem:$0x1B800] =	vst v63  }
0x2b4: {  	s14 =	simm.s32 $0x19800  }
0x2b5: {  	[tilespmem:s14], [sflag:$0x4] =	stream.indirect_vreg.gather [hbm4b:s9+s0], $0x80, v4, vm0, $0xb8;
	[tilespmem:$0x1B800] =	vst v63  }
0x2b6: {  	s31 =	simm.s32 $0x1A000  }
0x2b7: {  	[tilespmem:s31], [sflag:$0x4] =	stream.indirect_vreg.gather [hbm4b:s2+s0], $0x80, v3, vm0, $0xb8;
	[tilespmem:$0x1B800] =	vst v63  }
0x2b8: {  	s6 =	simm.s32 $0x1A800  }
0x2b9: {  	[tilespmem:s6], [sflag:$0x4] =	stream.indirect_vreg.gather [hbm4b:s8+s0], $0x80, v3, vm0, $0xb8;
	[tilespmem:$0x1B800] =	vst v63  }
0x2ba: {  	s29 =	sor.u32 $0x2, s28  }
0x2bb: {  	[tilespmem:s15], [sflag:$0x4] =	stream.indirect_vreg.gather [hbm4b:s9+s0], $0x80, v3, vm0, $0xb8;
	[tilespmem:$0x1B800] =	vst v63  }
0x2bc: {  	s7 =	sshll.u32 s29, $0x6;
	_ =	swait.ge [sflag:s16], $0x6000  }
0x2bd: {  	s30 =	sand.u32 $0x380, s7;
	[sflag:s16] =	ssyncset.done $0x0  }
0x2be: {  	s1 =	sadd.s32 s30, s23;
	[sflag:s16] =	ssyncadd.s32 $0xFFFFA000  }
0x2bf: {  	v19 =	vld [tilespmem:s1+$0x0]  }
0x2c0: {  	v21 =	vld [tilespmem:s1+$0x10]  }
0x2c1: {  	v22 =	vld [tilespmem:s1+$0x20]  }
0x2c2: {  	v24 =	vld [tilespmem:s1+$0x30]  }
0x2c3: {  	v25 =	vld [tilespmem:s1+$0x40]  }
0x2c4: {  	v26 =	vld [tilespmem:s1+$0x50]  }
0x2c5: {  	v23 =	vld [tilespmem:s1+$0x60]  }
0x2c6: {  	v20 =	vld [tilespmem:s1+$0x70]  }
0x2c7: {  	v18 =	vld [tilespmem:s1+$0x400]  }
0x2c8: {  	v17 =	vld [tilespmem:s1+$0x410]  }
0x2c9: {  	v16 =	vld [tilespmem:s1+$0x420]  }
0x2ca: {  	v15 =	vld [tilespmem:s1+$0x430]  }
0x2cb: {  	v14 =	vld [tilespmem:s1+$0x440]  }
0x2cc: {  	v13 =	vld [tilespmem:s1+$0x450]  }
0x2cd: {  	v12 =	vld [tilespmem:s1+$0x460]  }
0x2ce: {  	s10 =	sadd.s32 s30, s24;
	v11 =	vld [tilespmem:s1+$0x470]  }
0x2cf: {  	v10 =	vld [tilespmem:s10+$0x0]  }
0x2d0: {  	v8 =	vld [tilespmem:s10+$0x10]  }
0x2d1: {  	v7 =	vld [tilespmem:s10+$0x20]  }
0x2d2: {  	s11 =	simm.s32 $0x0;
	v4 =	vld [tilespmem:s10+$0x30]  }
0x2d3: {  	s6 =	smul.u32 $0x6000, s11;
	v5 =	vld [tilespmem:s10+$0x40]  }
0x2d4: {  	v6 =	vld [tilespmem:s10+$0x50]  }
0x2d5: {  	s0 =	sand.u32 $0x380, s0;
	s6 =	sshra.s32 s6, $0x2;
	v3 =	vld [tilespmem:s10+$0x60]  }
0x2d6: {  	s6 =	sor.u32 s0, s6;
	v9 =	vld [tilespmem:s10+$0x70]  }
0x2d7: {  	v27 =	vld [tilespmem:s6+$0xF800]  }
0x2d8: {  	v28 =	vld [tilespmem:s6+$0xF810]  }
0x2d9: {  	v29 =	vld [tilespmem:s6+$0xF820]  }
0x2da: {  	v30 =	vld [tilespmem:s6+$0xF830]  }
0x2db: {  	v31 =	vld [tilespmem:s6+$0xF840]  }
0x2dc: {  	v54 =	vld [tilespmem:s6+$0xF850];
	v27 =	vadd.f32 v27, v19  }
0x2dd: {  	v55 =	vld [tilespmem:s6+$0xF860];
	v28 =	vadd.f32 v28, v21  }
0x2de: {  	[tilespmem:s6+$0xF800] =	vst v27;
	v27 =	vadd.f32 v29, v22;
	v29 =	vld [tilespmem:s6+$0xF870]  }
0x2df: {  	[tilespmem:s6+$0xF810] =	vst v28;
	v28 =	vadd.f32 v30, v24;
	v30 =	vld [tilespmem:s6+$0xFC00]  }
0x2e0: {  	[tilespmem:s6+$0xF820] =	vst v27;
	v27 =	vadd.f32 v31, v25;
	v31 =	vld [tilespmem:s6+$0xFC10]  }
0x2e1: {  	v56 =	vld [tilespmem:s6+$0xFC20];
	[tilespmem:s6+$0xF830] =	vst v28;
	v28 =	vadd.f32 v54, v26  }
0x2e2: {  	v57 =	vld [tilespmem:s6+$0xFC30];
	[tilespmem:s6+$0xF840] =	vst v27;
	v27 =	vadd.f32 v55, v23  }
0x2e3: {  	[tilespmem:s6+$0xF850] =	vst v28;
	v28 =	vadd.f32 v29, v20;
	v29 =	vld [tilespmem:s6+$0xFC40]  }
0x2e4: {  	[tilespmem:s6+$0xF860] =	vst v27;
	v27 =	vadd.f32 v30, v18;
	v30 =	vld [tilespmem:s6+$0xFC50]  }
0x2e5: {  	[tilespmem:s6+$0xF870] =	vst v28;
	v28 =	vadd.f32 v31, v17;
	v31 =	vld [tilespmem:s6+$0xFC60]  }
0x2e6: {  	s14 =	simm.s32 $0x0;
	v58 =	vld [tilespmem:s6+$0xFC70];
	[tilespmem:s6+$0xFC00] =	vst v27;
	v27 =	vadd.f32 v56, v16  }
0x2e7: {  	s0 =	smul.u32 $0x6000, s14;
	v59 =	vld [tilespmem:s6+$0x10000];
	[tilespmem:s6+$0xFC10] =	vst v28;
	v28 =	vadd.f32 v57, v15  }
0x2e8: {  	s11 =	simm.s32 $0x80;
	[tilespmem:s6+$0xFC20] =	vst v27;
	v27 =	vadd.f32 v29, v14  }
0x2e9: {  	s31 =	sand.u32 $0x380, s11;
	s0 =	sshra.s32 s0, $0x2;
	[tilespmem:s6+$0xFC30] =	vst v28;
	v28 =	vadd.f32 v30, v13  }
0x2ea: {  	s0 =	sor.u32 s31, s0;
	[tilespmem:s6+$0xFC40] =	vst v27;
	v27 =	vadd.f32 v31, v12  }
0x2eb: {  	v29 =	vld [tilespmem:s0+$0xF800];
	[tilespmem:s6+$0xFC50] =	vst v28;
	v28 =	vadd.f32 v58, v11  }
0x2ec: {  	v30 =	vld [tilespmem:s0+$0xF810];
	[tilespmem:s6+$0xFC60] =	vst v27;
	v27 =	vadd.f32 v59, v10  }
0x2ed: {  	v31 =	vld [tilespmem:s0+$0xF820];
	[tilespmem:s6+$0xFC70] =	vst v28  }
0x2ee: {  	s1 =	sadd.s32 $0x10000, s6;
	v60 =	vld [tilespmem:s0+$0xF830];
	[tilespmem:s6+$0x10000] =	vst v27  }
0x2ef: {  	v35 =	vld [tilespmem:s1+$0x70]  }
0x2f0: {  	v61 =	vld [tilespmem:s0+$0xF840];
	v28 =	vadd.f32 v29, v19  }
0x2f1: {  	v62 =	vld [tilespmem:s0+$0xF850];
	v29 =	vadd.f32 v30, v21  }
0x2f2: {  	v27 =	vld [tilespmem:s0+$0xF860];
	[tilespmem:s0+$0xF800] =	vst v28;
	v30 =	vadd.f32 v31, v22  }
0x2f3: {  	v28 =	vld [tilespmem:s0+$0xF870];
	v31 =	vadd.f32 v60, v24;
	[tilespmem:s0+$0xF810] =	vst v29  }
0x2f4: {  	v29 =	vld [tilespmem:s0+$0xFC00];
	[tilespmem:s0+$0xF820] =	vst v30;
	v63 =	vadd.f32 v35, v9  }
0x2f5: {  	v33 =	vadd.f32 v61, v25;
	v30 =	vld [tilespmem:s0+$0xFC10];
	[tilespmem:s0+$0xF830] =	vst v31  }
0x2f6: {  	v32 =	vadd.f32 v62, v26;
	s6 =	simm.s32 $0x2;
	v31 =	vld [tilespmem:s0+$0xFC20];
	[tilespmem:s1+$0x70] =	vst v63  }
.LBB2_11:
0x2f7: {  	p0 =	sne.s32 s6, $0x1F;
	[tilespmem:s0+$0xF840] =	vst v33;
	v27 =	vadd.f32 v27, v23;
	v33 =	vld [tilespmem:s0+$0xFC30]  }
0x2f8: {  	[tilespmem:s0+$0xF850] =	vst v32;
	v28 =	vadd.f32 v28, v20;
	v32 =	vld [tilespmem:s0+$0xFC40]  }
0x2f9: {  	[tilespmem:s0+$0xF860] =	vst v27;
	v27 =	vadd.f32 v29, v18;
	v29 =	vld [tilespmem:s0+$0xFC50]  }
0x2fa: {  	[tilespmem:s0+$0xF870] =	vst v28;
	v28 =	vadd.f32 v30, v17;
	v30 =	vld [tilespmem:s0+$0xFC60]  }
0x2fb: {  	[tilespmem:s0+$0xFC00] =	vst v27;
	v27 =	vadd.f32 v31, v16;
	v31 =	vld [tilespmem:s0+$0xFC70]  }
0x2fc: {  	[tilespmem:s0+$0xFC10] =	vst v28;
	v28 =	vadd.f32 v33, v15;
	v33 =	vld [tilespmem:s0+$0x10000]  }
0x2fd: {  	[tilespmem:s0+$0xFC20] =	vst v27;
	v27 =	vadd.f32 v32, v14;
	v32 =	vld [tilespmem:s1+$0x10]  }
0x2fe: {  	[tilespmem:s0+$0xFC30] =	vst v28;
	v28 =	vadd.f32 v29, v13;
	v29 =	vld [tilespmem:s1+$0x20]  }
0x2ff: {  	s7 =	sshrl.u32 s6, $0x3;
	[tilespmem:s0+$0xFC40] =	vst v27;
	v27 =	vadd.f32 v30, v12;
	v30 =	vld [tilespmem:s1+$0x30]  }
0x300: {  	s7 =	smul.u32 $0x6000, s7;
	[tilespmem:s0+$0xFC50] =	vst v28;
	v28 =	vadd.f32 v31, v11;
	v31 =	vld [tilespmem:s1+$0x40]  }
0x301: {  	s11 =	sadd.s32 $0x80, s11;
	[tilespmem:s0+$0xFC60] =	vst v27;
	v27 =	vadd.f32 v33, v10;
	v33 =	vld [tilespmem:s1+$0x50]  }
0x302: {  	s14 =	sadd.s32 $0x10000, s0;
	s10 =	sand.u32 $0x380, s11;
	s7 =	sshra.s32 s7, $0x2;
	[tilespmem:s0+$0xFC70] =	vst v28;
	v28 =	vadd.f32 v32, v8;
	v32 =	vld [tilespmem:s1+$0x60]  }
0x303: {  	[tilespmem:s0+$0x10000] =	vst v27;
	s0 =	sor.u32 s10, s7;
	v27 =	vld [tilespmem:s14+$0x70];
	v29 =	vadd.f32 v29, v7  }
0x304: {  	v34 =	vld [tilespmem:s0+$0xF800];
	[tilespmem:s1+$0x10] =	vst v28;
	v28 =	vadd.f32 v30, v4  }
0x305: {  	v30 =	vld [tilespmem:s0+$0xF810];
	[tilespmem:s1+$0x20] =	vst v29;
	v29 =	vadd.f32 v31, v5  }
0x306: {  	v31 =	vld [tilespmem:s0+$0xF820];
	[tilespmem:s1+$0x30] =	vst v28;
	v28 =	vadd.f32 v33, v6  }
0x307: {  	v33 =	vld [tilespmem:s0+$0xF830];
	[tilespmem:s1+$0x40] =	vst v29;
	v29 =	vadd.f32 v32, v3  }
0x308: {  	v32 =	vld [tilespmem:s0+$0xF840];
	v35 =	vadd.f32 v27, v9;
	[tilespmem:s1+$0x50] =	vst v28  }
0x309: {  	v28 =	vadd.f32 v34, v19;
	v34 =	vld [tilespmem:s0+$0xF850];
	[tilespmem:s1+$0x60] =	vst v29;
	s1 =	smov.u32 s14  }
.Ltmp4:
0x30a: {  	v29 =	vadd.f32 v30, v21;
	v27 =	vld [tilespmem:s0+$0xF860];
	[tilespmem:s1+$0x70] =	vst v35;
	(pc) =	sbr.rel @p0 .LBB2_11-.Ltmp4, $4  }
0x30b: {  	[tilespmem:s0+$0xF800] =	vst v28;
	v30 =	vadd.f32 v31, v22;
	v28 =	vld [tilespmem:s0+$0xF870]  }
0x30c: {  	[tilespmem:s0+$0xF810] =	vst v29;
	v31 =	vadd.f32 v33, v24;
	v29 =	vld [tilespmem:s0+$0xFC00]  }
0x30d: {  	[tilespmem:s0+$0xF820] =	vst v30;
	v33 =	vadd.f32 v32, v25;
	v30 =	vld [tilespmem:s0+$0xFC10]  }
0x30e: {  	s6 =	sadd.s32 $0x1, s6;
	[tilespmem:s0+$0xF830] =	vst v31;
	v32 =	vadd.f32 v34, v26;
	v31 =	vld [tilespmem:s0+$0xFC20]  }
0x30f: {  	[tilespmem:s0+$0xF840] =	vst v33;
	v19 =	vld [tilespmem:s0+$0xFC30];
	v21 =	vadd.f32 v27, v23  }
0x310: {  	v22 =	vld [tilespmem:s0+$0xFC40];
	[tilespmem:s0+$0xF850] =	vst v32;
	v20 =	vadd.f32 v28, v20  }
0x311: {  	[tilespmem:s0+$0xF860] =	vst v21;
	v21 =	vld [tilespmem:s0+$0xFC50];
	v18 =	vadd.f32 v29, v18  }
0x312: {  	[tilespmem:s0+$0xF870] =	vst v20;
	v20 =	vld [tilespmem:s0+$0xFC60];
	v17 =	vadd.f32 v30, v17  }
0x313: {  	[tilespmem:s0+$0xFC00] =	vst v18;
	v18 =	vld [tilespmem:s0+$0xFC70];
	v16 =	vadd.f32 v31, v16  }
0x314: {  	[tilespmem:s0+$0xFC10] =	vst v17;
	v15 =	vadd.f32 v19, v15;
	v17 =	vld [tilespmem:s0+$0x10000]  }
0x315: {  	v14 =	vadd.f32 v22, v14;
	[tilespmem:s0+$0xFC20] =	vst v16  }
0x316: {  	v16 =	vld [tilespmem:s1+$0x10];
	[tilespmem:s0+$0xFC30] =	vst v15;
	v13 =	vadd.f32 v21, v13  }
0x317: {  	v15 =	vld [tilespmem:s1+$0x20];
	[tilespmem:s0+$0xFC40] =	vst v14;
	v12 =	vadd.f32 v20, v12  }
0x318: {  	v14 =	vld [tilespmem:s1+$0x30];
	[tilespmem:s0+$0xFC50] =	vst v13;
	v11 =	vadd.f32 v18, v11  }
0x319: {  	v13 =	vld [tilespmem:s1+$0x40];
	[tilespmem:s0+$0xFC60] =	vst v12;
	v10 =	vadd.f32 v17, v10  }
0x31a: {  	v12 =	vld [tilespmem:s1+$0x50];
	[tilespmem:s0+$0xFC70] =	vst v11  }
0x31b: {  	s6 =	sadd.s32 $0x10000, s0;
	v11 =	vadd.f32 v16, v8;
	v16 =	vld [tilespmem:s1+$0x60];
	[tilespmem:s0+$0x10000] =	vst v10  }
0x31c: {  	v15 =	vadd.f32 v15, v7;
	v10 =	vld [tilespmem:s6+$0x70]  }
0x31d: {  	[tilespmem:s1+$0x10] =	vst v11;
	v11 =	vadd.f32 v14, v4;
	v14 =	vld [tilespmem:s6+$0x10]  }
0x31e: {  	[tilespmem:s1+$0x20] =	vst v15;
	v13 =	vadd.f32 v13, v5;
	v15 =	vld [tilespmem:s6+$0x20]  }
0x31f: {  	[tilespmem:s1+$0x30] =	vst v11;
	v11 =	vadd.f32 v12, v6;
	v12 =	vld [tilespmem:s6+$0x30]  }
0x320: {  	[tilespmem:s1+$0x40] =	vst v13;
	v13 =	vadd.f32 v16, v3;
	v16 =	vld [tilespmem:s6+$0x40]  }
0x321: {  	[tilespmem:s1+$0x50] =	vst v11;
	v11 =	vld [tilespmem:s6+$0x60];
	v9 =	vadd.f32 v10, v9  }
0x322: {  	v10 =	vld [tilespmem:s6+$0x50];
	[tilespmem:s1+$0x60] =	vst v13;
	v8 =	vadd.f32 v14, v8  }
0x323: {  	v7 =	vadd.f32 v15, v7;
	[tilespmem:s6+$0x70] =	vst v9  }
0x324: {  	[tilespmem:s6+$0x10] =	vst v8;
	v4 =	vadd.f32 v12, v4  }
0x325: {  	[tilespmem:s6+$0x20] =	vst v7;
	v5 =	vadd.f32 v16, v5  }
0x326: {  	[tilespmem:s6+$0x30] =	vst v4;
	v3 =	vadd.f32 v11, v3  }
0x327: {  	v4 =	vadd.f32 v10, v6;
	[tilespmem:s6+$0x40] =	vst v5  }
0x328: {  	[tilespmem:s6+$0x60] =	vst v3  }
0x329: {  	s1 =	sadd.s32 s30, s20;
	[tilespmem:s6+$0x50] =	vst v4  }
0x32a: {  	v25 =	vld [tilespmem:s1+$0x0]  }
0x32b: {  	v21 =	vld [tilespmem:s1+$0x10]  }
0x32c: {  	v20 =	vld [tilespmem:s1+$0x20]  }
0x32d: {  	v19 =	vld [tilespmem:s1+$0x30]  }
0x32e: {  	v26 =	vld [tilespmem:s1+$0x40]  }
0x32f: {  	v24 =	vld [tilespmem:s1+$0x50]  }
0x330: {  	v23 =	vld [tilespmem:s1+$0x60]  }
0x331: {  	s6 =	sadd.s32 s30, s21;
	v22 =	vld [tilespmem:s1+$0x70]  }
0x332: {  	v18 =	vld [tilespmem:s6+$0x0]  }
0x333: {  	v13 =	vld [tilespmem:s6+$0x10]  }
0x334: {  	v12 =	vld [tilespmem:s6+$0x20]  }
0x335: {  	v11 =	vld [tilespmem:s6+$0x30]  }
0x336: {  	v17 =	vld [tilespmem:s6+$0x40]  }
0x337: {  	s7 =	simm.s32 $0x0;
	v16 =	vld [tilespmem:s6+$0x50]  }
0x338: {  	v15 =	vld [tilespmem:s6+$0x60];
	s1 =	smul.u32 $0x6000, s7  }
0x339: {  	s10 =	sadd.s32 s30, s22;
	s11 =	simm.s32 $0x0;
	v14 =	vld [tilespmem:s6+$0x70]  }
0x33a: {  	v10 =	vld [tilespmem:s10+$0x0];
	s6 =	sand.u32 $0x380, s11;
	s1 =	sshra.s32 s1, $0x2  }
0x33b: {  	v4 =	vld [tilespmem:s10+$0x10];
	s1 =	sor.u32 s6, s1  }
0x33c: {  	v27 =	vld [tilespmem:s1+$0x10400]  }
0x33d: {  	v5 =	vld [tilespmem:s10+$0x20]  }
0x33e: {  	v9 =	vld [tilespmem:s10+$0x30]  }
0x33f: {  	v8 =	vld [tilespmem:s10+$0x40]  }
0x340: {  	v7 =	vld [tilespmem:s10+$0x50]  }
0x341: {  	v6 =	vld [tilespmem:s10+$0x60];
	v27 =	vadd.f32 v27, v25  }
0x342: {  	v3 =	vld [tilespmem:s10+$0x70];
	s14 =	sadd.s32 $0x10400, s1  }
0x343: {  	v28 =	vld [tilespmem:s14+$0x40];
	[tilespmem:s1+$0x10400] =	vst v27  }
0x344: {  	v27 =	vld [tilespmem:s14+$0x50]  }
0x345: {  	v29 =	vld [tilespmem:s14+$0x60]  }
0x346: {  	v31 =	vld [tilespmem:s14+$0x10]  }
0x347: {  	v30 =	vld [tilespmem:s14+$0x70]  }
0x348: {  	v28 =	vadd.f32 v28, v26;
	v32 =	vld [tilespmem:s14+$0x20]  }
0x349: {  	v33 =	vld [tilespmem:s14+$0x30];
	v27 =	vadd.f32 v27, v24  }
0x34a: {  	[tilespmem:s14+$0x40] =	vst v28;
	v28 =	vadd.f32 v29, v23  }
0x34b: {  	v29 =	vadd.f32 v31, v21;
	[tilespmem:s14+$0x50] =	vst v27  }
0x34c: {  	v27 =	vadd.f32 v30, v22;
	[tilespmem:s14+$0x60] =	vst v28  }
0x34d: {  	v28 =	vadd.f32 v32, v20;
	[tilespmem:s14+$0x10] =	vst v29  }
0x34e: {  	[tilespmem:s14+$0x70] =	vst v27;
	v27 =	vadd.f32 v33, v19  }
0x34f: {  	s7 =	simm.s32 $0x0;
	[tilespmem:s14+$0x20] =	vst v28  }
0x350: {  	s6 =	smul.u32 $0x6000, s7;
	[tilespmem:s14+$0x30] =	vst v27  }
0x351: {  	s7 =	simm.s32 $0x80;
	v27 =	vld [tilespmem:s1+$0x10800]  }
0x352: {  	s10 =	sand.u32 $0x380, s7;
	s11 =	sadd.s32 $0x10800, s1;
	s6 =	sshra.s32 s6, $0x2  }
0x353: {  	s7 =	sor.u32 s10, s6;
	v30 =	vld [tilespmem:s11+$0x40]  }
0x354: {  	s0 =	sadd.s32 $0x10400, s7;
	v28 =	vld [tilespmem:s7+$0x10400]  }
0x355: {  	v29 =	vld [tilespmem:s0+$0x40]  }
0x356: {  	v27 =	vadd.f32 v27, v18  }
0x357: {  	v53 =	vld [tilespmem:s11+$0x60]  }
0x358: {  	v31 =	vld [tilespmem:s11+$0x50];
	v30 =	vadd.f32 v30, v17;
	[tilespmem:s1+$0x10800] =	vst v27  }
0x359: {  	v27 =	vadd.f32 v28, v25;
	v28 =	vld [tilespmem:s11+$0x70]  }
0x35a: {  	v29 =	vadd.f32 v29, v26;
	v54 =	vld [tilespmem:s11+$0x10];
	[tilespmem:s11+$0x40] =	vst v30  }
0x35b: {  	[tilespmem:s7+$0x10400] =	vst v27;
	v27 =	vld [tilespmem:s11+$0x20]  }
0x35c: {  	v30 =	vadd.f32 v53, v15;
	[tilespmem:s0+$0x40] =	vst v29;
	v29 =	vld [tilespmem:s11+$0x30]  }
0x35d: {  	v31 =	vadd.f32 v31, v16;
	v34 =	vld [tilespmem:s0+$0x50]  }
0x35e: {  	[tilespmem:s11+$0x60] =	vst v30;
	v30 =	vld [tilespmem:s0+$0x10];
	v28 =	vadd.f32 v28, v14  }
0x35f: {  	[tilespmem:s11+$0x50] =	vst v31;
	v55 =	vld [tilespmem:s0+$0x60];
	v33 =	vadd.f32 v54, v13  }
0x360: {  	v31 =	vld [tilespmem:s0+$0x70];
	v27 =	vadd.f32 v27, v12;
	[tilespmem:s11+$0x70] =	vst v28  }
0x361: {  	v28 =	vld [tilespmem:s0+$0x20];
	[tilespmem:s11+$0x10] =	vst v33;
	v29 =	vadd.f32 v29, v11  }
0x362: {  	v56 =	vld [tilespmem:s0+$0x30];
	v34 =	vadd.f32 v34, v24;
	[tilespmem:s11+$0x20] =	vst v27  }
0x363: {  	v30 =	vadd.f32 v30, v21;
	[tilespmem:s11+$0x30] =	vst v29  }
0x364: {  	v27 =	vadd.f32 v55, v23;
	[tilespmem:s0+$0x50] =	vst v34  }
0x365: {  	v29 =	vadd.f32 v31, v22;
	[tilespmem:s0+$0x10] =	vst v30;
	v31 =	vld [tilespmem:s1+$0x10C00]  }
0x366: {  	s14 =	simm.s32 $0x0;
	[tilespmem:s0+$0x60] =	vst v27;
	v27 =	vadd.f32 v28, v20  }
0x367: {  	s6 =	smul.u32 $0x6000, s14;
	[tilespmem:s0+$0x70] =	vst v29;
	v28 =	vadd.f32 v56, v19  }
0x368: {  	s10 =	simm.s32 $0x100;
	[tilespmem:s0+$0x20] =	vst v27  }
0x369: {  	s10 =	sand.u32 $0x380, s10;
	s6 =	sshra.s32 s6, $0x2;
	[tilespmem:s0+$0x30] =	vst v28  }
0x36a: {  	s0 =	sor.u32 s10, s6;
	v27 =	vadd.f32 v31, v10;
	v28 =	vld [tilespmem:s7+$0x10800]  }
0x36b: {  	s10 =	sadd.s32 $0x10800, s7;
	v29 =	vld [tilespmem:s0+$0x10400]  }
0x36c: {  	s31 =	sadd.s32 $0x10C00, s1;
	v31 =	vld [tilespmem:s10+$0x40];
	[tilespmem:s1+$0x10C00] =	vst v27  }
0x36d: {  	s1 =	sadd.s32 $0x10400, s0;
	v27 =	vld [tilespmem:s31+$0x30]  }
0x36e: {  	v30 =	vld [tilespmem:s1+$0x40]  }
0x36f: {  	v28 =	vadd.f32 v28, v18  }
0x370: {  	v58 =	vld [tilespmem:s10+$0x60]  }
0x371: {  	v57 =	vld [tilespmem:s10+$0x50];
	v29 =	vadd.f32 v29, v25;
	[tilespmem:s7+$0x10800] =	vst v28  }
0x372: {  	v31 =	vadd.f32 v31, v17;
	v28 =	vld [tilespmem:s10+$0x70]  }
0x373: {  	[tilespmem:s0+$0x10400] =	vst v29;
	v27 =	vadd.f32 v27, v9;
	v29 =	vadd.f32 v30, v26;
	v30 =	vld [tilespmem:s10+$0x10]  }
0x374: {  	v34 =	vld [tilespmem:s10+$0x20];
	[tilespmem:s10+$0x40] =	vst v31  }
0x375: {  	v31 =	vadd.f32 v58, v15;
	[tilespmem:s31+$0x30] =	vst v27;
	v27 =	vld [tilespmem:s10+$0x30]  }
0x376: {  	v59 =	vld [tilespmem:s1+$0x50];
	[tilespmem:s1+$0x40] =	vst v29;
	v29 =	vadd.f32 v57, v16  }
0x377: {  	v60 =	vld [tilespmem:s1+$0x60];
	[tilespmem:s10+$0x60] =	vst v31;
	v28 =	vadd.f32 v28, v14  }
0x378: {  	v31 =	vld [tilespmem:s1+$0x10];
	[tilespmem:s10+$0x50] =	vst v29;
	v30 =	vadd.f32 v30, v13  }
0x379: {  	v29 =	vld [tilespmem:s1+$0x70];
	v34 =	vadd.f32 v34, v12;
	[tilespmem:s10+$0x70] =	vst v28  }
0x37a: {  	v28 =	vld [tilespmem:s1+$0x20];
	[tilespmem:s10+$0x10] =	vst v30;
	v27 =	vadd.f32 v27, v11  }
0x37b: {  	v32 =	vadd.f32 v59, v24;
	v30 =	vld [tilespmem:s1+$0x30];
	[tilespmem:s10+$0x20] =	vst v34  }
0x37c: {  	v62 =	vld [tilespmem:s31+$0x20];
	v33 =	vadd.f32 v60, v23;
	[tilespmem:s10+$0x30] =	vst v27  }
0x37d: {  	[tilespmem:s1+$0x50] =	vst v32;
	v31 =	vadd.f32 v31, v21;
	v61 =	vld [tilespmem:s7+$0x10C00]  }
0x37e: {  	[tilespmem:s1+$0x60] =	vst v33;
	v27 =	vld [tilespmem:s31+$0x10];
	v29 =	vadd.f32 v29, v22  }
0x37f: {  	s11 =	simm.s32 $0x0;
	[tilespmem:s1+$0x10] =	vst v31;
	v31 =	vld [tilespmem:s31+$0x50];
	v28 =	vadd.f32 v28, v20  }
0x380: {  	s14 =	smul.u32 $0x6000, s11;
	[tilespmem:s1+$0x70] =	vst v29;
	v29 =	vld [tilespmem:s31+$0x40];
	v30 =	vadd.f32 v30, v19  }
0x381: {  	s6 =	simm.s32 $0x180;
	v33 =	vadd.f32 v62, v5;
	[tilespmem:s1+$0x20] =	vst v28;
	v28 =	vld [tilespmem:s31+$0x60]  }
0x382: {  	s11 =	sand.u32 $0x380, s6;
	v63 =	vld [tilespmem:s31+$0x70];
	s10 =	sshra.s32 s14, $0x2;
	[tilespmem:s1+$0x30] =	vst v30;
	v32 =	vadd.f32 v61, v10  }
0x383: {  	[tilespmem:s31+$0x20] =	vst v33;
	v27 =	vadd.f32 v27, v4;
	s1 =	sor.u32 s11, s10;
	v35 =	vld [tilespmem:s0+$0x10800]  }
0x384: {  	s11 =	sadd.s32 $0x10C00, s7;
	v31 =	vadd.f32 v31, v7;
	v30 =	vld [tilespmem:s1+$0x10400];
	[tilespmem:s7+$0x10C00] =	vst v32  }
0x385: {  	[tilespmem:s31+$0x10] =	vst v27;
	v29 =	vadd.f32 v29, v8;
	s7 =	sadd.s32 $0x10400, s1;
	v27 =	vld [tilespmem:s11+$0x30]  }
0x386: {  	s10 =	sadd.s32 $0x10800, s0;
	[tilespmem:s31+$0x50] =	vst v31;
	v32 =	vld [tilespmem:s7+$0x40];
	v36 =	vadd.f32 v28, v6  }
0x387: {  	v31 =	vadd.f32 v63, v3;
	[tilespmem:s31+$0x40] =	vst v29;
	v28 =	vld [tilespmem:s10+$0x40]  }
0x388: {  	s14 =	simm.s32 $0x4;
	v29 =	vld [tilespmem:s10+$0x50];
	v33 =	vadd.f32 v35, v18;
	[tilespmem:s31+$0x60] =	vst v36  }
.LBB2_13:
0x389: {  	p0 =	sne.s32 s14, $0x1F;
	v30 =	vadd.f32 v30, v25;
	v34 =	vld [tilespmem:s10+$0x60];
	[tilespmem:s31+$0x70] =	vst v31;
	s31 =	smov.u32 s11  }
0x38a: {  	[tilespmem:s0+$0x10800] =	vst v33;
	v31 =	vld [tilespmem:s10+$0x70];
	v27 =	vadd.f32 v27, v9  }
0x38b: {  	[tilespmem:s1+$0x10400] =	vst v30;
	v30 =	vadd.f32 v32, v26;
	v32 =	vld [tilespmem:s10+$0x10]  }
0x38c: {  	v33 =	vld [tilespmem:s10+$0x20];
	v28 =	vadd.f32 v28, v17;
	[tilespmem:s31+$0x30] =	vst v27  }
0x38d: {  	[tilespmem:s7+$0x40] =	vst v30;
	v27 =	vld [tilespmem:s10+$0x30];
	v29 =	vadd.f32 v29, v16  }
0x38e: {  	v30 =	vld [tilespmem:s7+$0x50];
	[tilespmem:s10+$0x40] =	vst v28;
	v28 =	vadd.f32 v34, v15  }
0x38f: {  	v34 =	vld [tilespmem:s7+$0x60];
	[tilespmem:s10+$0x50] =	vst v29;
	v29 =	vadd.f32 v31, v14  }
0x390: {  	v31 =	vld [tilespmem:s7+$0x70];
	v32 =	vadd.f32 v32, v13;
	[tilespmem:s10+$0x60] =	vst v28  }
0x391: {  	v28 =	vld [tilespmem:s7+$0x10];
	v33 =	vadd.f32 v33, v12;
	[tilespmem:s10+$0x70] =	vst v29  }
0x392: {  	v29 =	vld [tilespmem:s7+$0x20];
	[tilespmem:s10+$0x10] =	vst v32;
	v27 =	vadd.f32 v27, v11  }
0x393: {  	v32 =	vld [tilespmem:s7+$0x30];
	v30 =	vadd.f32 v30, v24;
	[tilespmem:s10+$0x20] =	vst v33  }
0x394: {  	v33 =	vadd.f32 v34, v23;
	[tilespmem:s10+$0x30] =	vst v27;
	v27 =	vld [tilespmem:s31+$0x10]  }
0x395: {  	[tilespmem:s7+$0x50] =	vst v30;
	v30 =	vadd.f32 v31, v22;
	v31 =	vld [tilespmem:s0+$0x10C00]  }
0x396: {  	v28 =	vadd.f32 v28, v21;
	[tilespmem:s7+$0x60] =	vst v33;
	v33 =	vld [tilespmem:s31+$0x20]  }
0x397: {  	s10 =	sshrl.u32 s14, $0x3;
	v29 =	vadd.f32 v29, v20;
	[tilespmem:s7+$0x70] =	vst v30;
	v34 =	vld [tilespmem:s31+$0x40]  }
0x398: {  	s10 =	smul.u32 $0x6000, s10;
	[tilespmem:s7+$0x10] =	vst v28;
	v28 =	vadd.f32 v32, v19;
	v32 =	vld [tilespmem:s31+$0x50]  }
0x399: {  	s6 =	sadd.s32 $0x80, s6;
	[tilespmem:s7+$0x20] =	vst v29;
	v27 =	vadd.f32 v27, v4;
	v29 =	vld [tilespmem:s31+$0x60]  }
0x39a: {  	s11 =	sand.u32 $0x380, s6;
	s10 =	sshra.s32 s10, $0x2;
	[tilespmem:s7+$0x30] =	vst v28;
	v28 =	vadd.f32 v31, v10;
	v31 =	vld [tilespmem:s31+$0x70]  }
0x39b: {  	s10 =	sor.u32 s11, s10;
	v35 =	vld [tilespmem:s1+$0x10800];
	[tilespmem:s31+$0x10] =	vst v27;
	v33 =	vadd.f32 v33, v5  }
.Ltmp5:
0x39c: {  	s11 =	sadd.s32 $0x10C00, s0;
	v30 =	vld [tilespmem:s10+$0x10400];
	[tilespmem:s0+$0x10C00] =	vst v28;
	v28 =	vadd.f32 v34, v8;
	s0 =	smov.u32 s1;
	(pc) =	sbr.rel @p0 .LBB2_13-.Ltmp5, $4  }
0x39d: {  	s7 =	sadd.s32 $0x10400, s10;
	s1 =	smov.u32 s10;
	v27 =	vld [tilespmem:s11+$0x30];
	[tilespmem:s31+$0x20] =	vst v33;
	v33 =	vadd.f32 v32, v7  }
0x39e: {  	s10 =	sadd.s32 $0x10800, s0;
	v32 =	vld [tilespmem:s7+$0x40];
	[tilespmem:s31+$0x40] =	vst v28;
	v34 =	vadd.f32 v29, v6  }
0x39f: {  	v28 =	vld [tilespmem:s10+$0x40];
	[tilespmem:s31+$0x50] =	vst v33;
	v31 =	vadd.f32 v31, v3  }
0x3a0: {  	s14 =	sadd.s32 $0x1, s14;
	v33 =	vadd.f32 v35, v18;
	v29 =	vld [tilespmem:s10+$0x50];
	[tilespmem:s31+$0x60] =	vst v34  }
0x3a1: {  	v25 =	vadd.f32 v30, v25;
	_ =	sdelay $0x1  }
0x3a2: {  	v26 =	vadd.f32 v32, v26;
	[tilespmem:s1+$0x10400] =	vst v25  }
0x3a3: {  	v30 =	vld [tilespmem:s7+$0x60]  }
0x3a4: {  	[tilespmem:s7+$0x40] =	vst v26;
	v26 =	vld [tilespmem:s7+$0x50]  }
0x3a5: {  	v47 =	vld [tilespmem:s7+$0x70]  }
0x3a6: {  	v34 =	vld [tilespmem:s7+$0x10]  }
0x3a7: {  	v35 =	vld [tilespmem:s7+$0x20];
	_ =	sdelay $0x1  }
0x3a8: {  	v23 =	vadd.f32 v30, v23;
	v24 =	vadd.f32 v26, v24;
	v26 =	vld [tilespmem:s7+$0x30]  }
0x3a9: {  	v25 =	vld [tilespmem:s10+$0x60];
	[tilespmem:s0+$0x10800] =	vst v33;
	v22 =	vadd.f32 v47, v22  }
0x3aa: {  	v21 =	vadd.f32 v34, v21;
	[tilespmem:s7+$0x60] =	vst v23  }
0x3ab: {  	v20 =	vadd.f32 v35, v20;
	[tilespmem:s7+$0x70] =	vst v22  }
0x3ac: {  	[tilespmem:s7+$0x10] =	vst v21  }
0x3ad: {  	[tilespmem:s7+$0x20] =	vst v20;
	v19 =	vadd.f32 v26, v19  }
0x3ae: {  	[tilespmem:s7+$0x50] =	vst v24  }
0x3af: {  	v21 =	vld [tilespmem:s10+$0x70];
	[tilespmem:s7+$0x30] =	vst v19  }
0x3b0: {  	v23 =	vadd.f32 v28, v17;
	v20 =	vld [tilespmem:s1+$0x10800]  }
0x3b1: {  	v19 =	vld [tilespmem:s10+$0x10]  }
0x3b2: {  	v22 =	vld [tilespmem:s10+$0x20];
	[tilespmem:s10+$0x40] =	vst v23;
	v23 =	vadd.f32 v25, v15  }
0x3b3: {  	[tilespmem:s31+$0x70] =	vst v31;
	v26 =	vadd.f32 v29, v16  }
0x3b4: {  	s6 =	sadd.s32 $0x10800, s1;
	v24 =	vld [tilespmem:s10+$0x30];
	[tilespmem:s10+$0x60] =	vst v23;
	v21 =	vadd.f32 v21, v14  }
0x3b5: {  	[tilespmem:s10+$0x50] =	vst v26;
	v25 =	vld [tilespmem:s6+$0x40];
	v18 =	vadd.f32 v20, v18  }
0x3b6: {  	[tilespmem:s10+$0x70] =	vst v21;
	v21 =	vld [tilespmem:s6+$0x60];
	v19 =	vadd.f32 v19, v13  }
0x3b7: {  	v22 =	vadd.f32 v22, v12;
	v20 =	vld [tilespmem:s6+$0x50];
	[tilespmem:s1+$0x10800] =	vst v18  }
0x3b8: {  	v23 =	vadd.f32 v27, v9;
	[tilespmem:s10+$0x10] =	vst v19;
	v19 =	vld [tilespmem:s6+$0x70]  }
0x3b9: {  	[tilespmem:s10+$0x20] =	vst v22;
	v18 =	vadd.f32 v24, v11;
	v22 =	vld [tilespmem:s6+$0x10]  }
0x3ba: {  	[tilespmem:s11+$0x30] =	vst v23;
	v17 =	vadd.f32 v25, v17;
	v23 =	vld [tilespmem:s6+$0x30]  }
0x3bb: {  	v15 =	vadd.f32 v21, v15;
	[tilespmem:s10+$0x30] =	vst v18;
	v18 =	vld [tilespmem:s6+$0x20]  }
0x3bc: {  	[tilespmem:s6+$0x40] =	vst v17;
	v16 =	vadd.f32 v20, v16;
	v20 =	vld [tilespmem:s0+$0x10C00]  }
0x3bd: {  	v17 =	vld [tilespmem:s11+$0x10];
	[tilespmem:s6+$0x60] =	vst v15;
	v14 =	vadd.f32 v19, v14  }
0x3be: {  	[tilespmem:s6+$0x50] =	vst v16;
	v16 =	vld [tilespmem:s11+$0x20];
	v13 =	vadd.f32 v22, v13  }
0x3bf: {  	v15 =	vld [tilespmem:s11+$0x40];
	v11 =	vadd.f32 v23, v11;
	[tilespmem:s6+$0x70] =	vst v14  }
0x3c0: {  	v12 =	vadd.f32 v18, v12;
	v14 =	vld [tilespmem:s11+$0x50];
	[tilespmem:s6+$0x10] =	vst v13  }
0x3c1: {  	v13 =	vld [tilespmem:s11+$0x60];
	v18 =	vadd.f32 v20, v10;
	[tilespmem:s6+$0x30] =	vst v11  }
0x3c2: {  	v11 =	vadd.f32 v17, v4;
	[tilespmem:s6+$0x20] =	vst v12;
	v12 =	vld [tilespmem:s11+$0x70]  }
0x3c3: {  	s14 =	sadd.s32 $0x10C00, s0;
	v16 =	vadd.f32 v16, v5;
	[tilespmem:s0+$0x10C00] =	vst v18;
	v17 =	vld [tilespmem:s1+$0x10C00]  }
0x3c4: {  	[tilespmem:s11+$0x10] =	vst v11;
	v11 =	vadd.f32 v15, v8;
	v15 =	vld [tilespmem:s14+$0x30]  }
0x3c5: {  	[tilespmem:s11+$0x20] =	vst v16;
	v16 =	vld [tilespmem:s14+$0x10];
	v14 =	vadd.f32 v14, v7  }
0x3c6: {  	[tilespmem:s11+$0x40] =	vst v11;
	v11 =	vadd.f32 v13, v6;
	v13 =	vld [tilespmem:s14+$0x20]  }
0x3c7: {  	v12 =	vadd.f32 v12, v3;
	[tilespmem:s11+$0x50] =	vst v14;
	v14 =	vld [tilespmem:s14+$0x40]  }
0x3c8: {  	[tilespmem:s11+$0x60] =	vst v11;
	v11 =	vld [tilespmem:s14+$0x50];
	v10 =	vadd.f32 v17, v10  }
0x3c9: {  	[tilespmem:s11+$0x70] =	vst v12;
	v12 =	vadd.f32 v15, v9;
	v15 =	vld [tilespmem:s14+$0x60]  }
0x3ca: {  	s31 =	sadd.s32 $0x10C00, s1;
	v17 =	vld [tilespmem:s14+$0x70];
	v16 =	vadd.f32 v16, v4;
	[tilespmem:s1+$0x10C00] =	vst v10  }
0x3cb: {  	[tilespmem:s14+$0x30] =	vst v12;
	v10 =	vadd.f32 v13, v5;
	v12 =	vld [tilespmem:s31+$0x30]  }
0x3cc: {  	[tilespmem:s14+$0x10] =	vst v16;
	v13 =	vadd.f32 v14, v8;
	v14 =	vld [tilespmem:s31+$0x10]  }
0x3cd: {  	[tilespmem:s14+$0x20] =	vst v10;
	v10 =	vadd.f32 v11, v7;
	v11 =	vld [tilespmem:s31+$0x20]  }
0x3ce: {  	[tilespmem:s14+$0x40] =	vst v13;
	v13 =	vadd.f32 v15, v6;
	v15 =	vld [tilespmem:s31+$0x40]  }
0x3cf: {  	v16 =	vld [tilespmem:s31+$0x50];
	[tilespmem:s14+$0x50] =	vst v10;
	v10 =	vadd.f32 v17, v3  }
0x3d0: {  	v9 =	vadd.f32 v12, v9;
	v12 =	vld [tilespmem:s31+$0x60];
	[tilespmem:s14+$0x60] =	vst v13  }
0x3d1: {  	[tilespmem:s14+$0x70] =	vst v10;
	v10 =	vld [tilespmem:s31+$0x70];
	v4 =	vadd.f32 v14, v4  }
0x3d2: {  	[tilespmem:s31+$0x30] =	vst v9;
	v5 =	vadd.f32 v11, v5  }
0x3d3: {  	[tilespmem:s31+$0x10] =	vst v4;
	v4 =	vadd.f32 v15, v8  }
0x3d4: {  	[tilespmem:s31+$0x20] =	vst v5;
	v5 =	vadd.f32 v16, v7  }
0x3d5: {  	[tilespmem:s31+$0x40] =	vst v4;
	v4 =	vadd.f32 v12, v6  }
0x3d6: {  	s1 =	sor.u32 s30, s25;
	[tilespmem:s31+$0x50] =	vst v5;
	v3 =	vadd.f32 v10, v3  }
0x3d7: {  	s0 =	sshrl.u32 s1, $0x3;
	[tilespmem:s31+$0x60] =	vst v4  }
0x3d8: {  	s7 =	simm.s32 $0xF800;
	s0 =	sadd.s32 s3, s0;
	[tilespmem:s31+$0x70] =	vst v3  }
0x3d9: {  	[hbm4b:s0+s5] =	stream.strided.scatter [tilespmem:s7], [sflag:$0x7], $0x400, s13, s5, $0x38;
	[tilespmem:$0x1B800] =	vst v63  }
0x3da: {  	s11 =	simm.s32 $0xFC00;
	s10 =	sadd.s32 $0x80, s0  }
0x3db: {  	[hbm4b:s10+s5] =	stream.strided.scatter [tilespmem:s11], [sflag:$0x7], $0x400, s13, s5, $0x38;
	[tilespmem:$0x1B800] =	vst v63  }
0x3dc: {  	s25 =	simm.s32 $0x10000;
	s14 =	sadd.s32 $0x100, s0  }
0x3dd: {  	[hbm4b:s14+s5] =	stream.strided.scatter [tilespmem:s25], [sflag:$0x7], $0x400, s13, s5, $0x38;
	[tilespmem:$0x1B800] =	vst v63  }
0x3de: {  	s30 =	sadd.s32 $0x180, s0;
	s31 =	simm.s32 $0x10400  }
0x3df: {  	[hbm4b:s30+s5] =	stream.strided.scatter [tilespmem:s31], [sflag:$0x7], $0x400, s13, s5, $0x38;
	[tilespmem:$0x1B800] =	vst v63  }
0x3e0: {  	s7 =	sadd.s32 $0x200, s0;
	s10 =	simm.s32 $0x10800  }
0x3e1: {  	[hbm4b:s7+s5] =	stream.strided.scatter [tilespmem:s10], [sflag:$0x7], $0x400, s13, s5, $0x38;
	[tilespmem:$0x1B800] =	vst v63  }
0x3e2: {  	s11 =	sadd.s32 $0x280, s0;
	s14 =	simm.s32 $0x10C00  }
0x3e3: {  	[hbm4b:s11+s5] =	stream.strided.scatter [tilespmem:s14], [sflag:$0x7], $0x400, s13, s5, $0x38;
	[tilespmem:$0x1B800] =	vst v63  }
0x3e4: {  	s1 =	sadd.s32 $0x60000, s0;
	s25 =	simm.s32 $0x11000  }
0x3e5: {  	[hbm4b:s1+s5] =	stream.strided.scatter [tilespmem:s25], [sflag:$0x7], $0x400, s13, s5, $0x38;
	[tilespmem:$0x1B800] =	vst v63  }
0x3e6: {  	s30 =	sadd.s32 $0x80, s1;
	s31 =	simm.s32 $0x11400  }
0x3e7: {  	[hbm4b:s30+s5] =	stream.strided.scatter [tilespmem:s31], [sflag:$0x7], $0x400, s13, s5, $0x38;
	[tilespmem:$0x1B800] =	vst v63  }
0x3e8: {  	s10 =	sadd.s32 $0x100, s1;
	s11 =	simm.s32 $0x11800  }
0x3e9: {  	[hbm4b:s10+s5] =	stream.strided.scatter [tilespmem:s11], [sflag:$0x7], $0x400, s13, s5, $0x38;
	[tilespmem:$0x1B800] =	vst v63  }
0x3ea: {  	s14 =	sadd.s32 $0x180, s1;
	s25 =	simm.s32 $0x11C00  }
0x3eb: {  	[hbm4b:s14+s5] =	stream.strided.scatter [tilespmem:s25], [sflag:$0x7], $0x400, s13, s5, $0x38;
	[tilespmem:$0x1B800] =	vst v63  }
0x3ec: {  	s30 =	sadd.s32 $0x200, s1;
	s31 =	simm.s32 $0x12000  }
0x3ed: {  	[hbm4b:s30+s5] =	stream.strided.scatter [tilespmem:s31], [sflag:$0x7], $0x400, s13, s5, $0x38;
	[tilespmem:$0x1B800] =	vst v63  }
0x3ee: {  	s1 =	sadd.s32 $0x280, s1;
	s10 =	simm.s32 $0x12400  }
0x3ef: {  	[hbm4b:s1+s5] =	stream.strided.scatter [tilespmem:s10], [sflag:$0x7], $0x400, s13, s5, $0x38;
	[tilespmem:$0x1B800] =	vst v63  }
0x3f0: {  	s11 =	simm.s32 $0x12800;
	s1 =	sadd.s32 $0xC0000, s0  }
0x3f1: {  	[hbm4b:s1+s5] =	stream.strided.scatter [tilespmem:s11], [sflag:$0x7], $0x400, s13, s5, $0x38;
	[tilespmem:$0x1B800] =	vst v63  }
0x3f2: {  	s25 =	simm.s32 $0x12C00;
	s14 =	sadd.s32 $0x80, s1  }
0x3f3: {  	[hbm4b:s14+s5] =	stream.strided.scatter [tilespmem:s25], [sflag:$0x7], $0x400, s13, s5, $0x38;
	[tilespmem:$0x1B800] =	vst v63  }
0x3f4: {  	s31 =	simm.s32 $0x13000;
	s30 =	sadd.s32 $0x100, s1  }
0x3f5: {  	[hbm4b:s30+s5] =	stream.strided.scatter [tilespmem:s31], [sflag:$0x7], $0x400, s13, s5, $0x38;
	[tilespmem:$0x1B800] =	vst v63  }
0x3f6: {  	s10 =	sadd.s32 $0x180, s1;
	s11 =	simm.s32 $0x13400  }
0x3f7: {  	[hbm4b:s10+s5] =	stream.strided.scatter [tilespmem:s11], [sflag:$0x7], $0x400, s13, s5, $0x38;
	[tilespmem:$0x1B800] =	vst v63  }
0x3f8: {  	s14 =	sadd.s32 $0x200, s1;
	s25 =	simm.s32 $0x13800  }
0x3f9: {  	[hbm4b:s14+s5] =	stream.strided.scatter [tilespmem:s25], [sflag:$0x7], $0x400, s13, s5, $0x38;
	[tilespmem:$0x1B800] =	vst v63  }
0x3fa: {  	s1 =	sadd.s32 $0x280, s1;
	s30 =	simm.s32 $0x13C00  }
0x3fb: {  	[hbm4b:s1+s5] =	stream.strided.scatter [tilespmem:s30], [sflag:$0x7], $0x400, s13, s5, $0x38;
	[tilespmem:$0x1B800] =	vst v63  }
0x3fc: {  	s0 =	sadd.s32 $0x120000, s0;
	s31 =	simm.s32 $0x14000  }
0x3fd: {  	[hbm4b:s0+s5] =	stream.strided.scatter [tilespmem:s31], [sflag:$0x7], $0x400, s13, s5, $0x38;
	[tilespmem:$0x1B800] =	vst v63  }
0x3fe: {  	s7 =	simm.s32 $0x14400;
	s6 =	sadd.s32 $0x80, s0  }
0x3ff: {  	[hbm4b:s6+s5] =	stream.strided.scatter [tilespmem:s7], [sflag:$0x7], $0x400, s13, s5, $0x38;
	[tilespmem:$0x1B800] =	vst v63  }
0x400: {  	s10 =	sadd.s32 $0x100, s0;
	s11 =	simm.s32 $0x14800  }
0x401: {  	[hbm4b:s10+s5] =	stream.strided.scatter [tilespmem:s11], [sflag:$0x7], $0x400, s13, s5, $0x38;
	[tilespmem:$0x1B800] =	vst v63  }
0x402: {  	s14 =	sadd.s32 $0x180, s0;
	s25 =	simm.s32 $0x14C00  }
0x403: {  	[hbm4b:s14+s5] =	stream.strided.scatter [tilespmem:s25], [sflag:$0x7], $0x400, s13, s5, $0x38;
	[tilespmem:$0x1B800] =	vst v63  }
0x404: {  	s30 =	sadd.s32 $0x200, s0;
	s31 =	simm.s32 $0x15000  }
0x405: {  	[hbm4b:s30+s5] =	stream.strided.scatter [tilespmem:s31], [sflag:$0x7], $0x400, s13, s5, $0x38;
	[tilespmem:$0x1B800] =	vst v63  }
0x406: {  	p0 =	sgt.u32 s29, $0x1D;
	s0 =	sadd.s32 $0x280, s0;
	s6 =	simm.s32 $0x15400  }
0x407: {  	[hbm4b:s0+s5] =	stream.strided.scatter [tilespmem:s6], [sflag:$0x7], $0x400, s13, s5, $0x38;
	[tilespmem:$0x1B800] =	vst v63  }
0x408: {  	s0 =	simm.s32 @!p0 $0x5  }
0x409: {  	_ =	swait.ge @!p0 [sflag:s0], $0x6000  }
0x40a: {  	[sflag:s0] =	ssyncset.done @!p0 $0x0  }
0x40b: {  	[sflag:s0] =	ssyncadd.s32 @!p0 $0xFFFFA000  }
0x40c: {  	v3 =	vld @!p0 [tilespmem:s19+$0x100];
	_ =	sdelay $0x4  }
0x40d: {  	v4 =	vshrl.u32 @!p0 v3, $0x3  }
0x40e: {  	v4 =	vmul.u32 @!p0 $0x30, v4  }
0x40f: {  	v5 =	vlaneseq.u32 @!p0;
	v3 =	vand.u32 @!p0 $0x7, v3  }
0x410: {  	v6 =	vshrl.u32 @!p0 v5, $0x3;
	v3 =	vor.u32 @!p0 v3, v4;
	v4 =	vand.u32 @!p0 $0x7, v5  }
0x411: {  	v6 =	vmul.u32 @!p0 $0x8, v6;
	v7 =	vperm.xlane @!p0 v3, v4;
	_ =	sdelay $0x1  }
0x412: {  	v7 =	vadd.s32 @!p0 v6, v7;
	_ =	sdelay $0x2  }
0x413: {  	v5 =	vor.u32 @!p0 $0x8, v5  }
0x414: {  	vm1 =	vmmov @!p0 $0xffff;
	s1 =	simm.s32 @!p0 $0x3800;
	s0 =	simm.s32 @!p0 $0x0;
	v3 =	vperm.xlane @!p0 v3, v5  }
0x415: {  	[tilespmem:s1], [sflag:$0x1] =	stream.indirect_vreg.gather @!p0 [hbm4b:s2+s0], $0x80, v7, vm1, $0xb8;
	[tilespmem:$0x1B800] =	vst v63  }
0x416: {  	v3 =	vadd.s32 @!p0 v6, v3;
	s1 =	simm.s32 @!p0 $0x4000  }
0x417: {  	[tilespmem:s1], [sflag:$0x1] =	stream.indirect_vreg.gather @!p0 [hbm4b:s8+s0], $0x80, v7, vm1, $0xb8;
	[tilespmem:$0x1B800] =	vst v63  }
0x418: {  	s1 =	simm.s32 @!p0 $0x4800  }
0x419: {  	[tilespmem:s1], [sflag:$0x1] =	stream.indirect_vreg.gather @!p0 [hbm4b:s9+s0], $0x80, v7, vm1, $0xb8;
	[tilespmem:$0x1B800] =	vst v63  }
0x41a: {  	s1 =	simm.s32 @!p0 $0x5000  }
0x41b: {  	[tilespmem:s1], [sflag:$0x1] =	stream.indirect_vreg.gather @!p0 [hbm4b:s2+s0], $0x80, v3, vm1, $0xb8;
	[tilespmem:$0x1B800] =	vst v63  }
0x41c: {  	s1 =	simm.s32 @!p0 $0x5800  }
0x41d: {  	[tilespmem:s1], [sflag:$0x1] =	stream.indirect_vreg.gather @!p0 [hbm4b:s8+s0], $0x80, v3, vm1, $0xb8;
	[tilespmem:$0x1B800] =	vst v63  }
0x41e: {  	s1 =	simm.s32 @!p0 $0x6000  }
0x41f: {  	[tilespmem:s1], [sflag:$0x1] =	stream.indirect_vreg.gather @!p0 [hbm4b:s9+s0], $0x80, v3, vm1, $0xb8;
	[tilespmem:$0x1B800] =	vst v63  }
0x420: {  	v3 =	vld @!p0 [tilespmem:s19+$0x110];
	_ =	sdelay $0x4  }
0x421: {  	v7 =	vshrl.u32 @!p0 v3, $0x3  }
0x422: {  	v7 =	vmul.u32 @!p0 $0x30, v7  }
0x423: {  	v3 =	vand.u32 @!p0 $0x7, v3  }
0x424: {  	v3 =	vor.u32 @!p0 v3, v7  }
0x425: {  	v4 =	vperm.xlane @!p0 v3, v4;
	_ =	sdelay $0x1  }
0x426: {  	v4 =	vadd.s32 @!p0 v6, v4;
	_ =	sdelay $0x3  }
0x427: {  	s1 =	simm.s32 @!p0 $0x6800;
	v3 =	vperm.xlane @!p0 v3, v5  }
0x428: {  	[tilespmem:s1], [sflag:$0x1] =	stream.indirect_vreg.gather @!p0 [hbm4b:s2+s0], $0x80, v4, vm1, $0xb8;
	[tilespmem:$0x1B800] =	vst v63  }
0x429: {  	v3 =	vadd.s32 @!p0 v6, v3;
	s1 =	simm.s32 @!p0 $0x7000  }
0x42a: {  	[tilespmem:s1], [sflag:$0x1] =	stream.indirect_vreg.gather @!p0 [hbm4b:s8+s0], $0x80, v4, vm1, $0xb8;
	[tilespmem:$0x1B800] =	vst v63  }
0x42b: {  	s1 =	simm.s32 @!p0 $0x7800  }
0x42c: {  	[tilespmem:s1], [sflag:$0x1] =	stream.indirect_vreg.gather @!p0 [hbm4b:s9+s0], $0x80, v4, vm1, $0xb8;
	[tilespmem:$0x1B800] =	vst v63  }
0x42d: {  	s1 =	simm.s32 @!p0 $0x8000  }
0x42e: {  	[tilespmem:s1], [sflag:$0x1] =	stream.indirect_vreg.gather @!p0 [hbm4b:s2+s0], $0x80, v3, vm1, $0xb8;
	[tilespmem:$0x1B800] =	vst v63  }
0x42f: {  	s1 =	simm.s32 @!p0 $0x8800  }
0x430: {  	[tilespmem:s1], [sflag:$0x1] =	stream.indirect_vreg.gather @!p0 [hbm4b:s8+s0], $0x80, v3, vm1, $0xb8;
	[tilespmem:$0x1B800] =	vst v63  }
0x431: {  	s25 =	sor.u32 $0x3, s28;
	s1 =	simm.s32 @!p0 $0x9000  }
0x432: {  	[tilespmem:s1], [sflag:$0x1] =	stream.indirect_vreg.gather @!p0 [hbm4b:s9+s0], $0x80, v3, vm1, $0xb8;
	[tilespmem:$0x1B800] =	vst v63  }
0x433: {  	s7 =	sshll.u32 s25, $0x6;
	_ =	swait.ge [sflag:s17], $0x6000  }
0x434: {  	s28 =	sand.u32 $0x380, s7;
	[sflag:s17] =	ssyncset.done $0x0  }
0x435: {  	s0 =	sadd.s32 s28, s23;
	[sflag:s17] =	ssyncadd.s32 $0xFFFFA000  }
0x436: {  	v25 =	vld [tilespmem:s0+$0x0]  }
0x437: {  	v13 =	vld [tilespmem:s0+$0x10]  }
0x438: {  	v12 =	vld [tilespmem:s0+$0x20]  }
0x439: {  	v10 =	vld [tilespmem:s0+$0x30]  }
0x43a: {  	v26 =	vld [tilespmem:s0+$0x40]  }
0x43b: {  	v24 =	vld [tilespmem:s0+$0x50]  }
0x43c: {  	v23 =	vld [tilespmem:s0+$0x60]  }
0x43d: {  	v22 =	vld [tilespmem:s0+$0x70]  }
0x43e: {  	v21 =	vld [tilespmem:s0+$0x400]  }
0x43f: {  	v20 =	vld [tilespmem:s0+$0x410]  }
0x440: {  	v19 =	vld [tilespmem:s0+$0x420]  }
0x441: {  	v18 =	vld [tilespmem:s0+$0x430]  }
0x442: {  	v17 =	vld [tilespmem:s0+$0x440]  }
0x443: {  	v16 =	vld [tilespmem:s0+$0x450]  }
0x444: {  	v15 =	vld [tilespmem:s0+$0x460]  }
0x445: {  	s10 =	sadd.s32 s28, s24;
	v14 =	vld [tilespmem:s0+$0x470]  }
0x446: {  	v11 =	vld [tilespmem:s10+$0x0]  }
0x447: {  	s11 =	simm.s32 $0x0;
	v4 =	vld [tilespmem:s10+$0x10]  }
0x448: {  	v3 =	vld [tilespmem:s10+$0x20];
	s0 =	smul.u32 $0x6000, s11  }
0x449: {  	s14 =	simm.s32 $0x0;
	v9 =	vld [tilespmem:s10+$0x30]  }
0x44a: {  	s6 =	sand.u32 $0x380, s14;
	v5 =	vld [tilespmem:s10+$0x40];
	s0 =	sshra.s32 s0, $0x2  }
0x44b: {  	v6 =	vld [tilespmem:s10+$0x50];
	s0 =	sor.u32 s6, s0  }
0x44c: {  	v27 =	vld [tilespmem:s0+$0x15800]  }
0x44d: {  	v7 =	vld [tilespmem:s10+$0x60];
	s6 =	sadd.s32 $0x15800, s0  }
0x44e: {  	v28 =	vld [tilespmem:s6+$0x40]  }
0x44f: {  	v29 =	vld [tilespmem:s6+$0x50]  }
0x450: {  	v30 =	vld [tilespmem:s6+$0x60]  }
0x451: {  	v31 =	vld [tilespmem:s6+$0x70];
	v27 =	vadd.f32 v27, v25  }
0x452: {  	v48 =	vld [tilespmem:s6+$0x400]  }
0x453: {  	v8 =	vld [tilespmem:s10+$0x70];
	[tilespmem:s0+$0x15800] =	vst v27;
	v27 =	vadd.f32 v28, v26  }
0x454: {  	v29 =	vadd.f32 v29, v24;
	v49 =	vld [tilespmem:s6+$0x420]  }
0x455: {  	v28 =	vld [tilespmem:s6+$0x410];
	[tilespmem:s6+$0x40] =	vst v27;
	v27 =	vadd.f32 v30, v23  }
0x456: {  	[tilespmem:s6+$0x50] =	vst v29;
	v29 =	vadd.f32 v31, v22  }
0x457: {  	v31 =	vld [tilespmem:s6+$0x440];
	[tilespmem:s6+$0x60] =	vst v27;
	v27 =	vadd.f32 v48, v21  }
0x458: {  	v30 =	vld [tilespmem:s6+$0x430];
	[tilespmem:s6+$0x70] =	vst v29  }
0x459: {  	v29 =	vld [tilespmem:s6+$0x460];
	[tilespmem:s6+$0x400] =	vst v27;
	v27 =	vadd.f32 v49, v19  }
0x45a: {  	v50 =	vld [tilespmem:s6+$0x450];
	v28 =	vadd.f32 v28, v20  }
0x45b: {  	[tilespmem:s6+$0x420] =	vst v27;
	v27 =	vld [tilespmem:s6+$0x20]  }
0x45c: {  	v31 =	vadd.f32 v31, v17;
	[tilespmem:s6+$0x410] =	vst v28;
	v28 =	vld [tilespmem:s6+$0x10]  }
0x45d: {  	s23 =	simm.s32 $0x0;
	v51 =	vld [tilespmem:s6+$0x470];
	v30 =	vadd.f32 v30, v18  }
0x45e: {  	s1 =	smul.u32 $0x6000, s23;
	v52 =	vld [tilespmem:s6+$0x30];
	[tilespmem:s6+$0x440] =	vst v31;
	v29 =	vadd.f32 v29, v15  }
0x45f: {  	s24 =	simm.s32 $0x80;
	[tilespmem:s6+$0x430] =	vst v30;
	v30 =	vadd.f32 v50, v16  }
0x460: {  	s7 =	sand.u32 $0x380, s24;
	s1 =	sshra.s32 s1, $0x2;
	[tilespmem:s6+$0x460] =	vst v29;
	v27 =	vadd.f32 v27, v12  }
0x461: {  	s1 =	sor.u32 s7, s1;
	[tilespmem:s6+$0x450] =	vst v30;
	v28 =	vadd.f32 v28, v13  }
0x462: {  	v30 =	vadd.f32 v51, v14;
	[tilespmem:s6+$0x20] =	vst v27;
	v27 =	vld [tilespmem:s1+$0x15800]  }
0x463: {  	s29 =	sadd.s32 $0x15800, s1;
	[tilespmem:s6+$0x10] =	vst v28;
	v28 =	vadd.f32 v52, v10  }
0x464: {  	[tilespmem:s6+$0x470] =	vst v30;
	v30 =	vld [tilespmem:s29+$0x50]  }
0x465: {  	v29 =	vld [tilespmem:s29+$0x40];
	[tilespmem:s6+$0x30] =	vst v28  }
0x466: {  	v28 =	vld [tilespmem:s0+$0x16000]  }
0x467: {  	v31 =	vld [tilespmem:s29+$0x60];
	v27 =	vadd.f32 v27, v25  }
0x468: {  	v53 =	vld [tilespmem:s29+$0x70]  }
0x469: {  	v54 =	vld [tilespmem:s29+$0x400];
	v30 =	vadd.f32 v30, v24;
	[tilespmem:s1+$0x15800] =	vst v27  }
0x46a: {  	v27 =	vadd.f32 v29, v26;
	v29 =	vld [tilespmem:s29+$0x410]  }
0x46b: {  	v28 =	vadd.f32 v28, v11;
	v55 =	vld [tilespmem:s29+$0x420];
	[tilespmem:s29+$0x50] =	vst v30  }
0x46c: {  	v56 =	vld [tilespmem:s29+$0x440];
	[tilespmem:s29+$0x40] =	vst v27;
	v27 =	vadd.f32 v31, v23  }
0x46d: {  	s23 =	sadd.s32 $0x16000, s0;
	v30 =	vadd.f32 v53, v22;
	v31 =	vld [tilespmem:s29+$0x430];
	[tilespmem:s0+$0x16000] =	vst v28  }
0x46e: {  	v28 =	vld [tilespmem:s23+$0x30];
	[tilespmem:s29+$0x60] =	vst v27;
	v27 =	vadd.f32 v54, v21  }
0x46f: {  	v57 =	vld [tilespmem:s29+$0x460];
	[tilespmem:s29+$0x70] =	vst v30;
	v29 =	vadd.f32 v29, v20  }
0x470: {  	v30 =	vld [tilespmem:s29+$0x450];
	[tilespmem:s29+$0x400] =	vst v27;
	v27 =	vadd.f32 v55, v19  }
0x471: {  	v58 =	vld [tilespmem:s29+$0x10];
	[tilespmem:s29+$0x410] =	vst v29  }
0x472: {  	v29 =	vld [tilespmem:s29+$0x470];
	[tilespmem:s29+$0x420] =	vst v27;
	v27 =	vadd.f32 v31, v18  }
0x473: {  	v28 =	vadd.f32 v28, v9  }
0x474: {  	v32 =	vadd.f32 v56, v17;
	v31 =	vld [tilespmem:s29+$0x20];
	[tilespmem:s29+$0x430] =	vst v27  }
0x475: {  	v27 =	vadd.f32 v30, v16;
	[tilespmem:s23+$0x30] =	vst v28;
	v28 =	vld [tilespmem:s29+$0x30]  }
0x476: {  	v59 =	vld [tilespmem:s23+$0x10];
	v60 =	vadd.f32 v58, v13;
	[tilespmem:s29+$0x440] =	vst v32  }
0x477: {  	s30 =	simm.s32 $0x0;
	v30 =	vadd.f32 v57, v15;
	[tilespmem:s29+$0x450] =	vst v27;
	v27 =	vadd.f32 v29, v14;
	v29 =	vld [tilespmem:s23+$0x20]  }
0x478: {  	s0 =	smul.u32 $0x6000, s30;
	v61 =	vld [tilespmem:s23+$0x40];
	[tilespmem:s29+$0x10] =	vst v60  }
0x479: {  	s6 =	simm.s32 $0x100;
	v62 =	vld [tilespmem:s23+$0x50];
	[tilespmem:s29+$0x460] =	vst v30;
	v30 =	vadd.f32 v31, v12  }
0x47a: {  	s31 =	sand.u32 $0x380, s6;
	s0 =	sshra.s32 s0, $0x2;
	[tilespmem:s29+$0x470] =	vst v27;
	v27 =	vadd.f32 v28, v10;
	v28 =	vld [tilespmem:s23+$0x60]  }
0x47b: {  	v36 =	vld [tilespmem:s23+$0x70];
	s7 =	sor.u32 s31, s0;
	v31 =	vadd.f32 v59, v4;
	[tilespmem:s29+$0x20] =	vst v30  }
0x47c: {  	v30 =	vld [tilespmem:s7+$0x15800];
	[tilespmem:s29+$0x30] =	vst v27;
	v29 =	vadd.f32 v29, v3  }
0x47d: {  	s11 =	sadd.s32 $0x15800, s7;
	v63 =	vadd.f32 v61, v5;
	[tilespmem:s23+$0x10] =	vst v31;
	v27 =	vld [tilespmem:s1+$0x16000]  }
0x47e: {  	v31 =	vld [tilespmem:s11+$0x40];
	[tilespmem:s23+$0x20] =	vst v29;
	v29 =	vadd.f32 v62, v6  }
0x47f: {  	v33 =	vld [tilespmem:s11+$0x50];
	[tilespmem:s23+$0x40] =	vst v63;
	v28 =	vadd.f32 v28, v7  }
0x480: {  	s10 =	simm.s32 $0x3;
	s0 =	sshrl.u32 s25, $0x1;
	v32 =	vld [tilespmem:s11+$0x60];
	[tilespmem:s23+$0x50] =	vst v29;
	v29 =	vadd.f32 v36, v8  }
.LBB2_15:
0x481: {  	p0 =	sne.s32 s10, $0x1F;
	v30 =	vadd.f32 v30, v25;
	v34 =	vld [tilespmem:s11+$0x70];
	[tilespmem:s23+$0x60] =	vst v28  }
0x482: {  	v28 =	vld [tilespmem:s11+$0x400];
	v27 =	vadd.f32 v27, v11;
	[tilespmem:s23+$0x70] =	vst v29  }
0x483: {  	[tilespmem:s7+$0x15800] =	vst v30;
	v29 =	vadd.f32 v31, v26;
	v30 =	vld [tilespmem:s11+$0x410]  }
0x484: {  	s23 =	sadd.s32 $0x16000, s1;
	v31 =	vadd.f32 v33, v24;
	v33 =	vld [tilespmem:s11+$0x420];
	[tilespmem:s1+$0x16000] =	vst v27;
	s1 =	smov.u32 s7  }
0x485: {  	[tilespmem:s11+$0x40] =	vst v29;
	v27 =	vadd.f32 v32, v23;
	v29 =	vld [tilespmem:s23+$0x30]  }
0x486: {  	[tilespmem:s11+$0x50] =	vst v31;
	v31 =	vadd.f32 v34, v22;
	v32 =	vld [tilespmem:s11+$0x430]  }
0x487: {  	[tilespmem:s11+$0x60] =	vst v27;
	v27 =	vadd.f32 v28, v21;
	v28 =	vld [tilespmem:s11+$0x440]  }
0x488: {  	[tilespmem:s11+$0x70] =	vst v31;
	v30 =	vadd.f32 v30, v20;
	v31 =	vld [tilespmem:s11+$0x450]  }
0x489: {  	[tilespmem:s11+$0x400] =	vst v27;
	v27 =	vadd.f32 v33, v19;
	v33 =	vld [tilespmem:s11+$0x460]  }
0x48a: {  	[tilespmem:s11+$0x410] =	vst v30;
	v30 =	vld [tilespmem:s11+$0x470];
	v29 =	vadd.f32 v29, v9  }
0x48b: {  	v34 =	vld [tilespmem:s11+$0x10];
	[tilespmem:s11+$0x420] =	vst v27;
	v27 =	vadd.f32 v32, v18  }
0x48c: {  	v32 =	vld [tilespmem:s11+$0x20];
	v28 =	vadd.f32 v28, v17;
	[tilespmem:s23+$0x30] =	vst v29  }
0x48d: {  	v29 =	vld [tilespmem:s11+$0x30];
	[tilespmem:s11+$0x430] =	vst v27;
	v27 =	vadd.f32 v31, v16  }
0x48e: {  	[tilespmem:s11+$0x440] =	vst v28;
	v28 =	vadd.f32 v33, v15;
	v31 =	vld [tilespmem:s23+$0x10]  }
0x48f: {  	s7 =	sshrl.u32 s10, $0x3;
	[tilespmem:s11+$0x450] =	vst v27;
	v27 =	vadd.f32 v30, v14;
	v33 =	vld [tilespmem:s23+$0x20]  }
0x490: {  	s7 =	smul.u32 $0x6000, s7;
	v30 =	vadd.f32 v34, v13;
	[tilespmem:s11+$0x460] =	vst v28;
	v28 =	vld [tilespmem:s23+$0x40]  }
0x491: {  	s6 =	sadd.s32 $0x80, s6;
	v32 =	vadd.f32 v32, v12;
	[tilespmem:s11+$0x470] =	vst v27;
	v34 =	vld [tilespmem:s23+$0x50]  }
0x492: {  	s14 =	sand.u32 $0x380, s6;
	s7 =	sshra.s32 s7, $0x2;
	[tilespmem:s11+$0x10] =	vst v30;
	v27 =	vadd.f32 v29, v10;
	v29 =	vld [tilespmem:s23+$0x60]  }
0x493: {  	s7 =	sor.u32 s14, s7;
	[tilespmem:s11+$0x20] =	vst v32;
	v31 =	vadd.f32 v31, v4;
	v35 =	vld [tilespmem:s23+$0x70]  }
.Ltmp6:
0x494: {  	v30 =	vld [tilespmem:s7+$0x15800];
	[tilespmem:s11+$0x30] =	vst v27;
	v32 =	vadd.f32 v33, v3;
	(pc) =	sbr.rel @p0 .LBB2_15-.Ltmp6, $4  }
0x495: {  	s11 =	sadd.s32 $0x15800, s7;
	v27 =	vld [tilespmem:s1+$0x16000];
	[tilespmem:s23+$0x10] =	vst v31;
	v28 =	vadd.f32 v28, v5  }
0x496: {  	v31 =	vld [tilespmem:s11+$0x40];
	[tilespmem:s23+$0x20] =	vst v32;
	v34 =	vadd.f32 v34, v6  }
0x497: {  	v33 =	vld [tilespmem:s11+$0x50];
	[tilespmem:s23+$0x40] =	vst v28;
	v28 =	vadd.f32 v29, v7  }
0x498: {  	s10 =	sadd.s32 $0x1, s10;
	v32 =	vld [tilespmem:s11+$0x60];
	[tilespmem:s23+$0x50] =	vst v34;
	v29 =	vadd.f32 v35, v8  }
0x499: {  	v25 =	vadd.f32 v30, v25  }
0x49a: {  	v30 =	vld [tilespmem:s11+$0x70]  }
0x49b: {  	v34 =	vld [tilespmem:s11+$0x400];
	[tilespmem:s7+$0x15800] =	vst v25  }
0x49c: {  	v25 =	vadd.f32 v31, v26;
	v26 =	vld [tilespmem:s11+$0x410]  }
0x49d: {  	v24 =	vadd.f32 v33, v24;
	v31 =	vld [tilespmem:s11+$0x420]  }
0x49e: {  	[tilespmem:s11+$0x40] =	vst v25;
	v23 =	vadd.f32 v32, v23;
	v25 =	vld [tilespmem:s11+$0x10]  }
0x49f: {  	[tilespmem:s11+$0x50] =	vst v24;
	v24 =	vld [tilespmem:s11+$0x430];
	v22 =	vadd.f32 v30, v22  }
0x4a0: {  	v21 =	vadd.f32 v34, v21;
	[tilespmem:s11+$0x60] =	vst v23;
	v23 =	vld [tilespmem:s11+$0x440]  }
0x4a1: {  	[tilespmem:s11+$0x70] =	vst v22;
	v22 =	vld [tilespmem:s11+$0x450];
	v20 =	vadd.f32 v26, v20  }
0x4a2: {  	[tilespmem:s11+$0x400] =	vst v21;
	v21 =	vld [tilespmem:s11+$0x460];
	v19 =	vadd.f32 v31, v19  }
0x4a3: {  	v13 =	vadd.f32 v25, v13;
	[tilespmem:s11+$0x410] =	vst v20;
	v20 =	vld [tilespmem:s11+$0x470]  }
0x4a4: {  	[tilespmem:s11+$0x420] =	vst v19;
	v18 =	vadd.f32 v24, v18;
	v19 =	vld [tilespmem:s11+$0x20]  }
0x4a5: {  	v17 =	vadd.f32 v23, v17;
	v23 =	vld [tilespmem:s11+$0x30];
	[tilespmem:s11+$0x10] =	vst v13  }
0x4a6: {  	[tilespmem:s11+$0x430] =	vst v18;
	v16 =	vadd.f32 v22, v16  }
0x4a7: {  	v15 =	vadd.f32 v21, v15;
	[tilespmem:s11+$0x440] =	vst v17  }
0x4a8: {  	[tilespmem:s11+$0x450] =	vst v16;
	v14 =	vadd.f32 v20, v14  }
0x4a9: {  	[tilespmem:s11+$0x460] =	vst v15;
	v12 =	vadd.f32 v19, v12  }
0x4aa: {  	v10 =	vadd.f32 v23, v10;
	[tilespmem:s11+$0x470] =	vst v14  }
0x4ab: {  	v13 =	vadd.f32 v27, v11;
	[tilespmem:s11+$0x20] =	vst v12  }
0x4ac: {  	[tilespmem:s11+$0x30] =	vst v10  }
0x4ad: {  	s6 =	sadd.s32 $0x16000, s1;
	[tilespmem:s1+$0x16000] =	vst v13;
	v10 =	vld [tilespmem:s7+$0x16000]  }
0x4ae: {  	v12 =	vld [tilespmem:s6+$0x30]  }
0x4af: {  	v13 =	vld [tilespmem:s6+$0x10]  }
0x4b0: {  	v14 =	vld [tilespmem:s6+$0x20]  }
0x4b1: {  	v15 =	vld [tilespmem:s6+$0x40]  }
0x4b2: {  	[tilespmem:s23+$0x60] =	vst v28;
	v16 =	vld [tilespmem:s6+$0x50];
	v10 =	vadd.f32 v10, v11  }
0x4b3: {  	[tilespmem:s23+$0x70] =	vst v29;
	v11 =	vadd.f32 v12, v9;
	v12 =	vld [tilespmem:s6+$0x60]  }
0x4b4: {  	s30 =	sadd.s32 $0x16000, s7;
	v17 =	vld [tilespmem:s6+$0x70];
	v13 =	vadd.f32 v13, v4;
	[tilespmem:s7+$0x16000] =	vst v10  }
0x4b5: {  	[tilespmem:s6+$0x30] =	vst v11;
	v10 =	vadd.f32 v14, v3;
	v11 =	vld [tilespmem:s30+$0x30]  }
0x4b6: {  	[tilespmem:s6+$0x10] =	vst v13;
	v13 =	vadd.f32 v15, v5;
	v14 =	vld [tilespmem:s30+$0x10]  }
0x4b7: {  	v15 =	vld [tilespmem:s30+$0x20];
	[tilespmem:s6+$0x20] =	vst v10;
	v10 =	vadd.f32 v16, v6  }
0x4b8: {  	[tilespmem:s6+$0x40] =	vst v13;
	v13 =	vld [tilespmem:s30+$0x40];
	v12 =	vadd.f32 v12, v7  }
0x4b9: {  	v16 =	vld [tilespmem:s30+$0x50];
	[tilespmem:s6+$0x50] =	vst v10;
	v10 =	vadd.f32 v17, v8  }
0x4ba: {  	[tilespmem:s6+$0x60] =	vst v12;
	v9 =	vadd.f32 v11, v9;
	v11 =	vld [tilespmem:s30+$0x60]  }
0x4bb: {  	[tilespmem:s6+$0x70] =	vst v10;
	v4 =	vadd.f32 v14, v4;
	v10 =	vld [tilespmem:s30+$0x70]  }
0x4bc: {  	v3 =	vadd.f32 v15, v3;
	[tilespmem:s30+$0x30] =	vst v9  }
0x4bd: {  	[tilespmem:s30+$0x10] =	vst v4;
	v4 =	vadd.f32 v13, v5  }
0x4be: {  	[tilespmem:s30+$0x20] =	vst v3;
	v3 =	vadd.f32 v16, v6  }
0x4bf: {  	[tilespmem:s30+$0x40] =	vst v4;
	v4 =	vadd.f32 v11, v7  }
0x4c0: {  	[tilespmem:s30+$0x50] =	vst v3;
	v3 =	vadd.f32 v10, v8  }
0x4c1: {  	[tilespmem:s30+$0x60] =	vst v4  }
0x4c2: {  	s31 =	sadd.s32 s28, s20;
	[tilespmem:s30+$0x70] =	vst v3  }
0x4c3: {  	v25 =	vld [tilespmem:s31+$0x0]  }
0x4c4: {  	v21 =	vld [tilespmem:s31+$0x10]  }
0x4c5: {  	v20 =	vld [tilespmem:s31+$0x20]  }
0x4c6: {  	v19 =	vld [tilespmem:s31+$0x30]  }
0x4c7: {  	v26 =	vld [tilespmem:s31+$0x40]  }
0x4c8: {  	v24 =	vld [tilespmem:s31+$0x50]  }
0x4c9: {  	s6 =	sadd.s32 s28, s21;
	v23 =	vld [tilespmem:s31+$0x60]  }
0x4ca: {  	v18 =	vld [tilespmem:s6+$0x0]  }
0x4cb: {  	v13 =	vld [tilespmem:s6+$0x10]  }
0x4cc: {  	v12 =	vld [tilespmem:s6+$0x20]  }
0x4cd: {  	v11 =	vld [tilespmem:s6+$0x30]  }
0x4ce: {  	v17 =	vld [tilespmem:s6+$0x40]  }
0x4cf: {  	v16 =	vld [tilespmem:s6+$0x50]  }
0x4d0: {  	s7 =	simm.s32 $0x0;
	v15 =	vld [tilespmem:s6+$0x60]  }
0x4d1: {  	v14 =	vld [tilespmem:s6+$0x70];
	s6 =	smul.u32 $0x6000, s7  }
0x4d2: {  	s10 =	sadd.s32 s28, s22;
	s11 =	simm.s32 $0x0;
	v22 =	vld [tilespmem:s31+$0x70]  }
0x4d3: {  	v10 =	vld [tilespmem:s10+$0x0];
	s7 =	sand.u32 $0x380, s11;
	s6 =	sshra.s32 s6, $0x2  }
0x4d4: {  	v7 =	vld [tilespmem:s10+$0x10];
	s6 =	sor.u32 s7, s6  }
0x4d5: {  	v27 =	vld [tilespmem:s6+$0x16400]  }
0x4d6: {  	v6 =	vld [tilespmem:s10+$0x20]  }
0x4d7: {  	v9 =	vld [tilespmem:s10+$0x30]  }
0x4d8: {  	v8 =	vld [tilespmem:s10+$0x40]  }
0x4d9: {  	v5 =	vld [tilespmem:s10+$0x50]  }
0x4da: {  	v4 =	vld [tilespmem:s10+$0x60];
	v27 =	vadd.f32 v27, v25  }
0x4db: {  	v3 =	vld [tilespmem:s10+$0x70];
	s14 =	sadd.s32 $0x16400, s6  }
0x4dc: {  	v28 =	vld [tilespmem:s14+$0x40];
	[tilespmem:s6+$0x16400] =	vst v27  }
0x4dd: {  	v27 =	vld [tilespmem:s14+$0x50]  }
0x4de: {  	v29 =	vld [tilespmem:s14+$0x60]  }
0x4df: {  	v31 =	vld [tilespmem:s14+$0x10]  }
0x4e0: {  	v30 =	vld [tilespmem:s14+$0x70]  }
0x4e1: {  	v28 =	vadd.f32 v28, v26;
	v50 =	vld [tilespmem:s14+$0x20]  }
0x4e2: {  	v51 =	vld [tilespmem:s14+$0x30];
	v27 =	vadd.f32 v27, v24  }
0x4e3: {  	[tilespmem:s14+$0x40] =	vst v28;
	v28 =	vadd.f32 v29, v23  }
0x4e4: {  	v29 =	vadd.f32 v31, v21;
	[tilespmem:s14+$0x50] =	vst v27  }
0x4e5: {  	v27 =	vadd.f32 v30, v22;
	[tilespmem:s14+$0x60] =	vst v28  }
0x4e6: {  	v28 =	vadd.f32 v50, v20;
	[tilespmem:s14+$0x10] =	vst v29  }
0x4e7: {  	[tilespmem:s14+$0x70] =	vst v27;
	v27 =	vadd.f32 v51, v19  }
0x4e8: {  	s20 =	simm.s32 $0x0;
	[tilespmem:s14+$0x20] =	vst v28  }
0x4e9: {  	s7 =	smul.u32 $0x6000, s20;
	[tilespmem:s14+$0x30] =	vst v27  }
0x4ea: {  	s10 =	simm.s32 $0x80;
	v27 =	vld [tilespmem:s6+$0x16800]  }
0x4eb: {  	s21 =	sand.u32 $0x380, s10;
	s22 =	sadd.s32 $0x16800, s6;
	s7 =	sshra.s32 s7, $0x2  }
0x4ec: {  	s7 =	sor.u32 s21, s7;
	v30 =	vld [tilespmem:s22+$0x40]  }
0x4ed: {  	s1 =	sadd.s32 $0x16400, s7;
	v28 =	vld [tilespmem:s7+$0x16400]  }
0x4ee: {  	v29 =	vld [tilespmem:s1+$0x40]  }
0x4ef: {  	v27 =	vadd.f32 v27, v18  }
0x4f0: {  	v52 =	vld [tilespmem:s22+$0x60]  }
0x4f1: {  	v31 =	vld [tilespmem:s22+$0x50];
	v30 =	vadd.f32 v30, v17;
	[tilespmem:s6+$0x16800] =	vst v27  }
0x4f2: {  	v27 =	vadd.f32 v28, v25;
	v28 =	vld [tilespmem:s22+$0x70]  }
0x4f3: {  	v29 =	vadd.f32 v29, v26;
	v53 =	vld [tilespmem:s22+$0x10];
	[tilespmem:s22+$0x40] =	vst v30  }
0x4f4: {  	[tilespmem:s7+$0x16400] =	vst v27;
	v27 =	vld [tilespmem:s22+$0x20]  }
0x4f5: {  	v30 =	vadd.f32 v52, v15;
	[tilespmem:s1+$0x40] =	vst v29;
	v29 =	vld [tilespmem:s22+$0x30]  }
0x4f6: {  	v31 =	vadd.f32 v31, v16;
	v54 =	vld [tilespmem:s1+$0x50]  }
0x4f7: {  	[tilespmem:s22+$0x60] =	vst v30;
	v30 =	vld [tilespmem:s1+$0x10];
	v28 =	vadd.f32 v28, v14  }
0x4f8: {  	[tilespmem:s22+$0x50] =	vst v31;
	v55 =	vld [tilespmem:s1+$0x60];
	v33 =	vadd.f32 v53, v13  }
0x4f9: {  	v31 =	vld [tilespmem:s1+$0x70];
	v27 =	vadd.f32 v27, v12;
	[tilespmem:s22+$0x70] =	vst v28  }
0x4fa: {  	v28 =	vld [tilespmem:s1+$0x20];
	[tilespmem:s22+$0x10] =	vst v33;
	v29 =	vadd.f32 v29, v11  }
0x4fb: {  	v56 =	vld [tilespmem:s1+$0x30];
	v34 =	vadd.f32 v54, v24;
	[tilespmem:s22+$0x20] =	vst v27  }
0x4fc: {  	v30 =	vadd.f32 v30, v21;
	[tilespmem:s22+$0x30] =	vst v29  }
0x4fd: {  	v27 =	vadd.f32 v55, v23;
	[tilespmem:s1+$0x50] =	vst v34  }
0x4fe: {  	v29 =	vadd.f32 v31, v22;
	[tilespmem:s1+$0x10] =	vst v30  }
0x4ff: {  	s23 =	simm.s32 $0x0;
	v31 =	vld [tilespmem:s6+$0x16C00];
	[tilespmem:s1+$0x60] =	vst v27;
	v27 =	vadd.f32 v28, v20  }
0x500: {  	s10 =	smul.u32 $0x6000, s23;
	[tilespmem:s1+$0x70] =	vst v29;
	v28 =	vadd.f32 v56, v19  }
0x501: {  	s24 =	simm.s32 $0x100;
	[tilespmem:s1+$0x20] =	vst v27  }
0x502: {  	s11 =	sand.u32 $0x380, s24;
	s10 =	sshra.s32 s10, $0x2;
	[tilespmem:s1+$0x30] =	vst v28  }
0x503: {  	s1 =	sor.u32 s11, s10;
	v28 =	vld [tilespmem:s7+$0x16800]  }
0x504: {  	s29 =	sadd.s32 $0x16800, s7;
	v27 =	vadd.f32 v31, v10;
	v29 =	vld [tilespmem:s1+$0x16400]  }
0x505: {  	s10 =	sadd.s32 $0x16400, s1;
	v31 =	vld [tilespmem:s29+$0x40]  }
0x506: {  	s21 =	sadd.s32 $0x16C00, s6;
	v30 =	vld [tilespmem:s10+$0x40];
	[tilespmem:s6+$0x16C00] =	vst v27  }
0x507: {  	v27 =	vld [tilespmem:s21+$0x30]  }
0x508: {  	v28 =	vadd.f32 v28, v18  }
0x509: {  	v58 =	vld [tilespmem:s29+$0x60]  }
0x50a: {  	v57 =	vld [tilespmem:s29+$0x50];
	v29 =	vadd.f32 v29, v25;
	[tilespmem:s7+$0x16800] =	vst v28  }
0x50b: {  	v31 =	vadd.f32 v31, v17;
	v28 =	vld [tilespmem:s29+$0x70]  }
0x50c: {  	[tilespmem:s1+$0x16400] =	vst v29;
	v29 =	vadd.f32 v30, v26;
	v27 =	vadd.f32 v27, v9;
	v30 =	vld [tilespmem:s29+$0x10]  }
0x50d: {  	v34 =	vld [tilespmem:s29+$0x20];
	[tilespmem:s29+$0x40] =	vst v31  }
0x50e: {  	v31 =	vadd.f32 v58, v15;
	[tilespmem:s21+$0x30] =	vst v27;
	v27 =	vld [tilespmem:s29+$0x30]  }
0x50f: {  	v59 =	vld [tilespmem:s10+$0x50];
	[tilespmem:s10+$0x40] =	vst v29;
	v29 =	vadd.f32 v57, v16  }
0x510: {  	v60 =	vld [tilespmem:s10+$0x60];
	[tilespmem:s29+$0x60] =	vst v31;
	v28 =	vadd.f32 v28, v14  }
0x511: {  	v31 =	vld [tilespmem:s10+$0x10];
	[tilespmem:s29+$0x50] =	vst v29;
	v30 =	vadd.f32 v30, v13  }
0x512: {  	v29 =	vld [tilespmem:s10+$0x70];
	v34 =	vadd.f32 v34, v12;
	[tilespmem:s29+$0x70] =	vst v28  }
0x513: {  	v28 =	vld [tilespmem:s10+$0x20];
	[tilespmem:s29+$0x10] =	vst v30;
	v27 =	vadd.f32 v27, v11  }
0x514: {  	v32 =	vadd.f32 v59, v24;
	v30 =	vld [tilespmem:s10+$0x30];
	[tilespmem:s29+$0x20] =	vst v34  }
0x515: {  	v62 =	vld [tilespmem:s21+$0x20];
	v33 =	vadd.f32 v60, v23;
	[tilespmem:s29+$0x30] =	vst v27  }
0x516: {  	[tilespmem:s10+$0x50] =	vst v32;
	v31 =	vadd.f32 v31, v21;
	v61 =	vld [tilespmem:s7+$0x16C00]  }
0x517: {  	[tilespmem:s10+$0x60] =	vst v33;
	v29 =	vadd.f32 v29, v22;
	v27 =	vld [tilespmem:s21+$0x10]  }
0x518: {  	s30 =	simm.s32 $0x0;
	[tilespmem:s10+$0x10] =	vst v31;
	v31 =	vld [tilespmem:s21+$0x50];
	v28 =	vadd.f32 v28, v20  }
0x519: {  	s31 =	smul.u32 $0x6000, s30;
	[tilespmem:s10+$0x70] =	vst v29;
	v29 =	vld [tilespmem:s21+$0x40];
	v30 =	vadd.f32 v30, v19  }
0x51a: {  	s6 =	simm.s32 $0x180;
	v33 =	vadd.f32 v62, v6;
	[tilespmem:s10+$0x20] =	vst v28;
	v28 =	vld [tilespmem:s21+$0x60]  }
0x51b: {  	s11 =	sshra.s32 s31, $0x2;
	s14 =	sand.u32 $0x380, s6;
	v63 =	vld [tilespmem:s21+$0x70];
	[tilespmem:s10+$0x30] =	vst v30;
	v32 =	vadd.f32 v61, v10  }
0x51c: {  	s20 =	sor.u32 s14, s11;
	[tilespmem:s21+$0x20] =	vst v33;
	v27 =	vadd.f32 v27, v7;
	v35 =	vld [tilespmem:s1+$0x16800]  }
0x51d: {  	s11 =	sadd.s32 $0x16C00, s7;
	v30 =	vld [tilespmem:s20+$0x16400];
	v31 =	vadd.f32 v31, v5;
	[tilespmem:s7+$0x16C00] =	vst v32  }
0x51e: {  	v29 =	vadd.f32 v29, v8;
	[tilespmem:s21+$0x10] =	vst v27;
	s7 =	sadd.s32 $0x16400, s20;
	v27 =	vld [tilespmem:s11+$0x30]  }
0x51f: {  	s10 =	sadd.s32 $0x16800, s1;
	[tilespmem:s21+$0x50] =	vst v31;
	v32 =	vld [tilespmem:s7+$0x40];
	v36 =	vadd.f32 v28, v4  }
0x520: {  	v31 =	vadd.f32 v63, v3;
	[tilespmem:s21+$0x40] =	vst v29;
	v28 =	vld [tilespmem:s10+$0x40]  }
0x521: {  	s14 =	simm.s32 $0x4;
	v29 =	vld [tilespmem:s10+$0x50];
	v33 =	vadd.f32 v35, v18;
	[tilespmem:s21+$0x60] =	vst v36  }
.LBB2_17:
0x522: {  	p0 =	sne.s32 s14, $0x1F;
	v30 =	vadd.f32 v30, v25;
	v34 =	vld [tilespmem:s10+$0x60];
	[tilespmem:s21+$0x70] =	vst v31;
	s21 =	smov.u32 s11  }
0x523: {  	[tilespmem:s1+$0x16800] =	vst v33;
	v31 =	vld [tilespmem:s10+$0x70];
	v27 =	vadd.f32 v27, v9  }
0x524: {  	[tilespmem:s20+$0x16400] =	vst v30;
	v30 =	vadd.f32 v32, v26;
	v32 =	vld [tilespmem:s10+$0x10]  }
0x525: {  	v33 =	vld [tilespmem:s10+$0x20];
	v28 =	vadd.f32 v28, v17;
	[tilespmem:s21+$0x30] =	vst v27  }
0x526: {  	[tilespmem:s7+$0x40] =	vst v30;
	v27 =	vld [tilespmem:s10+$0x30];
	v29 =	vadd.f32 v29, v16  }
0x527: {  	v30 =	vld [tilespmem:s7+$0x50];
	[tilespmem:s10+$0x40] =	vst v28;
	v28 =	vadd.f32 v34, v15  }
0x528: {  	v34 =	vld [tilespmem:s7+$0x60];
	[tilespmem:s10+$0x50] =	vst v29;
	v29 =	vadd.f32 v31, v14  }
0x529: {  	v31 =	vld [tilespmem:s7+$0x70];
	v32 =	vadd.f32 v32, v13;
	[tilespmem:s10+$0x60] =	vst v28  }
0x52a: {  	v28 =	vld [tilespmem:s7+$0x10];
	v33 =	vadd.f32 v33, v12;
	[tilespmem:s10+$0x70] =	vst v29  }
0x52b: {  	v29 =	vld [tilespmem:s7+$0x20];
	[tilespmem:s10+$0x10] =	vst v32;
	v27 =	vadd.f32 v27, v11  }
0x52c: {  	v32 =	vld [tilespmem:s7+$0x30];
	v30 =	vadd.f32 v30, v24;
	[tilespmem:s10+$0x20] =	vst v33  }
0x52d: {  	v33 =	vadd.f32 v34, v23;
	[tilespmem:s10+$0x30] =	vst v27;
	v27 =	vld [tilespmem:s21+$0x10]  }
0x52e: {  	[tilespmem:s7+$0x50] =	vst v30;
	v30 =	vadd.f32 v31, v22;
	v31 =	vld [tilespmem:s1+$0x16C00]  }
0x52f: {  	v28 =	vadd.f32 v28, v21;
	[tilespmem:s7+$0x60] =	vst v33;
	v33 =	vld [tilespmem:s21+$0x20]  }
0x530: {  	s10 =	sshrl.u32 s14, $0x3;
	v29 =	vadd.f32 v29, v20;
	[tilespmem:s7+$0x70] =	vst v30;
	v34 =	vld [tilespmem:s21+$0x40]  }
0x531: {  	s10 =	smul.u32 $0x6000, s10;
	[tilespmem:s7+$0x10] =	vst v28;
	v28 =	vadd.f32 v32, v19;
	v32 =	vld [tilespmem:s21+$0x50]  }
0x532: {  	s6 =	sadd.s32 $0x80, s6;
	[tilespmem:s7+$0x20] =	vst v29;
	v27 =	vadd.f32 v27, v7;
	v29 =	vld [tilespmem:s21+$0x60]  }
0x533: {  	s11 =	sand.u32 $0x380, s6;
	s10 =	sshra.s32 s10, $0x2;
	[tilespmem:s7+$0x30] =	vst v28;
	v28 =	vadd.f32 v31, v10;
	v31 =	vld [tilespmem:s21+$0x70]  }
0x534: {  	s10 =	sor.u32 s11, s10;
	v35 =	vld [tilespmem:s20+$0x16800];
	[tilespmem:s21+$0x10] =	vst v27;
	v33 =	vadd.f32 v33, v6  }
.Ltmp7:
0x535: {  	s11 =	sadd.s32 $0x16C00, s1;
	v30 =	vld [tilespmem:s10+$0x16400];
	[tilespmem:s1+$0x16C00] =	vst v28;
	v28 =	vadd.f32 v34, v8;
	s1 =	smov.u32 s20;
	(pc) =	sbr.rel @p0 .LBB2_17-.Ltmp7, $4  }
0x536: {  	s7 =	sadd.s32 $0x16400, s10;
	s20 =	smov.u32 s10;
	v27 =	vld [tilespmem:s11+$0x30];
	[tilespmem:s21+$0x20] =	vst v33;
	v33 =	vadd.f32 v32, v5  }
0x537: {  	s10 =	sadd.s32 $0x16800, s1;
	v32 =	vld [tilespmem:s7+$0x40];
	[tilespmem:s21+$0x40] =	vst v28;
	v34 =	vadd.f32 v29, v4  }
0x538: {  	v28 =	vld [tilespmem:s10+$0x40];
	[tilespmem:s21+$0x50] =	vst v33;
	v31 =	vadd.f32 v31, v3  }
0x539: {  	s14 =	sadd.s32 $0x1, s14;
	v33 =	vadd.f32 v35, v18;
	v29 =	vld [tilespmem:s10+$0x50];
	[tilespmem:s21+$0x60] =	vst v34  }
0x53a: {  	v25 =	vadd.f32 v30, v25;
	_ =	sdelay $0x1  }
0x53b: {  	[tilespmem:s20+$0x16400] =	vst v25  }
0x53c: {  	v39 =	vld [tilespmem:s7+$0x50]  }
0x53d: {  	v40 =	vld [tilespmem:s7+$0x60]  }
0x53e: {  	v41 =	vld [tilespmem:s7+$0x70]  }
0x53f: {  	v34 =	vld [tilespmem:s7+$0x10]  }
0x540: {  	v26 =	vadd.f32 v32, v26;
	v35 =	vld [tilespmem:s7+$0x20]  }
0x541: {  	v42 =	vld [tilespmem:s7+$0x30];
	v24 =	vadd.f32 v39, v24  }
0x542: {  	[tilespmem:s7+$0x40] =	vst v26;
	v23 =	vadd.f32 v40, v23  }
0x543: {  	v22 =	vadd.f32 v41, v22;
	[tilespmem:s7+$0x50] =	vst v24  }
0x544: {  	v21 =	vadd.f32 v34, v21;
	[tilespmem:s7+$0x60] =	vst v23  }
0x545: {  	v20 =	vadd.f32 v35, v20;
	[tilespmem:s7+$0x70] =	vst v22  }
0x546: {  	v19 =	vadd.f32 v42, v19;
	[tilespmem:s7+$0x10] =	vst v21  }
0x547: {  	[tilespmem:s7+$0x20] =	vst v20  }
0x548: {  	v38 =	vld [tilespmem:s10+$0x60];
	[tilespmem:s7+$0x30] =	vst v19  }
0x549: {  	[tilespmem:s1+$0x16800] =	vst v33;
	v20 =	vld [tilespmem:s20+$0x16800]  }
0x54a: {  	v55 =	vadd.f32 v27, v9;
	v47 =	vld [tilespmem:s10+$0x30]  }
0x54b: {  	[tilespmem:s21+$0x70] =	vst v31;
	v43 =	vld [tilespmem:s10+$0x70];
	v46 =	vadd.f32 v28, v17  }
0x54c: {  	v44 =	vld [tilespmem:s10+$0x10];
	[tilespmem:s11+$0x30] =	vst v55;
	v48 =	vadd.f32 v29, v16  }
0x54d: {  	s6 =	sadd.s32 $0x16800, s20;
	v45 =	vld [tilespmem:s10+$0x20];
	[tilespmem:s10+$0x40] =	vst v46;
	v49 =	vadd.f32 v38, v15  }
0x54e: {  	[tilespmem:s10+$0x50] =	vst v48;
	v50 =	vld [tilespmem:s6+$0x40];
	v18 =	vadd.f32 v20, v18  }
0x54f: {  	[tilespmem:s10+$0x60] =	vst v49;
	v53 =	vadd.f32 v47, v11;
	v51 =	vld [tilespmem:s6+$0x50]  }
0x550: {  	v21 =	vadd.f32 v43, v14;
	v52 =	vld [tilespmem:s6+$0x60];
	[tilespmem:s20+$0x16800] =	vst v18  }
0x551: {  	[tilespmem:s10+$0x30] =	vst v53;
	v19 =	vadd.f32 v44, v13;
	v54 =	vld [tilespmem:s6+$0x70]  }
0x552: {  	v22 =	vadd.f32 v45, v12;
	[tilespmem:s10+$0x70] =	vst v21;
	v56 =	vld [tilespmem:s6+$0x10]  }
0x553: {  	[tilespmem:s10+$0x10] =	vst v19;
	v58 =	vadd.f32 v50, v17;
	v57 =	vld [tilespmem:s6+$0x20]  }
0x554: {  	[tilespmem:s10+$0x20] =	vst v22;
	v60 =	vadd.f32 v51, v16;
	v59 =	vld [tilespmem:s6+$0x30]  }
0x555: {  	v61 =	vld [tilespmem:s1+$0x16C00];
	v62 =	vadd.f32 v52, v15;
	[tilespmem:s6+$0x40] =	vst v58  }
0x556: {  	v63 =	vld [tilespmem:s11+$0x10];
	[tilespmem:s6+$0x50] =	vst v60;
	v21 =	vadd.f32 v54, v14  }
0x557: {  	v30 =	vld [tilespmem:s11+$0x60];
	[tilespmem:s6+$0x60] =	vst v62;
	v25 =	vadd.f32 v56, v13  }
0x558: {  	v26 =	vld [tilespmem:s11+$0x40];
	v27 =	vadd.f32 v57, v12;
	[tilespmem:s6+$0x70] =	vst v21  }
0x559: {  	v24 =	vld [tilespmem:s11+$0x20];
	v29 =	vadd.f32 v59, v11;
	[tilespmem:s6+$0x10] =	vst v25  }
0x55a: {  	v28 =	vld [tilespmem:s11+$0x50];
	v31 =	vadd.f32 v61, v10;
	[tilespmem:s6+$0x20] =	vst v27  }
0x55b: {  	v33 =	vld [tilespmem:s11+$0x70];
	v32 =	vadd.f32 v63, v7;
	[tilespmem:s6+$0x30] =	vst v29  }
0x55c: {  	s21 =	sadd.s32 $0x16C00, s1;
	v38 =	vadd.f32 v30, v4;
	[tilespmem:s1+$0x16C00] =	vst v31;
	v34 =	vld [tilespmem:s20+$0x16C00]  }
0x55d: {  	[tilespmem:s11+$0x10] =	vst v32;
	v35 =	vadd.f32 v26, v8;
	v36 =	vld [tilespmem:s21+$0x30]  }
0x55e: {  	[tilespmem:s11+$0x60] =	vst v38;
	v16 =	vadd.f32 v24, v6;
	v37 =	vld [tilespmem:s21+$0x10]  }
0x55f: {  	[tilespmem:s11+$0x40] =	vst v35;
	v39 =	vld [tilespmem:s21+$0x20];
	v14 =	vadd.f32 v28, v5  }
0x560: {  	[tilespmem:s11+$0x20] =	vst v16;
	v40 =	vld [tilespmem:s21+$0x40];
	v12 =	vadd.f32 v33, v3  }
0x561: {  	v41 =	vld [tilespmem:s21+$0x50];
	[tilespmem:s11+$0x50] =	vst v14;
	v42 =	vadd.f32 v34, v10  }
0x562: {  	v44 =	vld [tilespmem:s21+$0x60];
	[tilespmem:s11+$0x70] =	vst v12;
	v43 =	vadd.f32 v36, v9  }
0x563: {  	s22 =	sadd.s32 $0x16C00, s20;
	v45 =	vld [tilespmem:s21+$0x70];
	v16 =	vadd.f32 v37, v7;
	[tilespmem:s20+$0x16C00] =	vst v42  }
0x564: {  	v46 =	vadd.f32 v39, v6;
	[tilespmem:s21+$0x30] =	vst v43;
	v47 =	vld [tilespmem:s22+$0x30]  }
0x565: {  	v48 =	vadd.f32 v40, v8;
	[tilespmem:s21+$0x10] =	vst v16;
	v49 =	vld [tilespmem:s22+$0x10]  }
0x566: {  	v50 =	vadd.f32 v41, v5;
	[tilespmem:s21+$0x20] =	vst v46;
	v51 =	vld [tilespmem:s22+$0x20]  }
0x567: {  	v52 =	vadd.f32 v44, v4;
	[tilespmem:s21+$0x40] =	vst v48;
	v53 =	vld [tilespmem:s22+$0x40]  }
0x568: {  	v54 =	vadd.f32 v45, v3;
	[tilespmem:s21+$0x50] =	vst v50;
	v55 =	vld [tilespmem:s22+$0x50]  }
0x569: {  	[tilespmem:s21+$0x60] =	vst v52;
	v57 =	vld [tilespmem:s22+$0x60];
	v56 =	vadd.f32 v47, v9  }
0x56a: {  	s0 =	sor.u32 s4, s0;
	[tilespmem:s21+$0x70] =	vst v54;
	v59 =	vld [tilespmem:s22+$0x70];
	v58 =	vadd.f32 v49, v7  }
0x56b: {  	s0 =	sshrl.u32 s0, $0x3;
	v60 =	vadd.f32 v51, v6;
	[tilespmem:s22+$0x30] =	vst v56  }
0x56c: {  	s0 =	smul.u32 $0x1800, s0;
	v61 =	vadd.f32 v53, v8;
	[tilespmem:s22+$0x10] =	vst v58  }
0x56d: {  	v62 =	vadd.f32 v55, v5;
	[tilespmem:s22+$0x20] =	vst v60  }
0x56e: {  	s0 =	sor.u32 s28, s0;
	v63 =	vadd.f32 v57, v4;
	[tilespmem:s22+$0x40] =	vst v61  }
0x56f: {  	s0 =	sadd.s32 $0xC00000, s0;
	v3 =	vadd.f32 v59, v3;
	[tilespmem:s22+$0x50] =	vst v62  }
0x570: {  	s0 =	sshrl.u32 s0, $0x3;
	[tilespmem:s22+$0x60] =	vst v63  }
0x571: {  	s14 =	simm.s32 $0x15800;
	s0 =	sadd.s32 s3, s0;
	[tilespmem:s22+$0x70] =	vst v3  }
0x572: {  	[hbm4b:s0+s5] =	stream.strided.scatter [tilespmem:s14], [sflag:$0x8], $0x400, s13, s5, $0x38;
	[tilespmem:$0x1B800] =	vst v63  }
0x573: {  	s24 =	simm.s32 $0x15C00;
	s23 =	sadd.s32 $0x80, s0  }
0x574: {  	[hbm4b:s23+s5] =	stream.strided.scatter [tilespmem:s24], [sflag:$0x8], $0x400, s13, s5, $0x38;
	[tilespmem:$0x1B800] =	vst v63  }
0x575: {  	s29 =	simm.s32 $0x16000;
	s28 =	sadd.s32 $0x100, s0  }
0x576: {  	[hbm4b:s28+s5] =	stream.strided.scatter [tilespmem:s29], [sflag:$0x8], $0x400, s13, s5, $0x38;
	[tilespmem:$0x1B800] =	vst v63  }
0x577: {  	s31 =	simm.s32 $0x16400;
	s30 =	sadd.s32 $0x180, s0  }
0x578: {  	[hbm4b:s30+s5] =	stream.strided.scatter [tilespmem:s31], [sflag:$0x8], $0x400, s13, s5, $0x38;
	[tilespmem:$0x1B800] =	vst v63  }
0x579: {  	s7 =	sadd.s32 $0x200, s0;
	s10 =	simm.s32 $0x16800  }
0x57a: {  	[hbm4b:s7+s5] =	stream.strided.scatter [tilespmem:s10], [sflag:$0x8], $0x400, s13, s5, $0x38;
	[tilespmem:$0x1B800] =	vst v63  }
0x57b: {  	s11 =	sadd.s32 $0x280, s0;
	s20 =	simm.s32 $0x16C00  }
0x57c: {  	[hbm4b:s11+s5] =	stream.strided.scatter [tilespmem:s20], [sflag:$0x8], $0x400, s13, s5, $0x38;
	[tilespmem:$0x1B800] =	vst v63  }
0x57d: {  	s21 =	sadd.s32 $0x60000, s0;
	s22 =	simm.s32 $0x17000  }
0x57e: {  	[hbm4b:s21+s5] =	stream.strided.scatter [tilespmem:s22], [sflag:$0x8], $0x400, s13, s5, $0x38;
	[tilespmem:$0x1B800] =	vst v63  }
0x57f: {  	s23 =	sadd.s32 $0x80, s21;
	s24 =	simm.s32 $0x17400  }
0x580: {  	[hbm4b:s23+s5] =	stream.strided.scatter [tilespmem:s24], [sflag:$0x8], $0x400, s13, s5, $0x38;
	[tilespmem:$0x1B800] =	vst v63  }
0x581: {  	s28 =	sadd.s32 $0x100, s21;
	s29 =	simm.s32 $0x17800  }
0x582: {  	[hbm4b:s28+s5] =	stream.strided.scatter [tilespmem:s29], [sflag:$0x8], $0x400, s13, s5, $0x38;
	[tilespmem:$0x1B800] =	vst v63  }
0x583: {  	s30 =	sadd.s32 $0x180, s21;
	s31 =	simm.s32 $0x17C00  }
0x584: {  	[hbm4b:s30+s5] =	stream.strided.scatter [tilespmem:s31], [sflag:$0x8], $0x400, s13, s5, $0x38;
	[tilespmem:$0x1B800] =	vst v63  }
0x585: {  	s10 =	sadd.s32 $0x200, s21;
	s11 =	simm.s32 $0x18000  }
0x586: {  	[hbm4b:s10+s5] =	stream.strided.scatter [tilespmem:s11], [sflag:$0x8], $0x400, s13, s5, $0x38;
	[tilespmem:$0x1B800] =	vst v63  }
0x587: {  	s1 =	sadd.s32 $0x280, s21;
	s20 =	simm.s32 $0x18400  }
0x588: {  	[hbm4b:s1+s5] =	stream.strided.scatter [tilespmem:s20], [sflag:$0x8], $0x400, s13, s5, $0x38;
	[tilespmem:$0x1B800] =	vst v63  }
0x589: {  	s21 =	sadd.s32 $0xC0000, s0;
	s22 =	simm.s32 $0x18800  }
0x58a: {  	[hbm4b:s21+s5] =	stream.strided.scatter [tilespmem:s22], [sflag:$0x8], $0x400, s13, s5, $0x38;
	[tilespmem:$0x1B800] =	vst v63  }
0x58b: {  	s23 =	sadd.s32 $0x80, s21;
	s24 =	simm.s32 $0x18C00  }
0x58c: {  	[hbm4b:s23+s5] =	stream.strided.scatter [tilespmem:s24], [sflag:$0x8], $0x400, s13, s5, $0x38;
	[tilespmem:$0x1B800] =	vst v63  }
0x58d: {  	s28 =	sadd.s32 $0x100, s21;
	s29 =	simm.s32 $0x19000  }
0x58e: {  	[hbm4b:s28+s5] =	stream.strided.scatter [tilespmem:s29], [sflag:$0x8], $0x400, s13, s5, $0x38;
	[tilespmem:$0x1B800] =	vst v63  }
0x58f: {  	s30 =	sadd.s32 $0x180, s21;
	s31 =	simm.s32 $0x19400  }
0x590: {  	[hbm4b:s30+s5] =	stream.strided.scatter [tilespmem:s31], [sflag:$0x8], $0x400, s13, s5, $0x38;
	[tilespmem:$0x1B800] =	vst v63  }
0x591: {  	s7 =	sadd.s32 $0x200, s21;
	s10 =	simm.s32 $0x19800  }
0x592: {  	[hbm4b:s7+s5] =	stream.strided.scatter [tilespmem:s10], [sflag:$0x8], $0x400, s13, s5, $0x38;
	[tilespmem:$0x1B800] =	vst v63  }
0x593: {  	s11 =	simm.s32 $0x19C00;
	s1 =	sadd.s32 $0x280, s21  }
0x594: {  	[hbm4b:s1+s5] =	stream.strided.scatter [tilespmem:s11], [sflag:$0x8], $0x400, s13, s5, $0x38;
	[tilespmem:$0x1B800] =	vst v63  }
0x595: {  	s0 =	sadd.s32 $0x120000, s0;
	s20 =	simm.s32 $0x1A000  }
0x596: {  	[hbm4b:s0+s5] =	stream.strided.scatter [tilespmem:s20], [sflag:$0x8], $0x400, s13, s5, $0x38;
	[tilespmem:$0x1B800] =	vst v63  }
0x597: {  	s21 =	sadd.s32 $0x80, s0;
	s22 =	simm.s32 $0x1A400  }
0x598: {  	[hbm4b:s21+s5] =	stream.strided.scatter [tilespmem:s22], [sflag:$0x8], $0x400, s13, s5, $0x38;
	[tilespmem:$0x1B800] =	vst v63  }
0x599: {  	s23 =	sadd.s32 $0x100, s0;
	s24 =	simm.s32 $0x1A800  }
0x59a: {  	[hbm4b:s23+s5] =	stream.strided.scatter [tilespmem:s24], [sflag:$0x8], $0x400, s13, s5, $0x38;
	[tilespmem:$0x1B800] =	vst v63  }
0x59b: {  	s28 =	sadd.s32 $0x180, s0;
	s29 =	simm.s32 $0x1AC00  }
0x59c: {  	[hbm4b:s28+s5] =	stream.strided.scatter [tilespmem:s29], [sflag:$0x8], $0x400, s13, s5, $0x38;
	[tilespmem:$0x1B800] =	vst v63  }
0x59d: {  	s30 =	sadd.s32 $0x200, s0  }
0x59e: {  	[hbm4b:s30+s5] =	stream.strided.scatter [tilespmem:s15], [sflag:$0x8], $0x400, s13, s5, $0x38;
	[tilespmem:$0x1B800] =	vst v63  }
0x59f: {  	p0 =	sgt.u32 s25, $0x1D;
	s31 =	simm.s32 $0x1B400;
	s0 =	sadd.s32 $0x280, s0  }
0x5a0: {  	[hbm4b:s0+s5] =	stream.strided.scatter [tilespmem:s31], [sflag:$0x8], $0x400, s13, s5, $0x38;
	[tilespmem:$0x1B800] =	vst v63  }
0x5a1: {  	s0 =	simm.s32 @!p0 $0x6  }
0x5a2: {  	_ =	swait.ge @!p0 [sflag:s0], $0x6000  }
0x5a3: {  	[sflag:s0] =	ssyncset.done @!p0 $0x0  }
0x5a4: {  	[sflag:s0] =	ssyncadd.s32 @!p0 $0xFFFFA000  }
0x5a5: {  	v3 =	vld @!p0 [tilespmem:s19+$0x120];
	_ =	sdelay $0x4  }
0x5a6: {  	v4 =	vshrl.u32 @!p0 v3, $0x3  }
0x5a7: {  	v4 =	vmul.u32 @!p0 $0x30, v4  }
0x5a8: {  	v5 =	vlaneseq.u32 @!p0;
	v3 =	vand.u32 @!p0 $0x7, v3  }
0x5a9: {  	v6 =	vshrl.u32 @!p0 v5, $0x3;
	v3 =	vor.u32 @!p0 v3, v4;
	v4 =	vand.u32 @!p0 $0x7, v5  }
0x5aa: {  	v6 =	vmul.u32 @!p0 $0x8, v6;
	v7 =	vperm.xlane @!p0 v3, v4;
	_ =	sdelay $0x1  }
0x5ab: {  	v7 =	vadd.s32 @!p0 v6, v7;
	_ =	sdelay $0x2  }
0x5ac: {  	v5 =	vor.u32 @!p0 $0x8, v5  }
0x5ad: {  	vm1 =	vmmov @!p0 $0xffff;
	s1 =	simm.s32 @!p0 $0x9800;
	s0 =	simm.s32 @!p0 $0x0;
	v3 =	vperm.xlane @!p0 v3, v5  }
0x5ae: {  	[tilespmem:s1], [sflag:$0x2] =	stream.indirect_vreg.gather @!p0 [hbm4b:s2+s0], $0x80, v7, vm1, $0xb8;
	[tilespmem:$0x1B800] =	vst v63  }
0x5af: {  	v3 =	vadd.s32 @!p0 v6, v3;
	s1 =	simm.s32 @!p0 $0xA000  }
0x5b0: {  	[tilespmem:s1], [sflag:$0x2] =	stream.indirect_vreg.gather @!p0 [hbm4b:s8+s0], $0x80, v7, vm1, $0xb8;
	[tilespmem:$0x1B800] =	vst v63  }
0x5b1: {  	s1 =	simm.s32 @!p0 $0xA800  }
0x5b2: {  	[tilespmem:s1], [sflag:$0x2] =	stream.indirect_vreg.gather @!p0 [hbm4b:s9+s0], $0x80, v7, vm1, $0xb8;
	[tilespmem:$0x1B800] =	vst v63  }
0x5b3: {  	s1 =	simm.s32 @!p0 $0xB000  }
0x5b4: {  	[tilespmem:s1], [sflag:$0x2] =	stream.indirect_vreg.gather @!p0 [hbm4b:s2+s0], $0x80, v3, vm1, $0xb8;
	[tilespmem:$0x1B800] =	vst v63  }
0x5b5: {  	s1 =	simm.s32 @!p0 $0xB800  }
0x5b6: {  	[tilespmem:s1], [sflag:$0x2] =	stream.indirect_vreg.gather @!p0 [hbm4b:s8+s0], $0x80, v3, vm1, $0xb8;
	[tilespmem:$0x1B800] =	vst v63  }
0x5b7: {  	s1 =	simm.s32 @!p0 $0xC000  }
0x5b8: {  	[tilespmem:s1], [sflag:$0x2] =	stream.indirect_vreg.gather @!p0 [hbm4b:s9+s0], $0x80, v3, vm1, $0xb8;
	[tilespmem:$0x1B800] =	vst v63  }
0x5b9: {  	v3 =	vld @!p0 [tilespmem:s19+$0x130];
	_ =	sdelay $0x4  }
0x5ba: {  	v7 =	vshrl.u32 @!p0 v3, $0x3  }
0x5bb: {  	v7 =	vmul.u32 @!p0 $0x30, v7  }
0x5bc: {  	v3 =	vand.u32 @!p0 $0x7, v3  }
0x5bd: {  	v3 =	vor.u32 @!p0 v3, v7  }
0x5be: {  	v4 =	vperm.xlane @!p0 v3, v4;
	_ =	sdelay $0x1  }
0x5bf: {  	v4 =	vadd.s32 @!p0 v6, v4;
	_ =	sdelay $0x3  }
0x5c0: {  	s1 =	simm.s32 @!p0 $0xC800;
	v3 =	vperm.xlane @!p0 v3, v5  }
0x5c1: {  	[tilespmem:s1], [sflag:$0x2] =	stream.indirect_vreg.gather @!p0 [hbm4b:s2+s0], $0x80, v4, vm1, $0xb8;
	[tilespmem:$0x1B800] =	vst v63  }
0x5c2: {  	v3 =	vadd.s32 @!p0 v6, v3;
	s1 =	simm.s32 @!p0 $0xD000  }
0x5c3: {  	[tilespmem:s1], [sflag:$0x2] =	stream.indirect_vreg.gather @!p0 [hbm4b:s8+s0], $0x80, v4, vm1, $0xb8;
	[tilespmem:$0x1B800] =	vst v63  }
0x5c4: {  	s1 =	simm.s32 @!p0 $0xD800  }
0x5c5: {  	[tilespmem:s1], [sflag:$0x2] =	stream.indirect_vreg.gather @!p0 [hbm4b:s9+s0], $0x80, v4, vm1, $0xb8;
	[tilespmem:$0x1B800] =	vst v63  }
0x5c6: {  	s1 =	simm.s32 @!p0 $0xE000  }
0x5c7: {  	[tilespmem:s1], [sflag:$0x2] =	stream.indirect_vreg.gather @!p0 [hbm4b:s2+s0], $0x80, v3, vm1, $0xb8;
	[tilespmem:$0x1B800] =	vst v63  }
0x5c8: {  	s1 =	simm.s32 @!p0 $0xE800  }
0x5c9: {  	[tilespmem:s1], [sflag:$0x2] =	stream.indirect_vreg.gather @!p0 [hbm4b:s8+s0], $0x80, v3, vm1, $0xb8;
	[tilespmem:$0x1B800] =	vst v63  }
0x5ca: {  	s18 =	sadd.s32 $0x1, s18;
	s1 =	simm.s32 @!p0 $0xF000  }
0x5cb: {  	[tilespmem:s1], [sflag:$0x2] =	stream.indirect_vreg.gather @!p0 [hbm4b:s9+s0], $0x80, v3, vm1, $0xb8;
	[tilespmem:$0x1B800] =	vst v63  }
0x5cc: {  	p0 =	sne.s32 s18, $0x8  }
.Ltmp8:
0x5cd: {  	_ = 	snop;
	(pc) =	sbr.rel @p0 .LBB2_2-.Ltmp8, $1  }
0x5ce: {  	_ =	sdelay $0x3  }
0x5cf: {  	s0 =	simm.s32 $0x5  }
0x5d0: {  	_ =	swait.ge [sflag:s0], $0x6000  }
0x5d1: {  	[sflag:s0] =	ssyncset.done $0x0  }
0x5d2: {  	s30 =	simm.s32 $0x6;
	[sflag:s0] =	ssyncadd.s32 $0xFFFFA000  }
0x5d3: {  	_ =	swait.ge [sflag:s30], $0x6000  }
0x5d4: {  	[sflag:s30] =	ssyncset.done $0x0  }
0x5d5: {  	s7 =	simm.s32 $0x7;
	[sflag:s30] =	ssyncadd.s32 $0xFFFFA000  }
0x5d6: {  	_ =	swait.ge [sflag:s7], $0x6000  }
0x5d7: {  	[sflag:s7] =	ssyncset.done $0x0  }
0x5d8: {  	s10 =	simm.s32 $0x8;
	[sflag:s7] =	ssyncadd.s32 $0xFFFFA000  }
0x5d9: {  	_ =	swait.ge [sflag:s10], $0x6000  }
0x5da: {  	s1 =	rddreg [dreg:$0x7]  }
0x5db: {  	s31 =	rddreg [dreg:$0x6];
	s1 =	sadd.s32 $0x1, s1  }
0x5dc: {  	p0 =	sne.s32 s1, s31  }
.Ltmp9:
0x5dd: {  	_ = 	snop;
	(pc) =	sbr.rel @p0 .LBB2_1-.Ltmp9, $3  }
0x5de: {  	_ =	sdelay $0x1  }
0x5df: {  	[sflag:s10] =	ssyncset.done $0x0  }
0x5e0: {  	[sflag:s10] =	ssyncadd.s32 $0xFFFFA000  }
0x5e1: {  	_ =	sfence.sel $0x180000  }
0x5e2: {  	[bflag:$0x0] =	sbarrier.arrive $0xFFFF  }
0x5e3: {  	_ =	strace $0x90000047  }
0x5e4: {  	s0 =	stileid.u32;
	[bflag:$0x2] =	sbarrier.arrive $0xFFFF  }
0x5e5: {  	p0 =	sne.s32 s0, $0x0;
	s0 =	rddreg [dreg:$0x3]  }
0x5e6: {  	s0 =	sadd.s32 @!p0 $0x100000, s0  }
0x5e7: {  	[sflag:s0] =	ssyncadd.tile.s32 @!p0 $0x1;
	_ =	shalt  }
.Lfunc_end2:
_tile_overlayer_lowered:
.L_overlay_start_2:
0x5e8: {  	(tag) =	ssettag $0x2  }
0x5e9: {  	s0 =	rddreg [dreg:$0x0];
	s2 =	stileid.u32  }
0x5ea: {  	s1 =	rddreg [dreg:$0x1];
	p0 =	sne.s32 s2, $0x0  }
0x5eb: {  	s3 =	rddreg [dreg:$0x2];
	[bflag:$0x3] =	sbarrier.arrive $0xFFFF;
	s2 =	simm.s32 @!p0 $0x1C09  }
0x5ec: {  	[timem:s3], [sflag:s2] =	dma.local @!p0 [hbm:s0], s1  }
0x5ed: {  	s0 =	simm.s32 @!p0 $0x9  }
0x5ee: {  	_ =	swait.ge @!p0 [sflag:s0], s1  }
0x5ef: {  	s1 =	ssub.s32 @!p0 $0x0, s1;
	[sflag:s0] =	ssyncset.done @!p0 $0x0  }
0x5f0: {  	[sflag:s0] =	ssyncadd.s32 @!p0 s1  }
0x5f1: {  	[bflag:$0x3] =	sbarrier.arrive $0xFFFF  }
0x5f2: {  	_ =	shalt  }

</sc_bundles>
